<compile_context>
chip_gen: v7x
topology: tpu7x:2x2x1
jax: 0.10.2.dev20260603
libtpu: 0.0.44.dev20260713+nightly
codegen_flags: <defaults>
</compile_context>

<pallas_src>
import functools

import jax
import jax.numpy as jnp
from jax import lax
from jax.experimental import pallas as pl
from jax.experimental.pallas import tpu as pltpu
from jax.experimental.pallas import tpu_sc as plsc

BATCH = 16384
D = 64
L = 16
NC = 2
NS = 16
NW = NC * NS
CHUNK = BATCH // NW
GUSERS = 8
NIDX = 128

_mesh = plsc.VectorSubcoreMesh(core_axis_name="c", subcore_axis_name="s")


@functools.partial(
    pl.kernel,
    mesh=_mesh,
    compiler_params=pltpu.CompilerParams(needs_layout_passes=False),
    out_type=jax.ShapeDtypeStruct((BATCH,), jnp.float32),
    scratch_types=[
        pltpu.VMEM((CHUNK // NIDX, NIDX), jnp.int32),
        pltpu.VMEM((CHUNK // NIDX, NIDX), jnp.int32),
        pltpu.VMEM((4, D, 128), jnp.float32),
        pltpu.VMEM((4, D, 128), jnp.float32),
        pltpu.VMEM((CHUNK,), jnp.float32),
        pltpu.SemaphoreType.DMA,
    ],
)
def _rec_sc(uidx_hbm, iidx_hbm, utabT_hbm, itabT_hbm, out_hbm,
            uidx_v, iidx_v, ubuf_v, ibuf_v, res_v, sem):
    wid = lax.axis_index("s") * NC + lax.axis_index("c")
    base = wid * CHUNK

    for j in range(CHUNK // NIDX):
        pltpu.sync_copy(uidx_hbm.at[pl.ds(base + j * NIDX, NIDX)], uidx_v.at[j])
        pltpu.sync_copy(iidx_hbm.at[pl.ds(base + j * NIDX, NIDX)], iidx_v.at[j])

    iota16 = lax.iota(jnp.int32, L)
    c16 = [jnp.full((L,), 0, jnp.int32) + iota16 + 16 * k for k in range(D // L)]
    zero = jnp.zeros((L,), jnp.float32)

    def grp_body(g, _):
        ridx_u = uidx_v[g // (NIDX // L), pl.ds((g % (NIDX // L)) * L, L)]
        ridx_i = iidx_v[g // (NIDX // L), pl.ds((g % (NIDX // L)) * L, L)]
        out16 = zero
        for t in range(4):
            copies = []
            for p in range(4):
                r_u = ridx_u[t * 4 + p]
                r_i = ridx_i[t * 4 + p]
                copies.append(pltpu.async_copy(
                    utabT_hbm.at[pl.ds(0, D),
                                 pl.ds(pl.multiple_of((r_u // 128) * 128, 128), 128)],
                    ubuf_v.at[p], sem))
                copies.append(pltpu.async_copy(
                    itabT_hbm.at[pl.ds(0, D),
                                 pl.ds(pl.multiple_of((r_i // 128) * 128, 128), 128)],
                    ibuf_v.at[p], sem))
            for c in copies:
                c.wait()

            for p in range(4):
                o_u = jnp.full((L,), 0, jnp.int32) + (ridx_u[t * 4 + p] % 128)
                o_i = jnp.full((L,), 0, jnp.int32) + (ridx_i[t * 4 + p] % 128)
                acc = zero
                for k in range(D // L):
                    uvec = plsc.load_gather(ubuf_v.at[p], [c16[k], o_u])
                    ivec = plsc.load_gather(ibuf_v.at[p], [c16[k], o_i])
                    acc = acc + jnp.maximum(uvec, 0.0) * jnp.maximum(ivec, 0.0)
                out16 = jnp.where(iota16 == (t * 4 + p), jnp.sum(acc), out16)
        res_v[pl.ds(g * L, L)] = 4.0 / (1.0 + jnp.exp(-out16)) + 1.0
        return 0

    lax.fori_loop(0, CHUNK // L, grp_body, 0)

    pltpu.sync_copy(res_v, out_hbm.at[pl.ds(base, CHUNK)])


def kernel(user_indices, item_indices, user_table, item_table):
    return _rec_sc(user_indices.astype(jnp.int32),
                   item_indices.astype(jnp.int32),
                   user_table.T, item_table.T)

# --- scband reference (transcript-rebuilt; emitter-appended) ---
"""Pipeline reference for scband-rec-model-91122026152623 (READ-ONLY COPY).

The authoritative reference and input builder live on the scoring server;
editing this copy changes nothing except your own understanding.
"""

import jax, jax.numpy as jnp
import numpy as np

NUM_USERS = 1000000
NUM_ITEMS = 1000000
EMBED_DIM = 64
BATCH = 16384


def setup_inputs(seed: int = 0) -> dict:
    key = jax.random.key(seed)
    k1, k2, k3, k4 = jax.random.split(key, 4)
    user_indices = jax.random.randint(k1, (BATCH,), 0, NUM_USERS, dtype=jnp.int64 if jax.config.jax_enable_x64 else jnp.int32)
    item_indices = jax.random.randint(k2, (BATCH,), 0, NUM_ITEMS, dtype=jnp.int64 if jax.config.jax_enable_x64 else jnp.int32)
    user_table = jax.random.uniform(k3, (NUM_USERS, EMBED_DIM), minval=0.0, maxval=0.05, dtype=jnp.float32)
    item_table = jax.random.uniform(k4, (NUM_ITEMS, EMBED_DIM), minval=0.0, maxval=0.05, dtype=jnp.float32)
    return {
        "user_indices": user_indices,
        "item_indices": item_indices,
        "user_table": user_table,
        "item_table": item_table,
    }


def reference(user_indices, item_indices, user_table, item_table):
    # Embedding lookups (gather)
    user_embedding = jnp.take(user_table, user_indices, axis=0)
    item_embedding = jnp.take(item_table, item_indices, axis=0)
    # ReLU; dropout is identity at inference time
    user_embedding = jax.nn.relu(user_embedding)
    item_embedding = jax.nn.relu(item_embedding)
    # Dot-product rating head
    rating_predictions = jnp.sum(user_embedding * item_embedding, axis=1)
    rating_predictions = jax.nn.sigmoid(rating_predictions)
    rating_predictions = rating_predictions * 4.0 + 1.0
    return rating_predictions

if __name__ == "__main__":
    import jax
    _d = setup_inputs()
    print(jax.jit(kernel)(*tuple(_d.values())))

</pallas_src>

<mosaic_0001>
#map = affine_map<(d0, d1) -> (0)>
#map1 = affine_map<(d0, d1) -> (0, 0)>
module attributes {stable_mosaic.version = 14 : i64} {
  func.func @_rec_sc(%arg0: i32, %arg1: i32, %arg2: memref<16384xi32, #tpu.memory_space<hbm>>, %arg3: memref<16384xi32, #tpu.memory_space<hbm>>, %arg4: memref<64x1000000xf32, #tpu.memory_space<hbm>>, %arg5: memref<64x1000000xf32, #tpu.memory_space<hbm>>, %arg6: memref<16384xf32, #tpu.memory_space<hbm>>, %arg7: memref<4x128xi32, #tpu.memory_space<vmem>>, %arg8: memref<4x128xi32, #tpu.memory_space<vmem>>, %arg9: memref<4x64x128xf32, #tpu.memory_space<vmem>>, %arg10: memref<4x64x128xf32, #tpu.memory_space<vmem>>, %arg11: memref<512xf32, #tpu.memory_space<vmem>>, %arg12: memref<!tpu.dma_semaphore, #tpu.memory_space<semaphore_mem>>) attributes {dimension_semantics = [#tpu.dimension_semantics<core_parallel>, #tpu.dimension_semantics<subcore_parallel>], iteration_bounds = array<i64: 2, 16>, scalar_prefetch = 0 : i64, scratch_operands = 6 : i64, tpu.core_type = #tpu.core_type<sc_vector_subcore>, window_params = [{transform_indices = #map}, {transform_indices = #map}, {transform_indices = #map1}, {transform_indices = #map1}, {transform_indices = #map}]} {
    %mul3A = arith.constant 2 : i32
    %mul3A_0 = arith.muli %arg1, %mul3A : i32
    %add3A = arith.addi %mul3A_0, %arg0 : i32
    %mul3A_1 = arith.constant 512 : i32
    %mul3A_2 = arith.muli %add3A, %mul3A_1 : i32
    %add3A_3 = arith.constant 0 : i32
    %add3A_4 = arith.addi %mul3A_2, %add3A_3 : i32
    %run_scoped3A = arith.constant 0 : i32
    "tpu.region"() ({
      %run_scoped3A_57 = tpu.sem_alloc : memref<!tpu.dma_semaphore, #tpu.memory_space<semaphore_mem>>
      %dma_start3A = arith.constant 0 : i32
      %dma_start3A_58 = tpu.memref_slice %arg7[%run_scoped3A, %dma_start3A] : memref<4x128xi32, #tpu.memory_space<vmem>> -> memref<1x128xi32, #tpu.memory_space<vmem>>
      %dma_start3A_59 = tpu.memref_squeeze %dma_start3A_58 : memref<1x128xi32, #tpu.memory_space<vmem>> -> memref<128xi32, #tpu.memory_space<vmem>>
      %dma_start3A_60 = tpu.memref_slice %arg2[%add3A_4] : memref<16384xi32, #tpu.memory_space<hbm>> -> memref<128xi32, #tpu.memory_space<hbm>>
      %dma_start3A_61 = arith.constant 0 : i32
      %dma_start3A_62 = tpu.memref_slice %arg7[%run_scoped3A, %dma_start3A_61] : memref<4x128xi32, #tpu.memory_space<vmem>> -> memref<1x128xi32, #tpu.memory_space<vmem>>
      %dma_start3A_63 = tpu.memref_squeeze %dma_start3A_62 : memref<1x128xi32, #tpu.memory_space<vmem>> -> memref<128xi32, #tpu.memory_space<vmem>>
      %dma_start3A_64 = tpu.memref_slice %arg2[%add3A_4] : memref<16384xi32, #tpu.memory_space<hbm>> -> memref<128xi32, #tpu.memory_space<hbm>>
      tpu.enqueue_dma source(%dma_start3A_64 : memref<128xi32, #tpu.memory_space<hbm>>) target(%dma_start3A_63 : memref<128xi32, #tpu.memory_space<vmem>>) target_semaphore(%run_scoped3A_57 : memref<!tpu.dma_semaphore, #tpu.memory_space<semaphore_mem>>)
      %dma_wait3A = arith.constant 0 : i32
      %dma_wait3A_65 = tpu.memref_slice %arg7[%run_scoped3A, %dma_wait3A] : memref<4x128xi32, #tpu.memory_space<vmem>> -> memref<1x128xi32, #tpu.memory_space<vmem>>
      %dma_wait3A_66 = tpu.memref_squeeze %dma_wait3A_65 : memref<1x128xi32, #tpu.memory_space<vmem>> -> memref<128xi32, #tpu.memory_space<vmem>>
      %dma_wait3A_67 = tpu.memref_slice %arg2[%add3A_4] : memref<16384xi32, #tpu.memory_space<hbm>> -> memref<128xi32, #tpu.memory_space<hbm>>
      %dma_wait3A_68 = arith.constant 0 : i32
      %dma_wait3A_69 = tpu.memref_slice %arg7[%run_scoped3A, %dma_wait3A_68] : memref<4x128xi32, #tpu.memory_space<vmem>> -> memref<1x128xi32, #tpu.memory_space<vmem>>
      %dma_wait3A_70 = tpu.memref_squeeze %dma_wait3A_69 : memref<1x128xi32, #tpu.memory_space<vmem>> -> memref<128xi32, #tpu.memory_space<vmem>>
      %dma_wait3A_71 = tpu.memref_slice %arg2[%add3A_4] : memref<16384xi32, #tpu.memory_space<hbm>> -> memref<128xi32, #tpu.memory_space<hbm>>
      tpu.wait_dma2 semaphore(%run_scoped3A_57 : memref<!tpu.dma_semaphore, #tpu.memory_space<semaphore_mem>>) src(%dma_wait3A_71 : memref<128xi32, #tpu.memory_space<hbm>>) dst(%dma_wait3A_70 : memref<128xi32, #tpu.memory_space<vmem>>)
      tpu.yield
    }) : () -> ()
    %add3A_5 = arith.constant 0 : i32
    %add3A_6 = arith.addi %mul3A_2, %add3A_5 : i32
    %run_scoped3A_7 = arith.constant 0 : i32
    "tpu.region"() ({
      %run_scoped3A_57 = tpu.sem_alloc : memref<!tpu.dma_semaphore, #tpu.memory_space<semaphore_mem>>
      %dma_start3A = arith.constant 0 : i32
      %dma_start3A_58 = tpu.memref_slice %arg8[%run_scoped3A_7, %dma_start3A] : memref<4x128xi32, #tpu.memory_space<vmem>> -> memref<1x128xi32, #tpu.memory_space<vmem>>
      %dma_start3A_59 = tpu.memref_squeeze %dma_start3A_58 : memref<1x128xi32, #tpu.memory_space<vmem>> -> memref<128xi32, #tpu.memory_space<vmem>>
      %dma_start3A_60 = tpu.memref_slice %arg3[%add3A_6] : memref<16384xi32, #tpu.memory_space<hbm>> -> memref<128xi32, #tpu.memory_space<hbm>>
      %dma_start3A_61 = arith.constant 0 : i32
      %dma_start3A_62 = tpu.memref_slice %arg8[%run_scoped3A_7, %dma_start3A_61] : memref<4x128xi32, #tpu.memory_space<vmem>> -> memref<1x128xi32, #tpu.memory_space<vmem>>
      %dma_start3A_63 = tpu.memref_squeeze %dma_start3A_62 : memref<1x128xi32, #tpu.memory_space<vmem>> -> memref<128xi32, #tpu.memory_space<vmem>>
      %dma_start3A_64 = tpu.memref_slice %arg3[%add3A_6] : memref<16384xi32, #tpu.memory_space<hbm>> -> memref<128xi32, #tpu.memory_space<hbm>>
      tpu.enqueue_dma source(%dma_start3A_64 : memref<128xi32, #tpu.memory_space<hbm>>) target(%dma_start3A_63 : memref<128xi32, #tpu.memory_space<vmem>>) target_semaphore(%run_scoped3A_57 : memref<!tpu.dma_semaphore, #tpu.memory_space<semaphore_mem>>)
      %dma_wait3A = arith.constant 0 : i32
      %dma_wait3A_65 = tpu.memref_slice %arg8[%run_scoped3A_7, %dma_wait3A] : memref<4x128xi32, #tpu.memory_space<vmem>> -> memref<1x128xi32, #tpu.memory_space<vmem>>
      %dma_wait3A_66 = tpu.memref_squeeze %dma_wait3A_65 : memref<1x128xi32, #tpu.memory_space<vmem>> -> memref<128xi32, #tpu.memory_space<vmem>>
      %dma_wait3A_67 = tpu.memref_slice %arg3[%add3A_6] : memref<16384xi32, #tpu.memory_space<hbm>> -> memref<128xi32, #tpu.memory_space<hbm>>
      %dma_wait3A_68 = arith.constant 0 : i32
      %dma_wait3A_69 = tpu.memref_slice %arg8[%run_scoped3A_7, %dma_wait3A_68] : memref<4x128xi32, #tpu.memory_space<vmem>> -> memref<1x128xi32, #tpu.memory_space<vmem>>
      %dma_wait3A_70 = tpu.memref_squeeze %dma_wait3A_69 : memref<1x128xi32, #tpu.memory_space<vmem>> -> memref<128xi32, #tpu.memory_space<vmem>>
      %dma_wait3A_71 = tpu.memref_slice %arg3[%add3A_6] : memref<16384xi32, #tpu.memory_space<hbm>> -> memref<128xi32, #tpu.memory_space<hbm>>
      tpu.wait_dma2 semaphore(%run_scoped3A_57 : memref<!tpu.dma_semaphore, #tpu.memory_space<semaphore_mem>>) src(%dma_wait3A_71 : memref<128xi32, #tpu.memory_space<hbm>>) dst(%dma_wait3A_70 : memref<128xi32, #tpu.memory_space<vmem>>)
      tpu.yield
    }) : () -> ()
    %add3A_8 = arith.constant 128 : i32
    %add3A_9 = arith.addi %mul3A_2, %add3A_8 : i32
    %run_scoped3A_10 = arith.constant 1 : i32
    "tpu.region"() ({
      %run_scoped3A_57 = tpu.sem_alloc : memref<!tpu.dma_semaphore, #tpu.memory_space<semaphore_mem>>
      %dma_start3A = arith.constant 0 : i32
      %dma_start3A_58 = tpu.memref_slice %arg7[%run_scoped3A_10, %dma_start3A] : memref<4x128xi32, #tpu.memory_space<vmem>> -> memref<1x128xi32, #tpu.memory_space<vmem>>
      %dma_start3A_59 = tpu.memref_squeeze %dma_start3A_58 : memref<1x128xi32, #tpu.memory_space<vmem>> -> memref<128xi32, #tpu.memory_space<vmem>>
      %dma_start3A_60 = tpu.memref_slice %arg2[%add3A_9] : memref<16384xi32, #tpu.memory_space<hbm>> -> memref<128xi32, #tpu.memory_space<hbm>>
      %dma_start3A_61 = arith.constant 0 : i32
      %dma_start3A_62 = tpu.memref_slice %arg7[%run_scoped3A_10, %dma_start3A_61] : memref<4x128xi32, #tpu.memory_space<vmem>> -> memref<1x128xi32, #tpu.memory_space<vmem>>
      %dma_start3A_63 = tpu.memref_squeeze %dma_start3A_62 : memref<1x128xi32, #tpu.memory_space<vmem>> -> memref<128xi32, #tpu.memory_space<vmem>>
      %dma_start3A_64 = tpu.memref_slice %arg2[%add3A_9] : memref<16384xi32, #tpu.memory_space<hbm>> -> memref<128xi32, #tpu.memory_space<hbm>>
      tpu.enqueue_dma source(%dma_start3A_64 : memref<128xi32, #tpu.memory_space<hbm>>) target(%dma_start3A_63 : memref<128xi32, #tpu.memory_space<vmem>>) target_semaphore(%run_scoped3A_57 : memref<!tpu.dma_semaphore, #tpu.memory_space<semaphore_mem>>)
      %dma_wait3A = arith.constant 0 : i32
      %dma_wait3A_65 = tpu.memref_slice %arg7[%run_scoped3A_10, %dma_wait3A] : memref<4x128xi32, #tpu.memory_space<vmem>> -> memref<1x128xi32, #tpu.memory_space<vmem>>
      %dma_wait3A_66 = tpu.memref_squeeze %dma_wait3A_65 : memref<1x128xi32, #tpu.memory_space<vmem>> -> memref<128xi32, #tpu.memory_space<vmem>>
      %dma_wait3A_67 = tpu.memref_slice %arg2[%add3A_9] : memref<16384xi32, #tpu.memory_space<hbm>> -> memref<128xi32, #tpu.memory_space<hbm>>
      %dma_wait3A_68 = arith.constant 0 : i32
      %dma_wait3A_69 = tpu.memref_slice %arg7[%run_scoped3A_10, %dma_wait3A_68] : memref<4x128xi32, #tpu.memory_space<vmem>> -> memref<1x128xi32, #tpu.memory_space<vmem>>
      %dma_wait3A_70 = tpu.memref_squeeze %dma_wait3A_69 : memref<1x128xi32, #tpu.memory_space<vmem>> -> memref<128xi32, #tpu.memory_space<vmem>>
      %dma_wait3A_71 = tpu.memref_slice %arg2[%add3A_9] : memref<16384xi32, #tpu.memory_space<hbm>> -> memref<128xi32, #tpu.memory_space<hbm>>
      tpu.wait_dma2 semaphore(%run_scoped3A_57 : memref<!tpu.dma_semaphore, #tpu.memory_space<semaphore_mem>>) src(%dma_wait3A_71 : memref<128xi32, #tpu.memory_space<hbm>>) dst(%dma_wait3A_70 : memref<128xi32, #tpu.memory_space<vmem>>)
      tpu.yield
    }) : () -> ()
    %add3A_11 = arith.constant 128 : i32
    %add3A_12 = arith.addi %mul3A_2, %add3A_11 : i32
    %run_scoped3A_13 = arith.constant 1 : i32
    "tpu.region"() ({
      %run_scoped3A_57 = tpu.sem_alloc : memref<!tpu.dma_semaphore, #tpu.memory_space<semaphore_mem>>
      %dma_start3A = arith.constant 0 : i32
      %dma_start3A_58 = tpu.memref_slice %arg8[%run_scoped3A_13, %dma_start3A] : memref<4x128xi32, #tpu.memory_space<vmem>> -> memref<1x128xi32, #tpu.memory_space<vmem>>
      %dma_start3A_59 = tpu.memref_squeeze %dma_start3A_58 : memref<1x128xi32, #tpu.memory_space<vmem>> -> memref<128xi32, #tpu.memory_space<vmem>>
      %dma_start3A_60 = tpu.memref_slice %arg3[%add3A_12] : memref<16384xi32, #tpu.memory_space<hbm>> -> memref<128xi32, #tpu.memory_space<hbm>>
      %dma_start3A_61 = arith.constant 0 : i32
      %dma_start3A_62 = tpu.memref_slice %arg8[%run_scoped3A_13, %dma_start3A_61] : memref<4x128xi32, #tpu.memory_space<vmem>> -> memref<1x128xi32, #tpu.memory_space<vmem>>
      %dma_start3A_63 = tpu.memref_squeeze %dma_start3A_62 : memref<1x128xi32, #tpu.memory_space<vmem>> -> memref<128xi32, #tpu.memory_space<vmem>>
      %dma_start3A_64 = tpu.memref_slice %arg3[%add3A_12] : memref<16384xi32, #tpu.memory_space<hbm>> -> memref<128xi32, #tpu.memory_space<hbm>>
      tpu.enqueue_dma source(%dma_start3A_64 : memref<128xi32, #tpu.memory_space<hbm>>) target(%dma_start3A_63 : memref<128xi32, #tpu.memory_space<vmem>>) target_semaphore(%run_scoped3A_57 : memref<!tpu.dma_semaphore, #tpu.memory_space<semaphore_mem>>)
      %dma_wait3A = arith.constant 0 : i32
      %dma_wait3A_65 = tpu.memref_slice %arg8[%run_scoped3A_13, %dma_wait3A] : memref<4x128xi32, #tpu.memory_space<vmem>> -> memref<1x128xi32, #tpu.memory_space<vmem>>
      %dma_wait3A_66 = tpu.memref_squeeze %dma_wait3A_65 : memref<1x128xi32, #tpu.memory_space<vmem>> -> memref<128xi32, #tpu.memory_space<vmem>>
      %dma_wait3A_67 = tpu.memref_slice %arg3[%add3A_12] : memref<16384xi32, #tpu.memory_space<hbm>> -> memref<128xi32, #tpu.memory_space<hbm>>
      %dma_wait3A_68 = arith.constant 0 : i32
      %dma_wait3A_69 = tpu.memref_slice %arg8[%run_scoped3A_13, %dma_wait3A_68] : memref<4x128xi32, #tpu.memory_space<vmem>> -> memref<1x128xi32, #tpu.memory_space<vmem>>
      %dma_wait3A_70 = tpu.memref_squeeze %dma_wait3A_69 : memref<1x128xi32, #tpu.memory_space<vmem>> -> memref<128xi32, #tpu.memory_space<vmem>>
      %dma_wait3A_71 = tpu.memref_slice %arg3[%add3A_12] : memref<16384xi32, #tpu.memory_space<hbm>> -> memref<128xi32, #tpu.memory_space<hbm>>
      tpu.wait_dma2 semaphore(%run_scoped3A_57 : memref<!tpu.dma_semaphore, #tpu.memory_space<semaphore_mem>>) src(%dma_wait3A_71 : memref<128xi32, #tpu.memory_space<hbm>>) dst(%dma_wait3A_70 : memref<128xi32, #tpu.memory_space<vmem>>)
      tpu.yield
    }) : () -> ()
    %add3A_14 = arith.constant 256 : i32
    %add3A_15 = arith.addi %mul3A_2, %add3A_14 : i32
    %run_scoped3A_16 = arith.constant 2 : i32
    "tpu.region"() ({
      %run_scoped3A_57 = tpu.sem_alloc : memref<!tpu.dma_semaphore, #tpu.memory_space<semaphore_mem>>
      %dma_start3A = arith.constant 0 : i32
      %dma_start3A_58 = tpu.memref_slice %arg7[%run_scoped3A_16, %dma_start3A] : memref<4x128xi32, #tpu.memory_space<vmem>> -> memref<1x128xi32, #tpu.memory_space<vmem>>
      %dma_start3A_59 = tpu.memref_squeeze %dma_start3A_58 : memref<1x128xi32, #tpu.memory_space<vmem>> -> memref<128xi32, #tpu.memory_space<vmem>>
      %dma_start3A_60 = tpu.memref_slice %arg2[%add3A_15] : memref<16384xi32, #tpu.memory_space<hbm>> -> memref<128xi32, #tpu.memory_space<hbm>>
      %dma_start3A_61 = arith.constant 0 : i32
      %dma_start3A_62 = tpu.memref_slice %arg7[%run_scoped3A_16, %dma_start3A_61] : memref<4x128xi32, #tpu.memory_space<vmem>> -> memref<1x128xi32, #tpu.memory_space<vmem>>
      %dma_start3A_63 = tpu.memref_squeeze %dma_start3A_62 : memref<1x128xi32, #tpu.memory_space<vmem>> -> memref<128xi32, #tpu.memory_space<vmem>>
      %dma_start3A_64 = tpu.memref_slice %arg2[%add3A_15] : memref<16384xi32, #tpu.memory_space<hbm>> -> memref<128xi32, #tpu.memory_space<hbm>>
      tpu.enqueue_dma source(%dma_start3A_64 : memref<128xi32, #tpu.memory_space<hbm>>) target(%dma_start3A_63 : memref<128xi32, #tpu.memory_space<vmem>>) target_semaphore(%run_scoped3A_57 : memref<!tpu.dma_semaphore, #tpu.memory_space<semaphore_mem>>)
      %dma_wait3A = arith.constant 0 : i32
      %dma_wait3A_65 = tpu.memref_slice %arg7[%run_scoped3A_16, %dma_wait3A] : memref<4x128xi32, #tpu.memory_space<vmem>> -> memref<1x128xi32, #tpu.memory_space<vmem>>
      %dma_wait3A_66 = tpu.memref_squeeze %dma_wait3A_65 : memref<1x128xi32, #tpu.memory_space<vmem>> -> memref<128xi32, #tpu.memory_space<vmem>>
      %dma_wait3A_67 = tpu.memref_slice %arg2[%add3A_15] : memref<16384xi32, #tpu.memory_space<hbm>> -> memref<128xi32, #tpu.memory_space<hbm>>
      %dma_wait3A_68 = arith.constant 0 : i32
      %dma_wait3A_69 = tpu.memref_slice %arg7[%run_scoped3A_16, %dma_wait3A_68] : memref<4x128xi32, #tpu.memory_space<vmem>> -> memref<1x128xi32, #tpu.memory_space<vmem>>
      %dma_wait3A_70 = tpu.memref_squeeze %dma_wait3A_69 : memref<1x128xi32, #tpu.memory_space<vmem>> -> memref<128xi32, #tpu.memory_space<vmem>>
      %dma_wait3A_71 = tpu.memref_slice %arg2[%add3A_15] : memref<16384xi32, #tpu.memory_space<hbm>> -> memref<128xi32, #tpu.memory_space<hbm>>
      tpu.wait_dma2 semaphore(%run_scoped3A_57 : memref<!tpu.dma_semaphore, #tpu.memory_space<semaphore_mem>>) src(%dma_wait3A_71 : memref<128xi32, #tpu.memory_space<hbm>>) dst(%dma_wait3A_70 : memref<128xi32, #tpu.memory_space<vmem>>)
      tpu.yield
    }) : () -> ()
    %add3A_17 = arith.constant 256 : i32
    %add3A_18 = arith.addi %mul3A_2, %add3A_17 : i32
    %run_scoped3A_19 = arith.constant 2 : i32
    "tpu.region"() ({
      %run_scoped3A_57 = tpu.sem_alloc : memref<!tpu.dma_semaphore, #tpu.memory_space<semaphore_mem>>
      %dma_start3A = arith.constant 0 : i32
      %dma_start3A_58 = tpu.memref_slice %arg8[%run_scoped3A_19, %dma_start3A] : memref<4x128xi32, #tpu.memory_space<vmem>> -> memref<1x128xi32, #tpu.memory_space<vmem>>
      %dma_start3A_59 = tpu.memref_squeeze %dma_start3A_58 : memref<1x128xi32, #tpu.memory_space<vmem>> -> memref<128xi32, #tpu.memory_space<vmem>>
      %dma_start3A_60 = tpu.memref_slice %arg3[%add3A_18] : memref<16384xi32, #tpu.memory_space<hbm>> -> memref<128xi32, #tpu.memory_space<hbm>>
      %dma_start3A_61 = arith.constant 0 : i32
      %dma_start3A_62 = tpu.memref_slice %arg8[%run_scoped3A_19, %dma_start3A_61] : memref<4x128xi32, #tpu.memory_space<vmem>> -> memref<1x128xi32, #tpu.memory_space<vmem>>
      %dma_start3A_63 = tpu.memref_squeeze %dma_start3A_62 : memref<1x128xi32, #tpu.memory_space<vmem>> -> memref<128xi32, #tpu.memory_space<vmem>>
      %dma_start3A_64 = tpu.memref_slice %arg3[%add3A_18] : memref<16384xi32, #tpu.memory_space<hbm>> -> memref<128xi32, #tpu.memory_space<hbm>>
      tpu.enqueue_dma source(%dma_start3A_64 : memref<128xi32, #tpu.memory_space<hbm>>) target(%dma_start3A_63 : memref<128xi32, #tpu.memory_space<vmem>>) target_semaphore(%run_scoped3A_57 : memref<!tpu.dma_semaphore, #tpu.memory_space<semaphore_mem>>)
      %dma_wait3A = arith.constant 0 : i32
      %dma_wait3A_65 = tpu.memref_slice %arg8[%run_scoped3A_19, %dma_wait3A] : memref<4x128xi32, #tpu.memory_space<vmem>> -> memref<1x128xi32, #tpu.memory_space<vmem>>
      %dma_wait3A_66 = tpu.memref_squeeze %dma_wait3A_65 : memref<1x128xi32, #tpu.memory_space<vmem>> -> memref<128xi32, #tpu.memory_space<vmem>>
      %dma_wait3A_67 = tpu.memref_slice %arg3[%add3A_18] : memref<16384xi32, #tpu.memory_space<hbm>> -> memref<128xi32, #tpu.memory_space<hbm>>
      %dma_wait3A_68 = arith.constant 0 : i32
      %dma_wait3A_69 = tpu.memref_slice %arg8[%run_scoped3A_19, %dma_wait3A_68] : memref<4x128xi32, #tpu.memory_space<vmem>> -> memref<1x128xi32, #tpu.memory_space<vmem>>
      %dma_wait3A_70 = tpu.memref_squeeze %dma_wait3A_69 : memref<1x128xi32, #tpu.memory_space<vmem>> -> memref<128xi32, #tpu.memory_space<vmem>>
      %dma_wait3A_71 = tpu.memref_slice %arg3[%add3A_18] : memref<16384xi32, #tpu.memory_space<hbm>> -> memref<128xi32, #tpu.memory_space<hbm>>
      tpu.wait_dma2 semaphore(%run_scoped3A_57 : memref<!tpu.dma_semaphore, #tpu.memory_space<semaphore_mem>>) src(%dma_wait3A_71 : memref<128xi32, #tpu.memory_space<hbm>>) dst(%dma_wait3A_70 : memref<128xi32, #tpu.memory_space<vmem>>)
      tpu.yield
    }) : () -> ()
    %add3A_20 = arith.constant 384 : i32
    %add3A_21 = arith.addi %mul3A_2, %add3A_20 : i32
    %run_scoped3A_22 = arith.constant 3 : i32
    "tpu.region"() ({
      %run_scoped3A_57 = tpu.sem_alloc : memref<!tpu.dma_semaphore, #tpu.memory_space<semaphore_mem>>
      %dma_start3A = arith.constant 0 : i32
      %dma_start3A_58 = tpu.memref_slice %arg7[%run_scoped3A_22, %dma_start3A] : memref<4x128xi32, #tpu.memory_space<vmem>> -> memref<1x128xi32, #tpu.memory_space<vmem>>
      %dma_start3A_59 = tpu.memref_squeeze %dma_start3A_58 : memref<1x128xi32, #tpu.memory_space<vmem>> -> memref<128xi32, #tpu.memory_space<vmem>>
      %dma_start3A_60 = tpu.memref_slice %arg2[%add3A_21] : memref<16384xi32, #tpu.memory_space<hbm>> -> memref<128xi32, #tpu.memory_space<hbm>>
      %dma_start3A_61 = arith.constant 0 : i32
      %dma_start3A_62 = tpu.memref_slice %arg7[%run_scoped3A_22, %dma_start3A_61] : memref<4x128xi32, #tpu.memory_space<vmem>> -> memref<1x128xi32, #tpu.memory_space<vmem>>
      %dma_start3A_63 = tpu.memref_squeeze %dma_start3A_62 : memref<1x128xi32, #tpu.memory_space<vmem>> -> memref<128xi32, #tpu.memory_space<vmem>>
      %dma_start3A_64 = tpu.memref_slice %arg2[%add3A_21] : memref<16384xi32, #tpu.memory_space<hbm>> -> memref<128xi32, #tpu.memory_space<hbm>>
      tpu.enqueue_dma source(%dma_start3A_64 : memref<128xi32, #tpu.memory_space<hbm>>) target(%dma_start3A_63 : memref<128xi32, #tpu.memory_space<vmem>>) target_semaphore(%run_scoped3A_57 : memref<!tpu.dma_semaphore, #tpu.memory_space<semaphore_mem>>)
      %dma_wait3A = arith.constant 0 : i32
      %dma_wait3A_65 = tpu.memref_slice %arg7[%run_scoped3A_22, %dma_wait3A] : memref<4x128xi32, #tpu.memory_space<vmem>> -> memref<1x128xi32, #tpu.memory_space<vmem>>
      %dma_wait3A_66 = tpu.memref_squeeze %dma_wait3A_65 : memref<1x128xi32, #tpu.memory_space<vmem>> -> memref<128xi32, #tpu.memory_space<vmem>>
      %dma_wait3A_67 = tpu.memref_slice %arg2[%add3A_21] : memref<16384xi32, #tpu.memory_space<hbm>> -> memref<128xi32, #tpu.memory_space<hbm>>
      %dma_wait3A_68 = arith.constant 0 : i32
      %dma_wait3A_69 = tpu.memref_slice %arg7[%run_scoped3A_22, %dma_wait3A_68] : memref<4x128xi32, #tpu.memory_space<vmem>> -> memref<1x128xi32, #tpu.memory_space<vmem>>
      %dma_wait3A_70 = tpu.memref_squeeze %dma_wait3A_69 : memref<1x128xi32, #tpu.memory_space<vmem>> -> memref<128xi32, #tpu.memory_space<vmem>>
      %dma_wait3A_71 = tpu.memref_slice %arg2[%add3A_21] : memref<16384xi32, #tpu.memory_space<hbm>> -> memref<128xi32, #tpu.memory_space<hbm>>
      tpu.wait_dma2 semaphore(%run_scoped3A_57 : memref<!tpu.dma_semaphore, #tpu.memory_space<semaphore_mem>>) src(%dma_wait3A_71 : memref<128xi32, #tpu.memory_space<hbm>>) dst(%dma_wait3A_70 : memref<128xi32, #tpu.memory_space<vmem>>)
      tpu.yield
    }) : () -> ()
    %add3A_23 = arith.constant 384 : i32
    %add3A_24 = arith.addi %mul3A_2, %add3A_23 : i32
    %run_scoped3A_25 = arith.constant 3 : i32
    "tpu.region"() ({
      %run_scoped3A_57 = tpu.sem_alloc : memref<!tpu.dma_semaphore, #tpu.memory_space<semaphore_mem>>
      %dma_start3A = arith.constant 0 : i32
      %dma_start3A_58 = tpu.memref_slice %arg8[%run_scoped3A_25, %dma_start3A] : memref<4x128xi32, #tpu.memory_space<vmem>> -> memref<1x128xi32, #tpu.memory_space<vmem>>
      %dma_start3A_59 = tpu.memref_squeeze %dma_start3A_58 : memref<1x128xi32, #tpu.memory_space<vmem>> -> memref<128xi32, #tpu.memory_space<vmem>>
      %dma_start3A_60 = tpu.memref_slice %arg3[%add3A_24] : memref<16384xi32, #tpu.memory_space<hbm>> -> memref<128xi32, #tpu.memory_space<hbm>>
      %dma_start3A_61 = arith.constant 0 : i32
      %dma_start3A_62 = tpu.memref_slice %arg8[%run_scoped3A_25, %dma_start3A_61] : memref<4x128xi32, #tpu.memory_space<vmem>> -> memref<1x128xi32, #tpu.memory_space<vmem>>
      %dma_start3A_63 = tpu.memref_squeeze %dma_start3A_62 : memref<1x128xi32, #tpu.memory_space<vmem>> -> memref<128xi32, #tpu.memory_space<vmem>>
      %dma_start3A_64 = tpu.memref_slice %arg3[%add3A_24] : memref<16384xi32, #tpu.memory_space<hbm>> -> memref<128xi32, #tpu.memory_space<hbm>>
      tpu.enqueue_dma source(%dma_start3A_64 : memref<128xi32, #tpu.memory_space<hbm>>) target(%dma_start3A_63 : memref<128xi32, #tpu.memory_space<vmem>>) target_semaphore(%run_scoped3A_57 : memref<!tpu.dma_semaphore, #tpu.memory_space<semaphore_mem>>)
      %dma_wait3A = arith.constant 0 : i32
      %dma_wait3A_65 = tpu.memref_slice %arg8[%run_scoped3A_25, %dma_wait3A] : memref<4x128xi32, #tpu.memory_space<vmem>> -> memref<1x128xi32, #tpu.memory_space<vmem>>
      %dma_wait3A_66 = tpu.memref_squeeze %dma_wait3A_65 : memref<1x128xi32, #tpu.memory_space<vmem>> -> memref<128xi32, #tpu.memory_space<vmem>>
      %dma_wait3A_67 = tpu.memref_slice %arg3[%add3A_24] : memref<16384xi32, #tpu.memory_space<hbm>> -> memref<128xi32, #tpu.memory_space<hbm>>
      %dma_wait3A_68 = arith.constant 0 : i32
      %dma_wait3A_69 = tpu.memref_slice %arg8[%run_scoped3A_25, %dma_wait3A_68] : memref<4x128xi32, #tpu.memory_space<vmem>> -> memref<1x128xi32, #tpu.memory_space<vmem>>
      %dma_wait3A_70 = tpu.memref_squeeze %dma_wait3A_69 : memref<1x128xi32, #tpu.memory_space<vmem>> -> memref<128xi32, #tpu.memory_space<vmem>>
      %dma_wait3A_71 = tpu.memref_slice %arg3[%add3A_24] : memref<16384xi32, #tpu.memory_space<hbm>> -> memref<128xi32, #tpu.memory_space<hbm>>
      tpu.wait_dma2 semaphore(%run_scoped3A_57 : memref<!tpu.dma_semaphore, #tpu.memory_space<semaphore_mem>>) src(%dma_wait3A_71 : memref<128xi32, #tpu.memory_space<hbm>>) dst(%dma_wait3A_70 : memref<128xi32, #tpu.memory_space<vmem>>)
      tpu.yield
    }) : () -> ()
    %iota3A = tpu.iota {dimensions = array<i32: 0>} : vector<16xi32>
    %broadcast_in_dim3A = arith.constant 0 : i32
    %broadcast_in_dim3A_26 = vector.broadcast %broadcast_in_dim3A : i32 to vector<16xi32>
    %add3A_27 = arith.addi %broadcast_in_dim3A_26, %iota3A : vector<16xi32>
    %add3A_28 = arith.constant 0 : i32
    %add3A_29 = vector.broadcast %add3A_28 : i32 to vector<16xi32>
    %add3A_30 = arith.addi %add3A_27, %add3A_29 : vector<16xi32>
    %broadcast_in_dim3A_31 = arith.constant 0 : i32
    %broadcast_in_dim3A_32 = vector.broadcast %broadcast_in_dim3A_31 : i32 to vector<16xi32>
    %add3A_33 = arith.addi %broadcast_in_dim3A_32, %iota3A : vector<16xi32>
    %add3A_34 = arith.constant 16 : i32
    %add3A_35 = vector.broadcast %add3A_34 : i32 to vector<16xi32>
    %add3A_36 = arith.addi %add3A_33, %add3A_35 : vector<16xi32>
    %broadcast_in_dim3A_37 = arith.constant 0 : i32
    %broadcast_in_dim3A_38 = vector.broadcast %broadcast_in_dim3A_37 : i32 to vector<16xi32>
    %add3A_39 = arith.addi %broadcast_in_dim3A_38, %iota3A : vector<16xi32>
    %add3A_40 = arith.constant 32 : i32
    %add3A_41 = vector.broadcast %add3A_40 : i32 to vector<16xi32>
    %add3A_42 = arith.addi %add3A_39, %add3A_41 : vector<16xi32>
    %broadcast_in_dim3A_43 = arith.constant 0 : i32
    %broadcast_in_dim3A_44 = vector.broadcast %broadcast_in_dim3A_43 : i32 to vector<16xi32>
    %add3A_45 = arith.addi %broadcast_in_dim3A_44, %iota3A : vector<16xi32>
    %add3A_46 = arith.constant 48 : i32
    %add3A_47 = vector.broadcast %add3A_46 : i32 to vector<16xi32>
    %add3A_48 = arith.addi %add3A_45, %add3A_47 : vector<16xi32>
    %broadcast_in_dim3A_49 = arith.constant 0.000000e+00 : f32
    %broadcast_in_dim3A_50 = vector.broadcast %broadcast_in_dim3A_49 : f32 to vector<16xf32>
    %scan3A = arith.constant 0 : i32
    %scan3A_51 = arith.constant 0 : i32
    %scan3A_52 = arith.constant 32 : i32
    %scan3A_53 = arith.addi %scan3A_51, %scan3A_52 : i32
    %scan3A_54 = arith.constant 1 : i32
    %scan3A_55 = scf.for %scan3A_57 = %scan3A_51 to %scan3A_53 step %scan3A_54 iter_args(%scan3A_58 = %scan3A) -> (i32)  : i32 {
      %jit3A = arith.constant 8 : i32
      %div3A = arith.divsi %scan3A_57, %jit3A : i32
      %sign3A = arith.constant 0 : i32
      %sign3A_59 = arith.cmpi sgt, %scan3A_57, %sign3A : i32
      %sign3A_60 = arith.extui %sign3A_59 : i1 to i32
      %sign3A_61 = arith.constant 0 : i32
      %sign3A_62 = arith.cmpi slt, %scan3A_57, %sign3A_61 : i32
      %sign3A_63 = arith.extui %sign3A_62 : i1 to i32
      %sign3A_64 = arith.subi %sign3A_60, %sign3A_63 : i32
      %sign3A_65 = arith.constant 0 : i32
      %sign3A_66 = arith.cmpi sgt, %jit3A, %sign3A_65 : i32
      %sign3A_67 = arith.extui %sign3A_66 : i1 to i32
      %sign3A_68 = arith.constant 0 : i32
      %sign3A_69 = arith.cmpi slt, %jit3A, %sign3A_68 : i32
      %sign3A_70 = arith.extui %sign3A_69 : i1 to i32
      %sign3A_71 = arith.subi %sign3A_67, %sign3A_70 : i32
      %ne3A = arith.cmpi ne, %sign3A_64, %sign3A_71 : i32
      %rem3A = arith.remsi %scan3A_57, %jit3A : i32
      %ne3A_72 = arith.constant 0 : i32
      %ne3A_73 = arith.cmpi ne, %rem3A, %ne3A_72 : i32
      %and3A = arith.andi %ne3A, %ne3A_73 : i1
      %sub3A = arith.constant 1 : i32
      %sub3A_74 = arith.subi %div3A, %sub3A : i32
      %select_n3A = arith.select %and3A, %sub3A_74, %div3A : i32
      %jit3A_75 = arith.constant 8 : i32
      %eq3A = arith.constant 0 : i32
      %eq3A_76 = arith.cmpi eq, %jit3A_75, %eq3A : i32
      %jit3A_77 = arith.constant 1 : i32
      %select_n3A_78 = arith.select %eq3A_76, %jit3A_77, %jit3A_75 : i32
      %rem3A_79 = arith.remsi %scan3A_57, %select_n3A_78 : i32
      %ne3A_80 = arith.constant 0 : i32
      %ne3A_81 = arith.cmpi ne, %rem3A_79, %ne3A_80 : i32
      %lt3A = arith.constant 0 : i32
      %lt3A_82 = arith.cmpi slt, %rem3A_79, %lt3A : i32
      %lt3A_83 = arith.constant 0 : i32
      %lt3A_84 = arith.cmpi slt, %select_n3A_78, %lt3A_83 : i32
      %ne3A_85 = arith.xori %lt3A_82, %lt3A_84 : i1
      %and3A_86 = arith.andi %ne3A_85, %ne3A_81 : i1
      %add3A_87 = arith.addi %rem3A_79, %select_n3A_78 : i32
      %select_n3A_88 = arith.select %and3A_86, %add3A_87, %rem3A_79 : i32
      %mul3A_89 = arith.constant 16 : i32
      %mul3A_90 = arith.muli %select_n3A_88, %mul3A_89 : i32
      %get3A = arith.index_cast %select_n3A : i32 to index
      %get3A_91 = arith.index_cast %mul3A_90 : i32 to index
      %get3A_92 = tpu.vector_load %arg7[%get3A, %get3A_91] {strides = array<i32>} : memref<4x128xi32, #tpu.memory_space<vmem>>, vector<16xi32>,
      %jit3A_93 = arith.constant 8 : i32
      %div3A_94 = arith.divsi %scan3A_57, %jit3A_93 : i32
      %sign3A_95 = arith.constant 0 : i32
      %sign3A_96 = arith.cmpi sgt, %scan3A_57, %sign3A_95 : i32
      %sign3A_97 = arith.extui %sign3A_96 : i1 to i32
      %sign3A_98 = arith.constant 0 : i32
      %sign3A_99 = arith.cmpi slt, %scan3A_57, %sign3A_98 : i32
      %sign3A_100 = arith.extui %sign3A_99 : i1 to i32
      %sign3A_101 = arith.subi %sign3A_97, %sign3A_100 : i32
      %sign3A_102 = arith.constant 0 : i32
      %sign3A_103 = arith.cmpi sgt, %jit3A_93, %sign3A_102 : i32
      %sign3A_104 = arith.extui %sign3A_103 : i1 to i32
      %sign3A_105 = arith.constant 0 : i32
      %sign3A_106 = arith.cmpi slt, %jit3A_93, %sign3A_105 : i32
      %sign3A_107 = arith.extui %sign3A_106 : i1 to i32
      %sign3A_108 = arith.subi %sign3A_104, %sign3A_107 : i32
      %ne3A_109 = arith.cmpi ne, %sign3A_101, %sign3A_108 : i32
      %rem3A_110 = arith.remsi %scan3A_57, %jit3A_93 : i32
      %ne3A_111 = arith.constant 0 : i32
      %ne3A_112 = arith.cmpi ne, %rem3A_110, %ne3A_111 : i32
      %and3A_113 = arith.andi %ne3A_109, %ne3A_112 : i1
      %sub3A_114 = arith.constant 1 : i32
      %sub3A_115 = arith.subi %div3A_94, %sub3A_114 : i32
      %select_n3A_116 = arith.select %and3A_113, %sub3A_115, %div3A_94 : i32
      %jit3A_117 = arith.constant 8 : i32
      %eq3A_118 = arith.constant 0 : i32
      %eq3A_119 = arith.cmpi eq, %jit3A_117, %eq3A_118 : i32
      %jit3A_120 = arith.constant 1 : i32
      %select_n3A_121 = arith.select %eq3A_119, %jit3A_120, %jit3A_117 : i32
      %rem3A_122 = arith.remsi %scan3A_57, %select_n3A_121 : i32
      %ne3A_123 = arith.constant 0 : i32
      %ne3A_124 = arith.cmpi ne, %rem3A_122, %ne3A_123 : i32
      %lt3A_125 = arith.constant 0 : i32
      %lt3A_126 = arith.cmpi slt, %rem3A_122, %lt3A_125 : i32
      %lt3A_127 = arith.constant 0 : i32
      %lt3A_128 = arith.cmpi slt, %select_n3A_121, %lt3A_127 : i32
      %ne3A_129 = arith.xori %lt3A_126, %lt3A_128 : i1
      %and3A_130 = arith.andi %ne3A_129, %ne3A_124 : i1
      %add3A_131 = arith.addi %rem3A_122, %select_n3A_121 : i32
      %select_n3A_132 = arith.select %and3A_130, %add3A_131, %rem3A_122 : i32
      %mul3A_133 = arith.constant 16 : i32
      %mul3A_134 = arith.muli %select_n3A_132, %mul3A_133 : i32
      %get3A_135 = arith.index_cast %select_n3A_116 : i32 to index
      %get3A_136 = arith.index_cast %mul3A_134 : i32 to index
      %get3A_137 = tpu.vector_load %arg8[%get3A_135, %get3A_136] {strides = array<i32>} : memref<4x128xi32, #tpu.memory_space<vmem>>, vector<16xi32>,
      %slice3A = vector.extract_strided_slice %get3A_92 {offsets = [0], sizes = [1], strides = [1]} : vector<16xi32> to vector<1xi32>
      %squeeze3A = vector.extract %slice3A[0] : i32 from vector<1xi32>
      %slice3A_138 = vector.extract_strided_slice %get3A_137 {offsets = [0], sizes = [1], strides = [1]} : vector<16xi32> to vector<1xi32>
      %squeeze3A_139 = vector.extract %slice3A_138[0] : i32 from vector<1xi32>
      %jit3A_140 = arith.constant 128 : i32
      %div3A_141 = arith.divsi %squeeze3A, %jit3A_140 : i32
      %sign3A_142 = arith.constant 0 : i32
      %sign3A_143 = arith.cmpi sgt, %squeeze3A, %sign3A_142 : i32
      %sign3A_144 = arith.extui %sign3A_143 : i1 to i32
      %sign3A_145 = arith.constant 0 : i32
      %sign3A_146 = arith.cmpi slt, %squeeze3A, %sign3A_145 : i32
      %sign3A_147 = arith.extui %sign3A_146 : i1 to i32
      %sign3A_148 = arith.subi %sign3A_144, %sign3A_147 : i32
      %sign3A_149 = arith.constant 0 : i32
      %sign3A_150 = arith.cmpi sgt, %jit3A_140, %sign3A_149 : i32
      %sign3A_151 = arith.extui %sign3A_150 : i1 to i32
      %sign3A_152 = arith.constant 0 : i32
      %sign3A_153 = arith.cmpi slt, %jit3A_140, %sign3A_152 : i32
      %sign3A_154 = arith.extui %sign3A_153 : i1 to i32
      %sign3A_155 = arith.subi %sign3A_151, %sign3A_154 : i32
      %ne3A_156 = arith.cmpi ne, %sign3A_148, %sign3A_155 : i32
      %rem3A_157 = arith.remsi %squeeze3A, %jit3A_140 : i32
      %ne3A_158 = arith.constant 0 : i32
      %ne3A_159 = arith.cmpi ne, %rem3A_157, %ne3A_158 : i32
      %and3A_160 = arith.andi %ne3A_156, %ne3A_159 : i1
      %sub3A_161 = arith.constant 1 : i32
      %sub3A_162 = arith.subi %div3A_141, %sub3A_161 : i32
      %select_n3A_163 = arith.select %and3A_160, %sub3A_162, %div3A_141 : i32
      %mul3A_164 = arith.constant 128 : i32
      %mul3A_165 = arith.muli %select_n3A_163, %mul3A_164 : i32
      %multiple_of3A = tpu.assume_multiple %mul3A_165, 128 : i32
      %dma_start3A = arith.constant 0 : i32
      %dma_start3A_166 = arith.constant 0 : i32
      %dma_start3A_167 = arith.constant 0 : i32
      %dma_start3A_168 = tpu.memref_slice %arg9[%dma_start3A, %dma_start3A_166, %dma_start3A_167] : memref<4x64x128xf32, #tpu.memory_space<vmem>> -> memref<1x64x128xf32, #tpu.memory_space<vmem>>
      %dma_start3A_169 = tpu.memref_squeeze %dma_start3A_168 : memref<1x64x128xf32, #tpu.memory_space<vmem>> -> memref<64x128xf32, #tpu.memory_space<vmem>>
      %dma_start3A_170 = arith.constant 0 : i32
      %dma_start3A_171 = tpu.memref_slice %arg4[%dma_start3A_170, %multiple_of3A] : memref<64x1000000xf32, #tpu.memory_space<hbm>> -> memref<64x128xf32, #tpu.memory_space<hbm>>
      %dma_start3A_172 = arith.constant 0 : i32
      %dma_start3A_173 = arith.constant 0 : i32
      %dma_start3A_174 = tpu.memref_slice %arg9[%dma_start3A, %dma_start3A_172, %dma_start3A_173] : memref<4x64x128xf32, #tpu.memory_space<vmem>> -> memref<1x64x128xf32, #tpu.memory_space<vmem>>
      %dma_start3A_175 = tpu.memref_squeeze %dma_start3A_174 : memref<1x64x128xf32, #tpu.memory_space<vmem>> -> memref<64x128xf32, #tpu.memory_space<vmem>>
      %dma_start3A_176 = arith.constant 0 : i32
      %dma_start3A_177 = tpu.memref_slice %arg4[%dma_start3A_176, %multiple_of3A] : memref<64x1000000xf32, #tpu.memory_space<hbm>> -> memref<64x128xf32, #tpu.memory_space<hbm>>
      tpu.enqueue_dma source(%dma_start3A_177 : memref<64x128xf32, #tpu.memory_space<hbm>>) target(%dma_start3A_175 : memref<64x128xf32, #tpu.memory_space<vmem>>) target_semaphore(%arg12 : memref<!tpu.dma_semaphore, #tpu.memory_space<semaphore_mem>>)
      %jit3A_178 = arith.constant 128 : i32
      %div3A_179 = arith.divsi %squeeze3A_139, %jit3A_178 : i32
      %sign3A_180 = arith.constant 0 : i32
      %sign3A_181 = arith.cmpi sgt, %squeeze3A_139, %sign3A_180 : i32
      %sign3A_182 = arith.extui %sign3A_181 : i1 to i32
      %sign3A_183 = arith.constant 0 : i32
      %sign3A_184 = arith.cmpi slt, %squeeze3A_139, %sign3A_183 : i32
      %sign3A_185 = arith.extui %sign3A_184 : i1 to i32
      %sign3A_186 = arith.subi %sign3A_182, %sign3A_185 : i32
      %sign3A_187 = arith.constant 0 : i32
      %sign3A_188 = arith.cmpi sgt, %jit3A_178, %sign3A_187 : i32
      %sign3A_189 = arith.extui %sign3A_188 : i1 to i32
      %sign3A_190 = arith.constant 0 : i32
      %sign3A_191 = arith.cmpi slt, %jit3A_178, %sign3A_190 : i32
      %sign3A_192 = arith.extui %sign3A_191 : i1 to i32
      %sign3A_193 = arith.subi %sign3A_189, %sign3A_192 : i32
      %ne3A_194 = arith.cmpi ne, %sign3A_186, %sign3A_193 : i32
      %rem3A_195 = arith.remsi %squeeze3A_139, %jit3A_178 : i32
      %ne3A_196 = arith.constant 0 : i32
      %ne3A_197 = arith.cmpi ne, %rem3A_195, %ne3A_196 : i32
      %and3A_198 = arith.andi %ne3A_194, %ne3A_197 : i1
      %sub3A_199 = arith.constant 1 : i32
      %sub3A_200 = arith.subi %div3A_179, %sub3A_199 : i32
      %select_n3A_201 = arith.select %and3A_198, %sub3A_200, %div3A_179 : i32
      %mul3A_202 = arith.constant 128 : i32
      %mul3A_203 = arith.muli %select_n3A_201, %mul3A_202 : i32
      %multiple_of3A_204 = tpu.assume_multiple %mul3A_203, 128 : i32
      %dma_start3A_205 = arith.constant 0 : i32
      %dma_start3A_206 = arith.constant 0 : i32
      %dma_start3A_207 = arith.constant 0 : i32
      %dma_start3A_208 = tpu.memref_slice %arg10[%dma_start3A_205, %dma_start3A_206, %dma_start3A_207] : memref<4x64x128xf32, #tpu.memory_space<vmem>> -> memref<1x64x128xf32, #tpu.memory_space<vmem>>
      %dma_start3A_209 = tpu.memref_squeeze %dma_start3A_208 : memref<1x64x128xf32, #tpu.memory_space<vmem>> -> memref<64x128xf32, #tpu.memory_space<vmem>>
      %dma_start3A_210 = arith.constant 0 : i32
      %dma_start3A_211 = tpu.memref_slice %arg5[%dma_start3A_210, %multiple_of3A_204] : memref<64x1000000xf32, #tpu.memory_space<hbm>> -> memref<64x128xf32, #tpu.memory_space<hbm>>
      %dma_start3A_212 = arith.constant 0 : i32
      %dma_start3A_213 = arith.constant 0 : i32
      %dma_start3A_214 = tpu.memref_slice %arg10[%dma_start3A_205, %dma_start3A_212, %dma_start3A_213] : memref<4x64x128xf32, #tpu.memory_space<vmem>> -> memref<1x64x128xf32, #tpu.memory_space<vmem>>
      %dma_start3A_215 = tpu.memref_squeeze %dma_start3A_214 : memref<1x64x128xf32, #tpu.memory_space<vmem>> -> memref<64x128xf32, #tpu.memory_space<vmem>>
      %dma_start3A_216 = arith.constant 0 : i32
      %dma_start3A_217 = tpu.memref_slice %arg5[%dma_start3A_216, %multiple_of3A_204] : memref<64x1000000xf32, #tpu.memory_space<hbm>> -> memref<64x128xf32, #tpu.memory_space<hbm>>
      tpu.enqueue_dma source(%dma_start3A_217 : memref<64x128xf32, #tpu.memory_space<hbm>>) target(%dma_start3A_215 : memref<64x128xf32, #tpu.memory_space<vmem>>) target_semaphore(%arg12 : memref<!tpu.dma_semaphore, #tpu.memory_space<semaphore_mem>>)
      %slice3A_218 = vector.extract_strided_slice %get3A_92 {offsets = [1], sizes = [1], strides = [1]} : vector<16xi32> to vector<1xi32>
      %squeeze3A_219 = vector.extract %slice3A_218[0] : i32 from vector<1xi32>
      %slice3A_220 = vector.extract_strided_slice %get3A_137 {offsets = [1], sizes = [1], strides = [1]} : vector<16xi32> to vector<1xi32>
      %squeeze3A_221 = vector.extract %slice3A_220[0] : i32 from vector<1xi32>
      %jit3A_222 = arith.constant 128 : i32
      %div3A_223 = arith.divsi %squeeze3A_219, %jit3A_222 : i32
      %sign3A_224 = arith.constant 0 : i32
      %sign3A_225 = arith.cmpi sgt, %squeeze3A_219, %sign3A_224 : i32
      %sign3A_226 = arith.extui %sign3A_225 : i1 to i32
      %sign3A_227 = arith.constant 0 : i32
      %sign3A_228 = arith.cmpi slt, %squeeze3A_219, %sign3A_227 : i32
      %sign3A_229 = arith.extui %sign3A_228 : i1 to i32
      %sign3A_230 = arith.subi %sign3A_226, %sign3A_229 : i32
      %sign3A_231 = arith.constant 0 : i32
      %sign3A_232 = arith.cmpi sgt, %jit3A_222, %sign3A_231 : i32
      %sign3A_233 = arith.extui %sign3A_232 : i1 to i32
      %sign3A_234 = arith.constant 0 : i32
      %sign3A_235 = arith.cmpi slt, %jit3A_222, %sign3A_234 : i32
      %sign3A_236 = arith.extui %sign3A_235 : i1 to i32
      %sign3A_237 = arith.subi %sign3A_233, %sign3A_236 : i32
      %ne3A_238 = arith.cmpi ne, %sign3A_230, %sign3A_237 : i32
      %rem3A_239 = arith.remsi %squeeze3A_219, %jit3A_222 : i32
      %ne3A_240 = arith.constant 0 : i32
      %ne3A_241 = arith.cmpi ne, %rem3A_239, %ne3A_240 : i32
      %and3A_242 = arith.andi %ne3A_238, %ne3A_241 : i1
      %sub3A_243 = arith.constant 1 : i32
      %sub3A_244 = arith.subi %div3A_223, %sub3A_243 : i32
      %select_n3A_245 = arith.select %and3A_242, %sub3A_244, %div3A_223 : i32
      %mul3A_246 = arith.constant 128 : i32
      %mul3A_247 = arith.muli %select_n3A_245, %mul3A_246 : i32
      %multiple_of3A_248 = tpu.assume_multiple %mul3A_247, 128 : i32
      %dma_start3A_249 = arith.constant 1 : i32
      %dma_start3A_250 = arith.constant 0 : i32
      %dma_start3A_251 = arith.constant 0 : i32
      %dma_start3A_252 = tpu.memref_slice %arg9[%dma_start3A_249, %dma_start3A_250, %dma_start3A_251] : memref<4x64x128xf32, #tpu.memory_space<vmem>> -> memref<1x64x128xf32, #tpu.memory_space<vmem>>
      %dma_start3A_253 = tpu.memref_squeeze %dma_start3A_252 : memref<1x64x128xf32, #tpu.memory_space<vmem>> -> memref<64x128xf32, #tpu.memory_space<vmem>>
      %dma_start3A_254 = arith.constant 0 : i32
      %dma_start3A_255 = tpu.memref_slice %arg4[%dma_start3A_254, %multiple_of3A_248] : memref<64x1000000xf32, #tpu.memory_space<hbm>> -> memref<64x128xf32, #tpu.memory_space<hbm>>
      %dma_start3A_256 = arith.constant 0 : i32
      %dma_start3A_257 = arith.constant 0 : i32
      %dma_start3A_258 = tpu.memref_slice %arg9[%dma_start3A_249, %dma_start3A_256, %dma_start3A_257] : memref<4x64x128xf32, #tpu.memory_space<vmem>> -> memref<1x64x128xf32, #tpu.memory_space<vmem>>
      %dma_start3A_259 = tpu.memref_squeeze %dma_start3A_258 : memref<1x64x128xf32, #tpu.memory_space<vmem>> -> memref<64x128xf32, #tpu.memory_space<vmem>>
      %dma_start3A_260 = arith.constant 0 : i32
      %dma_start3A_261 = tpu.memref_slice %arg4[%dma_start3A_260, %multiple_of3A_248] : memref<64x1000000xf32, #tpu.memory_space<hbm>> -> memref<64x128xf32, #tpu.memory_space<hbm>>
      tpu.enqueue_dma source(%dma_start3A_261 : memref<64x128xf32, #tpu.memory_space<hbm>>) target(%dma_start3A_259 : memref<64x128xf32, #tpu.memory_space<vmem>>) target_semaphore(%arg12 : memref<!tpu.dma_semaphore, #tpu.memory_space<semaphore_mem>>)
      %jit3A_262 = arith.constant 128 : i32
      %div3A_263 = arith.divsi %squeeze3A_221, %jit3A_262 : i32
      %sign3A_264 = arith.constant 0 : i32
      %sign3A_265 = arith.cmpi sgt, %squeeze3A_221, %sign3A_264 : i32
      %sign3A_266 = arith.extui %sign3A_265 : i1 to i32
      %sign3A_267 = arith.constant 0 : i32
      %sign3A_268 = arith.cmpi slt, %squeeze3A_221, %sign3A_267 : i32
      %sign3A_269 = arith.extui %sign3A_268 : i1 to i32
      %sign3A_270 = arith.subi %sign3A_266, %sign3A_269 : i32
      %sign3A_271 = arith.constant 0 : i32
      %sign3A_272 = arith.cmpi sgt, %jit3A_262, %sign3A_271 : i32
      %sign3A_273 = arith.extui %sign3A_272 : i1 to i32
      %sign3A_274 = arith.constant 0 : i32
      %sign3A_275 = arith.cmpi slt, %jit3A_262, %sign3A_274 : i32
      %sign3A_276 = arith.extui %sign3A_275 : i1 to i32
      %sign3A_277 = arith.subi %sign3A_273, %sign3A_276 : i32
      %ne3A_278 = arith.cmpi ne, %sign3A_270, %sign3A_277 : i32
      %rem3A_279 = arith.remsi %squeeze3A_221, %jit3A_262 : i32
      %ne3A_280 = arith.constant 0 : i32
      %ne3A_281 = arith.cmpi ne, %rem3A_279, %ne3A_280 : i32
      %and3A_282 = arith.andi %ne3A_278, %ne3A_281 : i1
      %sub3A_283 = arith.constant 1 : i32
      %sub3A_284 = arith.subi %div3A_263, %sub3A_283 : i32
      %select_n3A_285 = arith.select %and3A_282, %sub3A_284, %div3A_263 : i32
      %mul3A_286 = arith.constant 128 : i32
      %mul3A_287 = arith.muli %select_n3A_285, %mul3A_286 : i32
      %multiple_of3A_288 = tpu.assume_multiple %mul3A_287, 128 : i32
      %dma_start3A_289 = arith.constant 1 : i32
      %dma_start3A_290 = arith.constant 0 : i32
      %dma_start3A_291 = arith.constant 0 : i32
      %dma_start3A_292 = tpu.memref_slice %arg10[%dma_start3A_289, %dma_start3A_290, %dma_start3A_291] : memref<4x64x128xf32, #tpu.memory_space<vmem>> -> memref<1x64x128xf32, #tpu.memory_space<vmem>>
      %dma_start3A_293 = tpu.memref_squeeze %dma_start3A_292 : memref<1x64x128xf32, #tpu.memory_space<vmem>> -> memref<64x128xf32, #tpu.memory_space<vmem>>
      %dma_start3A_294 = arith.constant 0 : i32
      %dma_start3A_295 = tpu.memref_slice %arg5[%dma_start3A_294, %multiple_of3A_288] : memref<64x1000000xf32, #tpu.memory_space<hbm>> -> memref<64x128xf32, #tpu.memory_space<hbm>>
      %dma_start3A_296 = arith.constant 0 : i32
      %dma_start3A_297 = arith.constant 0 : i32
      %dma_start3A_298 = tpu.memref_slice %arg10[%dma_start3A_289, %dma_start3A_296, %dma_start3A_297] : memref<4x64x128xf32, #tpu.memory_space<vmem>> -> memref<1x64x128xf32, #tpu.memory_space<vmem>>
      %dma_start3A_299 = tpu.memref_squeeze %dma_start3A_298 : memref<1x64x128xf32, #tpu.memory_space<vmem>> -> memref<64x128xf32, #tpu.memory_space<vmem>>
      %dma_start3A_300 = arith.constant 0 : i32
      %dma_start3A_301 = tpu.memref_slice %arg5[%dma_start3A_300, %multiple_of3A_288] : memref<64x1000000xf32, #tpu.memory_space<hbm>> -> memref<64x128xf32, #tpu.memory_space<hbm>>
      tpu.enqueue_dma source(%dma_start3A_301 : memref<64x128xf32, #tpu.memory_space<hbm>>) target(%dma_start3A_299 : memref<64x128xf32, #tpu.memory_space<vmem>>) target_semaphore(%arg12 : memref<!tpu.dma_semaphore, #tpu.memory_space<semaphore_mem>>)
      %slice3A_302 = vector.extract_strided_slice %get3A_92 {offsets = [2], sizes = [1], strides = [1]} : vector<16xi32> to vector<1xi32>
      %squeeze3A_303 = vector.extract %slice3A_302[0] : i32 from vector<1xi32>
      %slice3A_304 = vector.extract_strided_slice %get3A_137 {offsets = [2], sizes = [1], strides = [1]} : vector<16xi32> to vector<1xi32>
      %squeeze3A_305 = vector.extract %slice3A_304[0] : i32 from vector<1xi32>
      %jit3A_306 = arith.constant 128 : i32
      %div3A_307 = arith.divsi %squeeze3A_303, %jit3A_306 : i32
      %sign3A_308 = arith.constant 0 : i32
      %sign3A_309 = arith.cmpi sgt, %squeeze3A_303, %sign3A_308 : i32
      %sign3A_310 = arith.extui %sign3A_309 : i1 to i32
      %sign3A_311 = arith.constant 0 : i32
      %sign3A_312 = arith.cmpi slt, %squeeze3A_303, %sign3A_311 : i32
      %sign3A_313 = arith.extui %sign3A_312 : i1 to i32
      %sign3A_314 = arith.subi %sign3A_310, %sign3A_313 : i32
      %sign3A_315 = arith.constant 0 : i32
      %sign3A_316 = arith.cmpi sgt, %jit3A_306, %sign3A_315 : i32
      %sign3A_317 = arith.extui %sign3A_316 : i1 to i32
      %sign3A_318 = arith.constant 0 : i32
      %sign3A_319 = arith.cmpi slt, %jit3A_306, %sign3A_318 : i32
      %sign3A_320 = arith.extui %sign3A_319 : i1 to i32
      %sign3A_321 = arith.subi %sign3A_317, %sign3A_320 : i32
      %ne3A_322 = arith.cmpi ne, %sign3A_314, %sign3A_321 : i32
      %rem3A_323 = arith.remsi %squeeze3A_303, %jit3A_306 : i32
      %ne3A_324 = arith.constant 0 : i32
      %ne3A_325 = arith.cmpi ne, %rem3A_323, %ne3A_324 : i32
      %and3A_326 = arith.andi %ne3A_322, %ne3A_325 : i1
      %sub3A_327 = arith.constant 1 : i32
      %sub3A_328 = arith.subi %div3A_307, %sub3A_327 : i32
      %select_n3A_329 = arith.select %and3A_326, %sub3A_328, %div3A_307 : i32
      %mul3A_330 = arith.constant 128 : i32
      %mul3A_331 = arith.muli %select_n3A_329, %mul3A_330 : i32
      %multiple_of3A_332 = tpu.assume_multiple %mul3A_331, 128 : i32
      %dma_start3A_333 = arith.constant 2 : i32
      %dma_start3A_334 = arith.constant 0 : i32
      %dma_start3A_335 = arith.constant 0 : i32
      %dma_start3A_336 = tpu.memref_slice %arg9[%dma_start3A_333, %dma_start3A_334, %dma_start3A_335] : memref<4x64x128xf32, #tpu.memory_space<vmem>> -> memref<1x64x128xf32, #tpu.memory_space<vmem>>
      %dma_start3A_337 = tpu.memref_squeeze %dma_start3A_336 : memref<1x64x128xf32, #tpu.memory_space<vmem>> -> memref<64x128xf32, #tpu.memory_space<vmem>>
      %dma_start3A_338 = arith.constant 0 : i32
      %dma_start3A_339 = tpu.memref_slice %arg4[%dma_start3A_338, %multiple_of3A_332] : memref<64x1000000xf32, #tpu.memory_space<hbm>> -> memref<64x128xf32, #tpu.memory_space<hbm>>
      %dma_start3A_340 = arith.constant 0 : i32
      %dma_start3A_341 = arith.constant 0 : i32
      %dma_start3A_342 = tpu.memref_slice %arg9[%dma_start3A_333, %dma_start3A_340, %dma_start3A_341] : memref<4x64x128xf32, #tpu.memory_space<vmem>> -> memref<1x64x128xf32, #tpu.memory_space<vmem>>
      %dma_start3A_343 = tpu.memref_squeeze %dma_start3A_342 : memref<1x64x128xf32, #tpu.memory_space<vmem>> -> memref<64x128xf32, #tpu.memory_space<vmem>>
      %dma_start3A_344 = arith.constant 0 : i32
      %dma_start3A_345 = tpu.memref_slice %arg4[%dma_start3A_344, %multiple_of3A_332] : memref<64x1000000xf32, #tpu.memory_space<hbm>> -> memref<64x128xf32, #tpu.memory_space<hbm>>
      tpu.enqueue_dma source(%dma_start3A_345 : memref<64x128xf32, #tpu.memory_space<hbm>>) target(%dma_start3A_343 : memref<64x128xf32, #tpu.memory_space<vmem>>) target_semaphore(%arg12 : memref<!tpu.dma_semaphore, #tpu.memory_space<semaphore_mem>>)
      %jit3A_346 = arith.constant 128 : i32
      %div3A_347 = arith.divsi %squeeze3A_305, %jit3A_346 : i32
      %sign3A_348 = arith.constant 0 : i32
      %sign3A_349 = arith.cmpi sgt, %squeeze3A_305, %sign3A_348 : i32
      %sign3A_350 = arith.extui %sign3A_349 : i1 to i32
      %sign3A_351 = arith.constant 0 : i32
      %sign3A_352 = arith.cmpi slt, %squeeze3A_305, %sign3A_351 : i32
      %sign3A_353 = arith.extui %sign3A_352 : i1 to i32
      %sign3A_354 = arith.subi %sign3A_350, %sign3A_353 : i32
      %sign3A_355 = arith.constant 0 : i32
      %sign3A_356 = arith.cmpi sgt, %jit3A_346, %sign3A_355 : i32
      %sign3A_357 = arith.extui %sign3A_356 : i1 to i32
      %sign3A_358 = arith.constant 0 : i32
      %sign3A_359 = arith.cmpi slt, %jit3A_346, %sign3A_358 : i32
      %sign3A_360 = arith.extui %sign3A_359 : i1 to i32
      %sign3A_361 = arith.subi %sign3A_357, %sign3A_360 : i32
      %ne3A_362 = arith.cmpi ne, %sign3A_354, %sign3A_361 : i32
      %rem3A_363 = arith.remsi %squeeze3A_305, %jit3A_346 : i32
      %ne3A_364 = arith.constant 0 : i32
      %ne3A_365 = arith.cmpi ne, %rem3A_363, %ne3A_364 : i32
      %and3A_366 = arith.andi %ne3A_362, %ne3A_365 : i1
      %sub3A_367 = arith.constant 1 : i32
      %sub3A_368 = arith.subi %div3A_347, %sub3A_367 : i32
      %select_n3A_369 = arith.select %and3A_366, %sub3A_368, %div3A_347 : i32
      %mul3A_370 = arith.constant 128 : i32
      %mul3A_371 = arith.muli %select_n3A_369, %mul3A_370 : i32
      %multiple_of3A_372 = tpu.assume_multiple %mul3A_371, 128 : i32
      %dma_start3A_373 = arith.constant 2 : i32
      %dma_start3A_374 = arith.constant 0 : i32
      %dma_start3A_375 = arith.constant 0 : i32
      %dma_start3A_376 = tpu.memref_slice %arg10[%dma_start3A_373, %dma_start3A_374, %dma_start3A_375] : memref<4x64x128xf32, #tpu.memory_space<vmem>> -> memref<1x64x128xf32, #tpu.memory_space<vmem>>
      %dma_start3A_377 = tpu.memref_squeeze %dma_start3A_376 : memref<1x64x128xf32, #tpu.memory_space<vmem>> -> memref<64x128xf32, #tpu.memory_space<vmem>>
      %dma_start3A_378 = arith.constant 0 : i32
      %dma_start3A_379 = tpu.memref_slice %arg5[%dma_start3A_378, %multiple_of3A_372] : memref<64x1000000xf32, #tpu.memory_space<hbm>> -> memref<64x128xf32, #tpu.memory_space<hbm>>
      %dma_start3A_380 = arith.constant 0 : i32
      %dma_start3A_381 = arith.constant 0 : i32
      %dma_start3A_382 = tpu.memref_slice %arg10[%dma_start3A_373, %dma_start3A_380, %dma_start3A_381] : memref<4x64x128xf32, #tpu.memory_space<vmem>> -> memref<1x64x128xf32, #tpu.memory_space<vmem>>
      %dma_start3A_383 = tpu.memref_squeeze %dma_start3A_382 : memref<1x64x128xf32, #tpu.memory_space<vmem>> -> memref<64x128xf32, #tpu.memory_space<vmem>>
      %dma_start3A_384 = arith.constant 0 : i32
      %dma_start3A_385 = tpu.memref_slice %arg5[%dma_start3A_384, %multiple_of3A_372] : memref<64x1000000xf32, #tpu.memory_space<hbm>> -> memref<64x128xf32, #tpu.memory_space<hbm>>
      tpu.enqueue_dma source(%dma_start3A_385 : memref<64x128xf32, #tpu.memory_space<hbm>>) target(%dma_start3A_383 : memref<64x128xf32, #tpu.memory_space<vmem>>) target_semaphore(%arg12 : memref<!tpu.dma_semaphore, #tpu.memory_space<semaphore_mem>>)
      %slice3A_386 = vector.extract_strided_slice %get3A_92 {offsets = [3], sizes = [1], strides = [1]} : vector<16xi32> to vector<1xi32>
      %squeeze3A_387 = vector.extract %slice3A_386[0] : i32 from vector<1xi32>
      %slice3A_388 = vector.extract_strided_slice %get3A_137 {offsets = [3], sizes = [1], strides = [1]} : vector<16xi32> to vector<1xi32>
      %squeeze3A_389 = vector.extract %slice3A_388[0] : i32 from vector<1xi32>
      %jit3A_390 = arith.constant 128 : i32
      %div3A_391 = arith.divsi %squeeze3A_387, %jit3A_390 : i32
      %sign3A_392 = arith.constant 0 : i32
      %sign3A_393 = arith.cmpi sgt, %squeeze3A_387, %sign3A_392 : i32
      %sign3A_394 = arith.extui %sign3A_393 : i1 to i32
      %sign3A_395 = arith.constant 0 : i32
      %sign3A_396 = arith.cmpi slt, %squeeze3A_387, %sign3A_395 : i32
      %sign3A_397 = arith.extui %sign3A_396 : i1 to i32
      %sign3A_398 = arith.subi %sign3A_394, %sign3A_397 : i32
      %sign3A_399 = arith.constant 0 : i32
      %sign3A_400 = arith.cmpi sgt, %jit3A_390, %sign3A_399 : i32
      %sign3A_401 = arith.extui %sign3A_400 : i1 to i32
      %sign3A_402 = arith.constant 0 : i32
      %sign3A_403 = arith.cmpi slt, %jit3A_390, %sign3A_402 : i32
      %sign3A_404 = arith.extui %sign3A_403 : i1 to i32
      %sign3A_405 = arith.subi %sign3A_401, %sign3A_404 : i32
      %ne3A_406 = arith.cmpi ne, %sign3A_398, %sign3A_405 : i32
      %rem3A_407 = arith.remsi %squeeze3A_387, %jit3A_390 : i32
      %ne3A_408 = arith.constant 0 : i32
      %ne3A_409 = arith.cmpi ne, %rem3A_407, %ne3A_408 : i32
      %and3A_410 = arith.andi %ne3A_406, %ne3A_409 : i1
      %sub3A_411 = arith.constant 1 : i32
      %sub3A_412 = arith.subi %div3A_391, %sub3A_411 : i32
      %select_n3A_413 = arith.select %and3A_410, %sub3A_412, %div3A_391 : i32
      %mul3A_414 = arith.constant 128 : i32
      %mul3A_415 = arith.muli %select_n3A_413, %mul3A_414 : i32
      %multiple_of3A_416 = tpu.assume_multiple %mul3A_415, 128 : i32
      %dma_start3A_417 = arith.constant 3 : i32
      %dma_start3A_418 = arith.constant 0 : i32
      %dma_start3A_419 = arith.constant 0 : i32
      %dma_start3A_420 = tpu.memref_slice %arg9[%dma_start3A_417, %dma_start3A_418, %dma_start3A_419] : memref<4x64x128xf32, #tpu.memory_space<vmem>> -> memref<1x64x128xf32, #tpu.memory_space<vmem>>
      %dma_start3A_421 = tpu.memref_squeeze %dma_start3A_420 : memref<1x64x128xf32, #tpu.memory_space<vmem>> -> memref<64x128xf32, #tpu.memory_space<vmem>>
      %dma_start3A_422 = arith.constant 0 : i32
      %dma_start3A_423 = tpu.memref_slice %arg4[%dma_start3A_422, %multiple_of3A_416] : memref<64x1000000xf32, #tpu.memory_space<hbm>> -> memref<64x128xf32, #tpu.memory_space<hbm>>
      %dma_start3A_424 = arith.constant 0 : i32
      %dma_start3A_425 = arith.constant 0 : i32
      %dma_start3A_426 = tpu.memref_slice %arg9[%dma_start3A_417, %dma_start3A_424, %dma_start3A_425] : memref<4x64x128xf32, #tpu.memory_space<vmem>> -> memref<1x64x128xf32, #tpu.memory_space<vmem>>
      %dma_start3A_427 = tpu.memref_squeeze %dma_start3A_426 : memref<1x64x128xf32, #tpu.memory_space<vmem>> -> memref<64x128xf32, #tpu.memory_space<vmem>>
      %dma_start3A_428 = arith.constant 0 : i32
      %dma_start3A_429 = tpu.memref_slice %arg4[%dma_start3A_428, %multiple_of3A_416] : memref<64x1000000xf32, #tpu.memory_space<hbm>> -> memref<64x128xf32, #tpu.memory_space<hbm>>
      tpu.enqueue_dma source(%dma_start3A_429 : memref<64x128xf32, #tpu.memory_space<hbm>>) target(%dma_start3A_427 : memref<64x128xf32, #tpu.memory_space<vmem>>) target_semaphore(%arg12 : memref<!tpu.dma_semaphore, #tpu.memory_space<semaphore_mem>>)
      %jit3A_430 = arith.constant 128 : i32
      %div3A_431 = arith.divsi %squeeze3A_389, %jit3A_430 : i32
      %sign3A_432 = arith.constant 0 : i32
      %sign3A_433 = arith.cmpi sgt, %squeeze3A_389, %sign3A_432 : i32
      %sign3A_434 = arith.extui %sign3A_433 : i1 to i32
      %sign3A_435 = arith.constant 0 : i32
      %sign3A_436 = arith.cmpi slt, %squeeze3A_389, %sign3A_435 : i32
      %sign3A_437 = arith.extui %sign3A_436 : i1 to i32
      %sign3A_438 = arith.subi %sign3A_434, %sign3A_437 : i32
      %sign3A_439 = arith.constant 0 : i32
      %sign3A_440 = arith.cmpi sgt, %jit3A_430, %sign3A_439 : i32
      %sign3A_441 = arith.extui %sign3A_440 : i1 to i32
      %sign3A_442 = arith.constant 0 : i32
      %sign3A_443 = arith.cmpi slt, %jit3A_430, %sign3A_442 : i32
      %sign3A_444 = arith.extui %sign3A_443 : i1 to i32
      %sign3A_445 = arith.subi %sign3A_441, %sign3A_444 : i32
      %ne3A_446 = arith.cmpi ne, %sign3A_438, %sign3A_445 : i32
      %rem3A_447 = arith.remsi %squeeze3A_389, %jit3A_430 : i32
      %ne3A_448 = arith.constant 0 : i32
      %ne3A_449 = arith.cmpi ne, %rem3A_447, %ne3A_448 : i32
      %and3A_450 = arith.andi %ne3A_446, %ne3A_449 : i1
      %sub3A_451 = arith.constant 1 : i32
      %sub3A_452 = arith.subi %div3A_431, %sub3A_451 : i32
      %select_n3A_453 = arith.select %and3A_450, %sub3A_452, %div3A_431 : i32
      %mul3A_454 = arith.constant 128 : i32
      %mul3A_455 = arith.muli %select_n3A_453, %mul3A_454 : i32
      %multiple_of3A_456 = tpu.assume_multiple %mul3A_455, 128 : i32
      %dma_start3A_457 = arith.constant 3 : i32
      %dma_start3A_458 = arith.constant 0 : i32
      %dma_start3A_459 = arith.constant 0 : i32
      %dma_start3A_460 = tpu.memref_slice %arg10[%dma_start3A_457, %dma_start3A_458, %dma_start3A_459] : memref<4x64x128xf32, #tpu.memory_space<vmem>> -> memref<1x64x128xf32, #tpu.memory_space<vmem>>
      %dma_start3A_461 = tpu.memref_squeeze %dma_start3A_460 : memref<1x64x128xf32, #tpu.memory_space<vmem>> -> memref<64x128xf32, #tpu.memory_space<vmem>>
      %dma_start3A_462 = arith.constant 0 : i32
      %dma_start3A_463 = tpu.memref_slice %arg5[%dma_start3A_462, %multiple_of3A_456] : memref<64x1000000xf32, #tpu.memory_space<hbm>> -> memref<64x128xf32, #tpu.memory_space<hbm>>
      %dma_start3A_464 = arith.constant 0 : i32
      %dma_start3A_465 = arith.constant 0 : i32
      %dma_start3A_466 = tpu.memref_slice %arg10[%dma_start3A_457, %dma_start3A_464, %dma_start3A_465] : memref<4x64x128xf32, #tpu.memory_space<vmem>> -> memref<1x64x128xf32, #tpu.memory_space<vmem>>
      %dma_start3A_467 = tpu.memref_squeeze %dma_start3A_466 : memref<1x64x128xf32, #tpu.memory_space<vmem>> -> memref<64x128xf32, #tpu.memory_space<vmem>>
      %dma_start3A_468 = arith.constant 0 : i32
      %dma_start3A_469 = tpu.memref_slice %arg5[%dma_start3A_468, %multiple_of3A_456] : memref<64x1000000xf32, #tpu.memory_space<hbm>> -> memref<64x128xf32, #tpu.memory_space<hbm>>
      tpu.enqueue_dma source(%dma_start3A_469 : memref<64x128xf32, #tpu.memory_space<hbm>>) target(%dma_start3A_467 : memref<64x128xf32, #tpu.memory_space<vmem>>) target_semaphore(%arg12 : memref<!tpu.dma_semaphore, #tpu.memory_space<semaphore_mem>>)
      %dma_wait3A = arith.constant 0 : i32
      %dma_wait3A_470 = arith.constant 0 : i32
      %dma_wait3A_471 = arith.constant 0 : i32
      %dma_wait3A_472 = tpu.memref_slice %arg9[%dma_wait3A, %dma_wait3A_470, %dma_wait3A_471] : memref<4x64x128xf32, #tpu.memory_space<vmem>> -> memref<1x64x128xf32, #tpu.memory_space<vmem>>
      %dma_wait3A_473 = tpu.memref_squeeze %dma_wait3A_472 : memref<1x64x128xf32, #tpu.memory_space<vmem>> -> memref<64x128xf32, #tpu.memory_space<vmem>>
      %dma_wait3A_474 = arith.constant 0 : i32
      %dma_wait3A_475 = tpu.memref_slice %arg4[%dma_wait3A_474, %multiple_of3A] : memref<64x1000000xf32, #tpu.memory_space<hbm>> -> memref<64x128xf32, #tpu.memory_space<hbm>>
      %dma_wait3A_476 = arith.constant 0 : i32
      %dma_wait3A_477 = arith.constant 0 : i32
      %dma_wait3A_478 = tpu.memref_slice %arg9[%dma_wait3A, %dma_wait3A_476, %dma_wait3A_477] : memref<4x64x128xf32, #tpu.memory_space<vmem>> -> memref<1x64x128xf32, #tpu.memory_space<vmem>>
      %dma_wait3A_479 = tpu.memref_squeeze %dma_wait3A_478 : memref<1x64x128xf32, #tpu.memory_space<vmem>> -> memref<64x128xf32, #tpu.memory_space<vmem>>
      %dma_wait3A_480 = arith.constant 0 : i32
      %dma_wait3A_481 = tpu.memref_slice %arg4[%dma_wait3A_480, %multiple_of3A] : memref<64x1000000xf32, #tpu.memory_space<hbm>> -> memref<64x128xf32, #tpu.memory_space<hbm>>
      tpu.wait_dma2 semaphore(%arg12 : memref<!tpu.dma_semaphore, #tpu.memory_space<semaphore_mem>>) src(%dma_wait3A_481 : memref<64x128xf32, #tpu.memory_space<hbm>>) dst(%dma_wait3A_479 : memref<64x128xf32, #tpu.memory_space<vmem>>)
      %dma_wait3A_482 = arith.constant 0 : i32
      %dma_wait3A_483 = arith.constant 0 : i32
      %dma_wait3A_484 = arith.constant 0 : i32
      %dma_wait3A_485 = tpu.memref_slice %arg10[%dma_wait3A_482, %dma_wait3A_483, %dma_wait3A_484] : memref<4x64x128xf32, #tpu.memory_space<vmem>> -> memref<1x64x128xf32, #tpu.memory_space<vmem>>
      %dma_wait3A_486 = tpu.memref_squeeze %dma_wait3A_485 : memref<1x64x128xf32, #tpu.memory_space<vmem>> -> memref<64x128xf32, #tpu.memory_space<vmem>>
      %dma_wait3A_487 = arith.constant 0 : i32
      %dma_wait3A_488 = tpu.memref_slice %arg5[%dma_wait3A_487, %multiple_of3A_204] : memref<64x1000000xf32, #tpu.memory_space<hbm>> -> memref<64x128xf32, #tpu.memory_space<hbm>>
      %dma_wait3A_489 = arith.constant 0 : i32
      %dma_wait3A_490 = arith.constant 0 : i32
      %dma_wait3A_491 = tpu.memref_slice %arg10[%dma_wait3A_482, %dma_wait3A_489, %dma_wait3A_490] : memref<4x64x128xf32, #tpu.memory_space<vmem>> -> memref<1x64x128xf32, #tpu.memory_space<vmem>>
      %dma_wait3A_492 = tpu.memref_squeeze %dma_wait3A_491 : memref<1x64x128xf32, #tpu.memory_space<vmem>> -> memref<64x128xf32, #tpu.memory_space<vmem>>
      %dma_wait3A_493 = arith.constant 0 : i32
      %dma_wait3A_494 = tpu.memref_slice %arg5[%dma_wait3A_493, %multiple_of3A_204] : memref<64x1000000xf32, #tpu.memory_space<hbm>> -> memref<64x128xf32, #tpu.memory_space<hbm>>
      tpu.wait_dma2 semaphore(%arg12 : memref<!tpu.dma_semaphore, #tpu.memory_space<semaphore_mem>>) src(%dma_wait3A_494 : memref<64x128xf32, #tpu.memory_space<hbm>>) dst(%dma_wait3A_492 : memref<64x128xf32, #tpu.memory_space<vmem>>)
      %dma_wait3A_495 = arith.constant 1 : i32
      %dma_wait3A_496 = arith.constant 0 : i32
      %dma_wait3A_497 = arith.constant 0 : i32
      %dma_wait3A_498 = tpu.memref_slice %arg9[%dma_wait3A_495, %dma_wait3A_496, %dma_wait3A_497] : memref<4x64x128xf32, #tpu.memory_space<vmem>> -> memref<1x64x128xf32, #tpu.memory_space<vmem>>
      %dma_wait3A_499 = tpu.memref_squeeze %dma_wait3A_498 : memref<1x64x128xf32, #tpu.memory_space<vmem>> -> memref<64x128xf32, #tpu.memory_space<vmem>>
      %dma_wait3A_500 = arith.constant 0 : i32
      %dma_wait3A_501 = tpu.memref_slice %arg4[%dma_wait3A_500, %multiple_of3A_248] : memref<64x1000000xf32, #tpu.memory_space<hbm>> -> memref<64x128xf32, #tpu.memory_space<hbm>>
      %dma_wait3A_502 = arith.constant 0 : i32
      %dma_wait3A_503 = arith.constant 0 : i32
      %dma_wait3A_504 = tpu.memref_slice %arg9[%dma_wait3A_495, %dma_wait3A_502, %dma_wait3A_503] : memref<4x64x128xf32, #tpu.memory_space<vmem>> -> memref<1x64x128xf32, #tpu.memory_space<vmem>>
      %dma_wait3A_505 = tpu.memref_squeeze %dma_wait3A_504 : memref<1x64x128xf32, #tpu.memory_space<vmem>> -> memref<64x128xf32, #tpu.memory_space<vmem>>
      %dma_wait3A_506 = arith.constant 0 : i32
      %dma_wait3A_507 = tpu.memref_slice %arg4[%dma_wait3A_506, %multiple_of3A_248] : memref<64x1000000xf32, #tpu.memory_space<hbm>> -> memref<64x128xf32, #tpu.memory_space<hbm>>
      tpu.wait_dma2 semaphore(%arg12 : memref<!tpu.dma_semaphore, #tpu.memory_space<semaphore_mem>>) src(%dma_wait3A_507 : memref<64x128xf32, #tpu.memory_space<hbm>>) dst(%dma_wait3A_505 : memref<64x128xf32, #tpu.memory_space<vmem>>)
      %dma_wait3A_508 = arith.constant 1 : i32
      %dma_wait3A_509 = arith.constant 0 : i32
      %dma_wait3A_510 = arith.constant 0 : i32
      %dma_wait3A_511 = tpu.memref_slice %arg10[%dma_wait3A_508, %dma_wait3A_509, %dma_wait3A_510] : memref<4x64x128xf32, #tpu.memory_space<vmem>> -> memref<1x64x128xf32, #tpu.memory_space<vmem>>
      %dma_wait3A_512 = tpu.memref_squeeze %dma_wait3A_511 : memref<1x64x128xf32, #tpu.memory_space<vmem>> -> memref<64x128xf32, #tpu.memory_space<vmem>>
      %dma_wait3A_513 = arith.constant 0 : i32
      %dma_wait3A_514 = tpu.memref_slice %arg5[%dma_wait3A_513, %multiple_of3A_288] : memref<64x1000000xf32, #tpu.memory_space<hbm>> -> memref<64x128xf32, #tpu.memory_space<hbm>>
      %dma_wait3A_515 = arith.constant 0 : i32
      %dma_wait3A_516 = arith.constant 0 : i32
      %dma_wait3A_517 = tpu.memref_slice %arg10[%dma_wait3A_508, %dma_wait3A_515, %dma_wait3A_516] : memref<4x64x128xf32, #tpu.memory_space<vmem>> -> memref<1x64x128xf32, #tpu.memory_space<vmem>>
      %dma_wait3A_518 = tpu.memref_squeeze %dma_wait3A_517 : memref<1x64x128xf32, #tpu.memory_space<vmem>> -> memref<64x128xf32, #tpu.memory_space<vmem>>
      %dma_wait3A_519 = arith.constant 0 : i32
      %dma_wait3A_520 = tpu.memref_slice %arg5[%dma_wait3A_519, %multiple_of3A_288] : memref<64x1000000xf32, #tpu.memory_space<hbm>> -> memref<64x128xf32, #tpu.memory_space<hbm>>
      tpu.wait_dma2 semaphore(%arg12 : memref<!tpu.dma_semaphore, #tpu.memory_space<semaphore_mem>>) src(%dma_wait3A_520 : memref<64x128xf32, #tpu.memory_space<hbm>>) dst(%dma_wait3A_518 : memref<64x128xf32, #tpu.memory_space<vmem>>)
      %dma_wait3A_521 = arith.constant 2 : i32
      %dma_wait3A_522 = arith.constant 0 : i32
      %dma_wait3A_523 = arith.constant 0 : i32
      %dma_wait3A_524 = tpu.memref_slice %arg9[%dma_wait3A_521, %dma_wait3A_522, %dma_wait3A_523] : memref<4x64x128xf32, #tpu.memory_space<vmem>> -> memref<1x64x128xf32, #tpu.memory_space<vmem>>
      %dma_wait3A_525 = tpu.memref_squeeze %dma_wait3A_524 : memref<1x64x128xf32, #tpu.memory_space<vmem>> -> memref<64x128xf32, #tpu.memory_space<vmem>>
      %dma_wait3A_526 = arith.constant 0 : i32
      %dma_wait3A_527 = tpu.memref_slice %arg4[%dma_wait3A_526, %multiple_of3A_332] : memref<64x1000000xf32, #tpu.memory_space<hbm>> -> memref<64x128xf32, #tpu.memory_space<hbm>>
      %dma_wait3A_528 = arith.constant 0 : i32
      %dma_wait3A_529 = arith.constant 0 : i32
      %dma_wait3A_530 = tpu.memref_slice %arg9[%dma_wait3A_521, %dma_wait3A_528, %dma_wait3A_529] : memref<4x64x128xf32, #tpu.memory_space<vmem>> -> memref<1x64x128xf32, #tpu.memory_space<vmem>>
      %dma_wait3A_531 = tpu.memref_squeeze %dma_wait3A_530 : memref<1x64x128xf32, #tpu.memory_space<vmem>> -> memref<64x128xf32, #tpu.memory_space<vmem>>
      %dma_wait3A_532 = arith.constant 0 : i32
      %dma_wait3A_533 = tpu.memref_slice %arg4[%dma_wait3A_532, %multiple_of3A_332] : memref<64x1000000xf32, #tpu.memory_space<hbm>> -> memref<64x128xf32, #tpu.memory_space<hbm>>
      tpu.wait_dma2 semaphore(%arg12 : memref<!tpu.dma_semaphore, #tpu.memory_space<semaphore_mem>>) src(%dma_wait3A_533 : memref<64x128xf32, #tpu.memory_space<hbm>>) dst(%dma_wait3A_531 : memref<64x128xf32, #tpu.memory_space<vmem>>)
      %dma_wait3A_534 = arith.constant 2 : i32
      %dma_wait3A_535 = arith.constant 0 : i32
      %dma_wait3A_536 = arith.constant 0 : i32
      %dma_wait3A_537 = tpu.memref_slice %arg10[%dma_wait3A_534, %dma_wait3A_535, %dma_wait3A_536] : memref<4x64x128xf32, #tpu.memory_space<vmem>> -> memref<1x64x128xf32, #tpu.memory_space<vmem>>
      %dma_wait3A_538 = tpu.memref_squeeze %dma_wait3A_537 : memref<1x64x128xf32, #tpu.memory_space<vmem>> -> memref<64x128xf32, #tpu.memory_space<vmem>>
      %dma_wait3A_539 = arith.constant 0 : i32
      %dma_wait3A_540 = tpu.memref_slice %arg5[%dma_wait3A_539, %multiple_of3A_372] : memref<64x1000000xf32, #tpu.memory_space<hbm>> -> memref<64x128xf32, #tpu.memory_space<hbm>>
      %dma_wait3A_541 = arith.constant 0 : i32
      %dma_wait3A_542 = arith.constant 0 : i32
      %dma_wait3A_543 = tpu.memref_slice %arg10[%dma_wait3A_534, %dma_wait3A_541, %dma_wait3A_542] : memref<4x64x128xf32, #tpu.memory_space<vmem>> -> memref<1x64x128xf32, #tpu.memory_space<vmem>>
      %dma_wait3A_544 = tpu.memref_squeeze %dma_wait3A_543 : memref<1x64x128xf32, #tpu.memory_space<vmem>> -> memref<64x128xf32, #tpu.memory_space<vmem>>
      %dma_wait3A_545 = arith.constant 0 : i32
      %dma_wait3A_546 = tpu.memref_slice %arg5[%dma_wait3A_545, %multiple_of3A_372] : memref<64x1000000xf32, #tpu.memory_space<hbm>> -> memref<64x128xf32, #tpu.memory_space<hbm>>
      tpu.wait_dma2 semaphore(%arg12 : memref<!tpu.dma_semaphore, #tpu.memory_space<semaphore_mem>>) src(%dma_wait3A_546 : memref<64x128xf32, #tpu.memory_space<hbm>>) dst(%dma_wait3A_544 : memref<64x128xf32, #tpu.memory_space<vmem>>)
      %dma_wait3A_547 = arith.constant 3 : i32
      %dma_wait3A_548 = arith.constant 0 : i32
      %dma_wait3A_549 = arith.constant 0 : i32
      %dma_wait3A_550 = tpu.memref_slice %arg9[%dma_wait3A_547, %dma_wait3A_548, %dma_wait3A_549] : memref<4x64x128xf32, #tpu.memory_space<vmem>> -> memref<1x64x128xf32, #tpu.memory_space<vmem>>
      %dma_wait3A_551 = tpu.memref_squeeze %dma_wait3A_550 : memref<1x64x128xf32, #tpu.memory_space<vmem>> -> memref<64x128xf32, #tpu.memory_space<vmem>>
      %dma_wait3A_552 = arith.constant 0 : i32
      %dma_wait3A_553 = tpu.memref_slice %arg4[%dma_wait3A_552, %multiple_of3A_416] : memref<64x1000000xf32, #tpu.memory_space<hbm>> -> memref<64x128xf32, #tpu.memory_space<hbm>>
      %dma_wait3A_554 = arith.constant 0 : i32
      %dma_wait3A_555 = arith.constant 0 : i32
      %dma_wait3A_556 = tpu.memref_slice %arg9[%dma_wait3A_547, %dma_wait3A_554, %dma_wait3A_555] : memref<4x64x128xf32, #tpu.memory_space<vmem>> -> memref<1x64x128xf32, #tpu.memory_space<vmem>>
      %dma_wait3A_557 = tpu.memref_squeeze %dma_wait3A_556 : memref<1x64x128xf32, #tpu.memory_space<vmem>> -> memref<64x128xf32, #tpu.memory_space<vmem>>
      %dma_wait3A_558 = arith.constant 0 : i32
      %dma_wait3A_559 = tpu.memref_slice %arg4[%dma_wait3A_558, %multiple_of3A_416] : memref<64x1000000xf32, #tpu.memory_space<hbm>> -> memref<64x128xf32, #tpu.memory_space<hbm>>
      tpu.wait_dma2 semaphore(%arg12 : memref<!tpu.dma_semaphore, #tpu.memory_space<semaphore_mem>>) src(%dma_wait3A_559 : memref<64x128xf32, #tpu.memory_space<hbm>>) dst(%dma_wait3A_557 : memref<64x128xf32, #tpu.memory_space<vmem>>)
      %dma_wait3A_560 = arith.constant 3 : i32
      %dma_wait3A_561 = arith.constant 0 : i32
      %dma_wait3A_562 = arith.constant 0 : i32
      %dma_wait3A_563 = tpu.memref_slice %arg10[%dma_wait3A_560, %dma_wait3A_561, %dma_wait3A_562] : memref<4x64x128xf32, #tpu.memory_space<vmem>> -> memref<1x64x128xf32, #tpu.memory_space<vmem>>
      %dma_wait3A_564 = tpu.memref_squeeze %dma_wait3A_563 : memref<1x64x128xf32, #tpu.memory_space<vmem>> -> memref<64x128xf32, #tpu.memory_space<vmem>>
      %dma_wait3A_565 = arith.constant 0 : i32
      %dma_wait3A_566 = tpu.memref_slice %arg5[%dma_wait3A_565, %multiple_of3A_456] : memref<64x1000000xf32, #tpu.memory_space<hbm>> -> memref<64x128xf32, #tpu.memory_space<hbm>>
      %dma_wait3A_567 = arith.constant 0 : i32
      %dma_wait3A_568 = arith.constant 0 : i32
      %dma_wait3A_569 = tpu.memref_slice %arg10[%dma_wait3A_560, %dma_wait3A_567, %dma_wait3A_568] : memref<4x64x128xf32, #tpu.memory_space<vmem>> -> memref<1x64x128xf32, #tpu.memory_space<vmem>>
      %dma_wait3A_570 = tpu.memref_squeeze %dma_wait3A_569 : memref<1x64x128xf32, #tpu.memory_space<vmem>> -> memref<64x128xf32, #tpu.memory_space<vmem>>
      %dma_wait3A_571 = arith.constant 0 : i32
      %dma_wait3A_572 = tpu.memref_slice %arg5[%dma_wait3A_571, %multiple_of3A_456] : memref<64x1000000xf32, #tpu.memory_space<hbm>> -> memref<64x128xf32, #tpu.memory_space<hbm>>
      tpu.wait_dma2 semaphore(%arg12 : memref<!tpu.dma_semaphore, #tpu.memory_space<semaphore_mem>>) src(%dma_wait3A_572 : memref<64x128xf32, #tpu.memory_space<hbm>>) dst(%dma_wait3A_570 : memref<64x128xf32, #tpu.memory_space<vmem>>)
      %broadcast_in_dim3A_573 = arith.constant 0 : i32
      %broadcast_in_dim3A_574 = vector.broadcast %broadcast_in_dim3A_573 : i32 to vector<16xi32>
      %slice3A_575 = vector.extract_strided_slice %get3A_92 {offsets = [0], sizes = [1], strides = [1]} : vector<16xi32> to vector<1xi32>
      %squeeze3A_576 = vector.extract %slice3A_575[0] : i32 from vector<1xi32>
      %jit3A_577 = arith.constant 128 : i32
      %eq3A_578 = arith.constant 0 : i32
      %eq3A_579 = arith.cmpi eq, %jit3A_577, %eq3A_578 : i32
      %jit3A_580 = arith.constant 1 : i32
      %select_n3A_581 = arith.select %eq3A_579, %jit3A_580, %jit3A_577 : i32
      %rem3A_582 = arith.remsi %squeeze3A_576, %select_n3A_581 : i32
      %ne3A_583 = arith.constant 0 : i32
      %ne3A_584 = arith.cmpi ne, %rem3A_582, %ne3A_583 : i32
      %lt3A_585 = arith.constant 0 : i32
      %lt3A_586 = arith.cmpi slt, %rem3A_582, %lt3A_585 : i32
      %lt3A_587 = arith.constant 0 : i32
      %lt3A_588 = arith.cmpi slt, %select_n3A_581, %lt3A_587 : i32
      %ne3A_589 = arith.xori %lt3A_586, %lt3A_588 : i1
      %and3A_590 = arith.andi %ne3A_589, %ne3A_584 : i1
      %add3A_591 = arith.addi %rem3A_582, %select_n3A_581 : i32
      %select_n3A_592 = arith.select %and3A_590, %add3A_591, %rem3A_582 : i32
      %add3A_593 = vector.broadcast %select_n3A_592 : i32 to vector<16xi32>
      %add3A_594 = arith.addi %broadcast_in_dim3A_574, %add3A_593 : vector<16xi32>
      %broadcast_in_dim3A_595 = arith.constant 0 : i32
      %broadcast_in_dim3A_596 = vector.broadcast %broadcast_in_dim3A_595 : i32 to vector<16xi32>
      %slice3A_597 = vector.extract_strided_slice %get3A_137 {offsets = [0], sizes = [1], strides = [1]} : vector<16xi32> to vector<1xi32>
      %squeeze3A_598 = vector.extract %slice3A_597[0] : i32 from vector<1xi32>
      %jit3A_599 = arith.constant 128 : i32
      %eq3A_600 = arith.constant 0 : i32
      %eq3A_601 = arith.cmpi eq, %jit3A_599, %eq3A_600 : i32
      %jit3A_602 = arith.constant 1 : i32
      %select_n3A_603 = arith.select %eq3A_601, %jit3A_602, %jit3A_599 : i32
      %rem3A_604 = arith.remsi %squeeze3A_598, %select_n3A_603 : i32
      %ne3A_605 = arith.constant 0 : i32
      %ne3A_606 = arith.cmpi ne, %rem3A_604, %ne3A_605 : i32
      %lt3A_607 = arith.constant 0 : i32
      %lt3A_608 = arith.cmpi slt, %rem3A_604, %lt3A_607 : i32
      %lt3A_609 = arith.constant 0 : i32
      %lt3A_610 = arith.cmpi slt, %select_n3A_603, %lt3A_609 : i32
      %ne3A_611 = arith.xori %lt3A_608, %lt3A_610 : i1
      %and3A_612 = arith.andi %ne3A_611, %ne3A_606 : i1
      %add3A_613 = arith.addi %rem3A_604, %select_n3A_603 : i32
      %select_n3A_614 = arith.select %and3A_612, %add3A_613, %rem3A_604 : i32
      %add3A_615 = vector.broadcast %select_n3A_614 : i32 to vector<16xi32>
      %add3A_616 = arith.addi %broadcast_in_dim3A_596, %add3A_615 : vector<16xi32>
      %gather3A = arith.constant 0 : i32
      %gather3A_617 = arith.constant 0 : i32
      %gather3A_618 = arith.constant 0 : i32
      %gather3A_619 = tpu.memref_slice %arg9[%gather3A, %gather3A_617, %gather3A_618] : memref<4x64x128xf32, #tpu.memory_space<vmem>> -> memref<1x64x128xf32, #tpu.memory_space<vmem>>
      %gather3A_620 = tpu.memref_squeeze %gather3A_619 : memref<1x64x128xf32, #tpu.memory_space<vmem>> -> memref<64x128xf32, #tpu.memory_space<vmem>>
      %gather3A_621 = tpu.vector_load_idx %gather3A_620[%add3A_30, %add3A_594] : memref<64x128xf32, #tpu.memory_space<vmem>>[vector<16xi32>, vector<16xi32>], vector<16xf32>,
      %gather3A_622 = arith.constant 0 : i32
      %gather3A_623 = arith.constant 0 : i32
      %gather3A_624 = arith.constant 0 : i32
      %gather3A_625 = tpu.memref_slice %arg10[%gather3A_622, %gather3A_623, %gather3A_624] : memref<4x64x128xf32, #tpu.memory_space<vmem>> -> memref<1x64x128xf32, #tpu.memory_space<vmem>>
      %gather3A_626 = tpu.memref_squeeze %gather3A_625 : memref<1x64x128xf32, #tpu.memory_space<vmem>> -> memref<64x128xf32, #tpu.memory_space<vmem>>
      %gather3A_627 = tpu.vector_load_idx %gather3A_626[%add3A_30, %add3A_616] : memref<64x128xf32, #tpu.memory_space<vmem>>[vector<16xi32>, vector<16xi32>], vector<16xf32>,
      %max3A = arith.constant 0.000000e+00 : f32
      %max3A_628 = vector.broadcast %max3A : f32 to vector<16xf32>
      %max3A_629 = arith.maximumf %gather3A_621, %max3A_628 : vector<16xf32>
      %max3A_630 = arith.constant 0.000000e+00 : f32
      %max3A_631 = vector.broadcast %max3A_630 : f32 to vector<16xf32>
      %max3A_632 = arith.maximumf %gather3A_627, %max3A_631 : vector<16xf32>
      %mul3A_633 = arith.mulf %max3A_629, %max3A_632 : vector<16xf32>
      %add3A_634 = arith.addf %broadcast_in_dim3A_50, %mul3A_633 : vector<16xf32>
      %gather3A_635 = arith.constant 0 : i32
      %gather3A_636 = arith.constant 0 : i32
      %gather3A_637 = arith.constant 0 : i32
      %gather3A_638 = tpu.memref_slice %arg9[%gather3A_635, %gather3A_636, %gather3A_637] : memref<4x64x128xf32, #tpu.memory_space<vmem>> -> memref<1x64x128xf32, #tpu.memory_space<vmem>>
      %gather3A_639 = tpu.memref_squeeze %gather3A_638 : memref<1x64x128xf32, #tpu.memory_space<vmem>> -> memref<64x128xf32, #tpu.memory_space<vmem>>
      %gather3A_640 = tpu.vector_load_idx %gather3A_639[%add3A_36, %add3A_594] : memref<64x128xf32, #tpu.memory_space<vmem>>[vector<16xi32>, vector<16xi32>], vector<16xf32>,
      %gather3A_641 = arith.constant 0 : i32
      %gather3A_642 = arith.constant 0 : i32
      %gather3A_643 = arith.constant 0 : i32
      %gather3A_644 = tpu.memref_slice %arg10[%gather3A_641, %gather3A_642, %gather3A_643] : memref<4x64x128xf32, #tpu.memory_space<vmem>> -> memref<1x64x128xf32, #tpu.memory_space<vmem>>
      %gather3A_645 = tpu.memref_squeeze %gather3A_644 : memref<1x64x128xf32, #tpu.memory_space<vmem>> -> memref<64x128xf32, #tpu.memory_space<vmem>>
      %gather3A_646 = tpu.vector_load_idx %gather3A_645[%add3A_36, %add3A_616] : memref<64x128xf32, #tpu.memory_space<vmem>>[vector<16xi32>, vector<16xi32>], vector<16xf32>,
      %max3A_647 = arith.constant 0.000000e+00 : f32
      %max3A_648 = vector.broadcast %max3A_647 : f32 to vector<16xf32>
      %max3A_649 = arith.maximumf %gather3A_640, %max3A_648 : vector<16xf32>
      %max3A_650 = arith.constant 0.000000e+00 : f32
      %max3A_651 = vector.broadcast %max3A_650 : f32 to vector<16xf32>
      %max3A_652 = arith.maximumf %gather3A_646, %max3A_651 : vector<16xf32>
      %mul3A_653 = arith.mulf %max3A_649, %max3A_652 : vector<16xf32>
      %add3A_654 = arith.addf %add3A_634, %mul3A_653 : vector<16xf32>
      %gather3A_655 = arith.constant 0 : i32
      %gather3A_656 = arith.constant 0 : i32
      %gather3A_657 = arith.constant 0 : i32
      %gather3A_658 = tpu.memref_slice %arg9[%gather3A_655, %gather3A_656, %gather3A_657] : memref<4x64x128xf32, #tpu.memory_space<vmem>> -> memref<1x64x128xf32, #tpu.memory_space<vmem>>
      %gather3A_659 = tpu.memref_squeeze %gather3A_658 : memref<1x64x128xf32, #tpu.memory_space<vmem>> -> memref<64x128xf32, #tpu.memory_space<vmem>>
      %gather3A_660 = tpu.vector_load_idx %gather3A_659[%add3A_42, %add3A_594] : memref<64x128xf32, #tpu.memory_space<vmem>>[vector<16xi32>, vector<16xi32>], vector<16xf32>,
      %gather3A_661 = arith.constant 0 : i32
      %gather3A_662 = arith.constant 0 : i32
      %gather3A_663 = arith.constant 0 : i32
      %gather3A_664 = tpu.memref_slice %arg10[%gather3A_661, %gather3A_662, %gather3A_663] : memref<4x64x128xf32, #tpu.memory_space<vmem>> -> memref<1x64x128xf32, #tpu.memory_space<vmem>>
      %gather3A_665 = tpu.memref_squeeze %gather3A_664 : memref<1x64x128xf32, #tpu.memory_space<vmem>> -> memref<64x128xf32, #tpu.memory_space<vmem>>
      %gather3A_666 = tpu.vector_load_idx %gather3A_665[%add3A_42, %add3A_616] : memref<64x128xf32, #tpu.memory_space<vmem>>[vector<16xi32>, vector<16xi32>], vector<16xf32>,
      %max3A_667 = arith.constant 0.000000e+00 : f32
      %max3A_668 = vector.broadcast %max3A_667 : f32 to vector<16xf32>
      %max3A_669 = arith.maximumf %gather3A_660, %max3A_668 : vector<16xf32>
      %max3A_670 = arith.constant 0.000000e+00 : f32
      %max3A_671 = vector.broadcast %max3A_670 : f32 to vector<16xf32>
      %max3A_672 = arith.maximumf %gather3A_666, %max3A_671 : vector<16xf32>
      %mul3A_673 = arith.mulf %max3A_669, %max3A_672 : vector<16xf32>
      %add3A_674 = arith.addf %add3A_654, %mul3A_673 : vector<16xf32>
      %gather3A_675 = arith.constant 0 : i32
      %gather3A_676 = arith.constant 0 : i32
      %gather3A_677 = arith.constant 0 : i32
      %gather3A_678 = tpu.memref_slice %arg9[%gather3A_675, %gather3A_676, %gather3A_677] : memref<4x64x128xf32, #tpu.memory_space<vmem>> -> memref<1x64x128xf32, #tpu.memory_space<vmem>>
      %gather3A_679 = tpu.memref_squeeze %gather3A_678 : memref<1x64x128xf32, #tpu.memory_space<vmem>> -> memref<64x128xf32, #tpu.memory_space<vmem>>
      %gather3A_680 = tpu.vector_load_idx %gather3A_679[%add3A_48, %add3A_594] : memref<64x128xf32, #tpu.memory_space<vmem>>[vector<16xi32>, vector<16xi32>], vector<16xf32>,
      %gather3A_681 = arith.constant 0 : i32
      %gather3A_682 = arith.constant 0 : i32
      %gather3A_683 = arith.constant 0 : i32
      %gather3A_684 = tpu.memref_slice %arg10[%gather3A_681, %gather3A_682, %gather3A_683] : memref<4x64x128xf32, #tpu.memory_space<vmem>> -> memref<1x64x128xf32, #tpu.memory_space<vmem>>
      %gather3A_685 = tpu.memref_squeeze %gather3A_684 : memref<1x64x128xf32, #tpu.memory_space<vmem>> -> memref<64x128xf32, #tpu.memory_space<vmem>>
      %gather3A_686 = tpu.vector_load_idx %gather3A_685[%add3A_48, %add3A_616] : memref<64x128xf32, #tpu.memory_space<vmem>>[vector<16xi32>, vector<16xi32>], vector<16xf32>,
      %max3A_687 = arith.constant 0.000000e+00 : f32
      %max3A_688 = vector.broadcast %max3A_687 : f32 to vector<16xf32>
      %max3A_689 = arith.maximumf %gather3A_680, %max3A_688 : vector<16xf32>
      %max3A_690 = arith.constant 0.000000e+00 : f32
      %max3A_691 = vector.broadcast %max3A_690 : f32 to vector<16xf32>
      %max3A_692 = arith.maximumf %gather3A_686, %max3A_691 : vector<16xf32>
      %mul3A_693 = arith.mulf %max3A_689, %max3A_692 : vector<16xf32>
      %add3A_694 = arith.addf %add3A_674, %mul3A_693 : vector<16xf32>
      %eq3A_695 = arith.constant 0 : i32
      %eq3A_696 = vector.broadcast %eq3A_695 : i32 to vector<16xi32>
      %eq3A_697 = arith.cmpi eq, %iota3A, %eq3A_696 : vector<16xi32>
      %reduce_sum3A = arith.constant true
      %reduce_sum3A_698 = vector.broadcast %reduce_sum3A : i1 to vector<16xi1>
      %reduce_sum3A_699 = tpu.scan <sum>, %add3A_694 masked %reduce_sum3A_698 : vector<16xf32>, vector<16xi1> -> vector<16xf32>
      %reduce_sum3A_700 = vector.extract %reduce_sum3A_699[15] : f32 from vector<16xf32>
      %broadcast_in_dim3A_701 = vector.broadcast %reduce_sum3A_700 : f32 to vector<16xf32>
      %select_n3A_702 = arith.select %eq3A_697, %broadcast_in_dim3A_701, %broadcast_in_dim3A_50 : vector<16xi1>, vector<16xf32>
      %broadcast_in_dim3A_703 = arith.constant 0 : i32
      %broadcast_in_dim3A_704 = vector.broadcast %broadcast_in_dim3A_703 : i32 to vector<16xi32>
      %slice3A_705 = vector.extract_strided_slice %get3A_92 {offsets = [1], sizes = [1], strides = [1]} : vector<16xi32> to vector<1xi32>
      %squeeze3A_706 = vector.extract %slice3A_705[0] : i32 from vector<1xi32>
      %jit3A_707 = arith.constant 128 : i32
      %eq3A_708 = arith.constant 0 : i32
      %eq3A_709 = arith.cmpi eq, %jit3A_707, %eq3A_708 : i32
      %jit3A_710 = arith.constant 1 : i32
      %select_n3A_711 = arith.select %eq3A_709, %jit3A_710, %jit3A_707 : i32
      %rem3A_712 = arith.remsi %squeeze3A_706, %select_n3A_711 : i32
      %ne3A_713 = arith.constant 0 : i32
      %ne3A_714 = arith.cmpi ne, %rem3A_712, %ne3A_713 : i32
      %lt3A_715 = arith.constant 0 : i32
      %lt3A_716 = arith.cmpi slt, %rem3A_712, %lt3A_715 : i32
      %lt3A_717 = arith.constant 0 : i32
      %lt3A_718 = arith.cmpi slt, %select_n3A_711, %lt3A_717 : i32
      %ne3A_719 = arith.xori %lt3A_716, %lt3A_718 : i1
      %and3A_720 = arith.andi %ne3A_719, %ne3A_714 : i1
      %add3A_721 = arith.addi %rem3A_712, %select_n3A_711 : i32
      %select_n3A_722 = arith.select %and3A_720, %add3A_721, %rem3A_712 : i32
      %add3A_723 = vector.broadcast %select_n3A_722 : i32 to vector<16xi32>
      %add3A_724 = arith.addi %broadcast_in_dim3A_704, %add3A_723 : vector<16xi32>
      %broadcast_in_dim3A_725 = arith.constant 0 : i32
      %broadcast_in_dim3A_726 = vector.broadcast %broadcast_in_dim3A_725 : i32 to vector<16xi32>
      %slice3A_727 = vector.extract_strided_slice %get3A_137 {offsets = [1], sizes = [1], strides = [1]} : vector<16xi32> to vector<1xi32>
      %squeeze3A_728 = vector.extract %slice3A_727[0] : i32 from vector<1xi32>
      %jit3A_729 = arith.constant 128 : i32
      %eq3A_730 = arith.constant 0 : i32
      %eq3A_731 = arith.cmpi eq, %jit3A_729, %eq3A_730 : i32
      %jit3A_732 = arith.constant 1 : i32
      %select_n3A_733 = arith.select %eq3A_731, %jit3A_732, %jit3A_729 : i32
      %rem3A_734 = arith.remsi %squeeze3A_728, %select_n3A_733 : i32
      %ne3A_735 = arith.constant 0 : i32
      %ne3A_736 = arith.cmpi ne, %rem3A_734, %ne3A_735 : i32
      %lt3A_737 = arith.constant 0 : i32
      %lt3A_738 = arith.cmpi slt, %rem3A_734, %lt3A_737 : i32
      %lt3A_739 = arith.constant 0 : i32
      %lt3A_740 = arith.cmpi slt, %select_n3A_733, %lt3A_739 : i32
      %ne3A_741 = arith.xori %lt3A_738, %lt3A_740 : i1
      %and3A_742 = arith.andi %ne3A_741, %ne3A_736 : i1
      %add3A_743 = arith.addi %rem3A_734, %select_n3A_733 : i32
      %select_n3A_744 = arith.select %and3A_742, %add3A_743, %rem3A_734 : i32
      %add3A_745 = vector.broadcast %select_n3A_744 : i32 to vector<16xi32>
      %add3A_746 = arith.addi %broadcast_in_dim3A_726, %add3A_745 : vector<16xi32>
      %gather3A_747 = arith.constant 1 : i32
      %gather3A_748 = arith.constant 0 : i32
      %gather3A_749 = arith.constant 0 : i32
      %gather3A_750 = tpu.memref_slice %arg9[%gather3A_747, %gather3A_748, %gather3A_749] : memref<4x64x128xf32, #tpu.memory_space<vmem>> -> memref<1x64x128xf32, #tpu.memory_space<vmem>>
      %gather3A_751 = tpu.memref_squeeze %gather3A_750 : memref<1x64x128xf32, #tpu.memory_space<vmem>> -> memref<64x128xf32, #tpu.memory_space<vmem>>
      %gather3A_752 = tpu.vector_load_idx %gather3A_751[%add3A_30, %add3A_724] : memref<64x128xf32, #tpu.memory_space<vmem>>[vector<16xi32>, vector<16xi32>], vector<16xf32>,
      %gather3A_753 = arith.constant 1 : i32
      %gather3A_754 = arith.constant 0 : i32
      %gather3A_755 = arith.constant 0 : i32
      %gather3A_756 = tpu.memref_slice %arg10[%gather3A_753, %gather3A_754, %gather3A_755] : memref<4x64x128xf32, #tpu.memory_space<vmem>> -> memref<1x64x128xf32, #tpu.memory_space<vmem>>
      %gather3A_757 = tpu.memref_squeeze %gather3A_756 : memref<1x64x128xf32, #tpu.memory_space<vmem>> -> memref<64x128xf32, #tpu.memory_space<vmem>>
      %gather3A_758 = tpu.vector_load_idx %gather3A_757[%add3A_30, %add3A_746] : memref<64x128xf32, #tpu.memory_space<vmem>>[vector<16xi32>, vector<16xi32>], vector<16xf32>,
      %max3A_759 = arith.constant 0.000000e+00 : f32
      %max3A_760 = vector.broadcast %max3A_759 : f32 to vector<16xf32>
      %max3A_761 = arith.maximumf %gather3A_752, %max3A_760 : vector<16xf32>
      %max3A_762 = arith.constant 0.000000e+00 : f32
      %max3A_763 = vector.broadcast %max3A_762 : f32 to vector<16xf32>
      %max3A_764 = arith.maximumf %gather3A_758, %max3A_763 : vector<16xf32>
      %mul3A_765 = arith.mulf %max3A_761, %max3A_764 : vector<16xf32>
      %add3A_766 = arith.addf %broadcast_in_dim3A_50, %mul3A_765 : vector<16xf32>
      %gather3A_767 = arith.constant 1 : i32
      %gather3A_768 = arith.constant 0 : i32
      %gather3A_769 = arith.constant 0 : i32
      %gather3A_770 = tpu.memref_slice %arg9[%gather3A_767, %gather3A_768, %gather3A_769] : memref<4x64x128xf32, #tpu.memory_space<vmem>> -> memref<1x64x128xf32, #tpu.memory_space<vmem>>
      %gather3A_771 = tpu.memref_squeeze %gather3A_770 : memref<1x64x128xf32, #tpu.memory_space<vmem>> -> memref<64x128xf32, #tpu.memory_space<vmem>>
      %gather3A_772 = tpu.vector_load_idx %gather3A_771[%add3A_36, %add3A_724] : memref<64x128xf32, #tpu.memory_space<vmem>>[vector<16xi32>, vector<16xi32>], vector<16xf32>,
      %gather3A_773 = arith.constant 1 : i32
      %gather3A_774 = arith.constant 0 : i32
      %gather3A_775 = arith.constant 0 : i32
      %gather3A_776 = tpu.memref_slice %arg10[%gather3A_773, %gather3A_774, %gather3A_775] : memref<4x64x128xf32, #tpu.memory_space<vmem>> -> memref<1x64x128xf32, #tpu.memory_space<vmem>>
      %gather3A_777 = tpu.memref_squeeze %gather3A_776 : memref<1x64x128xf32, #tpu.memory_space<vmem>> -> memref<64x128xf32, #tpu.memory_space<vmem>>
      %gather3A_778 = tpu.vector_load_idx %gather3A_777[%add3A_36, %add3A_746] : memref<64x128xf32, #tpu.memory_space<vmem>>[vector<16xi32>, vector<16xi32>], vector<16xf32>,
      %max3A_779 = arith.constant 0.000000e+00 : f32
      %max3A_780 = vector.broadcast %max3A_779 : f32 to vector<16xf32>
      %max3A_781 = arith.maximumf %gather3A_772, %max3A_780 : vector<16xf32>
      %max3A_782 = arith.constant 0.000000e+00 : f32
      %max3A_783 = vector.broadcast %max3A_782 : f32 to vector<16xf32>
      %max3A_784 = arith.maximumf %gather3A_778, %max3A_783 : vector<16xf32>
      %mul3A_785 = arith.mulf %max3A_781, %max3A_784 : vector<16xf32>
      %add3A_786 = arith.addf %add3A_766, %mul3A_785 : vector<16xf32>
      %gather3A_787 = arith.constant 1 : i32
      %gather3A_788 = arith.constant 0 : i32
      %gather3A_789 = arith.constant 0 : i32
      %gather3A_790 = tpu.memref_slice %arg9[%gather3A_787, %gather3A_788, %gather3A_789] : memref<4x64x128xf32, #tpu.memory_space<vmem>> -> memref<1x64x128xf32, #tpu.memory_space<vmem>>
      %gather3A_791 = tpu.memref_squeeze %gather3A_790 : memref<1x64x128xf32, #tpu.memory_space<vmem>> -> memref<64x128xf32, #tpu.memory_space<vmem>>
      %gather3A_792 = tpu.vector_load_idx %gather3A_791[%add3A_42, %add3A_724] : memref<64x128xf32, #tpu.memory_space<vmem>>[vector<16xi32>, vector<16xi32>], vector<16xf32>,
      %gather3A_793 = arith.constant 1 : i32
      %gather3A_794 = arith.constant 0 : i32
      %gather3A_795 = arith.constant 0 : i32
      %gather3A_796 = tpu.memref_slice %arg10[%gather3A_793, %gather3A_794, %gather3A_795] : memref<4x64x128xf32, #tpu.memory_space<vmem>> -> memref<1x64x128xf32, #tpu.memory_space<vmem>>
      %gather3A_797 = tpu.memref_squeeze %gather3A_796 : memref<1x64x128xf32, #tpu.memory_space<vmem>> -> memref<64x128xf32, #tpu.memory_space<vmem>>
      %gather3A_798 = tpu.vector_load_idx %gather3A_797[%add3A_42, %add3A_746] : memref<64x128xf32, #tpu.memory_space<vmem>>[vector<16xi32>, vector<16xi32>], vector<16xf32>,
      %max3A_799 = arith.constant 0.000000e+00 : f32
      %max3A_800 = vector.broadcast %max3A_799 : f32 to vector<16xf32>
      %max3A_801 = arith.maximumf %gather3A_792, %max3A_800 : vector<16xf32>
      %max3A_802 = arith.constant 0.000000e+00 : f32
      %max3A_803 = vector.broadcast %max3A_802 : f32 to vector<16xf32>
      %max3A_804 = arith.maximumf %gather3A_798, %max3A_803 : vector<16xf32>
      %mul3A_805 = arith.mulf %max3A_801, %max3A_804 : vector<16xf32>
      %add3A_806 = arith.addf %add3A_786, %mul3A_805 : vector<16xf32>
      %gather3A_807 = arith.constant 1 : i32
      %gather3A_808 = arith.constant 0 : i32
      %gather3A_809 = arith.constant 0 : i32
      %gather3A_810 = tpu.memref_slice %arg9[%gather3A_807, %gather3A_808, %gather3A_809] : memref<4x64x128xf32, #tpu.memory_space<vmem>> -> memref<1x64x128xf32, #tpu.memory_space<vmem>>
      %gather3A_811 = tpu.memref_squeeze %gather3A_810 : memref<1x64x128xf32, #tpu.memory_space<vmem>> -> memref<64x128xf32, #tpu.memory_space<vmem>>
      %gather3A_812 = tpu.vector_load_idx %gather3A_811[%add3A_48, %add3A_724] : memref<64x128xf32, #tpu.memory_space<vmem>>[vector<16xi32>, vector<16xi32>], vector<16xf32>,
      %gather3A_813 = arith.constant 1 : i32
      %gather3A_814 = arith.constant 0 : i32
      %gather3A_815 = arith.constant 0 : i32
      %gather3A_816 = tpu.memref_slice %arg10[%gather3A_813, %gather3A_814, %gather3A_815] : memref<4x64x128xf32, #tpu.memory_space<vmem>> -> memref<1x64x128xf32, #tpu.memory_space<vmem>>
      %gather3A_817 = tpu.memref_squeeze %gather3A_816 : memref<1x64x128xf32, #tpu.memory_space<vmem>> -> memref<64x128xf32, #tpu.memory_space<vmem>>
      %gather3A_818 = tpu.vector_load_idx %gather3A_817[%add3A_48, %add3A_746] : memref<64x128xf32, #tpu.memory_space<vmem>>[vector<16xi32>, vector<16xi32>], vector<16xf32>,
      %max3A_819 = arith.constant 0.000000e+00 : f32
      %max3A_820 = vector.broadcast %max3A_819 : f32 to vector<16xf32>
      %max3A_821 = arith.maximumf %gather3A_812, %max3A_820 : vector<16xf32>
      %max3A_822 = arith.constant 0.000000e+00 : f32
      %max3A_823 = vector.broadcast %max3A_822 : f32 to vector<16xf32>
      %max3A_824 = arith.maximumf %gather3A_818, %max3A_823 : vector<16xf32>
      %mul3A_825 = arith.mulf %max3A_821, %max3A_824 : vector<16xf32>
      %add3A_826 = arith.addf %add3A_806, %mul3A_825 : vector<16xf32>
      %eq3A_827 = arith.constant 1 : i32
      %eq3A_828 = vector.broadcast %eq3A_827 : i32 to vector<16xi32>
      %eq3A_829 = arith.cmpi eq, %iota3A, %eq3A_828 : vector<16xi32>
      %reduce_sum3A_830 = arith.constant true
      %reduce_sum3A_831 = vector.broadcast %reduce_sum3A_830 : i1 to vector<16xi1>
      %reduce_sum3A_832 = tpu.scan <sum>, %add3A_826 masked %reduce_sum3A_831 : vector<16xf32>, vector<16xi1> -> vector<16xf32>
      %reduce_sum3A_833 = vector.extract %reduce_sum3A_832[15] : f32 from vector<16xf32>
      %broadcast_in_dim3A_834 = vector.broadcast %reduce_sum3A_833 : f32 to vector<16xf32>
      %select_n3A_835 = arith.select %eq3A_829, %broadcast_in_dim3A_834, %select_n3A_702 : vector<16xi1>, vector<16xf32>
      %broadcast_in_dim3A_836 = arith.constant 0 : i32
      %broadcast_in_dim3A_837 = vector.broadcast %broadcast_in_dim3A_836 : i32 to vector<16xi32>
      %slice3A_838 = vector.extract_strided_slice %get3A_92 {offsets = [2], sizes = [1], strides = [1]} : vector<16xi32> to vector<1xi32>
      %squeeze3A_839 = vector.extract %slice3A_838[0] : i32 from vector<1xi32>
      %jit3A_840 = arith.constant 128 : i32
      %eq3A_841 = arith.constant 0 : i32
      %eq3A_842 = arith.cmpi eq, %jit3A_840, %eq3A_841 : i32
      %jit3A_843 = arith.constant 1 : i32
      %select_n3A_844 = arith.select %eq3A_842, %jit3A_843, %jit3A_840 : i32
      %rem3A_845 = arith.remsi %squeeze3A_839, %select_n3A_844 : i32
      %ne3A_846 = arith.constant 0 : i32
      %ne3A_847 = arith.cmpi ne, %rem3A_845, %ne3A_846 : i32
      %lt3A_848 = arith.constant 0 : i32
      %lt3A_849 = arith.cmpi slt, %rem3A_845, %lt3A_848 : i32
      %lt3A_850 = arith.constant 0 : i32
      %lt3A_851 = arith.cmpi slt, %select_n3A_844, %lt3A_850 : i32
      %ne3A_852 = arith.xori %lt3A_849, %lt3A_851 : i1
      %and3A_853 = arith.andi %ne3A_852, %ne3A_847 : i1
      %add3A_854 = arith.addi %rem3A_845, %select_n3A_844 : i32
      %select_n3A_855 = arith.select %and3A_853, %add3A_854, %rem3A_845 : i32
      %add3A_856 = vector.broadcast %select_n3A_855 : i32 to vector<16xi32>
      %add3A_857 = arith.addi %broadcast_in_dim3A_837, %add3A_856 : vector<16xi32>
      %broadcast_in_dim3A_858 = arith.constant 0 : i32
      %broadcast_in_dim3A_859 = vector.broadcast %broadcast_in_dim3A_858 : i32 to vector<16xi32>
      %slice3A_860 = vector.extract_strided_slice %get3A_137 {offsets = [2], sizes = [1], strides = [1]} : vector<16xi32> to vector<1xi32>
      %squeeze3A_861 = vector.extract %slice3A_860[0] : i32 from vector<1xi32>
      %jit3A_862 = arith.constant 128 : i32
      %eq3A_863 = arith.constant 0 : i32
      %eq3A_864 = arith.cmpi eq, %jit3A_862, %eq3A_863 : i32
      %jit3A_865 = arith.constant 1 : i32
      %select_n3A_866 = arith.select %eq3A_864, %jit3A_865, %jit3A_862 : i32
      %rem3A_867 = arith.remsi %squeeze3A_861, %select_n3A_866 : i32
      %ne3A_868 = arith.constant 0 : i32
      %ne3A_869 = arith.cmpi ne, %rem3A_867, %ne3A_868 : i32
      %lt3A_870 = arith.constant 0 : i32
      %lt3A_871 = arith.cmpi slt, %rem3A_867, %lt3A_870 : i32
      %lt3A_872 = arith.constant 0 : i32
      %lt3A_873 = arith.cmpi slt, %select_n3A_866, %lt3A_872 : i32
      %ne3A_874 = arith.xori %lt3A_871, %lt3A_873 : i1
      %and3A_875 = arith.andi %ne3A_874, %ne3A_869 : i1
      %add3A_876 = arith.addi %rem3A_867, %select_n3A_866 : i32
      %select_n3A_877 = arith.select %and3A_875, %add3A_876, %rem3A_867 : i32
      %add3A_878 = vector.broadcast %select_n3A_877 : i32 to vector<16xi32>
      %add3A_879 = arith.addi %broadcast_in_dim3A_859, %add3A_878 : vector<16xi32>
      %gather3A_880 = arith.constant 2 : i32
      %gather3A_881 = arith.constant 0 : i32
      %gather3A_882 = arith.constant 0 : i32
      %gather3A_883 = tpu.memref_slice %arg9[%gather3A_880, %gather3A_881, %gather3A_882] : memref<4x64x128xf32, #tpu.memory_space<vmem>> -> memref<1x64x128xf32, #tpu.memory_space<vmem>>
      %gather3A_884 = tpu.memref_squeeze %gather3A_883 : memref<1x64x128xf32, #tpu.memory_space<vmem>> -> memref<64x128xf32, #tpu.memory_space<vmem>>
      %gather3A_885 = tpu.vector_load_idx %gather3A_884[%add3A_30, %add3A_857] : memref<64x128xf32, #tpu.memory_space<vmem>>[vector<16xi32>, vector<16xi32>], vector<16xf32>,
      %gather3A_886 = arith.constant 2 : i32
      %gather3A_887 = arith.constant 0 : i32
      %gather3A_888 = arith.constant 0 : i32
      %gather3A_889 = tpu.memref_slice %arg10[%gather3A_886, %gather3A_887, %gather3A_888] : memref<4x64x128xf32, #tpu.memory_space<vmem>> -> memref<1x64x128xf32, #tpu.memory_space<vmem>>
      %gather3A_890 = tpu.memref_squeeze %gather3A_889 : memref<1x64x128xf32, #tpu.memory_space<vmem>> -> memref<64x128xf32, #tpu.memory_space<vmem>>
      %gather3A_891 = tpu.vector_load_idx %gather3A_890[%add3A_30, %add3A_879] : memref<64x128xf32, #tpu.memory_space<vmem>>[vector<16xi32>, vector<16xi32>], vector<16xf32>,
      %max3A_892 = arith.constant 0.000000e+00 : f32
      %max3A_893 = vector.broadcast %max3A_892 : f32 to vector<16xf32>
      %max3A_894 = arith.maximumf %gather3A_885, %max3A_893 : vector<16xf32>
      %max3A_895 = arith.constant 0.000000e+00 : f32
      %max3A_896 = vector.broadcast %max3A_895 : f32 to vector<16xf32>
      %max3A_897 = arith.maximumf %gather3A_891, %max3A_896 : vector<16xf32>
      %mul3A_898 = arith.mulf %max3A_894, %max3A_897 : vector<16xf32>
      %add3A_899 = arith.addf %broadcast_in_dim3A_50, %mul3A_898 : vector<16xf32>
      %gather3A_900 = arith.constant 2 : i32
      %gather3A_901 = arith.constant 0 : i32
      %gather3A_902 = arith.constant 0 : i32
      %gather3A_903 = tpu.memref_slice %arg9[%gather3A_900, %gather3A_901, %gather3A_902] : memref<4x64x128xf32, #tpu.memory_space<vmem>> -> memref<1x64x128xf32, #tpu.memory_space<vmem>>
      %gather3A_904 = tpu.memref_squeeze %gather3A_903 : memref<1x64x128xf32, #tpu.memory_space<vmem>> -> memref<64x128xf32, #tpu.memory_space<vmem>>
      %gather3A_905 = tpu.vector_load_idx %gather3A_904[%add3A_36, %add3A_857] : memref<64x128xf32, #tpu.memory_space<vmem>>[vector<16xi32>, vector<16xi32>], vector<16xf32>,
      %gather3A_906 = arith.constant 2 : i32
      %gather3A_907 = arith.constant 0 : i32
      %gather3A_908 = arith.constant 0 : i32
      %gather3A_909 = tpu.memref_slice %arg10[%gather3A_906, %gather3A_907, %gather3A_908] : memref<4x64x128xf32, #tpu.memory_space<vmem>> -> memref<1x64x128xf32, #tpu.memory_space<vmem>>
      %gather3A_910 = tpu.memref_squeeze %gather3A_909 : memref<1x64x128xf32, #tpu.memory_space<vmem>> -> memref<64x128xf32, #tpu.memory_space<vmem>>
      %gather3A_911 = tpu.vector_load_idx %gather3A_910[%add3A_36, %add3A_879] : memref<64x128xf32, #tpu.memory_space<vmem>>[vector<16xi32>, vector<16xi32>], vector<16xf32>,
      %max3A_912 = arith.constant 0.000000e+00 : f32
      %max3A_913 = vector.broadcast %max3A_912 : f32 to vector<16xf32>
      %max3A_914 = arith.maximumf %gather3A_905, %max3A_913 : vector<16xf32>
      %max3A_915 = arith.constant 0.000000e+00 : f32
      %max3A_916 = vector.broadcast %max3A_915 : f32 to vector<16xf32>
      %max3A_917 = arith.maximumf %gather3A_911, %max3A_916 : vector<16xf32>
      %mul3A_918 = arith.mulf %max3A_914, %max3A_917 : vector<16xf32>
      %add3A_919 = arith.addf %add3A_899, %mul3A_918 : vector<16xf32>
      %gather3A_920 = arith.constant 2 : i32
      %gather3A_921 = arith.constant 0 : i32
      %gather3A_922 = arith.constant 0 : i32
      %gather3A_923 = tpu.memref_slice %arg9[%gather3A_920, %gather3A_921, %gather3A_922] : memref<4x64x128xf32, #tpu.memory_space<vmem>> -> memref<1x64x128xf32, #tpu.memory_space<vmem>>
      %gather3A_924 = tpu.memref_squeeze %gather3A_923 : memref<1x64x128xf32, #tpu.memory_space<vmem>> -> memref<64x128xf32, #tpu.memory_space<vmem>>
      %gather3A_925 = tpu.vector_load_idx %gather3A_924[%add3A_42, %add3A_857] : memref<64x128xf32, #tpu.memory_space<vmem>>[vector<16xi32>, vector<16xi32>], vector<16xf32>,
      %gather3A_926 = arith.constant 2 : i32
      %gather3A_927 = arith.constant 0 : i32
      %gather3A_928 = arith.constant 0 : i32
      %gather3A_929 = tpu.memref_slice %arg10[%gather3A_926, %gather3A_927, %gather3A_928] : memref<4x64x128xf32, #tpu.memory_space<vmem>> -> memref<1x64x128xf32, #tpu.memory_space<vmem>>
      %gather3A_930 = tpu.memref_squeeze %gather3A_929 : memref<1x64x128xf32, #tpu.memory_space<vmem>> -> memref<64x128xf32, #tpu.memory_space<vmem>>
      %gather3A_931 = tpu.vector_load_idx %gather3A_930[%add3A_42, %add3A_879] : memref<64x128xf32, #tpu.memory_space<vmem>>[vector<16xi32>, vector<16xi32>], vector<16xf32>,
      %max3A_932 = arith.constant 0.000000e+00 : f32
      %max3A_933 = vector.broadcast %max3A_932 : f32 to vector<16xf32>
      %max3A_934 = arith.maximumf %gather3A_925, %max3A_933 : vector<16xf32>
      %max3A_935 = arith.constant 0.000000e+00 : f32
      %max3A_936 = vector.broadcast %max3A_935 : f32 to vector<16xf32>
      %max3A_937 = arith.maximumf %gather3A_931, %max3A_936 : vector<16xf32>
      %mul3A_938 = arith.mulf %max3A_934, %max3A_937 : vector<16xf32>
      %add3A_939 = arith.addf %add3A_919, %mul3A_938 : vector<16xf32>
      %gather3A_940 = arith.constant 2 : i32
      %gather3A_941 = arith.constant 0 : i32
      %gather3A_942 = arith.constant 0 : i32
      %gather3A_943 = tpu.memref_slice %arg9[%gather3A_940, %gather3A_941, %gather3A_942] : memref<4x64x128xf32, #tpu.memory_space<vmem>> -> memref<1x64x128xf32, #tpu.memory_space<vmem>>
      %gather3A_944 = tpu.memref_squeeze %gather3A_943 : memref<1x64x128xf32, #tpu.memory_space<vmem>> -> memref<64x128xf32, #tpu.memory_space<vmem>>
      %gather3A_945 = tpu.vector_load_idx %gather3A_944[%add3A_48, %add3A_857] : memref<64x128xf32, #tpu.memory_space<vmem>>[vector<16xi32>, vector<16xi32>], vector<16xf32>,
      %gather3A_946 = arith.constant 2 : i32
      %gather3A_947 = arith.constant 0 : i32
      %gather3A_948 = arith.constant 0 : i32
      %gather3A_949 = tpu.memref_slice %arg10[%gather3A_946, %gather3A_947, %gather3A_948] : memref<4x64x128xf32, #tpu.memory_space<vmem>> -> memref<1x64x128xf32, #tpu.memory_space<vmem>>
      %gather3A_950 = tpu.memref_squeeze %gather3A_949 : memref<1x64x128xf32, #tpu.memory_space<vmem>> -> memref<64x128xf32, #tpu.memory_space<vmem>>
      %gather3A_951 = tpu.vector_load_idx %gather3A_950[%add3A_48, %add3A_879] : memref<64x128xf32, #tpu.memory_space<vmem>>[vector<16xi32>, vector<16xi32>], vector<16xf32>,
      %max3A_952 = arith.constant 0.000000e+00 : f32
      %max3A_953 = vector.broadcast %max3A_952 : f32 to vector<16xf32>
      %max3A_954 = arith.maximumf %gather3A_945, %max3A_953 : vector<16xf32>
      %max3A_955 = arith.constant 0.000000e+00 : f32
      %max3A_956 = vector.broadcast %max3A_955 : f32 to vector<16xf32>
      %max3A_957 = arith.maximumf %gather3A_951, %max3A_956 : vector<16xf32>
      %mul3A_958 = arith.mulf %max3A_954, %max3A_957 : vector<16xf32>
      %add3A_959 = arith.addf %add3A_939, %mul3A_958 : vector<16xf32>
      %eq3A_960 = arith.constant 2 : i32
      %eq3A_961 = vector.broadcast %eq3A_960 : i32 to vector<16xi32>
      %eq3A_962 = arith.cmpi eq, %iota3A, %eq3A_961 : vector<16xi32>
      %reduce_sum3A_963 = arith.constant true
      %reduce_sum3A_964 = vector.broadcast %reduce_sum3A_963 : i1 to vector<16xi1>
      %reduce_sum3A_965 = tpu.scan <sum>, %add3A_959 masked %reduce_sum3A_964 : vector<16xf32>, vector<16xi1> -> vector<16xf32>
      %reduce_sum3A_966 = vector.extract %reduce_sum3A_965[15] : f32 from vector<16xf32>
      %broadcast_in_dim3A_967 = vector.broadcast %reduce_sum3A_966 : f32 to vector<16xf32>
      %select_n3A_968 = arith.select %eq3A_962, %broadcast_in_dim3A_967, %select_n3A_835 : vector<16xi1>, vector<16xf32>
      %broadcast_in_dim3A_969 = arith.constant 0 : i32
      %broadcast_in_dim3A_970 = vector.broadcast %broadcast_in_dim3A_969 : i32 to vector<16xi32>
      %slice3A_971 = vector.extract_strided_slice %get3A_92 {offsets = [3], sizes = [1], strides = [1]} : vector<16xi32> to vector<1xi32>
      %squeeze3A_972 = vector.extract %slice3A_971[0] : i32 from vector<1xi32>
      %jit3A_973 = arith.constant 128 : i32
      %eq3A_974 = arith.constant 0 : i32
      %eq3A_975 = arith.cmpi eq, %jit3A_973, %eq3A_974 : i32
      %jit3A_976 = arith.constant 1 : i32
      %select_n3A_977 = arith.select %eq3A_975, %jit3A_976, %jit3A_973 : i32
      %rem3A_978 = arith.remsi %squeeze3A_972, %select_n3A_977 : i32
      %ne3A_979 = arith.constant 0 : i32
      %ne3A_980 = arith.cmpi ne, %rem3A_978, %ne3A_979 : i32
      %lt3A_981 = arith.constant 0 : i32
      %lt3A_982 = arith.cmpi slt, %rem3A_978, %lt3A_981 : i32
      %lt3A_983 = arith.constant 0 : i32
      %lt3A_984 = arith.cmpi slt, %select_n3A_977, %lt3A_983 : i32
      %ne3A_985 = arith.xori %lt3A_982, %lt3A_984 : i1
      %and3A_986 = arith.andi %ne3A_985, %ne3A_980 : i1
      %add3A_987 = arith.addi %rem3A_978, %select_n3A_977 : i32
      %select_n3A_988 = arith.select %and3A_986, %add3A_987, %rem3A_978 : i32
      %add3A_989 = vector.broadcast %select_n3A_988 : i32 to vector<16xi32>
      %add3A_990 = arith.addi %broadcast_in_dim3A_970, %add3A_989 : vector<16xi32>
      %broadcast_in_dim3A_991 = arith.constant 0 : i32
      %broadcast_in_dim3A_992 = vector.broadcast %broadcast_in_dim3A_991 : i32 to vector<16xi32>
      %slice3A_993 = vector.extract_strided_slice %get3A_137 {offsets = [3], sizes = [1], strides = [1]} : vector<16xi32> to vector<1xi32>
      %squeeze3A_994 = vector.extract %slice3A_993[0] : i32 from vector<1xi32>
      %jit3A_995 = arith.constant 128 : i32
      %eq3A_996 = arith.constant 0 : i32
      %eq3A_997 = arith.cmpi eq, %jit3A_995, %eq3A_996 : i32
      %jit3A_998 = arith.constant 1 : i32
      %select_n3A_999 = arith.select %eq3A_997, %jit3A_998, %jit3A_995 : i32
      %rem3A_1000 = arith.remsi %squeeze3A_994, %select_n3A_999 : i32
      %ne3A_1001 = arith.constant 0 : i32
      %ne3A_1002 = arith.cmpi ne, %rem3A_1000, %ne3A_1001 : i32
      %lt3A_1003 = arith.constant 0 : i32
      %lt3A_1004 = arith.cmpi slt, %rem3A_1000, %lt3A_1003 : i32
      %lt3A_1005 = arith.constant 0 : i32
      %lt3A_1006 = arith.cmpi slt, %select_n3A_999, %lt3A_1005 : i32
      %ne3A_1007 = arith.xori %lt3A_1004, %lt3A_1006 : i1
      %and3A_1008 = arith.andi %ne3A_1007, %ne3A_1002 : i1
      %add3A_1009 = arith.addi %rem3A_1000, %select_n3A_999 : i32
      %select_n3A_1010 = arith.select %and3A_1008, %add3A_1009, %rem3A_1000 : i32
      %add3A_1011 = vector.broadcast %select_n3A_1010 : i32 to vector<16xi32>
      %add3A_1012 = arith.addi %broadcast_in_dim3A_992, %add3A_1011 : vector<16xi32>
      %gather3A_1013 = arith.constant 3 : i32
      %gather3A_1014 = arith.constant 0 : i32
      %gather3A_1015 = arith.constant 0 : i32
      %gather3A_1016 = tpu.memref_slice %arg9[%gather3A_1013, %gather3A_1014, %gather3A_1015] : memref<4x64x128xf32, #tpu.memory_space<vmem>> -> memref<1x64x128xf32, #tpu.memory_space<vmem>>
      %gather3A_1017 = tpu.memref_squeeze %gather3A_1016 : memref<1x64x128xf32, #tpu.memory_space<vmem>> -> memref<64x128xf32, #tpu.memory_space<vmem>>
      %gather3A_1018 = tpu.vector_load_idx %gather3A_1017[%add3A_30, %add3A_990] : memref<64x128xf32, #tpu.memory_space<vmem>>[vector<16xi32>, vector<16xi32>], vector<16xf32>,
      %gather3A_1019 = arith.constant 3 : i32
      %gather3A_1020 = arith.constant 0 : i32
      %gather3A_1021 = arith.constant 0 : i32
      %gather3A_1022 = tpu.memref_slice %arg10[%gather3A_1019, %gather3A_1020, %gather3A_1021] : memref<4x64x128xf32, #tpu.memory_space<vmem>> -> memref<1x64x128xf32, #tpu.memory_space<vmem>>
      %gather3A_1023 = tpu.memref_squeeze %gather3A_1022 : memref<1x64x128xf32, #tpu.memory_space<vmem>> -> memref<64x128xf32, #tpu.memory_space<vmem>>
      %gather3A_1024 = tpu.vector_load_idx %gather3A_1023[%add3A_30, %add3A_1012] : memref<64x128xf32, #tpu.memory_space<vmem>>[vector<16xi32>, vector<16xi32>], vector<16xf32>,
      %max3A_1025 = arith.constant 0.000000e+00 : f32
      %max3A_1026 = vector.broadcast %max3A_1025 : f32 to vector<16xf32>
      %max3A_1027 = arith.maximumf %gather3A_1018, %max3A_1026 : vector<16xf32>
      %max3A_1028 = arith.constant 0.000000e+00 : f32
      %max3A_1029 = vector.broadcast %max3A_1028 : f32 to vector<16xf32>
      %max3A_1030 = arith.maximumf %gather3A_1024, %max3A_1029 : vector<16xf32>
      %mul3A_1031 = arith.mulf %max3A_1027, %max3A_1030 : vector<16xf32>
      %add3A_1032 = arith.addf %broadcast_in_dim3A_50, %mul3A_1031 : vector<16xf32>
      %gather3A_1033 = arith.constant 3 : i32
      %gather3A_1034 = arith.constant 0 : i32
      %gather3A_1035 = arith.constant 0 : i32
      %gather3A_1036 = tpu.memref_slice %arg9[%gather3A_1033, %gather3A_1034, %gather3A_1035] : memref<4x64x128xf32, #tpu.memory_space<vmem>> -> memref<1x64x128xf32, #tpu.memory_space<vmem>>
      %gather3A_1037 = tpu.memref_squeeze %gather3A_1036 : memref<1x64x128xf32, #tpu.memory_space<vmem>> -> memref<64x128xf32, #tpu.memory_space<vmem>>
      %gather3A_1038 = tpu.vector_load_idx %gather3A_1037[%add3A_36, %add3A_990] : memref<64x128xf32, #tpu.memory_space<vmem>>[vector<16xi32>, vector<16xi32>], vector<16xf32>,
      %gather3A_1039 = arith.constant 3 : i32
      %gather3A_1040 = arith.constant 0 : i32
      %gather3A_1041 = arith.constant 0 : i32
      %gather3A_1042 = tpu.memref_slice %arg10[%gather3A_1039, %gather3A_1040, %gather3A_1041] : memref<4x64x128xf32, #tpu.memory_space<vmem>> -> memref<1x64x128xf32, #tpu.memory_space<vmem>>
      %gather3A_1043 = tpu.memref_squeeze %gather3A_1042 : memref<1x64x128xf32, #tpu.memory_space<vmem>> -> memref<64x128xf32, #tpu.memory_space<vmem>>
      %gather3A_1044 = tpu.vector_load_idx %gather3A_1043[%add3A_36, %add3A_1012] : memref<64x128xf32, #tpu.memory_space<vmem>>[vector<16xi32>, vector<16xi32>], vector<16xf32>,
      %max3A_1045 = arith.constant 0.000000e+00 : f32
      %max3A_1046 = vector.broadcast %max3A_1045 : f32 to vector<16xf32>
      %max3A_1047 = arith.maximumf %gather3A_1038, %max3A_1046 : vector<16xf32>
      %max3A_1048 = arith.constant 0.000000e+00 : f32
      %max3A_1049 = vector.broadcast %max3A_1048 : f32 to vector<16xf32>
      %max3A_1050 = arith.maximumf %gather3A_1044, %max3A_1049 : vector<16xf32>
      %mul3A_1051 = arith.mulf %max3A_1047, %max3A_1050 : vector<16xf32>
      %add3A_1052 = arith.addf %add3A_1032, %mul3A_1051 : vector<16xf32>
      %gather3A_1053 = arith.constant 3 : i32
      %gather3A_1054 = arith.constant 0 : i32
      %gather3A_1055 = arith.constant 0 : i32
      %gather3A_1056 = tpu.memref_slice %arg9[%gather3A_1053, %gather3A_1054, %gather3A_1055] : memref<4x64x128xf32, #tpu.memory_space<vmem>> -> memref<1x64x128xf32, #tpu.memory_space<vmem>>
      %gather3A_1057 = tpu.memref_squeeze %gather3A_1056 : memref<1x64x128xf32, #tpu.memory_space<vmem>> -> memref<64x128xf32, #tpu.memory_space<vmem>>
      %gather3A_1058 = tpu.vector_load_idx %gather3A_1057[%add3A_42, %add3A_990] : memref<64x128xf32, #tpu.memory_space<vmem>>[vector<16xi32>, vector<16xi32>], vector<16xf32>,
      %gather3A_1059 = arith.constant 3 : i32
      %gather3A_1060 = arith.constant 0 : i32
      %gather3A_1061 = arith.constant 0 : i32
      %gather3A_1062 = tpu.memref_slice %arg10[%gather3A_1059, %gather3A_1060, %gather3A_1061] : memref<4x64x128xf32, #tpu.memory_space<vmem>> -> memref<1x64x128xf32, #tpu.memory_space<vmem>>
      %gather3A_1063 = tpu.memref_squeeze %gather3A_1062 : memref<1x64x128xf32, #tpu.memory_space<vmem>> -> memref<64x128xf32, #tpu.memory_space<vmem>>
      %gather3A_1064 = tpu.vector_load_idx %gather3A_1063[%add3A_42, %add3A_1012] : memref<64x128xf32, #tpu.memory_space<vmem>>[vector<16xi32>, vector<16xi32>], vector<16xf32>,
      %max3A_1065 = arith.constant 0.000000e+00 : f32
      %max3A_1066 = vector.broadcast %max3A_1065 : f32 to vector<16xf32>
      %max3A_1067 = arith.maximumf %gather3A_1058, %max3A_1066 : vector<16xf32>
      %max3A_1068 = arith.constant 0.000000e+00 : f32
      %max3A_1069 = vector.broadcast %max3A_1068 : f32 to vector<16xf32>
      %max3A_1070 = arith.maximumf %gather3A_1064, %max3A_1069 : vector<16xf32>
      %mul3A_1071 = arith.mulf %max3A_1067, %max3A_1070 : vector<16xf32>
      %add3A_1072 = arith.addf %add3A_1052, %mul3A_1071 : vector<16xf32>
      %gather3A_1073 = arith.constant 3 : i32
      %gather3A_1074 = arith.constant 0 : i32
      %gather3A_1075 = arith.constant 0 : i32
      %gather3A_1076 = tpu.memref_slice %arg9[%gather3A_1073, %gather3A_1074, %gather3A_1075] : memref<4x64x128xf32, #tpu.memory_space<vmem>> -> memref<1x64x128xf32, #tpu.memory_space<vmem>>
      %gather3A_1077 = tpu.memref_squeeze %gather3A_1076 : memref<1x64x128xf32, #tpu.memory_space<vmem>> -> memref<64x128xf32, #tpu.memory_space<vmem>>
      %gather3A_1078 = tpu.vector_load_idx %gather3A_1077[%add3A_48, %add3A_990] : memref<64x128xf32, #tpu.memory_space<vmem>>[vector<16xi32>, vector<16xi32>], vector<16xf32>,
      %gather3A_1079 = arith.constant 3 : i32
      %gather3A_1080 = arith.constant 0 : i32
      %gather3A_1081 = arith.constant 0 : i32
      %gather3A_1082 = tpu.memref_slice %arg10[%gather3A_1079, %gather3A_1080, %gather3A_1081] : memref<4x64x128xf32, #tpu.memory_space<vmem>> -> memref<1x64x128xf32, #tpu.memory_space<vmem>>
      %gather3A_1083 = tpu.memref_squeeze %gather3A_1082 : memref<1x64x128xf32, #tpu.memory_space<vmem>> -> memref<64x128xf32, #tpu.memory_space<vmem>>
      %gather3A_1084 = tpu.vector_load_idx %gather3A_1083[%add3A_48, %add3A_1012] : memref<64x128xf32, #tpu.memory_space<vmem>>[vector<16xi32>, vector<16xi32>], vector<16xf32>,
      %max3A_1085 = arith.constant 0.000000e+00 : f32
      %max3A_1086 = vector.broadcast %max3A_1085 : f32 to vector<16xf32>
      %max3A_1087 = arith.maximumf %gather3A_1078, %max3A_1086 : vector<16xf32>
      %max3A_1088 = arith.constant 0.000000e+00 : f32
      %max3A_1089 = vector.broadcast %max3A_1088 : f32 to vector<16xf32>
      %max3A_1090 = arith.maximumf %gather3A_1084, %max3A_1089 : vector<16xf32>
      %mul3A_1091 = arith.mulf %max3A_1087, %max3A_1090 : vector<16xf32>
      %add3A_1092 = arith.addf %add3A_1072, %mul3A_1091 : vector<16xf32>
      %eq3A_1093 = arith.constant 3 : i32
      %eq3A_1094 = vector.broadcast %eq3A_1093 : i32 to vector<16xi32>
      %eq3A_1095 = arith.cmpi eq, %iota3A, %eq3A_1094 : vector<16xi32>
      %reduce_sum3A_1096 = arith.constant true
      %reduce_sum3A_1097 = vector.broadcast %reduce_sum3A_1096 : i1 to vector<16xi1>
      %reduce_sum3A_1098 = tpu.scan <sum>, %add3A_1092 masked %reduce_sum3A_1097 : vector<16xf32>, vector<16xi1> -> vector<16xf32>
      %reduce_sum3A_1099 = vector.extract %reduce_sum3A_1098[15] : f32 from vector<16xf32>
      %broadcast_in_dim3A_1100 = vector.broadcast %reduce_sum3A_1099 : f32 to vector<16xf32>
      %select_n3A_1101 = arith.select %eq3A_1095, %broadcast_in_dim3A_1100, %select_n3A_968 : vector<16xi1>, vector<16xf32>
      %slice3A_1102 = vector.extract_strided_slice %get3A_92 {offsets = [4], sizes = [1], strides = [1]} : vector<16xi32> to vector<1xi32>
      %squeeze3A_1103 = vector.extract %slice3A_1102[0] : i32 from vector<1xi32>
      %slice3A_1104 = vector.extract_strided_slice %get3A_137 {offsets = [4], sizes = [1], strides = [1]} : vector<16xi32> to vector<1xi32>
      %squeeze3A_1105 = vector.extract %slice3A_1104[0] : i32 from vector<1xi32>
      %jit3A_1106 = arith.constant 128 : i32
      %div3A_1107 = arith.divsi %squeeze3A_1103, %jit3A_1106 : i32
      %sign3A_1108 = arith.constant 0 : i32
      %sign3A_1109 = arith.cmpi sgt, %squeeze3A_1103, %sign3A_1108 : i32
      %sign3A_1110 = arith.extui %sign3A_1109 : i1 to i32
      %sign3A_1111 = arith.constant 0 : i32
      %sign3A_1112 = arith.cmpi slt, %squeeze3A_1103, %sign3A_1111 : i32
      %sign3A_1113 = arith.extui %sign3A_1112 : i1 to i32
      %sign3A_1114 = arith.subi %sign3A_1110, %sign3A_1113 : i32
      %sign3A_1115 = arith.constant 0 : i32
      %sign3A_1116 = arith.cmpi sgt, %jit3A_1106, %sign3A_1115 : i32
      %sign3A_1117 = arith.extui %sign3A_1116 : i1 to i32
      %sign3A_1118 = arith.constant 0 : i32
      %sign3A_1119 = arith.cmpi slt, %jit3A_1106, %sign3A_1118 : i32
      %sign3A_1120 = arith.extui %sign3A_1119 : i1 to i32
      %sign3A_1121 = arith.subi %sign3A_1117, %sign3A_1120 : i32
      %ne3A_1122 = arith.cmpi ne, %sign3A_1114, %sign3A_1121 : i32
      %rem3A_1123 = arith.remsi %squeeze3A_1103, %jit3A_1106 : i32
      %ne3A_1124 = arith.constant 0 : i32
      %ne3A_1125 = arith.cmpi ne, %rem3A_1123, %ne3A_1124 : i32
      %and3A_1126 = arith.andi %ne3A_1122, %ne3A_1125 : i1
      %sub3A_1127 = arith.constant 1 : i32
      %sub3A_1128 = arith.subi %div3A_1107, %sub3A_1127 : i32
      %select_n3A_1129 = arith.select %and3A_1126, %sub3A_1128, %div3A_1107 : i32
      %mul3A_1130 = arith.constant 128 : i32
      %mul3A_1131 = arith.muli %select_n3A_1129, %mul3A_1130 : i32
      %multiple_of3A_1132 = tpu.assume_multiple %mul3A_1131, 128 : i32
      %dma_start3A_1133 = arith.constant 0 : i32
      %dma_start3A_1134 = arith.constant 0 : i32
      %dma_start3A_1135 = arith.constant 0 : i32
      %dma_start3A_1136 = tpu.memref_slice %arg9[%dma_start3A_1133, %dma_start3A_1134, %dma_start3A_1135] : memref<4x64x128xf32, #tpu.memory_space<vmem>> -> memref<1x64x128xf32, #tpu.memory_space<vmem>>
      %dma_start3A_1137 = tpu.memref_squeeze %dma_start3A_1136 : memref<1x64x128xf32, #tpu.memory_space<vmem>> -> memref<64x128xf32, #tpu.memory_space<vmem>>
      %dma_start3A_1138 = arith.constant 0 : i32
      %dma_start3A_1139 = tpu.memref_slice %arg4[%dma_start3A_1138, %multiple_of3A_1132] : memref<64x1000000xf32, #tpu.memory_space<hbm>> -> memref<64x128xf32, #tpu.memory_space<hbm>>
      %dma_start3A_1140 = arith.constant 0 : i32
      %dma_start3A_1141 = arith.constant 0 : i32
      %dma_start3A_1142 = tpu.memref_slice %arg9[%dma_start3A_1133, %dma_start3A_1140, %dma_start3A_1141] : memref<4x64x128xf32, #tpu.memory_space<vmem>> -> memref<1x64x128xf32, #tpu.memory_space<vmem>>
      %dma_start3A_1143 = tpu.memref_squeeze %dma_start3A_1142 : memref<1x64x128xf32, #tpu.memory_space<vmem>> -> memref<64x128xf32, #tpu.memory_space<vmem>>
      %dma_start3A_1144 = arith.constant 0 : i32
      %dma_start3A_1145 = tpu.memref_slice %arg4[%dma_start3A_1144, %multiple_of3A_1132] : memref<64x1000000xf32, #tpu.memory_space<hbm>> -> memref<64x128xf32, #tpu.memory_space<hbm>>
      tpu.enqueue_dma source(%dma_start3A_1145 : memref<64x128xf32, #tpu.memory_space<hbm>>) target(%dma_start3A_1143 : memref<64x128xf32, #tpu.memory_space<vmem>>) target_semaphore(%arg12 : memref<!tpu.dma_semaphore, #tpu.memory_space<semaphore_mem>>)
      %jit3A_1146 = arith.constant 128 : i32
      %div3A_1147 = arith.divsi %squeeze3A_1105, %jit3A_1146 : i32
      %sign3A_1148 = arith.constant 0 : i32
      %sign3A_1149 = arith.cmpi sgt, %squeeze3A_1105, %sign3A_1148 : i32
      %sign3A_1150 = arith.extui %sign3A_1149 : i1 to i32
      %sign3A_1151 = arith.constant 0 : i32
      %sign3A_1152 = arith.cmpi slt, %squeeze3A_1105, %sign3A_1151 : i32
      %sign3A_1153 = arith.extui %sign3A_1152 : i1 to i32
      %sign3A_1154 = arith.subi %sign3A_1150, %sign3A_1153 : i32
      %sign3A_1155 = arith.constant 0 : i32
      %sign3A_1156 = arith.cmpi sgt, %jit3A_1146, %sign3A_1155 : i32
      %sign3A_1157 = arith.extui %sign3A_1156 : i1 to i32
      %sign3A_1158 = arith.constant 0 : i32
      %sign3A_1159 = arith.cmpi slt, %jit3A_1146, %sign3A_1158 : i32
      %sign3A_1160 = arith.extui %sign3A_1159 : i1 to i32
      %sign3A_1161 = arith.subi %sign3A_1157, %sign3A_1160 : i32
      %ne3A_1162 = arith.cmpi ne, %sign3A_1154, %sign3A_1161 : i32
      %rem3A_1163 = arith.remsi %squeeze3A_1105, %jit3A_1146 : i32
      %ne3A_1164 = arith.constant 0 : i32
      %ne3A_1165 = arith.cmpi ne, %rem3A_1163, %ne3A_1164 : i32
      %and3A_1166 = arith.andi %ne3A_1162, %ne3A_1165 : i1
      %sub3A_1167 = arith.constant 1 : i32
      %sub3A_1168 = arith.subi %div3A_1147, %sub3A_1167 : i32
      %select_n3A_1169 = arith.select %and3A_1166, %sub3A_1168, %div3A_1147 : i32
      %mul3A_1170 = arith.constant 128 : i32
      %mul3A_1171 = arith.muli %select_n3A_1169, %mul3A_1170 : i32
      %multiple_of3A_1172 = tpu.assume_multiple %mul3A_1171, 128 : i32
      %dma_start3A_1173 = arith.constant 0 : i32
      %dma_start3A_1174 = arith.constant 0 : i32
      %dma_start3A_1175 = arith.constant 0 : i32
      %dma_start3A_1176 = tpu.memref_slice %arg10[%dma_start3A_1173, %dma_start3A_1174, %dma_start3A_1175] : memref<4x64x128xf32, #tpu.memory_space<vmem>> -> memref<1x64x128xf32, #tpu.memory_space<vmem>>
      %dma_start3A_1177 = tpu.memref_squeeze %dma_start3A_1176 : memref<1x64x128xf32, #tpu.memory_space<vmem>> -> memref<64x128xf32, #tpu.memory_space<vmem>>
      %dma_start3A_1178 = arith.constant 0 : i32
      %dma_start3A_1179 = tpu.memref_slice %arg5[%dma_start3A_1178, %multiple_of3A_1172] : memref<64x1000000xf32, #tpu.memory_space<hbm>> -> memref<64x128xf32, #tpu.memory_space<hbm>>
      %dma_start3A_1180 = arith.constant 0 : i32
      %dma_start3A_1181 = arith.constant 0 : i32
      %dma_start3A_1182 = tpu.memref_slice %arg10[%dma_start3A_1173, %dma_start3A_1180, %dma_start3A_1181] : memref<4x64x128xf32, #tpu.memory_space<vmem>> -> memref<1x64x128xf32, #tpu.memory_space<vmem>>
      %dma_start3A_1183 = tpu.memref_squeeze %dma_start3A_1182 : memref<1x64x128xf32, #tpu.memory_space<vmem>> -> memref<64x128xf32, #tpu.memory_space<vmem>>
      %dma_start3A_1184 = arith.constant 0 : i32
      %dma_start3A_1185 = tpu.memref_slice %arg5[%dma_start3A_1184, %multiple_of3A_1172] : memref<64x1000000xf32, #tpu.memory_space<hbm>> -> memref<64x128xf32, #tpu.memory_space<hbm>>
      tpu.enqueue_dma source(%dma_start3A_1185 : memref<64x128xf32, #tpu.memory_space<hbm>>) target(%dma_start3A_1183 : memref<64x128xf32, #tpu.memory_space<vmem>>) target_semaphore(%arg12 : memref<!tpu.dma_semaphore, #tpu.memory_space<semaphore_mem>>)
      %slice3A_1186 = vector.extract_strided_slice %get3A_92 {offsets = [5], sizes = [1], strides = [1]} : vector<16xi32> to vector<1xi32>
      %squeeze3A_1187 = vector.extract %slice3A_1186[0] : i32 from vector<1xi32>
      %slice3A_1188 = vector.extract_strided_slice %get3A_137 {offsets = [5], sizes = [1], strides = [1]} : vector<16xi32> to vector<1xi32>
      %squeeze3A_1189 = vector.extract %slice3A_1188[0] : i32 from vector<1xi32>
      %jit3A_1190 = arith.constant 128 : i32
      %div3A_1191 = arith.divsi %squeeze3A_1187, %jit3A_1190 : i32
      %sign3A_1192 = arith.constant 0 : i32
      %sign3A_1193 = arith.cmpi sgt, %squeeze3A_1187, %sign3A_1192 : i32
      %sign3A_1194 = arith.extui %sign3A_1193 : i1 to i32
      %sign3A_1195 = arith.constant 0 : i32
      %sign3A_1196 = arith.cmpi slt, %squeeze3A_1187, %sign3A_1195 : i32
      %sign3A_1197 = arith.extui %sign3A_1196 : i1 to i32
      %sign3A_1198 = arith.subi %sign3A_1194, %sign3A_1197 : i32
      %sign3A_1199 = arith.constant 0 : i32
      %sign3A_1200 = arith.cmpi sgt, %jit3A_1190, %sign3A_1199 : i32
      %sign3A_1201 = arith.extui %sign3A_1200 : i1 to i32
      %sign3A_1202 = arith.constant 0 : i32
      %sign3A_1203 = arith.cmpi slt, %jit3A_1190, %sign3A_1202 : i32
      %sign3A_1204 = arith.extui %sign3A_1203 : i1 to i32
      %sign3A_1205 = arith.subi %sign3A_1201, %sign3A_1204 : i32
      %ne3A_1206 = arith.cmpi ne, %sign3A_1198, %sign3A_1205 : i32
      %rem3A_1207 = arith.remsi %squeeze3A_1187, %jit3A_1190 : i32
      %ne3A_1208 = arith.constant 0 : i32
      %ne3A_1209 = arith.cmpi ne, %rem3A_1207, %ne3A_1208 : i32
      %and3A_1210 = arith.andi %ne3A_1206, %ne3A_1209 : i1
      %sub3A_1211 = arith.constant 1 : i32
      %sub3A_1212 = arith.subi %div3A_1191, %sub3A_1211 : i32
      %select_n3A_1213 = arith.select %and3A_1210, %sub3A_1212, %div3A_1191 : i32
      %mul3A_1214 = arith.constant 128 : i32
      %mul3A_1215 = arith.muli %select_n3A_1213, %mul3A_1214 : i32
      %multiple_of3A_1216 = tpu.assume_multiple %mul3A_1215, 128 : i32
      %dma_start3A_1217 = arith.constant 1 : i32
      %dma_start3A_1218 = arith.constant 0 : i32
      %dma_start3A_1219 = arith.constant 0 : i32
      %dma_start3A_1220 = tpu.memref_slice %arg9[%dma_start3A_1217, %dma_start3A_1218, %dma_start3A_1219] : memref<4x64x128xf32, #tpu.memory_space<vmem>> -> memref<1x64x128xf32, #tpu.memory_space<vmem>>
      %dma_start3A_1221 = tpu.memref_squeeze %dma_start3A_1220 : memref<1x64x128xf32, #tpu.memory_space<vmem>> -> memref<64x128xf32, #tpu.memory_space<vmem>>
      %dma_start3A_1222 = arith.constant 0 : i32
      %dma_start3A_1223 = tpu.memref_slice %arg4[%dma_start3A_1222, %multiple_of3A_1216] : memref<64x1000000xf32, #tpu.memory_space<hbm>> -> memref<64x128xf32, #tpu.memory_space<hbm>>
      %dma_start3A_1224 = arith.constant 0 : i32
      %dma_start3A_1225 = arith.constant 0 : i32
      %dma_start3A_1226 = tpu.memref_slice %arg9[%dma_start3A_1217, %dma_start3A_1224, %dma_start3A_1225] : memref<4x64x128xf32, #tpu.memory_space<vmem>> -> memref<1x64x128xf32, #tpu.memory_space<vmem>>
      %dma_start3A_1227 = tpu.memref_squeeze %dma_start3A_1226 : memref<1x64x128xf32, #tpu.memory_space<vmem>> -> memref<64x128xf32, #tpu.memory_space<vmem>>
      %dma_start3A_1228 = arith.constant 0 : i32
      %dma_start3A_1229 = tpu.memref_slice %arg4[%dma_start3A_1228, %multiple_of3A_1216] : memref<64x1000000xf32, #tpu.memory_space<hbm>> -> memref<64x128xf32, #tpu.memory_space<hbm>>
      tpu.enqueue_dma source(%dma_start3A_1229 : memref<64x128xf32, #tpu.memory_space<hbm>>) target(%dma_start3A_1227 : memref<64x128xf32, #tpu.memory_space<vmem>>) target_semaphore(%arg12 : memref<!tpu.dma_semaphore, #tpu.memory_space<semaphore_mem>>)
      %jit3A_1230 = arith.constant 128 : i32
      %div3A_1231 = arith.divsi %squeeze3A_1189, %jit3A_1230 : i32
      %sign3A_1232 = arith.constant 0 : i32
      %sign3A_1233 = arith.cmpi sgt, %squeeze3A_1189, %sign3A_1232 : i32
      %sign3A_1234 = arith.extui %sign3A_1233 : i1 to i32
      %sign3A_1235 = arith.constant 0 : i32
      %sign3A_1236 = arith.cmpi slt, %squeeze3A_1189, %sign3A_1235 : i32
      %sign3A_1237 = arith.extui %sign3A_1236 : i1 to i32
      %sign3A_1238 = arith.subi %sign3A_1234, %sign3A_1237 : i32
      %sign3A_1239 = arith.constant 0 : i32
      %sign3A_1240 = arith.cmpi sgt, %jit3A_1230, %sign3A_1239 : i32
      %sign3A_1241 = arith.extui %sign3A_1240 : i1 to i32
      %sign3A_1242 = arith.constant 0 : i32
      %sign3A_1243 = arith.cmpi slt, %jit3A_1230, %sign3A_1242 : i32
      %sign3A_1244 = arith.extui %sign3A_1243 : i1 to i32
      %sign3A_1245 = arith.subi %sign3A_1241, %sign3A_1244 : i32
      %ne3A_1246 = arith.cmpi ne, %sign3A_1238, %sign3A_1245 : i32
      %rem3A_1247 = arith.remsi %squeeze3A_1189, %jit3A_1230 : i32
      %ne3A_1248 = arith.constant 0 : i32
      %ne3A_1249 = arith.cmpi ne, %rem3A_1247, %ne3A_1248 : i32
      %and3A_1250 = arith.andi %ne3A_1246, %ne3A_1249 : i1
      %sub3A_1251 = arith.constant 1 : i32
      %sub3A_1252 = arith.subi %div3A_1231, %sub3A_1251 : i32
      %select_n3A_1253 = arith.select %and3A_1250, %sub3A_1252, %div3A_1231 : i32
      %mul3A_1254 = arith.constant 128 : i32
      %mul3A_1255 = arith.muli %select_n3A_1253, %mul3A_1254 : i32
      %multiple_of3A_1256 = tpu.assume_multiple %mul3A_1255, 128 : i32
      %dma_start3A_1257 = arith.constant 1 : i32
      %dma_start3A_1258 = arith.constant 0 : i32
      %dma_start3A_1259 = arith.constant 0 : i32
      %dma_start3A_1260 = tpu.memref_slice %arg10[%dma_start3A_1257, %dma_start3A_1258, %dma_start3A_1259] : memref<4x64x128xf32, #tpu.memory_space<vmem>> -> memref<1x64x128xf32, #tpu.memory_space<vmem>>
      %dma_start3A_1261 = tpu.memref_squeeze %dma_start3A_1260 : memref<1x64x128xf32, #tpu.memory_space<vmem>> -> memref<64x128xf32, #tpu.memory_space<vmem>>
      %dma_start3A_1262 = arith.constant 0 : i32
      %dma_start3A_1263 = tpu.memref_slice %arg5[%dma_start3A_1262, %multiple_of3A_1256] : memref<64x1000000xf32, #tpu.memory_space<hbm>> -> memref<64x128xf32, #tpu.memory_space<hbm>>
      %dma_start3A_1264 = arith.constant 0 : i32
      %dma_start3A_1265 = arith.constant 0 : i32
      %dma_start3A_1266 = tpu.memref_slice %arg10[%dma_start3A_1257, %dma_start3A_1264, %dma_start3A_1265] : memref<4x64x128xf32, #tpu.memory_space<vmem>> -> memref<1x64x128xf32, #tpu.memory_space<vmem>>
      %dma_start3A_1267 = tpu.memref_squeeze %dma_start3A_1266 : memref<1x64x128xf32, #tpu.memory_space<vmem>> -> memref<64x128xf32, #tpu.memory_space<vmem>>
      %dma_start3A_1268 = arith.constant 0 : i32
      %dma_start3A_1269 = tpu.memref_slice %arg5[%dma_start3A_1268, %multiple_of3A_1256] : memref<64x1000000xf32, #tpu.memory_space<hbm>> -> memref<64x128xf32, #tpu.memory_space<hbm>>
      tpu.enqueue_dma source(%dma_start3A_1269 : memref<64x128xf32, #tpu.memory_space<hbm>>) target(%dma_start3A_1267 : memref<64x128xf32, #tpu.memory_space<vmem>>) target_semaphore(%arg12 : memref<!tpu.dma_semaphore, #tpu.memory_space<semaphore_mem>>)
      %slice3A_1270 = vector.extract_strided_slice %get3A_92 {offsets = [6], sizes = [1], strides = [1]} : vector<16xi32> to vector<1xi32>
      %squeeze3A_1271 = vector.extract %slice3A_1270[0] : i32 from vector<1xi32>
      %slice3A_1272 = vector.extract_strided_slice %get3A_137 {offsets = [6], sizes = [1], strides = [1]} : vector<16xi32> to vector<1xi32>
      %squeeze3A_1273 = vector.extract %slice3A_1272[0] : i32 from vector<1xi32>
      %jit3A_1274 = arith.constant 128 : i32
      %div3A_1275 = arith.divsi %squeeze3A_1271, %jit3A_1274 : i32
      %sign3A_1276 = arith.constant 0 : i32
      %sign3A_1277 = arith.cmpi sgt, %squeeze3A_1271, %sign3A_1276 : i32
      %sign3A_1278 = arith.extui %sign3A_1277 : i1 to i32
      %sign3A_1279 = arith.constant 0 : i32
      %sign3A_1280 = arith.cmpi slt, %squeeze3A_1271, %sign3A_1279 : i32
      %sign3A_1281 = arith.extui %sign3A_1280 : i1 to i32
      %sign3A_1282 = arith.subi %sign3A_1278, %sign3A_1281 : i32
      %sign3A_1283 = arith.constant 0 : i32
      %sign3A_1284 = arith.cmpi sgt, %jit3A_1274, %sign3A_1283 : i32
      %sign3A_1285 = arith.extui %sign3A_1284 : i1 to i32
      %sign3A_1286 = arith.constant 0 : i32
      %sign3A_1287 = arith.cmpi slt, %jit3A_1274, %sign3A_1286 : i32
      %sign3A_1288 = arith.extui %sign3A_1287 : i1 to i32
      %sign3A_1289 = arith.subi %sign3A_1285, %sign3A_1288 : i32
      %ne3A_1290 = arith.cmpi ne, %sign3A_1282, %sign3A_1289 : i32
      %rem3A_1291 = arith.remsi %squeeze3A_1271, %jit3A_1274 : i32
      %ne3A_1292 = arith.constant 0 : i32
      %ne3A_1293 = arith.cmpi ne, %rem3A_1291, %ne3A_1292 : i32
      %and3A_1294 = arith.andi %ne3A_1290, %ne3A_1293 : i1
      %sub3A_1295 = arith.constant 1 : i32
      %sub3A_1296 = arith.subi %div3A_1275, %sub3A_1295 : i32
      %select_n3A_1297 = arith.select %and3A_1294, %sub3A_1296, %div3A_1275 : i32
      %mul3A_1298 = arith.constant 128 : i32
      %mul3A_1299 = arith.muli %select_n3A_1297, %mul3A_1298 : i32
      %multiple_of3A_1300 = tpu.assume_multiple %mul3A_1299, 128 : i32
      %dma_start3A_1301 = arith.constant 2 : i32
      %dma_start3A_1302 = arith.constant 0 : i32
      %dma_start3A_1303 = arith.constant 0 : i32
      %dma_start3A_1304 = tpu.memref_slice %arg9[%dma_start3A_1301, %dma_start3A_1302, %dma_start3A_1303] : memref<4x64x128xf32, #tpu.memory_space<vmem>> -> memref<1x64x128xf32, #tpu.memory_space<vmem>>
      %dma_start3A_1305 = tpu.memref_squeeze %dma_start3A_1304 : memref<1x64x128xf32, #tpu.memory_space<vmem>> -> memref<64x128xf32, #tpu.memory_space<vmem>>
      %dma_start3A_1306 = arith.constant 0 : i32
      %dma_start3A_1307 = tpu.memref_slice %arg4[%dma_start3A_1306, %multiple_of3A_1300] : memref<64x1000000xf32, #tpu.memory_space<hbm>> -> memref<64x128xf32, #tpu.memory_space<hbm>>
      %dma_start3A_1308 = arith.constant 0 : i32
      %dma_start3A_1309 = arith.constant 0 : i32
      %dma_start3A_1310 = tpu.memref_slice %arg9[%dma_start3A_1301, %dma_start3A_1308, %dma_start3A_1309] : memref<4x64x128xf32, #tpu.memory_space<vmem>> -> memref<1x64x128xf32, #tpu.memory_space<vmem>>
      %dma_start3A_1311 = tpu.memref_squeeze %dma_start3A_1310 : memref<1x64x128xf32, #tpu.memory_space<vmem>> -> memref<64x128xf32, #tpu.memory_space<vmem>>
      %dma_start3A_1312 = arith.constant 0 : i32
      %dma_start3A_1313 = tpu.memref_slice %arg4[%dma_start3A_1312, %multiple_of3A_1300] : memref<64x1000000xf32, #tpu.memory_space<hbm>> -> memref<64x128xf32, #tpu.memory_space<hbm>>
      tpu.enqueue_dma source(%dma_start3A_1313 : memref<64x128xf32, #tpu.memory_space<hbm>>) target(%dma_start3A_1311 : memref<64x128xf32, #tpu.memory_space<vmem>>) target_semaphore(%arg12 : memref<!tpu.dma_semaphore, #tpu.memory_space<semaphore_mem>>)
      %jit3A_1314 = arith.constant 128 : i32
      %div3A_1315 = arith.divsi %squeeze3A_1273, %jit3A_1314 : i32
      %sign3A_1316 = arith.constant 0 : i32
      %sign3A_1317 = arith.cmpi sgt, %squeeze3A_1273, %sign3A_1316 : i32
      %sign3A_1318 = arith.extui %sign3A_1317 : i1 to i32
      %sign3A_1319 = arith.constant 0 : i32
      %sign3A_1320 = arith.cmpi slt, %squeeze3A_1273, %sign3A_1319 : i32
      %sign3A_1321 = arith.extui %sign3A_1320 : i1 to i32
      %sign3A_1322 = arith.subi %sign3A_1318, %sign3A_1321 : i32
      %sign3A_1323 = arith.constant 0 : i32
      %sign3A_1324 = arith.cmpi sgt, %jit3A_1314, %sign3A_1323 : i32
      %sign3A_1325 = arith.extui %sign3A_1324 : i1 to i32
      %sign3A_1326 = arith.constant 0 : i32
      %sign3A_1327 = arith.cmpi slt, %jit3A_1314, %sign3A_1326 : i32
      %sign3A_1328 = arith.extui %sign3A_1327 : i1 to i32
      %sign3A_1329 = arith.subi %sign3A_1325, %sign3A_1328 : i32
      %ne3A_1330 = arith.cmpi ne, %sign3A_1322, %sign3A_1329 : i32
      %rem3A_1331 = arith.remsi %squeeze3A_1273, %jit3A_1314 : i32
      %ne3A_1332 = arith.constant 0 : i32
      %ne3A_1333 = arith.cmpi ne, %rem3A_1331, %ne3A_1332 : i32
      %and3A_1334 = arith.andi %ne3A_1330, %ne3A_1333 : i1
      %sub3A_1335 = arith.constant 1 : i32
      %sub3A_1336 = arith.subi %div3A_1315, %sub3A_1335 : i32
      %select_n3A_1337 = arith.select %and3A_1334, %sub3A_1336, %div3A_1315 : i32
      %mul3A_1338 = arith.constant 128 : i32
      %mul3A_1339 = arith.muli %select_n3A_1337, %mul3A_1338 : i32
      %multiple_of3A_1340 = tpu.assume_multiple %mul3A_1339, 128 : i32
      %dma_start3A_1341 = arith.constant 2 : i32
      %dma_start3A_1342 = arith.constant 0 : i32
      %dma_start3A_1343 = arith.constant 0 : i32
      %dma_start3A_1344 = tpu.memref_slice %arg10[%dma_start3A_1341, %dma_start3A_1342, %dma_start3A_1343] : memref<4x64x128xf32, #tpu.memory_space<vmem>> -> memref<1x64x128xf32, #tpu.memory_space<vmem>>
      %dma_start3A_1345 = tpu.memref_squeeze %dma_start3A_1344 : memref<1x64x128xf32, #tpu.memory_space<vmem>> -> memref<64x128xf32, #tpu.memory_space<vmem>>
      %dma_start3A_1346 = arith.constant 0 : i32
      %dma_start3A_1347 = tpu.memref_slice %arg5[%dma_start3A_1346, %multiple_of3A_1340] : memref<64x1000000xf32, #tpu.memory_space<hbm>> -> memref<64x128xf32, #tpu.memory_space<hbm>>
      %dma_start3A_1348 = arith.constant 0 : i32
      %dma_start3A_1349 = arith.constant 0 : i32
      %dma_start3A_1350 = tpu.memref_slice %arg10[%dma_start3A_1341, %dma_start3A_1348, %dma_start3A_1349] : memref<4x64x128xf32, #tpu.memory_space<vmem>> -> memref<1x64x128xf32, #tpu.memory_space<vmem>>
      %dma_start3A_1351 = tpu.memref_squeeze %dma_start3A_1350 : memref<1x64x128xf32, #tpu.memory_space<vmem>> -> memref<64x128xf32, #tpu.memory_space<vmem>>
      %dma_start3A_1352 = arith.constant 0 : i32
      %dma_start3A_1353 = tpu.memref_slice %arg5[%dma_start3A_1352, %multiple_of3A_1340] : memref<64x1000000xf32, #tpu.memory_space<hbm>> -> memref<64x128xf32, #tpu.memory_space<hbm>>
      tpu.enqueue_dma source(%dma_start3A_1353 : memref<64x128xf32, #tpu.memory_space<hbm>>) target(%dma_start3A_1351 : memref<64x128xf32, #tpu.memory_space<vmem>>) target_semaphore(%arg12 : memref<!tpu.dma_semaphore, #tpu.memory_space<semaphore_mem>>)
      %slice3A_1354 = vector.extract_strided_slice %get3A_92 {offsets = [7], sizes = [1], strides = [1]} : vector<16xi32> to vector<1xi32>
      %squeeze3A_1355 = vector.extract %slice3A_1354[0] : i32 from vector<1xi32>
      %slice3A_1356 = vector.extract_strided_slice %get3A_137 {offsets = [7], sizes = [1], strides = [1]} : vector<16xi32> to vector<1xi32>
      %squeeze3A_1357 = vector.extract %slice3A_1356[0] : i32 from vector<1xi32>
      %jit3A_1358 = arith.constant 128 : i32
      %div3A_1359 = arith.divsi %squeeze3A_1355, %jit3A_1358 : i32
      %sign3A_1360 = arith.constant 0 : i32
      %sign3A_1361 = arith.cmpi sgt, %squeeze3A_1355, %sign3A_1360 : i32
      %sign3A_1362 = arith.extui %sign3A_1361 : i1 to i32
      %sign3A_1363 = arith.constant 0 : i32
      %sign3A_1364 = arith.cmpi slt, %squeeze3A_1355, %sign3A_1363 : i32
      %sign3A_1365 = arith.extui %sign3A_1364 : i1 to i32
      %sign3A_1366 = arith.subi %sign3A_1362, %sign3A_1365 : i32
      %sign3A_1367 = arith.constant 0 : i32
      %sign3A_1368 = arith.cmpi sgt, %jit3A_1358, %sign3A_1367 : i32
      %sign3A_1369 = arith.extui %sign3A_1368 : i1 to i32
      %sign3A_1370 = arith.constant 0 : i32
      %sign3A_1371 = arith.cmpi slt, %jit3A_1358, %sign3A_1370 : i32
      %sign3A_1372 = arith.extui %sign3A_1371 : i1 to i32
      %sign3A_1373 = arith.subi %sign3A_1369, %sign3A_1372 : i32
      %ne3A_1374 = arith.cmpi ne, %sign3A_1366, %sign3A_1373 : i32
      %rem3A_1375 = arith.remsi %squeeze3A_1355, %jit3A_1358 : i32
      %ne3A_1376 = arith.constant 0 : i32
      %ne3A_1377 = arith.cmpi ne, %rem3A_1375, %ne3A_1376 : i32
      %and3A_1378 = arith.andi %ne3A_1374, %ne3A_1377 : i1
      %sub3A_1379 = arith.constant 1 : i32
      %sub3A_1380 = arith.subi %div3A_1359, %sub3A_1379 : i32
      %select_n3A_1381 = arith.select %and3A_1378, %sub3A_1380, %div3A_1359 : i32
      %mul3A_1382 = arith.constant 128 : i32
      %mul3A_1383 = arith.muli %select_n3A_1381, %mul3A_1382 : i32
      %multiple_of3A_1384 = tpu.assume_multiple %mul3A_1383, 128 : i32
      %dma_start3A_1385 = arith.constant 3 : i32
      %dma_start3A_1386 = arith.constant 0 : i32
      %dma_start3A_1387 = arith.constant 0 : i32
      %dma_start3A_1388 = tpu.memref_slice %arg9[%dma_start3A_1385, %dma_start3A_1386, %dma_start3A_1387] : memref<4x64x128xf32, #tpu.memory_space<vmem>> -> memref<1x64x128xf32, #tpu.memory_space<vmem>>
      %dma_start3A_1389 = tpu.memref_squeeze %dma_start3A_1388 : memref<1x64x128xf32, #tpu.memory_space<vmem>> -> memref<64x128xf32, #tpu.memory_space<vmem>>
      %dma_start3A_1390 = arith.constant 0 : i32
      %dma_start3A_1391 = tpu.memref_slice %arg4[%dma_start3A_1390, %multiple_of3A_1384] : memref<64x1000000xf32, #tpu.memory_space<hbm>> -> memref<64x128xf32, #tpu.memory_space<hbm>>
      %dma_start3A_1392 = arith.constant 0 : i32
      %dma_start3A_1393 = arith.constant 0 : i32
      %dma_start3A_1394 = tpu.memref_slice %arg9[%dma_start3A_1385, %dma_start3A_1392, %dma_start3A_1393] : memref<4x64x128xf32, #tpu.memory_space<vmem>> -> memref<1x64x128xf32, #tpu.memory_space<vmem>>
      %dma_start3A_1395 = tpu.memref_squeeze %dma_start3A_1394 : memref<1x64x128xf32, #tpu.memory_space<vmem>> -> memref<64x128xf32, #tpu.memory_space<vmem>>
      %dma_start3A_1396 = arith.constant 0 : i32
      %dma_start3A_1397 = tpu.memref_slice %arg4[%dma_start3A_1396, %multiple_of3A_1384] : memref<64x1000000xf32, #tpu.memory_space<hbm>> -> memref<64x128xf32, #tpu.memory_space<hbm>>
      tpu.enqueue_dma source(%dma_start3A_1397 : memref<64x128xf32, #tpu.memory_space<hbm>>) target(%dma_start3A_1395 : memref<64x128xf32, #tpu.memory_space<vmem>>) target_semaphore(%arg12 : memref<!tpu.dma_semaphore, #tpu.memory_space<semaphore_mem>>)
      %jit3A_1398 = arith.constant 128 : i32
      %div3A_1399 = arith.divsi %squeeze3A_1357, %jit3A_1398 : i32
      %sign3A_1400 = arith.constant 0 : i32
      %sign3A_1401 = arith.cmpi sgt, %squeeze3A_1357, %sign3A_1400 : i32
      %sign3A_1402 = arith.extui %sign3A_1401 : i1 to i32
      %sign3A_1403 = arith.constant 0 : i32
      %sign3A_1404 = arith.cmpi slt, %squeeze3A_1357, %sign3A_1403 : i32
      %sign3A_1405 = arith.extui %sign3A_1404 : i1 to i32
      %sign3A_1406 = arith.subi %sign3A_1402, %sign3A_1405 : i32
      %sign3A_1407 = arith.constant 0 : i32
      %sign3A_1408 = arith.cmpi sgt, %jit3A_1398, %sign3A_1407 : i32
      %sign3A_1409 = arith.extui %sign3A_1408 : i1 to i32
      %sign3A_1410 = arith.constant 0 : i32
      %sign3A_1411 = arith.cmpi slt, %jit3A_1398, %sign3A_1410 : i32
      %sign3A_1412 = arith.extui %sign3A_1411 : i1 to i32
      %sign3A_1413 = arith.subi %sign3A_1409, %sign3A_1412 : i32
      %ne3A_1414 = arith.cmpi ne, %sign3A_1406, %sign3A_1413 : i32
      %rem3A_1415 = arith.remsi %squeeze3A_1357, %jit3A_1398 : i32
      %ne3A_1416 = arith.constant 0 : i32
      %ne3A_1417 = arith.cmpi ne, %rem3A_1415, %ne3A_1416 : i32
      %and3A_1418 = arith.andi %ne3A_1414, %ne3A_1417 : i1
      %sub3A_1419 = arith.constant 1 : i32
      %sub3A_1420 = arith.subi %div3A_1399, %sub3A_1419 : i32
      %select_n3A_1421 = arith.select %and3A_1418, %sub3A_1420, %div3A_1399 : i32
      %mul3A_1422 = arith.constant 128 : i32
      %mul3A_1423 = arith.muli %select_n3A_1421, %mul3A_1422 : i32
      %multiple_of3A_1424 = tpu.assume_multiple %mul3A_1423, 128 : i32
      %dma_start3A_1425 = arith.constant 3 : i32
      %dma_start3A_1426 = arith.constant 0 : i32
      %dma_start3A_1427 = arith.constant 0 : i32
      %dma_start3A_1428 = tpu.memref_slice %arg10[%dma_start3A_1425, %dma_start3A_1426, %dma_start3A_1427] : memref<4x64x128xf32, #tpu.memory_space<vmem>> -> memref<1x64x128xf32, #tpu.memory_space<vmem>>
      %dma_start3A_1429 = tpu.memref_squeeze %dma_start3A_1428 : memref<1x64x128xf32, #tpu.memory_space<vmem>> -> memref<64x128xf32, #tpu.memory_space<vmem>>
      %dma_start3A_1430 = arith.constant 0 : i32
      %dma_start3A_1431 = tpu.memref_slice %arg5[%dma_start3A_1430, %multiple_of3A_1424] : memref<64x1000000xf32, #tpu.memory_space<hbm>> -> memref<64x128xf32, #tpu.memory_space<hbm>>
      %dma_start3A_1432 = arith.constant 0 : i32
      %dma_start3A_1433 = arith.constant 0 : i32
      %dma_start3A_1434 = tpu.memref_slice %arg10[%dma_start3A_1425, %dma_start3A_1432, %dma_start3A_1433] : memref<4x64x128xf32, #tpu.memory_space<vmem>> -> memref<1x64x128xf32, #tpu.memory_space<vmem>>
      %dma_start3A_1435 = tpu.memref_squeeze %dma_start3A_1434 : memref<1x64x128xf32, #tpu.memory_space<vmem>> -> memref<64x128xf32, #tpu.memory_space<vmem>>
      %dma_start3A_1436 = arith.constant 0 : i32
      %dma_start3A_1437 = tpu.memref_slice %arg5[%dma_start3A_1436, %multiple_of3A_1424] : memref<64x1000000xf32, #tpu.memory_space<hbm>> -> memref<64x128xf32, #tpu.memory_space<hbm>>
      tpu.enqueue_dma source(%dma_start3A_1437 : memref<64x128xf32, #tpu.memory_space<hbm>>) target(%dma_start3A_1435 : memref<64x128xf32, #tpu.memory_space<vmem>>) target_semaphore(%arg12 : memref<!tpu.dma_semaphore, #tpu.memory_space<semaphore_mem>>)
      %dma_wait3A_1438 = arith.constant 0 : i32
      %dma_wait3A_1439 = arith.constant 0 : i32
      %dma_wait3A_1440 = arith.constant 0 : i32
      %dma_wait3A_1441 = tpu.memref_slice %arg9[%dma_wait3A_1438, %dma_wait3A_1439, %dma_wait3A_1440] : memref<4x64x128xf32, #tpu.memory_space<vmem>> -> memref<1x64x128xf32, #tpu.memory_space<vmem>>
      %dma_wait3A_1442 = tpu.memref_squeeze %dma_wait3A_1441 : memref<1x64x128xf32, #tpu.memory_space<vmem>> -> memref<64x128xf32, #tpu.memory_space<vmem>>
      %dma_wait3A_1443 = arith.constant 0 : i32
      %dma_wait3A_1444 = tpu.memref_slice %arg4[%dma_wait3A_1443, %multiple_of3A_1132] : memref<64x1000000xf32, #tpu.memory_space<hbm>> -> memref<64x128xf32, #tpu.memory_space<hbm>>
      %dma_wait3A_1445 = arith.constant 0 : i32
      %dma_wait3A_1446 = arith.constant 0 : i32
      %dma_wait3A_1447 = tpu.memref_slice %arg9[%dma_wait3A_1438, %dma_wait3A_1445, %dma_wait3A_1446] : memref<4x64x128xf32, #tpu.memory_space<vmem>> -> memref<1x64x128xf32, #tpu.memory_space<vmem>>
      %dma_wait3A_1448 = tpu.memref_squeeze %dma_wait3A_1447 : memref<1x64x128xf32, #tpu.memory_space<vmem>> -> memref<64x128xf32, #tpu.memory_space<vmem>>
      %dma_wait3A_1449 = arith.constant 0 : i32
      %dma_wait3A_1450 = tpu.memref_slice %arg4[%dma_wait3A_1449, %multiple_of3A_1132] : memref<64x1000000xf32, #tpu.memory_space<hbm>> -> memref<64x128xf32, #tpu.memory_space<hbm>>
      tpu.wait_dma2 semaphore(%arg12 : memref<!tpu.dma_semaphore, #tpu.memory_space<semaphore_mem>>) src(%dma_wait3A_1450 : memref<64x128xf32, #tpu.memory_space<hbm>>) dst(%dma_wait3A_1448 : memref<64x128xf32, #tpu.memory_space<vmem>>)
      %dma_wait3A_1451 = arith.constant 0 : i32
      %dma_wait3A_1452 = arith.constant 0 : i32
      %dma_wait3A_1453 = arith.constant 0 : i32
      %dma_wait3A_1454 = tpu.memref_slice %arg10[%dma_wait3A_1451, %dma_wait3A_1452, %dma_wait3A_1453] : memref<4x64x128xf32, #tpu.memory_space<vmem>> -> memref<1x64x128xf32, #tpu.memory_space<vmem>>
      %dma_wait3A_1455 = tpu.memref_squeeze %dma_wait3A_1454 : memref<1x64x128xf32, #tpu.memory_space<vmem>> -> memref<64x128xf32, #tpu.memory_space<vmem>>
      %dma_wait3A_1456 = arith.constant 0 : i32
      %dma_wait3A_1457 = tpu.memref_slice %arg5[%dma_wait3A_1456, %multiple_of3A_1172] : memref<64x1000000xf32, #tpu.memory_space<hbm>> -> memref<64x128xf32, #tpu.memory_space<hbm>>
      %dma_wait3A_1458 = arith.constant 0 : i32
      %dma_wait3A_1459 = arith.constant 0 : i32
      %dma_wait3A_1460 = tpu.memref_slice %arg10[%dma_wait3A_1451, %dma_wait3A_1458, %dma_wait3A_1459] : memref<4x64x128xf32, #tpu.memory_space<vmem>> -> memref<1x64x128xf32, #tpu.memory_space<vmem>>
      %dma_wait3A_1461 = tpu.memref_squeeze %dma_wait3A_1460 : memref<1x64x128xf32, #tpu.memory_space<vmem>> -> memref<64x128xf32, #tpu.memory_space<vmem>>
      %dma_wait3A_1462 = arith.constant 0 : i32
      %dma_wait3A_1463 = tpu.memref_slice %arg5[%dma_wait3A_1462, %multiple_of3A_1172] : memref<64x1000000xf32, #tpu.memory_space<hbm>> -> memref<64x128xf32, #tpu.memory_space<hbm>>
      tpu.wait_dma2 semaphore(%arg12 : memref<!tpu.dma_semaphore, #tpu.memory_space<semaphore_mem>>) src(%dma_wait3A_1463 : memref<64x128xf32, #tpu.memory_space<hbm>>) dst(%dma_wait3A_1461 : memref<64x128xf32, #tpu.memory_space<vmem>>)
      %dma_wait3A_1464 = arith.constant 1 : i32
      %dma_wait3A_1465 = arith.constant 0 : i32
      %dma_wait3A_1466 = arith.constant 0 : i32
      %dma_wait3A_1467 = tpu.memref_slice %arg9[%dma_wait3A_1464, %dma_wait3A_1465, %dma_wait3A_1466] : memref<4x64x128xf32, #tpu.memory_space<vmem>> -> memref<1x64x128xf32, #tpu.memory_space<vmem>>
      %dma_wait3A_1468 = tpu.memref_squeeze %dma_wait3A_1467 : memref<1x64x128xf32, #tpu.memory_space<vmem>> -> memref<64x128xf32, #tpu.memory_space<vmem>>
      %dma_wait3A_1469 = arith.constant 0 : i32
      %dma_wait3A_1470 = tpu.memref_slice %arg4[%dma_wait3A_1469, %multiple_of3A_1216] : memref<64x1000000xf32, #tpu.memory_space<hbm>> -> memref<64x128xf32, #tpu.memory_space<hbm>>
      %dma_wait3A_1471 = arith.constant 0 : i32
      %dma_wait3A_1472 = arith.constant 0 : i32
      %dma_wait3A_1473 = tpu.memref_slice %arg9[%dma_wait3A_1464, %dma_wait3A_1471, %dma_wait3A_1472] : memref<4x64x128xf32, #tpu.memory_space<vmem>> -> memref<1x64x128xf32, #tpu.memory_space<vmem>>
      %dma_wait3A_1474 = tpu.memref_squeeze %dma_wait3A_1473 : memref<1x64x128xf32, #tpu.memory_space<vmem>> -> memref<64x128xf32, #tpu.memory_space<vmem>>
      %dma_wait3A_1475 = arith.constant 0 : i32
      %dma_wait3A_1476 = tpu.memref_slice %arg4[%dma_wait3A_1475, %multiple_of3A_1216] : memref<64x1000000xf32, #tpu.memory_space<hbm>> -> memref<64x128xf32, #tpu.memory_space<hbm>>
      tpu.wait_dma2 semaphore(%arg12 : memref<!tpu.dma_semaphore, #tpu.memory_space<semaphore_mem>>) src(%dma_wait3A_1476 : memref<64x128xf32, #tpu.memory_space<hbm>>) dst(%dma_wait3A_1474 : memref<64x128xf32, #tpu.memory_space<vmem>>)
      %dma_wait3A_1477 = arith.constant 1 : i32
      %dma_wait3A_1478 = arith.constant 0 : i32
      %dma_wait3A_1479 = arith.constant 0 : i32
      %dma_wait3A_1480 = tpu.memref_slice %arg10[%dma_wait3A_1477, %dma_wait3A_1478, %dma_wait3A_1479] : memref<4x64x128xf32, #tpu.memory_space<vmem>> -> memref<1x64x128xf32, #tpu.memory_space<vmem>>
      %dma_wait3A_1481 = tpu.memref_squeeze %dma_wait3A_1480 : memref<1x64x128xf32, #tpu.memory_space<vmem>> -> memref<64x128xf32, #tpu.memory_space<vmem>>
      %dma_wait3A_1482 = arith.constant 0 : i32
      %dma_wait3A_1483 = tpu.memref_slice %arg5[%dma_wait3A_1482, %multiple_of3A_1256] : memref<64x1000000xf32, #tpu.memory_space<hbm>> -> memref<64x128xf32, #tpu.memory_space<hbm>>
      %dma_wait3A_1484 = arith.constant 0 : i32
      %dma_wait3A_1485 = arith.constant 0 : i32
      %dma_wait3A_1486 = tpu.memref_slice %arg10[%dma_wait3A_1477, %dma_wait3A_1484, %dma_wait3A_1485] : memref<4x64x128xf32, #tpu.memory_space<vmem>> -> memref<1x64x128xf32, #tpu.memory_space<vmem>>
      %dma_wait3A_1487 = tpu.memref_squeeze %dma_wait3A_1486 : memref<1x64x128xf32, #tpu.memory_space<vmem>> -> memref<64x128xf32, #tpu.memory_space<vmem>>
      %dma_wait3A_1488 = arith.constant 0 : i32
      %dma_wait3A_1489 = tpu.memref_slice %arg5[%dma_wait3A_1488, %multiple_of3A_1256] : memref<64x1000000xf32, #tpu.memory_space<hbm>> -> memref<64x128xf32, #tpu.memory_space<hbm>>
      tpu.wait_dma2 semaphore(%arg12 : memref<!tpu.dma_semaphore, #tpu.memory_space<semaphore_mem>>) src(%dma_wait3A_1489 : memref<64x128xf32, #tpu.memory_space<hbm>>) dst(%dma_wait3A_1487 : memref<64x128xf32, #tpu.memory_space<vmem>>)
      %dma_wait3A_1490 = arith.constant 2 : i32
      %dma_wait3A_1491 = arith.constant 0 : i32
      %dma_wait3A_1492 = arith.constant 0 : i32
      %dma_wait3A_1493 = tpu.memref_slice %arg9[%dma_wait3A_1490, %dma_wait3A_1491, %dma_wait3A_1492] : memref<4x64x128xf32, #tpu.memory_space<vmem>> -> memref<1x64x128xf32, #tpu.memory_space<vmem>>
      %dma_wait3A_1494 = tpu.memref_squeeze %dma_wait3A_1493 : memref<1x64x128xf32, #tpu.memory_space<vmem>> -> memref<64x128xf32, #tpu.memory_space<vmem>>
      %dma_wait3A_1495 = arith.constant 0 : i32
      %dma_wait3A_1496 = tpu.memref_slice %arg4[%dma_wait3A_1495, %multiple_of3A_1300] : memref<64x1000000xf32, #tpu.memory_space<hbm>> -> memref<64x128xf32, #tpu.memory_space<hbm>>
      %dma_wait3A_1497 = arith.constant 0 : i32
      %dma_wait3A_1498 = arith.constant 0 : i32
      %dma_wait3A_1499 = tpu.memref_slice %arg9[%dma_wait3A_1490, %dma_wait3A_1497, %dma_wait3A_1498] : memref<4x64x128xf32, #tpu.memory_space<vmem>> -> memref<1x64x128xf32, #tpu.memory_space<vmem>>
      %dma_wait3A_1500 = tpu.memref_squeeze %dma_wait3A_1499 : memref<1x64x128xf32, #tpu.memory_space<vmem>> -> memref<64x128xf32, #tpu.memory_space<vmem>>
      %dma_wait3A_1501 = arith.constant 0 : i32
      %dma_wait3A_1502 = tpu.memref_slice %arg4[%dma_wait3A_1501, %multiple_of3A_1300] : memref<64x1000000xf32, #tpu.memory_space<hbm>> -> memref<64x128xf32, #tpu.memory_space<hbm>>
      tpu.wait_dma2 semaphore(%arg12 : memref<!tpu.dma_semaphore, #tpu.memory_space<semaphore_mem>>) src(%dma_wait3A_1502 : memref<64x128xf32, #tpu.memory_space<hbm>>) dst(%dma_wait3A_1500 : memref<64x128xf32, #tpu.memory_space<vmem>>)
      %dma_wait3A_1503 = arith.constant 2 : i32
      %dma_wait3A_1504 = arith.constant 0 : i32
      %dma_wait3A_1505 = arith.constant 0 : i32
      %dma_wait3A_1506 = tpu.memref_slice %arg10[%dma_wait3A_1503, %dma_wait3A_1504, %dma_wait3A_1505] : memref<4x64x128xf32, #tpu.memory_space<vmem>> -> memref<1x64x128xf32, #tpu.memory_space<vmem>>
      %dma_wait3A_1507 = tpu.memref_squeeze %dma_wait3A_1506 : memref<1x64x128xf32, #tpu.memory_space<vmem>> -> memref<64x128xf32, #tpu.memory_space<vmem>>
      %dma_wait3A_1508 = arith.constant 0 : i32
      %dma_wait3A_1509 = tpu.memref_slice %arg5[%dma_wait3A_1508, %multiple_of3A_1340] : memref<64x1000000xf32, #tpu.memory_space<hbm>> -> memref<64x128xf32, #tpu.memory_space<hbm>>
      %dma_wait3A_1510 = arith.constant 0 : i32
      %dma_wait3A_1511 = arith.constant 0 : i32
      %dma_wait3A_1512 = tpu.memref_slice %arg10[%dma_wait3A_1503, %dma_wait3A_1510, %dma_wait3A_1511] : memref<4x64x128xf32, #tpu.memory_space<vmem>> -> memref<1x64x128xf32, #tpu.memory_space<vmem>>
      %dma_wait3A_1513 = tpu.memref_squeeze %dma_wait3A_1512 : memref<1x64x128xf32, #tpu.memory_space<vmem>> -> memref<64x128xf32, #tpu.memory_space<vmem>>
      %dma_wait3A_1514 = arith.constant 0 : i32
      %dma_wait3A_1515 = tpu.memref_slice %arg5[%dma_wait3A_1514, %multiple_of3A_1340] : memref<64x1000000xf32, #tpu.memory_space<hbm>> -> memref<64x128xf32, #tpu.memory_space<hbm>>
      tpu.wait_dma2 semaphore(%arg12 : memref<!tpu.dma_semaphore, #tpu.memory_space<semaphore_mem>>) src(%dma_wait3A_1515 : memref<64x128xf32, #tpu.memory_space<hbm>>) dst(%dma_wait3A_1513 : memref<64x128xf32, #tpu.memory_space<vmem>>)
      %dma_wait3A_1516 = arith.constant 3 : i32
      %dma_wait3A_1517 = arith.constant 0 : i32
      %dma_wait3A_1518 = arith.constant 0 : i32
      %dma_wait3A_1519 = tpu.memref_slice %arg9[%dma_wait3A_1516, %dma_wait3A_1517, %dma_wait3A_1518] : memref<4x64x128xf32, #tpu.memory_space<vmem>> -> memref<1x64x128xf32, #tpu.memory_space<vmem>>
      %dma_wait3A_1520 = tpu.memref_squeeze %dma_wait3A_1519 : memref<1x64x128xf32, #tpu.memory_space<vmem>> -> memref<64x128xf32, #tpu.memory_space<vmem>>
      %dma_wait3A_1521 = arith.constant 0 : i32
      %dma_wait3A_1522 = tpu.memref_slice %arg4[%dma_wait3A_1521, %multiple_of3A_1384] : memref<64x1000000xf32, #tpu.memory_space<hbm>> -> memref<64x128xf32, #tpu.memory_space<hbm>>
      %dma_wait3A_1523 = arith.constant 0 : i32
      %dma_wait3A_1524 = arith.constant 0 : i32
      %dma_wait3A_1525 = tpu.memref_slice %arg9[%dma_wait3A_1516, %dma_wait3A_1523, %dma_wait3A_1524] : memref<4x64x128xf32, #tpu.memory_space<vmem>> -> memref<1x64x128xf32, #tpu.memory_space<vmem>>
      %dma_wait3A_1526 = tpu.memref_squeeze %dma_wait3A_1525 : memref<1x64x128xf32, #tpu.memory_space<vmem>> -> memref<64x128xf32, #tpu.memory_space<vmem>>
      %dma_wait3A_1527 = arith.constant 0 : i32
      %dma_wait3A_1528 = tpu.memref_slice %arg4[%dma_wait3A_1527, %multiple_of3A_1384] : memref<64x1000000xf32, #tpu.memory_space<hbm>> -> memref<64x128xf32, #tpu.memory_space<hbm>>
      tpu.wait_dma2 semaphore(%arg12 : memref<!tpu.dma_semaphore, #tpu.memory_space<semaphore_mem>>) src(%dma_wait3A_1528 : memref<64x128xf32, #tpu.memory_space<hbm>>) dst(%dma_wait3A_1526 : memref<64x128xf32, #tpu.memory_space<vmem>>)
      %dma_wait3A_1529 = arith.constant 3 : i32
      %dma_wait3A_1530 = arith.constant 0 : i32
      %dma_wait3A_1531 = arith.constant 0 : i32
      %dma_wait3A_1532 = tpu.memref_slice %arg10[%dma_wait3A_1529, %dma_wait3A_1530, %dma_wait3A_1531] : memref<4x64x128xf32, #tpu.memory_space<vmem>> -> memref<1x64x128xf32, #tpu.memory_space<vmem>>
      %dma_wait3A_1533 = tpu.memref_squeeze %dma_wait3A_1532 : memref<1x64x128xf32, #tpu.memory_space<vmem>> -> memref<64x128xf32, #tpu.memory_space<vmem>>
      %dma_wait3A_1534 = arith.constant 0 : i32
      %dma_wait3A_1535 = tpu.memref_slice %arg5[%dma_wait3A_1534, %multiple_of3A_1424] : memref<64x1000000xf32, #tpu.memory_space<hbm>> -> memref<64x128xf32, #tpu.memory_space<hbm>>
      %dma_wait3A_1536 = arith.constant 0 : i32
      %dma_wait3A_1537 = arith.constant 0 : i32
      %dma_wait3A_1538 = tpu.memref_slice %arg10[%dma_wait3A_1529, %dma_wait3A_1536, %dma_wait3A_1537] : memref<4x64x128xf32, #tpu.memory_space<vmem>> -> memref<1x64x128xf32, #tpu.memory_space<vmem>>
      %dma_wait3A_1539 = tpu.memref_squeeze %dma_wait3A_1538 : memref<1x64x128xf32, #tpu.memory_space<vmem>> -> memref<64x128xf32, #tpu.memory_space<vmem>>
      %dma_wait3A_1540 = arith.constant 0 : i32
      %dma_wait3A_1541 = tpu.memref_slice %arg5[%dma_wait3A_1540, %multiple_of3A_1424] : memref<64x1000000xf32, #tpu.memory_space<hbm>> -> memref<64x128xf32, #tpu.memory_space<hbm>>
      tpu.wait_dma2 semaphore(%arg12 : memref<!tpu.dma_semaphore, #tpu.memory_space<semaphore_mem>>) src(%dma_wait3A_1541 : memref<64x128xf32, #tpu.memory_space<hbm>>) dst(%dma_wait3A_1539 : memref<64x128xf32, #tpu.memory_space<vmem>>)
      %broadcast_in_dim3A_1542 = arith.constant 0 : i32
      %broadcast_in_dim3A_1543 = vector.broadcast %broadcast_in_dim3A_1542 : i32 to vector<16xi32>
      %slice3A_1544 = vector.extract_strided_slice %get3A_92 {offsets = [4], sizes = [1], strides = [1]} : vector<16xi32> to vector<1xi32>
      %squeeze3A_1545 = vector.extract %slice3A_1544[0] : i32 from vector<1xi32>
      %jit3A_1546 = arith.constant 128 : i32
      %eq3A_1547 = arith.constant 0 : i32
      %eq3A_1548 = arith.cmpi eq, %jit3A_1546, %eq3A_1547 : i32
      %jit3A_1549 = arith.constant 1 : i32
      %select_n3A_1550 = arith.select %eq3A_1548, %jit3A_1549, %jit3A_1546 : i32
      %rem3A_1551 = arith.remsi %squeeze3A_1545, %select_n3A_1550 : i32
      %ne3A_1552 = arith.constant 0 : i32
      %ne3A_1553 = arith.cmpi ne, %rem3A_1551, %ne3A_1552 : i32
      %lt3A_1554 = arith.constant 0 : i32
      %lt3A_1555 = arith.cmpi slt, %rem3A_1551, %lt3A_1554 : i32
      %lt3A_1556 = arith.constant 0 : i32
      %lt3A_1557 = arith.cmpi slt, %select_n3A_1550, %lt3A_1556 : i32
      %ne3A_1558 = arith.xori %lt3A_1555, %lt3A_1557 : i1
      %and3A_1559 = arith.andi %ne3A_1558, %ne3A_1553 : i1
      %add3A_1560 = arith.addi %rem3A_1551, %select_n3A_1550 : i32
      %select_n3A_1561 = arith.select %and3A_1559, %add3A_1560, %rem3A_1551 : i32
      %add3A_1562 = vector.broadcast %select_n3A_1561 : i32 to vector<16xi32>
      %add3A_1563 = arith.addi %broadcast_in_dim3A_1543, %add3A_1562 : vector<16xi32>
      %broadcast_in_dim3A_1564 = arith.constant 0 : i32
      %broadcast_in_dim3A_1565 = vector.broadcast %broadcast_in_dim3A_1564 : i32 to vector<16xi32>
      %slice3A_1566 = vector.extract_strided_slice %get3A_137 {offsets = [4], sizes = [1], strides = [1]} : vector<16xi32> to vector<1xi32>
      %squeeze3A_1567 = vector.extract %slice3A_1566[0] : i32 from vector<1xi32>
      %jit3A_1568 = arith.constant 128 : i32
      %eq3A_1569 = arith.constant 0 : i32
      %eq3A_1570 = arith.cmpi eq, %jit3A_1568, %eq3A_1569 : i32
      %jit3A_1571 = arith.constant 1 : i32
      %select_n3A_1572 = arith.select %eq3A_1570, %jit3A_1571, %jit3A_1568 : i32
      %rem3A_1573 = arith.remsi %squeeze3A_1567, %select_n3A_1572 : i32
      %ne3A_1574 = arith.constant 0 : i32
      %ne3A_1575 = arith.cmpi ne, %rem3A_1573, %ne3A_1574 : i32
      %lt3A_1576 = arith.constant 0 : i32
      %lt3A_1577 = arith.cmpi slt, %rem3A_1573, %lt3A_1576 : i32
      %lt3A_1578 = arith.constant 0 : i32
      %lt3A_1579 = arith.cmpi slt, %select_n3A_1572, %lt3A_1578 : i32
      %ne3A_1580 = arith.xori %lt3A_1577, %lt3A_1579 : i1
      %and3A_1581 = arith.andi %ne3A_1580, %ne3A_1575 : i1
      %add3A_1582 = arith.addi %rem3A_1573, %select_n3A_1572 : i32
      %select_n3A_1583 = arith.select %and3A_1581, %add3A_1582, %rem3A_1573 : i32
      %add3A_1584 = vector.broadcast %select_n3A_1583 : i32 to vector<16xi32>
      %add3A_1585 = arith.addi %broadcast_in_dim3A_1565, %add3A_1584 : vector<16xi32>
      %gather3A_1586 = arith.constant 0 : i32
      %gather3A_1587 = arith.constant 0 : i32
      %gather3A_1588 = arith.constant 0 : i32
      %gather3A_1589 = tpu.memref_slice %arg9[%gather3A_1586, %gather3A_1587, %gather3A_1588] : memref<4x64x128xf32, #tpu.memory_space<vmem>> -> memref<1x64x128xf32, #tpu.memory_space<vmem>>
      %gather3A_1590 = tpu.memref_squeeze %gather3A_1589 : memref<1x64x128xf32, #tpu.memory_space<vmem>> -> memref<64x128xf32, #tpu.memory_space<vmem>>
      %gather3A_1591 = tpu.vector_load_idx %gather3A_1590[%add3A_30, %add3A_1563] : memref<64x128xf32, #tpu.memory_space<vmem>>[vector<16xi32>, vector<16xi32>], vector<16xf32>,
      %gather3A_1592 = arith.constant 0 : i32
      %gather3A_1593 = arith.constant 0 : i32
      %gather3A_1594 = arith.constant 0 : i32
      %gather3A_1595 = tpu.memref_slice %arg10[%gather3A_1592, %gather3A_1593, %gather3A_1594] : memref<4x64x128xf32, #tpu.memory_space<vmem>> -> memref<1x64x128xf32, #tpu.memory_space<vmem>>
      %gather3A_1596 = tpu.memref_squeeze %gather3A_1595 : memref<1x64x128xf32, #tpu.memory_space<vmem>> -> memref<64x128xf32, #tpu.memory_space<vmem>>
      %gather3A_1597 = tpu.vector_load_idx %gather3A_1596[%add3A_30, %add3A_1585] : memref<64x128xf32, #tpu.memory_space<vmem>>[vector<16xi32>, vector<16xi32>], vector<16xf32>,
      %max3A_1598 = arith.constant 0.000000e+00 : f32
      %max3A_1599 = vector.broadcast %max3A_1598 : f32 to vector<16xf32>
      %max3A_1600 = arith.maximumf %gather3A_1591, %max3A_1599 : vector<16xf32>
      %max3A_1601 = arith.constant 0.000000e+00 : f32
      %max3A_1602 = vector.broadcast %max3A_1601 : f32 to vector<16xf32>
      %max3A_1603 = arith.maximumf %gather3A_1597, %max3A_1602 : vector<16xf32>
      %mul3A_1604 = arith.mulf %max3A_1600, %max3A_1603 : vector<16xf32>
      %add3A_1605 = arith.addf %broadcast_in_dim3A_50, %mul3A_1604 : vector<16xf32>
      %gather3A_1606 = arith.constant 0 : i32
      %gather3A_1607 = arith.constant 0 : i32
      %gather3A_1608 = arith.constant 0 : i32
      %gather3A_1609 = tpu.memref_slice %arg9[%gather3A_1606, %gather3A_1607, %gather3A_1608] : memref<4x64x128xf32, #tpu.memory_space<vmem>> -> memref<1x64x128xf32, #tpu.memory_space<vmem>>
      %gather3A_1610 = tpu.memref_squeeze %gather3A_1609 : memref<1x64x128xf32, #tpu.memory_space<vmem>> -> memref<64x128xf32, #tpu.memory_space<vmem>>
      %gather3A_1611 = tpu.vector_load_idx %gather3A_1610[%add3A_36, %add3A_1563] : memref<64x128xf32, #tpu.memory_space<vmem>>[vector<16xi32>, vector<16xi32>], vector<16xf32>,
      %gather3A_1612 = arith.constant 0 : i32
      %gather3A_1613 = arith.constant 0 : i32
      %gather3A_1614 = arith.constant 0 : i32
      %gather3A_1615 = tpu.memref_slice %arg10[%gather3A_1612, %gather3A_1613, %gather3A_1614] : memref<4x64x128xf32, #tpu.memory_space<vmem>> -> memref<1x64x128xf32, #tpu.memory_space<vmem>>
      %gather3A_1616 = tpu.memref_squeeze %gather3A_1615 : memref<1x64x128xf32, #tpu.memory_space<vmem>> -> memref<64x128xf32, #tpu.memory_space<vmem>>
      %gather3A_1617 = tpu.vector_load_idx %gather3A_1616[%add3A_36, %add3A_1585] : memref<64x128xf32, #tpu.memory_space<vmem>>[vector<16xi32>, vector<16xi32>], vector<16xf32>,
      %max3A_1618 = arith.constant 0.000000e+00 : f32
      %max3A_1619 = vector.broadcast %max3A_1618 : f32 to vector<16xf32>
      %max3A_1620 = arith.maximumf %gather3A_1611, %max3A_1619 : vector<16xf32>
      %max3A_1621 = arith.constant 0.000000e+00 : f32
      %max3A_1622 = vector.broadcast %max3A_1621 : f32 to vector<16xf32>
      %max3A_1623 = arith.maximumf %gather3A_1617, %max3A_1622 : vector<16xf32>
      %mul3A_1624 = arith.mulf %max3A_1620, %max3A_1623 : vector<16xf32>
      %add3A_1625 = arith.addf %add3A_1605, %mul3A_1624 : vector<16xf32>
      %gather3A_1626 = arith.constant 0 : i32
      %gather3A_1627 = arith.constant 0 : i32
      %gather3A_1628 = arith.constant 0 : i32
      %gather3A_1629 = tpu.memref_slice %arg9[%gather3A_1626, %gather3A_1627, %gather3A_1628] : memref<4x64x128xf32, #tpu.memory_space<vmem>> -> memref<1x64x128xf32, #tpu.memory_space<vmem>>
      %gather3A_1630 = tpu.memref_squeeze %gather3A_1629 : memref<1x64x128xf32, #tpu.memory_space<vmem>> -> memref<64x128xf32, #tpu.memory_space<vmem>>
      %gather3A_1631 = tpu.vector_load_idx %gather3A_1630[%add3A_42, %add3A_1563] : memref<64x128xf32, #tpu.memory_space<vmem>>[vector<16xi32>, vector<16xi32>], vector<16xf32>,
      %gather3A_1632 = arith.constant 0 : i32
      %gather3A_1633 = arith.constant 0 : i32
      %gather3A_1634 = arith.constant 0 : i32
      %gather3A_1635 = tpu.memref_slice %arg10[%gather3A_1632, %gather3A_1633, %gather3A_1634] : memref<4x64x128xf32, #tpu.memory_space<vmem>> -> memref<1x64x128xf32, #tpu.memory_space<vmem>>
      %gather3A_1636 = tpu.memref_squeeze %gather3A_1635 : memref<1x64x128xf32, #tpu.memory_space<vmem>> -> memref<64x128xf32, #tpu.memory_space<vmem>>
      %gather3A_1637 = tpu.vector_load_idx %gather3A_1636[%add3A_42, %add3A_1585] : memref<64x128xf32, #tpu.memory_space<vmem>>[vector<16xi32>, vector<16xi32>], vector<16xf32>,
      %max3A_1638 = arith.constant 0.000000e+00 : f32
      %max3A_1639 = vector.broadcast %max3A_1638 : f32 to vector<16xf32>
      %max3A_1640 = arith.maximumf %gather3A_1631, %max3A_1639 : vector<16xf32>
      %max3A_1641 = arith.constant 0.000000e+00 : f32
      %max3A_1642 = vector.broadcast %max3A_1641 : f32 to vector<16xf32>
      %max3A_1643 = arith.maximumf %gather3A_1637, %max3A_1642 : vector<16xf32>
      %mul3A_1644 = arith.mulf %max3A_1640, %max3A_1643 : vector<16xf32>
      %add3A_1645 = arith.addf %add3A_1625, %mul3A_1644 : vector<16xf32>
      %gather3A_1646 = arith.constant 0 : i32
      %gather3A_1647 = arith.constant 0 : i32
      %gather3A_1648 = arith.constant 0 : i32
      %gather3A_1649 = tpu.memref_slice %arg9[%gather3A_1646, %gather3A_1647, %gather3A_1648] : memref<4x64x128xf32, #tpu.memory_space<vmem>> -> memref<1x64x128xf32, #tpu.memory_space<vmem>>
      %gather3A_1650 = tpu.memref_squeeze %gather3A_1649 : memref<1x64x128xf32, #tpu.memory_space<vmem>> -> memref<64x128xf32, #tpu.memory_space<vmem>>
      %gather3A_1651 = tpu.vector_load_idx %gather3A_1650[%add3A_48, %add3A_1563] : memref<64x128xf32, #tpu.memory_space<vmem>>[vector<16xi32>, vector<16xi32>], vector<16xf32>,
      %gather3A_1652 = arith.constant 0 : i32
      %gather3A_1653 = arith.constant 0 : i32
      %gather3A_1654 = arith.constant 0 : i32
      %gather3A_1655 = tpu.memref_slice %arg10[%gather3A_1652, %gather3A_1653, %gather3A_1654] : memref<4x64x128xf32, #tpu.memory_space<vmem>> -> memref<1x64x128xf32, #tpu.memory_space<vmem>>
      %gather3A_1656 = tpu.memref_squeeze %gather3A_1655 : memref<1x64x128xf32, #tpu.memory_space<vmem>> -> memref<64x128xf32, #tpu.memory_space<vmem>>
      %gather3A_1657 = tpu.vector_load_idx %gather3A_1656[%add3A_48, %add3A_1585] : memref<64x128xf32, #tpu.memory_space<vmem>>[vector<16xi32>, vector<16xi32>], vector<16xf32>,
      %max3A_1658 = arith.constant 0.000000e+00 : f32
      %max3A_1659 = vector.broadcast %max3A_1658 : f32 to vector<16xf32>
      %max3A_1660 = arith.maximumf %gather3A_1651, %max3A_1659 : vector<16xf32>
      %max3A_1661 = arith.constant 0.000000e+00 : f32
      %max3A_1662 = vector.broadcast %max3A_1661 : f32 to vector<16xf32>
      %max3A_1663 = arith.maximumf %gather3A_1657, %max3A_1662 : vector<16xf32>
      %mul3A_1664 = arith.mulf %max3A_1660, %max3A_1663 : vector<16xf32>
      %add3A_1665 = arith.addf %add3A_1645, %mul3A_1664 : vector<16xf32>
      %eq3A_1666 = arith.constant 4 : i32
      %eq3A_1667 = vector.broadcast %eq3A_1666 : i32 to vector<16xi32>
      %eq3A_1668 = arith.cmpi eq, %iota3A, %eq3A_1667 : vector<16xi32>
      %reduce_sum3A_1669 = arith.constant true
      %reduce_sum3A_1670 = vector.broadcast %reduce_sum3A_1669 : i1 to vector<16xi1>
      %reduce_sum3A_1671 = tpu.scan <sum>, %add3A_1665 masked %reduce_sum3A_1670 : vector<16xf32>, vector<16xi1> -> vector<16xf32>
      %reduce_sum3A_1672 = vector.extract %reduce_sum3A_1671[15] : f32 from vector<16xf32>
      %broadcast_in_dim3A_1673 = vector.broadcast %reduce_sum3A_1672 : f32 to vector<16xf32>
      %select_n3A_1674 = arith.select %eq3A_1668, %broadcast_in_dim3A_1673, %select_n3A_1101 : vector<16xi1>, vector<16xf32>
      %broadcast_in_dim3A_1675 = arith.constant 0 : i32
      %broadcast_in_dim3A_1676 = vector.broadcast %broadcast_in_dim3A_1675 : i32 to vector<16xi32>
      %slice3A_1677 = vector.extract_strided_slice %get3A_92 {offsets = [5], sizes = [1], strides = [1]} : vector<16xi32> to vector<1xi32>
      %squeeze3A_1678 = vector.extract %slice3A_1677[0] : i32 from vector<1xi32>
      %jit3A_1679 = arith.constant 128 : i32
      %eq3A_1680 = arith.constant 0 : i32
      %eq3A_1681 = arith.cmpi eq, %jit3A_1679, %eq3A_1680 : i32
      %jit3A_1682 = arith.constant 1 : i32
      %select_n3A_1683 = arith.select %eq3A_1681, %jit3A_1682, %jit3A_1679 : i32
      %rem3A_1684 = arith.remsi %squeeze3A_1678, %select_n3A_1683 : i32
      %ne3A_1685 = arith.constant 0 : i32
      %ne3A_1686 = arith.cmpi ne, %rem3A_1684, %ne3A_1685 : i32
      %lt3A_1687 = arith.constant 0 : i32
      %lt3A_1688 = arith.cmpi slt, %rem3A_1684, %lt3A_1687 : i32
      %lt3A_1689 = arith.constant 0 : i32
      %lt3A_1690 = arith.cmpi slt, %select_n3A_1683, %lt3A_1689 : i32
      %ne3A_1691 = arith.xori %lt3A_1688, %lt3A_1690 : i1
      %and3A_1692 = arith.andi %ne3A_1691, %ne3A_1686 : i1
      %add3A_1693 = arith.addi %rem3A_1684, %select_n3A_1683 : i32
      %select_n3A_1694 = arith.select %and3A_1692, %add3A_1693, %rem3A_1684 : i32
      %add3A_1695 = vector.broadcast %select_n3A_1694 : i32 to vector<16xi32>
      %add3A_1696 = arith.addi %broadcast_in_dim3A_1676, %add3A_1695 : vector<16xi32>
      %broadcast_in_dim3A_1697 = arith.constant 0 : i32
      %broadcast_in_dim3A_1698 = vector.broadcast %broadcast_in_dim3A_1697 : i32 to vector<16xi32>
      %slice3A_1699 = vector.extract_strided_slice %get3A_137 {offsets = [5], sizes = [1], strides = [1]} : vector<16xi32> to vector<1xi32>
      %squeeze3A_1700 = vector.extract %slice3A_1699[0] : i32 from vector<1xi32>
      %jit3A_1701 = arith.constant 128 : i32
      %eq3A_1702 = arith.constant 0 : i32
      %eq3A_1703 = arith.cmpi eq, %jit3A_1701, %eq3A_1702 : i32
      %jit3A_1704 = arith.constant 1 : i32
      %select_n3A_1705 = arith.select %eq3A_1703, %jit3A_1704, %jit3A_1701 : i32
      %rem3A_1706 = arith.remsi %squeeze3A_1700, %select_n3A_1705 : i32
      %ne3A_1707 = arith.constant 0 : i32
      %ne3A_1708 = arith.cmpi ne, %rem3A_1706, %ne3A_1707 : i32
      %lt3A_1709 = arith.constant 0 : i32
      %lt3A_1710 = arith.cmpi slt, %rem3A_1706, %lt3A_1709 : i32
      %lt3A_1711 = arith.constant 0 : i32
      %lt3A_1712 = arith.cmpi slt, %select_n3A_1705, %lt3A_1711 : i32
      %ne3A_1713 = arith.xori %lt3A_1710, %lt3A_1712 : i1
      %and3A_1714 = arith.andi %ne3A_1713, %ne3A_1708 : i1
      %add3A_1715 = arith.addi %rem3A_1706, %select_n3A_1705 : i32
      %select_n3A_1716 = arith.select %and3A_1714, %add3A_1715, %rem3A_1706 : i32
      %add3A_1717 = vector.broadcast %select_n3A_1716 : i32 to vector<16xi32>
      %add3A_1718 = arith.addi %broadcast_in_dim3A_1698, %add3A_1717 : vector<16xi32>
      %gather3A_1719 = arith.constant 1 : i32
      %gather3A_1720 = arith.constant 0 : i32
      %gather3A_1721 = arith.constant 0 : i32
      %gather3A_1722 = tpu.memref_slice %arg9[%gather3A_1719, %gather3A_1720, %gather3A_1721] : memref<4x64x128xf32, #tpu.memory_space<vmem>> -> memref<1x64x128xf32, #tpu.memory_space<vmem>>
      %gather3A_1723 = tpu.memref_squeeze %gather3A_1722 : memref<1x64x128xf32, #tpu.memory_space<vmem>> -> memref<64x128xf32, #tpu.memory_space<vmem>>
      %gather3A_1724 = tpu.vector_load_idx %gather3A_1723[%add3A_30, %add3A_1696] : memref<64x128xf32, #tpu.memory_space<vmem>>[vector<16xi32>, vector<16xi32>], vector<16xf32>,
      %gather3A_1725 = arith.constant 1 : i32
      %gather3A_1726 = arith.constant 0 : i32
      %gather3A_1727 = arith.constant 0 : i32
      %gather3A_1728 = tpu.memref_slice %arg10[%gather3A_1725, %gather3A_1726, %gather3A_1727] : memref<4x64x128xf32, #tpu.memory_space<vmem>> -> memref<1x64x128xf32, #tpu.memory_space<vmem>>
      %gather3A_1729 = tpu.memref_squeeze %gather3A_1728 : memref<1x64x128xf32, #tpu.memory_space<vmem>> -> memref<64x128xf32, #tpu.memory_space<vmem>>
      %gather3A_1730 = tpu.vector_load_idx %gather3A_1729[%add3A_30, %add3A_1718] : memref<64x128xf32, #tpu.memory_space<vmem>>[vector<16xi32>, vector<16xi32>], vector<16xf32>,
      %max3A_1731 = arith.constant 0.000000e+00 : f32
      %max3A_1732 = vector.broadcast %max3A_1731 : f32 to vector<16xf32>
      %max3A_1733 = arith.maximumf %gather3A_1724, %max3A_1732 : vector<16xf32>
      %max3A_1734 = arith.constant 0.000000e+00 : f32
      %max3A_1735 = vector.broadcast %max3A_1734 : f32 to vector<16xf32>
      %max3A_1736 = arith.maximumf %gather3A_1730, %max3A_1735 : vector<16xf32>
      %mul3A_1737 = arith.mulf %max3A_1733, %max3A_1736 : vector<16xf32>
      %add3A_1738 = arith.addf %broadcast_in_dim3A_50, %mul3A_1737 : vector<16xf32>
      %gather3A_1739 = arith.constant 1 : i32
      %gather3A_1740 = arith.constant 0 : i32
      %gather3A_1741 = arith.constant 0 : i32
      %gather3A_1742 = tpu.memref_slice %arg9[%gather3A_1739, %gather3A_1740, %gather3A_1741] : memref<4x64x128xf32, #tpu.memory_space<vmem>> -> memref<1x64x128xf32, #tpu.memory_space<vmem>>
      %gather3A_1743 = tpu.memref_squeeze %gather3A_1742 : memref<1x64x128xf32, #tpu.memory_space<vmem>> -> memref<64x128xf32, #tpu.memory_space<vmem>>
      %gather3A_1744 = tpu.vector_load_idx %gather3A_1743[%add3A_36, %add3A_1696] : memref<64x128xf32, #tpu.memory_space<vmem>>[vector<16xi32>, vector<16xi32>], vector<16xf32>,
      %gather3A_1745 = arith.constant 1 : i32
      %gather3A_1746 = arith.constant 0 : i32
      %gather3A_1747 = arith.constant 0 : i32
      %gather3A_1748 = tpu.memref_slice %arg10[%gather3A_1745, %gather3A_1746, %gather3A_1747] : memref<4x64x128xf32, #tpu.memory_space<vmem>> -> memref<1x64x128xf32, #tpu.memory_space<vmem>>
      %gather3A_1749 = tpu.memref_squeeze %gather3A_1748 : memref<1x64x128xf32, #tpu.memory_space<vmem>> -> memref<64x128xf32, #tpu.memory_space<vmem>>
      %gather3A_1750 = tpu.vector_load_idx %gather3A_1749[%add3A_36, %add3A_1718] : memref<64x128xf32, #tpu.memory_space<vmem>>[vector<16xi32>, vector<16xi32>], vector<16xf32>,
      %max3A_1751 = arith.constant 0.000000e+00 : f32
      %max3A_1752 = vector.broadcast %max3A_1751 : f32 to vector<16xf32>
      %max3A_1753 = arith.maximumf %gather3A_1744, %max3A_1752 : vector<16xf32>
      %max3A_1754 = arith.constant 0.000000e+00 : f32
      %max3A_1755 = vector.broadcast %max3A_1754 : f32 to vector<16xf32>
      %max3A_1756 = arith.maximumf %gather3A_1750, %max3A_1755 : vector<16xf32>
      %mul3A_1757 = arith.mulf %max3A_1753, %max3A_1756 : vector<16xf32>
      %add3A_1758 = arith.addf %add3A_1738, %mul3A_1757 : vector<16xf32>
      %gather3A_1759 = arith.constant 1 : i32
      %gather3A_1760 = arith.constant 0 : i32
      %gather3A_1761 = arith.constant 0 : i32
      %gather3A_1762 = tpu.memref_slice %arg9[%gather3A_1759, %gather3A_1760, %gather3A_1761] : memref<4x64x128xf32, #tpu.memory_space<vmem>> -> memref<1x64x128xf32, #tpu.memory_space<vmem>>
      %gather3A_1763 = tpu.memref_squeeze %gather3A_1762 : memref<1x64x128xf32, #tpu.memory_space<vmem>> -> memref<64x128xf32, #tpu.memory_space<vmem>>
      %gather3A_1764 = tpu.vector_load_idx %gather3A_1763[%add3A_42, %add3A_1696] : memref<64x128xf32, #tpu.memory_space<vmem>>[vector<16xi32>, vector<16xi32>], vector<16xf32>,
      %gather3A_1765 = arith.constant 1 : i32
      %gather3A_1766 = arith.constant 0 : i32
      %gather3A_1767 = arith.constant 0 : i32
      %gather3A_1768 = tpu.memref_slice %arg10[%gather3A_1765, %gather3A_1766, %gather3A_1767] : memref<4x64x128xf32, #tpu.memory_space<vmem>> -> memref<1x64x128xf32, #tpu.memory_space<vmem>>
      %gather3A_1769 = tpu.memref_squeeze %gather3A_1768 : memref<1x64x128xf32, #tpu.memory_space<vmem>> -> memref<64x128xf32, #tpu.memory_space<vmem>>
      %gather3A_1770 = tpu.vector_load_idx %gather3A_1769[%add3A_42, %add3A_1718] : memref<64x128xf32, #tpu.memory_space<vmem>>[vector<16xi32>, vector<16xi32>], vector<16xf32>,
      %max3A_1771 = arith.constant 0.000000e+00 : f32
      %max3A_1772 = vector.broadcast %max3A_1771 : f32 to vector<16xf32>
      %max3A_1773 = arith.maximumf %gather3A_1764, %max3A_1772 : vector<16xf32>
      %max3A_1774 = arith.constant 0.000000e+00 : f32
      %max3A_1775 = vector.broadcast %max3A_1774 : f32 to vector<16xf32>
      %max3A_1776 = arith.maximumf %gather3A_1770, %max3A_1775 : vector<16xf32>
      %mul3A_1777 = arith.mulf %max3A_1773, %max3A_1776 : vector<16xf32>
      %add3A_1778 = arith.addf %add3A_1758, %mul3A_1777 : vector<16xf32>
      %gather3A_1779 = arith.constant 1 : i32
      %gather3A_1780 = arith.constant 0 : i32
      %gather3A_1781 = arith.constant 0 : i32
      %gather3A_1782 = tpu.memref_slice %arg9[%gather3A_1779, %gather3A_1780, %gather3A_1781] : memref<4x64x128xf32, #tpu.memory_space<vmem>> -> memref<1x64x128xf32, #tpu.memory_space<vmem>>
      %gather3A_1783 = tpu.memref_squeeze %gather3A_1782 : memref<1x64x128xf32, #tpu.memory_space<vmem>> -> memref<64x128xf32, #tpu.memory_space<vmem>>
      %gather3A_1784 = tpu.vector_load_idx %gather3A_1783[%add3A_48, %add3A_1696] : memref<64x128xf32, #tpu.memory_space<vmem>>[vector<16xi32>, vector<16xi32>], vector<16xf32>,
      %gather3A_1785 = arith.constant 1 : i32
      %gather3A_1786 = arith.constant 0 : i32
      %gather3A_1787 = arith.constant 0 : i32
      %gather3A_1788 = tpu.memref_slice %arg10[%gather3A_1785, %gather3A_1786, %gather3A_1787] : memref<4x64x128xf32, #tpu.memory_space<vmem>> -> memref<1x64x128xf32, #tpu.memory_space<vmem>>
      %gather3A_1789 = tpu.memref_squeeze %gather3A_1788 : memref<1x64x128xf32, #tpu.memory_space<vmem>> -> memref<64x128xf32, #tpu.memory_space<vmem>>
      %gather3A_1790 = tpu.vector_load_idx %gather3A_1789[%add3A_48, %add3A_1718] : memref<64x128xf32, #tpu.memory_space<vmem>>[vector<16xi32>, vector<16xi32>], vector<16xf32>,
      %max3A_1791 = arith.constant 0.000000e+00 : f32
      %max3A_1792 = vector.broadcast %max3A_1791 : f32 to vector<16xf32>
      %max3A_1793 = arith.maximumf %gather3A_1784, %max3A_1792 : vector<16xf32>
      %max3A_1794 = arith.constant 0.000000e+00 : f32
      %max3A_1795 = vector.broadcast %max3A_1794 : f32 to vector<16xf32>
      %max3A_1796 = arith.maximumf %gather3A_1790, %max3A_1795 : vector<16xf32>
      %mul3A_1797 = arith.mulf %max3A_1793, %max3A_1796 : vector<16xf32>
      %add3A_1798 = arith.addf %add3A_1778, %mul3A_1797 : vector<16xf32>
      %eq3A_1799 = arith.constant 5 : i32
      %eq3A_1800 = vector.broadcast %eq3A_1799 : i32 to vector<16xi32>
      %eq3A_1801 = arith.cmpi eq, %iota3A, %eq3A_1800 : vector<16xi32>
      %reduce_sum3A_1802 = arith.constant true
      %reduce_sum3A_1803 = vector.broadcast %reduce_sum3A_1802 : i1 to vector<16xi1>
      %reduce_sum3A_1804 = tpu.scan <sum>, %add3A_1798 masked %reduce_sum3A_1803 : vector<16xf32>, vector<16xi1> -> vector<16xf32>
      %reduce_sum3A_1805 = vector.extract %reduce_sum3A_1804[15] : f32 from vector<16xf32>
      %broadcast_in_dim3A_1806 = vector.broadcast %reduce_sum3A_1805 : f32 to vector<16xf32>
      %select_n3A_1807 = arith.select %eq3A_1801, %broadcast_in_dim3A_1806, %select_n3A_1674 : vector<16xi1>, vector<16xf32>
      %broadcast_in_dim3A_1808 = arith.constant 0 : i32
      %broadcast_in_dim3A_1809 = vector.broadcast %broadcast_in_dim3A_1808 : i32 to vector<16xi32>
      %slice3A_1810 = vector.extract_strided_slice %get3A_92 {offsets = [6], sizes = [1], strides = [1]} : vector<16xi32> to vector<1xi32>
      %squeeze3A_1811 = vector.extract %slice3A_1810[0] : i32 from vector<1xi32>
      %jit3A_1812 = arith.constant 128 : i32
      %eq3A_1813 = arith.constant 0 : i32
      %eq3A_1814 = arith.cmpi eq, %jit3A_1812, %eq3A_1813 : i32
      %jit3A_1815 = arith.constant 1 : i32
      %select_n3A_1816 = arith.select %eq3A_1814, %jit3A_1815, %jit3A_1812 : i32
      %rem3A_1817 = arith.remsi %squeeze3A_1811, %select_n3A_1816 : i32
      %ne3A_1818 = arith.constant 0 : i32
      %ne3A_1819 = arith.cmpi ne, %rem3A_1817, %ne3A_1818 : i32
      %lt3A_1820 = arith.constant 0 : i32
      %lt3A_1821 = arith.cmpi slt, %rem3A_1817, %lt3A_1820 : i32
      %lt3A_1822 = arith.constant 0 : i32
      %lt3A_1823 = arith.cmpi slt, %select_n3A_1816, %lt3A_1822 : i32
      %ne3A_1824 = arith.xori %lt3A_1821, %lt3A_1823 : i1
      %and3A_1825 = arith.andi %ne3A_1824, %ne3A_1819 : i1
      %add3A_1826 = arith.addi %rem3A_1817, %select_n3A_1816 : i32
      %select_n3A_1827 = arith.select %and3A_1825, %add3A_1826, %rem3A_1817 : i32
      %add3A_1828 = vector.broadcast %select_n3A_1827 : i32 to vector<16xi32>
      %add3A_1829 = arith.addi %broadcast_in_dim3A_1809, %add3A_1828 : vector<16xi32>
      %broadcast_in_dim3A_1830 = arith.constant 0 : i32
      %broadcast_in_dim3A_1831 = vector.broadcast %broadcast_in_dim3A_1830 : i32 to vector<16xi32>
      %slice3A_1832 = vector.extract_strided_slice %get3A_137 {offsets = [6], sizes = [1], strides = [1]} : vector<16xi32> to vector<1xi32>
      %squeeze3A_1833 = vector.extract %slice3A_1832[0] : i32 from vector<1xi32>
      %jit3A_1834 = arith.constant 128 : i32
      %eq3A_1835 = arith.constant 0 : i32
      %eq3A_1836 = arith.cmpi eq, %jit3A_1834, %eq3A_1835 : i32
      %jit3A_1837 = arith.constant 1 : i32
      %select_n3A_1838 = arith.select %eq3A_1836, %jit3A_1837, %jit3A_1834 : i32
      %rem3A_1839 = arith.remsi %squeeze3A_1833, %select_n3A_1838 : i32
      %ne3A_1840 = arith.constant 0 : i32
      %ne3A_1841 = arith.cmpi ne, %rem3A_1839, %ne3A_1840 : i32
      %lt3A_1842 = arith.constant 0 : i32
      %lt3A_1843 = arith.cmpi slt, %rem3A_1839, %lt3A_1842 : i32
      %lt3A_1844 = arith.constant 0 : i32
      %lt3A_1845 = arith.cmpi slt, %select_n3A_1838, %lt3A_1844 : i32
      %ne3A_1846 = arith.xori %lt3A_1843, %lt3A_1845 : i1
      %and3A_1847 = arith.andi %ne3A_1846, %ne3A_1841 : i1
      %add3A_1848 = arith.addi %rem3A_1839, %select_n3A_1838 : i32
      %select_n3A_1849 = arith.select %and3A_1847, %add3A_1848, %rem3A_1839 : i32
      %add3A_1850 = vector.broadcast %select_n3A_1849 : i32 to vector<16xi32>
      %add3A_1851 = arith.addi %broadcast_in_dim3A_1831, %add3A_1850 : vector<16xi32>
      %gather3A_1852 = arith.constant 2 : i32
      %gather3A_1853 = arith.constant 0 : i32
      %gather3A_1854 = arith.constant 0 : i32
      %gather3A_1855 = tpu.memref_slice %arg9[%gather3A_1852, %gather3A_1853, %gather3A_1854] : memref<4x64x128xf32, #tpu.memory_space<vmem>> -> memref<1x64x128xf32, #tpu.memory_space<vmem>>
      %gather3A_1856 = tpu.memref_squeeze %gather3A_1855 : memref<1x64x128xf32, #tpu.memory_space<vmem>> -> memref<64x128xf32, #tpu.memory_space<vmem>>
      %gather3A_1857 = tpu.vector_load_idx %gather3A_1856[%add3A_30, %add3A_1829] : memref<64x128xf32, #tpu.memory_space<vmem>>[vector<16xi32>, vector<16xi32>], vector<16xf32>,
      %gather3A_1858 = arith.constant 2 : i32
      %gather3A_1859 = arith.constant 0 : i32
      %gather3A_1860 = arith.constant 0 : i32
      %gather3A_1861 = tpu.memref_slice %arg10[%gather3A_1858, %gather3A_1859, %gather3A_1860] : memref<4x64x128xf32, #tpu.memory_space<vmem>> -> memref<1x64x128xf32, #tpu.memory_space<vmem>>
      %gather3A_1862 = tpu.memref_squeeze %gather3A_1861 : memref<1x64x128xf32, #tpu.memory_space<vmem>> -> memref<64x128xf32, #tpu.memory_space<vmem>>
      %gather3A_1863 = tpu.vector_load_idx %gather3A_1862[%add3A_30, %add3A_1851] : memref<64x128xf32, #tpu.memory_space<vmem>>[vector<16xi32>, vector<16xi32>], vector<16xf32>,
      %max3A_1864 = arith.constant 0.000000e+00 : f32
      %max3A_1865 = vector.broadcast %max3A_1864 : f32 to vector<16xf32>
      %max3A_1866 = arith.maximumf %gather3A_1857, %max3A_1865 : vector<16xf32>
      %max3A_1867 = arith.constant 0.000000e+00 : f32
      %max3A_1868 = vector.broadcast %max3A_1867 : f32 to vector<16xf32>
      %max3A_1869 = arith.maximumf %gather3A_1863, %max3A_1868 : vector<16xf32>
      %mul3A_1870 = arith.mulf %max3A_1866, %max3A_1869 : vector<16xf32>
      %add3A_1871 = arith.addf %broadcast_in_dim3A_50, %mul3A_1870 : vector<16xf32>
      %gather3A_1872 = arith.constant 2 : i32
      %gather3A_1873 = arith.constant 0 : i32
      %gather3A_1874 = arith.constant 0 : i32
      %gather3A_1875 = tpu.memref_slice %arg9[%gather3A_1872, %gather3A_1873, %gather3A_1874] : memref<4x64x128xf32, #tpu.memory_space<vmem>> -> memref<1x64x128xf32, #tpu.memory_space<vmem>>
      %gather3A_1876 = tpu.memref_squeeze %gather3A_1875 : memref<1x64x128xf32, #tpu.memory_space<vmem>> -> memref<64x128xf32, #tpu.memory_space<vmem>>
      %gather3A_1877 = tpu.vector_load_idx %gather3A_1876[%add3A_36, %add3A_1829] : memref<64x128xf32, #tpu.memory_space<vmem>>[vector<16xi32>, vector<16xi32>], vector<16xf32>,
      %gather3A_1878 = arith.constant 2 : i32
      %gather3A_1879 = arith.constant 0 : i32
      %gather3A_1880 = arith.constant 0 : i32
      %gather3A_1881 = tpu.memref_slice %arg10[%gather3A_1878, %gather3A_1879, %gather3A_1880] : memref<4x64x128xf32, #tpu.memory_space<vmem>> -> memref<1x64x128xf32, #tpu.memory_space<vmem>>
      %gather3A_1882 = tpu.memref_squeeze %gather3A_1881 : memref<1x64x128xf32, #tpu.memory_space<vmem>> -> memref<64x128xf32, #tpu.memory_space<vmem>>
      %gather3A_1883 = tpu.vector_load_idx %gather3A_1882[%add3A_36, %add3A_1851] : memref<64x128xf32, #tpu.memory_space<vmem>>[vector<16xi32>, vector<16xi32>], vector<16xf32>,
      %max3A_1884 = arith.constant 0.000000e+00 : f32
      %max3A_1885 = vector.broadcast %max3A_1884 : f32 to vector<16xf32>
      %max3A_1886 = arith.maximumf %gather3A_1877, %max3A_1885 : vector<16xf32>
      %max3A_1887 = arith.constant 0.000000e+00 : f32
      %max3A_1888 = vector.broadcast %max3A_1887 : f32 to vector<16xf32>
      %max3A_1889 = arith.maximumf %gather3A_1883, %max3A_1888 : vector<16xf32>
      %mul3A_1890 = arith.mulf %max3A_1886, %max3A_1889 : vector<16xf32>
      %add3A_1891 = arith.addf %add3A_1871, %mul3A_1890 : vector<16xf32>
      %gather3A_1892 = arith.constant 2 : i32
      %gather3A_1893 = arith.constant 0 : i32
      %gather3A_1894 = arith.constant 0 : i32
      %gather3A_1895 = tpu.memref_slice %arg9[%gather3A_1892, %gather3A_1893, %gather3A_1894] : memref<4x64x128xf32, #tpu.memory_space<vmem>> -> memref<1x64x128xf32, #tpu.memory_space<vmem>>
      %gather3A_1896 = tpu.memref_squeeze %gather3A_1895 : memref<1x64x128xf32, #tpu.memory_space<vmem>> -> memref<64x128xf32, #tpu.memory_space<vmem>>
      %gather3A_1897 = tpu.vector_load_idx %gather3A_1896[%add3A_42, %add3A_1829] : memref<64x128xf32, #tpu.memory_space<vmem>>[vector<16xi32>, vector<16xi32>], vector<16xf32>,
      %gather3A_1898 = arith.constant 2 : i32
      %gather3A_1899 = arith.constant 0 : i32
      %gather3A_1900 = arith.constant 0 : i32
      %gather3A_1901 = tpu.memref_slice %arg10[%gather3A_1898, %gather3A_1899, %gather3A_1900] : memref<4x64x128xf32, #tpu.memory_space<vmem>> -> memref<1x64x128xf32, #tpu.memory_space<vmem>>
      %gather3A_1902 = tpu.memref_squeeze %gather3A_1901 : memref<1x64x128xf32, #tpu.memory_space<vmem>> -> memref<64x128xf32, #tpu.memory_space<vmem>>
      %gather3A_1903 = tpu.vector_load_idx %gather3A_1902[%add3A_42, %add3A_1851] : memref<64x128xf32, #tpu.memory_space<vmem>>[vector<16xi32>, vector<16xi32>], vector<16xf32>,
      %max3A_1904 = arith.constant 0.000000e+00 : f32
      %max3A_1905 = vector.broadcast %max3A_1904 : f32 to vector<16xf32>
      %max3A_1906 = arith.maximumf %gather3A_1897, %max3A_1905 : vector<16xf32>
      %max3A_1907 = arith.constant 0.000000e+00 : f32
      %max3A_1908 = vector.broadcast %max3A_1907 : f32 to vector<16xf32>
      %max3A_1909 = arith.maximumf %gather3A_1903, %max3A_1908 : vector<16xf32>
      %mul3A_1910 = arith.mulf %max3A_1906, %max3A_1909 : vector<16xf32>
      %add3A_1911 = arith.addf %add3A_1891, %mul3A_1910 : vector<16xf32>
      %gather3A_1912 = arith.constant 2 : i32
      %gather3A_1913 = arith.constant 0 : i32
      %gather3A_1914 = arith.constant 0 : i32
      %gather3A_1915 = tpu.memref_slice %arg9[%gather3A_1912, %gather3A_1913, %gather3A_1914] : memref<4x64x128xf32, #tpu.memory_space<vmem>> -> memref<1x64x128xf32, #tpu.memory_space<vmem>>
      %gather3A_1916 = tpu.memref_squeeze %gather3A_1915 : memref<1x64x128xf32, #tpu.memory_space<vmem>> -> memref<64x128xf32, #tpu.memory_space<vmem>>
      %gather3A_1917 = tpu.vector_load_idx %gather3A_1916[%add3A_48, %add3A_1829] : memref<64x128xf32, #tpu.memory_space<vmem>>[vector<16xi32>, vector<16xi32>], vector<16xf32>,
      %gather3A_1918 = arith.constant 2 : i32
      %gather3A_1919 = arith.constant 0 : i32
      %gather3A_1920 = arith.constant 0 : i32
      %gather3A_1921 = tpu.memref_slice %arg10[%gather3A_1918, %gather3A_1919, %gather3A_1920] : memref<4x64x128xf32, #tpu.memory_space<vmem>> -> memref<1x64x128xf32, #tpu.memory_space<vmem>>
      %gather3A_1922 = tpu.memref_squeeze %gather3A_1921 : memref<1x64x128xf32, #tpu.memory_space<vmem>> -> memref<64x128xf32, #tpu.memory_space<vmem>>
      %gather3A_1923 = tpu.vector_load_idx %gather3A_1922[%add3A_48, %add3A_1851] : memref<64x128xf32, #tpu.memory_space<vmem>>[vector<16xi32>, vector<16xi32>], vector<16xf32>,
      %max3A_1924 = arith.constant 0.000000e+00 : f32
      %max3A_1925 = vector.broadcast %max3A_1924 : f32 to vector<16xf32>
      %max3A_1926 = arith.maximumf %gather3A_1917, %max3A_1925 : vector<16xf32>
      %max3A_1927 = arith.constant 0.000000e+00 : f32
      %max3A_1928 = vector.broadcast %max3A_1927 : f32 to vector<16xf32>
      %max3A_1929 = arith.maximumf %gather3A_1923, %max3A_1928 : vector<16xf32>
      %mul3A_1930 = arith.mulf %max3A_1926, %max3A_1929 : vector<16xf32>
      %add3A_1931 = arith.addf %add3A_1911, %mul3A_1930 : vector<16xf32>
      %eq3A_1932 = arith.constant 6 : i32
      %eq3A_1933 = vector.broadcast %eq3A_1932 : i32 to vector<16xi32>
      %eq3A_1934 = arith.cmpi eq, %iota3A, %eq3A_1933 : vector<16xi32>
      %reduce_sum3A_1935 = arith.constant true
      %reduce_sum3A_1936 = vector.broadcast %reduce_sum3A_1935 : i1 to vector<16xi1>
      %reduce_sum3A_1937 = tpu.scan <sum>, %add3A_1931 masked %reduce_sum3A_1936 : vector<16xf32>, vector<16xi1> -> vector<16xf32>
      %reduce_sum3A_1938 = vector.extract %reduce_sum3A_1937[15] : f32 from vector<16xf32>
      %broadcast_in_dim3A_1939 = vector.broadcast %reduce_sum3A_1938 : f32 to vector<16xf32>
      %select_n3A_1940 = arith.select %eq3A_1934, %broadcast_in_dim3A_1939, %select_n3A_1807 : vector<16xi1>, vector<16xf32>
      %broadcast_in_dim3A_1941 = arith.constant 0 : i32
      %broadcast_in_dim3A_1942 = vector.broadcast %broadcast_in_dim3A_1941 : i32 to vector<16xi32>
      %slice3A_1943 = vector.extract_strided_slice %get3A_92 {offsets = [7], sizes = [1], strides = [1]} : vector<16xi32> to vector<1xi32>
      %squeeze3A_1944 = vector.extract %slice3A_1943[0] : i32 from vector<1xi32>
      %jit3A_1945 = arith.constant 128 : i32
      %eq3A_1946 = arith.constant 0 : i32
      %eq3A_1947 = arith.cmpi eq, %jit3A_1945, %eq3A_1946 : i32
      %jit3A_1948 = arith.constant 1 : i32
      %select_n3A_1949 = arith.select %eq3A_1947, %jit3A_1948, %jit3A_1945 : i32
      %rem3A_1950 = arith.remsi %squeeze3A_1944, %select_n3A_1949 : i32
      %ne3A_1951 = arith.constant 0 : i32
      %ne3A_1952 = arith.cmpi ne, %rem3A_1950, %ne3A_1951 : i32
      %lt3A_1953 = arith.constant 0 : i32
      %lt3A_1954 = arith.cmpi slt, %rem3A_1950, %lt3A_1953 : i32
      %lt3A_1955 = arith.constant 0 : i32
      %lt3A_1956 = arith.cmpi slt, %select_n3A_1949, %lt3A_1955 : i32
      %ne3A_1957 = arith.xori %lt3A_1954, %lt3A_1956 : i1
      %and3A_1958 = arith.andi %ne3A_1957, %ne3A_1952 : i1
      %add3A_1959 = arith.addi %rem3A_1950, %select_n3A_1949 : i32
      %select_n3A_1960 = arith.select %and3A_1958, %add3A_1959, %rem3A_1950 : i32
      %add3A_1961 = vector.broadcast %select_n3A_1960 : i32 to vector<16xi32>
      %add3A_1962 = arith.addi %broadcast_in_dim3A_1942, %add3A_1961 : vector<16xi32>
      %broadcast_in_dim3A_1963 = arith.constant 0 : i32
      %broadcast_in_dim3A_1964 = vector.broadcast %broadcast_in_dim3A_1963 : i32 to vector<16xi32>
      %slice3A_1965 = vector.extract_strided_slice %get3A_137 {offsets = [7], sizes = [1], strides = [1]} : vector<16xi32> to vector<1xi32>
      %squeeze3A_1966 = vector.extract %slice3A_1965[0] : i32 from vector<1xi32>
      %jit3A_1967 = arith.constant 128 : i32
      %eq3A_1968 = arith.constant 0 : i32
      %eq3A_1969 = arith.cmpi eq, %jit3A_1967, %eq3A_1968 : i32
      %jit3A_1970 = arith.constant 1 : i32
      %select_n3A_1971 = arith.select %eq3A_1969, %jit3A_1970, %jit3A_1967 : i32
      %rem3A_1972 = arith.remsi %squeeze3A_1966, %select_n3A_1971 : i32
      %ne3A_1973 = arith.constant 0 : i32
      %ne3A_1974 = arith.cmpi ne, %rem3A_1972, %ne3A_1973 : i32
      %lt3A_1975 = arith.constant 0 : i32
      %lt3A_1976 = arith.cmpi slt, %rem3A_1972, %lt3A_1975 : i32
      %lt3A_1977 = arith.constant 0 : i32
      %lt3A_1978 = arith.cmpi slt, %select_n3A_1971, %lt3A_1977 : i32
      %ne3A_1979 = arith.xori %lt3A_1976, %lt3A_1978 : i1
      %and3A_1980 = arith.andi %ne3A_1979, %ne3A_1974 : i1
      %add3A_1981 = arith.addi %rem3A_1972, %select_n3A_1971 : i32
      %select_n3A_1982 = arith.select %and3A_1980, %add3A_1981, %rem3A_1972 : i32
      %add3A_1983 = vector.broadcast %select_n3A_1982 : i32 to vector<16xi32>
      %add3A_1984 = arith.addi %broadcast_in_dim3A_1964, %add3A_1983 : vector<16xi32>
      %gather3A_1985 = arith.constant 3 : i32
      %gather3A_1986 = arith.constant 0 : i32
      %gather3A_1987 = arith.constant 0 : i32
      %gather3A_1988 = tpu.memref_slice %arg9[%gather3A_1985, %gather3A_1986, %gather3A_1987] : memref<4x64x128xf32, #tpu.memory_space<vmem>> -> memref<1x64x128xf32, #tpu.memory_space<vmem>>
      %gather3A_1989 = tpu.memref_squeeze %gather3A_1988 : memref<1x64x128xf32, #tpu.memory_space<vmem>> -> memref<64x128xf32, #tpu.memory_space<vmem>>
      %gather3A_1990 = tpu.vector_load_idx %gather3A_1989[%add3A_30, %add3A_1962] : memref<64x128xf32, #tpu.memory_space<vmem>>[vector<16xi32>, vector<16xi32>], vector<16xf32>,
      %gather3A_1991 = arith.constant 3 : i32
      %gather3A_1992 = arith.constant 0 : i32
      %gather3A_1993 = arith.constant 0 : i32
      %gather3A_1994 = tpu.memref_slice %arg10[%gather3A_1991, %gather3A_1992, %gather3A_1993] : memref<4x64x128xf32, #tpu.memory_space<vmem>> -> memref<1x64x128xf32, #tpu.memory_space<vmem>>
      %gather3A_1995 = tpu.memref_squeeze %gather3A_1994 : memref<1x64x128xf32, #tpu.memory_space<vmem>> -> memref<64x128xf32, #tpu.memory_space<vmem>>
      %gather3A_1996 = tpu.vector_load_idx %gather3A_1995[%add3A_30, %add3A_1984] : memref<64x128xf32, #tpu.memory_space<vmem>>[vector<16xi32>, vector<16xi32>], vector<16xf32>,
      %max3A_1997 = arith.constant 0.000000e+00 : f32
      %max3A_1998 = vector.broadcast %max3A_1997 : f32 to vector<16xf32>
      %max3A_1999 = arith.maximumf %gather3A_1990, %max3A_1998 : vector<16xf32>
      %max3A_2000 = arith.constant 0.000000e+00 : f32
      %max3A_2001 = vector.broadcast %max3A_2000 : f32 to vector<16xf32>
      %max3A_2002 = arith.maximumf %gather3A_1996, %max3A_2001 : vector<16xf32>
      %mul3A_2003 = arith.mulf %max3A_1999, %max3A_2002 : vector<16xf32>
      %add3A_2004 = arith.addf %broadcast_in_dim3A_50, %mul3A_2003 : vector<16xf32>
      %gather3A_2005 = arith.constant 3 : i32
      %gather3A_2006 = arith.constant 0 : i32
      %gather3A_2007 = arith.constant 0 : i32
      %gather3A_2008 = tpu.memref_slice %arg9[%gather3A_2005, %gather3A_2006, %gather3A_2007] : memref<4x64x128xf32, #tpu.memory_space<vmem>> -> memref<1x64x128xf32, #tpu.memory_space<vmem>>
      %gather3A_2009 = tpu.memref_squeeze %gather3A_2008 : memref<1x64x128xf32, #tpu.memory_space<vmem>> -> memref<64x128xf32, #tpu.memory_space<vmem>>
      %gather3A_2010 = tpu.vector_load_idx %gather3A_2009[%add3A_36, %add3A_1962] : memref<64x128xf32, #tpu.memory_space<vmem>>[vector<16xi32>, vector<16xi32>], vector<16xf32>,
      %gather3A_2011 = arith.constant 3 : i32
      %gather3A_2012 = arith.constant 0 : i32
      %gather3A_2013 = arith.constant 0 : i32
      %gather3A_2014 = tpu.memref_slice %arg10[%gather3A_2011, %gather3A_2012, %gather3A_2013] : memref<4x64x128xf32, #tpu.memory_space<vmem>> -> memref<1x64x128xf32, #tpu.memory_space<vmem>>
      %gather3A_2015 = tpu.memref_squeeze %gather3A_2014 : memref<1x64x128xf32, #tpu.memory_space<vmem>> -> memref<64x128xf32, #tpu.memory_space<vmem>>
      %gather3A_2016 = tpu.vector_load_idx %gather3A_2015[%add3A_36, %add3A_1984] : memref<64x128xf32, #tpu.memory_space<vmem>>[vector<16xi32>, vector<16xi32>], vector<16xf32>,
      %max3A_2017 = arith.constant 0.000000e+00 : f32
      %max3A_2018 = vector.broadcast %max3A_2017 : f32 to vector<16xf32>
      %max3A_2019 = arith.maximumf %gather3A_2010, %max3A_2018 : vector<16xf32>
      %max3A_2020 = arith.constant 0.000000e+00 : f32
      %max3A_2021 = vector.broadcast %max3A_2020 : f32 to vector<16xf32>
      %max3A_2022 = arith.maximumf %gather3A_2016, %max3A_2021 : vector<16xf32>
      %mul3A_2023 = arith.mulf %max3A_2019, %max3A_2022 : vector<16xf32>
      %add3A_2024 = arith.addf %add3A_2004, %mul3A_2023 : vector<16xf32>
      %gather3A_2025 = arith.constant 3 : i32
      %gather3A_2026 = arith.constant 0 : i32
      %gather3A_2027 = arith.constant 0 : i32
      %gather3A_2028 = tpu.memref_slice %arg9[%gather3A_2025, %gather3A_2026, %gather3A_2027] : memref<4x64x128xf32, #tpu.memory_space<vmem>> -> memref<1x64x128xf32, #tpu.memory_space<vmem>>
      %gather3A_2029 = tpu.memref_squeeze %gather3A_2028 : memref<1x64x128xf32, #tpu.memory_space<vmem>> -> memref<64x128xf32, #tpu.memory_space<vmem>>
      %gather3A_2030 = tpu.vector_load_idx %gather3A_2029[%add3A_42, %add3A_1962] : memref<64x128xf32, #tpu.memory_space<vmem>>[vector<16xi32>, vector<16xi32>], vector<16xf32>,
      %gather3A_2031 = arith.constant 3 : i32
      %gather3A_2032 = arith.constant 0 : i32
      %gather3A_2033 = arith.constant 0 : i32
      %gather3A_2034 = tpu.memref_slice %arg10[%gather3A_2031, %gather3A_2032, %gather3A_2033] : memref<4x64x128xf32, #tpu.memory_space<vmem>> -> memref<1x64x128xf32, #tpu.memory_space<vmem>>
      %gather3A_2035 = tpu.memref_squeeze %gather3A_2034 : memref<1x64x128xf32, #tpu.memory_space<vmem>> -> memref<64x128xf32, #tpu.memory_space<vmem>>
      %gather3A_2036 = tpu.vector_load_idx %gather3A_2035[%add3A_42, %add3A_1984] : memref<64x128xf32, #tpu.memory_space<vmem>>[vector<16xi32>, vector<16xi32>], vector<16xf32>,
      %max3A_2037 = arith.constant 0.000000e+00 : f32
      %max3A_2038 = vector.broadcast %max3A_2037 : f32 to vector<16xf32>
      %max3A_2039 = arith.maximumf %gather3A_2030, %max3A_2038 : vector<16xf32>
      %max3A_2040 = arith.constant 0.000000e+00 : f32
      %max3A_2041 = vector.broadcast %max3A_2040 : f32 to vector<16xf32>
      %max3A_2042 = arith.maximumf %gather3A_2036, %max3A_2041 : vector<16xf32>
      %mul3A_2043 = arith.mulf %max3A_2039, %max3A_2042 : vector<16xf32>
      %add3A_2044 = arith.addf %add3A_2024, %mul3A_2043 : vector<16xf32>
      %gather3A_2045 = arith.constant 3 : i32
      %gather3A_2046 = arith.constant 0 : i32
      %gather3A_2047 = arith.constant 0 : i32
      %gather3A_2048 = tpu.memref_slice %arg9[%gather3A_2045, %gather3A_2046, %gather3A_2047] : memref<4x64x128xf32, #tpu.memory_space<vmem>> -> memref<1x64x128xf32, #tpu.memory_space<vmem>>
      %gather3A_2049 = tpu.memref_squeeze %gather3A_2048 : memref<1x64x128xf32, #tpu.memory_space<vmem>> -> memref<64x128xf32, #tpu.memory_space<vmem>>
      %gather3A_2050 = tpu.vector_load_idx %gather3A_2049[%add3A_48, %add3A_1962] : memref<64x128xf32, #tpu.memory_space<vmem>>[vector<16xi32>, vector<16xi32>], vector<16xf32>,
      %gather3A_2051 = arith.constant 3 : i32
      %gather3A_2052 = arith.constant 0 : i32
      %gather3A_2053 = arith.constant 0 : i32
      %gather3A_2054 = tpu.memref_slice %arg10[%gather3A_2051, %gather3A_2052, %gather3A_2053] : memref<4x64x128xf32, #tpu.memory_space<vmem>> -> memref<1x64x128xf32, #tpu.memory_space<vmem>>
      %gather3A_2055 = tpu.memref_squeeze %gather3A_2054 : memref<1x64x128xf32, #tpu.memory_space<vmem>> -> memref<64x128xf32, #tpu.memory_space<vmem>>
      %gather3A_2056 = tpu.vector_load_idx %gather3A_2055[%add3A_48, %add3A_1984] : memref<64x128xf32, #tpu.memory_space<vmem>>[vector<16xi32>, vector<16xi32>], vector<16xf32>,
      %max3A_2057 = arith.constant 0.000000e+00 : f32
      %max3A_2058 = vector.broadcast %max3A_2057 : f32 to vector<16xf32>
      %max3A_2059 = arith.maximumf %gather3A_2050, %max3A_2058 : vector<16xf32>
      %max3A_2060 = arith.constant 0.000000e+00 : f32
      %max3A_2061 = vector.broadcast %max3A_2060 : f32 to vector<16xf32>
      %max3A_2062 = arith.maximumf %gather3A_2056, %max3A_2061 : vector<16xf32>
      %mul3A_2063 = arith.mulf %max3A_2059, %max3A_2062 : vector<16xf32>
      %add3A_2064 = arith.addf %add3A_2044, %mul3A_2063 : vector<16xf32>
      %eq3A_2065 = arith.constant 7 : i32
      %eq3A_2066 = vector.broadcast %eq3A_2065 : i32 to vector<16xi32>
      %eq3A_2067 = arith.cmpi eq, %iota3A, %eq3A_2066 : vector<16xi32>
      %reduce_sum3A_2068 = arith.constant true
      %reduce_sum3A_2069 = vector.broadcast %reduce_sum3A_2068 : i1 to vector<16xi1>
      %reduce_sum3A_2070 = tpu.scan <sum>, %add3A_2064 masked %reduce_sum3A_2069 : vector<16xf32>, vector<16xi1> -> vector<16xf32>
      %reduce_sum3A_2071 = vector.extract %reduce_sum3A_2070[15] : f32 from vector<16xf32>
      %broadcast_in_dim3A_2072 = vector.broadcast %reduce_sum3A_2071 : f32 to vector<16xf32>
      %select_n3A_2073 = arith.select %eq3A_2067, %broadcast_in_dim3A_2072, %select_n3A_1940 : vector<16xi1>, vector<16xf32>
      %slice3A_2074 = vector.extract_strided_slice %get3A_92 {offsets = [8], sizes = [1], strides = [1]} : vector<16xi32> to vector<1xi32>
      %squeeze3A_2075 = vector.extract %slice3A_2074[0] : i32 from vector<1xi32>
      %slice3A_2076 = vector.extract_strided_slice %get3A_137 {offsets = [8], sizes = [1], strides = [1]} : vector<16xi32> to vector<1xi32>
      %squeeze3A_2077 = vector.extract %slice3A_2076[0] : i32 from vector<1xi32>
      %jit3A_2078 = arith.constant 128 : i32
      %div3A_2079 = arith.divsi %squeeze3A_2075, %jit3A_2078 : i32
      %sign3A_2080 = arith.constant 0 : i32
      %sign3A_2081 = arith.cmpi sgt, %squeeze3A_2075, %sign3A_2080 : i32
      %sign3A_2082 = arith.extui %sign3A_2081 : i1 to i32
      %sign3A_2083 = arith.constant 0 : i32
      %sign3A_2084 = arith.cmpi slt, %squeeze3A_2075, %sign3A_2083 : i32
      %sign3A_2085 = arith.extui %sign3A_2084 : i1 to i32
      %sign3A_2086 = arith.subi %sign3A_2082, %sign3A_2085 : i32
      %sign3A_2087 = arith.constant 0 : i32
      %sign3A_2088 = arith.cmpi sgt, %jit3A_2078, %sign3A_2087 : i32
      %sign3A_2089 = arith.extui %sign3A_2088 : i1 to i32
      %sign3A_2090 = arith.constant 0 : i32
      %sign3A_2091 = arith.cmpi slt, %jit3A_2078, %sign3A_2090 : i32
      %sign3A_2092 = arith.extui %sign3A_2091 : i1 to i32
      %sign3A_2093 = arith.subi %sign3A_2089, %sign3A_2092 : i32
      %ne3A_2094 = arith.cmpi ne, %sign3A_2086, %sign3A_2093 : i32
      %rem3A_2095 = arith.remsi %squeeze3A_2075, %jit3A_2078 : i32
      %ne3A_2096 = arith.constant 0 : i32
      %ne3A_2097 = arith.cmpi ne, %rem3A_2095, %ne3A_2096 : i32
      %and3A_2098 = arith.andi %ne3A_2094, %ne3A_2097 : i1
      %sub3A_2099 = arith.constant 1 : i32
      %sub3A_2100 = arith.subi %div3A_2079, %sub3A_2099 : i32
      %select_n3A_2101 = arith.select %and3A_2098, %sub3A_2100, %div3A_2079 : i32
      %mul3A_2102 = arith.constant 128 : i32
      %mul3A_2103 = arith.muli %select_n3A_2101, %mul3A_2102 : i32
      %multiple_of3A_2104 = tpu.assume_multiple %mul3A_2103, 128 : i32
      %dma_start3A_2105 = arith.constant 0 : i32
      %dma_start3A_2106 = arith.constant 0 : i32
      %dma_start3A_2107 = arith.constant 0 : i32
      %dma_start3A_2108 = tpu.memref_slice %arg9[%dma_start3A_2105, %dma_start3A_2106, %dma_start3A_2107] : memref<4x64x128xf32, #tpu.memory_space<vmem>> -> memref<1x64x128xf32, #tpu.memory_space<vmem>>
      %dma_start3A_2109 = tpu.memref_squeeze %dma_start3A_2108 : memref<1x64x128xf32, #tpu.memory_space<vmem>> -> memref<64x128xf32, #tpu.memory_space<vmem>>
      %dma_start3A_2110 = arith.constant 0 : i32
      %dma_start3A_2111 = tpu.memref_slice %arg4[%dma_start3A_2110, %multiple_of3A_2104] : memref<64x1000000xf32, #tpu.memory_space<hbm>> -> memref<64x128xf32, #tpu.memory_space<hbm>>
      %dma_start3A_2112 = arith.constant 0 : i32
      %dma_start3A_2113 = arith.constant 0 : i32
      %dma_start3A_2114 = tpu.memref_slice %arg9[%dma_start3A_2105, %dma_start3A_2112, %dma_start3A_2113] : memref<4x64x128xf32, #tpu.memory_space<vmem>> -> memref<1x64x128xf32, #tpu.memory_space<vmem>>
      %dma_start3A_2115 = tpu.memref_squeeze %dma_start3A_2114 : memref<1x64x128xf32, #tpu.memory_space<vmem>> -> memref<64x128xf32, #tpu.memory_space<vmem>>
      %dma_start3A_2116 = arith.constant 0 : i32
      %dma_start3A_2117 = tpu.memref_slice %arg4[%dma_start3A_2116, %multiple_of3A_2104] : memref<64x1000000xf32, #tpu.memory_space<hbm>> -> memref<64x128xf32, #tpu.memory_space<hbm>>
      tpu.enqueue_dma source(%dma_start3A_2117 : memref<64x128xf32, #tpu.memory_space<hbm>>) target(%dma_start3A_2115 : memref<64x128xf32, #tpu.memory_space<vmem>>) target_semaphore(%arg12 : memref<!tpu.dma_semaphore, #tpu.memory_space<semaphore_mem>>)
      %jit3A_2118 = arith.constant 128 : i32
      %div3A_2119 = arith.divsi %squeeze3A_2077, %jit3A_2118 : i32
      %sign3A_2120 = arith.constant 0 : i32
      %sign3A_2121 = arith.cmpi sgt, %squeeze3A_2077, %sign3A_2120 : i32
      %sign3A_2122 = arith.extui %sign3A_2121 : i1 to i32
      %sign3A_2123 = arith.constant 0 : i32
      %sign3A_2124 = arith.cmpi slt, %squeeze3A_2077, %sign3A_2123 : i32
      %sign3A_2125 = arith.extui %sign3A_2124 : i1 to i32
      %sign3A_2126 = arith.subi %sign3A_2122, %sign3A_2125 : i32
      %sign3A_2127 = arith.constant 0 : i32
      %sign3A_2128 = arith.cmpi sgt, %jit3A_2118, %sign3A_2127 : i32
      %sign3A_2129 = arith.extui %sign3A_2128 : i1 to i32
      %sign3A_2130 = arith.constant 0 : i32
      %sign3A_2131 = arith.cmpi slt, %jit3A_2118, %sign3A_2130 : i32
      %sign3A_2132 = arith.extui %sign3A_2131 : i1 to i32
      %sign3A_2133 = arith.subi %sign3A_2129, %sign3A_2132 : i32
      %ne3A_2134 = arith.cmpi ne, %sign3A_2126, %sign3A_2133 : i32
      %rem3A_2135 = arith.remsi %squeeze3A_2077, %jit3A_2118 : i32
      %ne3A_2136 = arith.constant 0 : i32
      %ne3A_2137 = arith.cmpi ne, %rem3A_2135, %ne3A_2136 : i32
      %and3A_2138 = arith.andi %ne3A_2134, %ne3A_2137 : i1
      %sub3A_2139 = arith.constant 1 : i32
      %sub3A_2140 = arith.subi %div3A_2119, %sub3A_2139 : i32
      %select_n3A_2141 = arith.select %and3A_2138, %sub3A_2140, %div3A_2119 : i32
      %mul3A_2142 = arith.constant 128 : i32
      %mul3A_2143 = arith.muli %select_n3A_2141, %mul3A_2142 : i32
      %multiple_of3A_2144 = tpu.assume_multiple %mul3A_2143, 128 : i32
      %dma_start3A_2145 = arith.constant 0 : i32
      %dma_start3A_2146 = arith.constant 0 : i32
      %dma_start3A_2147 = arith.constant 0 : i32
      %dma_start3A_2148 = tpu.memref_slice %arg10[%dma_start3A_2145, %dma_start3A_2146, %dma_start3A_2147] : memref<4x64x128xf32, #tpu.memory_space<vmem>> -> memref<1x64x128xf32, #tpu.memory_space<vmem>>
      %dma_start3A_2149 = tpu.memref_squeeze %dma_start3A_2148 : memref<1x64x128xf32, #tpu.memory_space<vmem>> -> memref<64x128xf32, #tpu.memory_space<vmem>>
      %dma_start3A_2150 = arith.constant 0 : i32
      %dma_start3A_2151 = tpu.memref_slice %arg5[%dma_start3A_2150, %multiple_of3A_2144] : memref<64x1000000xf32, #tpu.memory_space<hbm>> -> memref<64x128xf32, #tpu.memory_space<hbm>>
      %dma_start3A_2152 = arith.constant 0 : i32
      %dma_start3A_2153 = arith.constant 0 : i32
      %dma_start3A_2154 = tpu.memref_slice %arg10[%dma_start3A_2145, %dma_start3A_2152, %dma_start3A_2153] : memref<4x64x128xf32, #tpu.memory_space<vmem>> -> memref<1x64x128xf32, #tpu.memory_space<vmem>>
      %dma_start3A_2155 = tpu.memref_squeeze %dma_start3A_2154 : memref<1x64x128xf32, #tpu.memory_space<vmem>> -> memref<64x128xf32, #tpu.memory_space<vmem>>
      %dma_start3A_2156 = arith.constant 0 : i32
      %dma_start3A_2157 = tpu.memref_slice %arg5[%dma_start3A_2156, %multiple_of3A_2144] : memref<64x1000000xf32, #tpu.memory_space<hbm>> -> memref<64x128xf32, #tpu.memory_space<hbm>>
      tpu.enqueue_dma source(%dma_start3A_2157 : memref<64x128xf32, #tpu.memory_space<hbm>>) target(%dma_start3A_2155 : memref<64x128xf32, #tpu.memory_space<vmem>>) target_semaphore(%arg12 : memref<!tpu.dma_semaphore, #tpu.memory_space<semaphore_mem>>)
      %slice3A_2158 = vector.extract_strided_slice %get3A_92 {offsets = [9], sizes = [1], strides = [1]} : vector<16xi32> to vector<1xi32>
      %squeeze3A_2159 = vector.extract %slice3A_2158[0] : i32 from vector<1xi32>
      %slice3A_2160 = vector.extract_strided_slice %get3A_137 {offsets = [9], sizes = [1], strides = [1]} : vector<16xi32> to vector<1xi32>
      %squeeze3A_2161 = vector.extract %slice3A_2160[0] : i32 from vector<1xi32>
      %jit3A_2162 = arith.constant 128 : i32
      %div3A_2163 = arith.divsi %squeeze3A_2159, %jit3A_2162 : i32
      %sign3A_2164 = arith.constant 0 : i32
      %sign3A_2165 = arith.cmpi sgt, %squeeze3A_2159, %sign3A_2164 : i32
      %sign3A_2166 = arith.extui %sign3A_2165 : i1 to i32
      %sign3A_2167 = arith.constant 0 : i32
      %sign3A_2168 = arith.cmpi slt, %squeeze3A_2159, %sign3A_2167 : i32
      %sign3A_2169 = arith.extui %sign3A_2168 : i1 to i32
      %sign3A_2170 = arith.subi %sign3A_2166, %sign3A_2169 : i32
      %sign3A_2171 = arith.constant 0 : i32
      %sign3A_2172 = arith.cmpi sgt, %jit3A_2162, %sign3A_2171 : i32
      %sign3A_2173 = arith.extui %sign3A_2172 : i1 to i32
      %sign3A_2174 = arith.constant 0 : i32
      %sign3A_2175 = arith.cmpi slt, %jit3A_2162, %sign3A_2174 : i32
      %sign3A_2176 = arith.extui %sign3A_2175 : i1 to i32
      %sign3A_2177 = arith.subi %sign3A_2173, %sign3A_2176 : i32
      %ne3A_2178 = arith.cmpi ne, %sign3A_2170, %sign3A_2177 : i32
      %rem3A_2179 = arith.remsi %squeeze3A_2159, %jit3A_2162 : i32
      %ne3A_2180 = arith.constant 0 : i32
      %ne3A_2181 = arith.cmpi ne, %rem3A_2179, %ne3A_2180 : i32
      %and3A_2182 = arith.andi %ne3A_2178, %ne3A_2181 : i1
      %sub3A_2183 = arith.constant 1 : i32
      %sub3A_2184 = arith.subi %div3A_2163, %sub3A_2183 : i32
      %select_n3A_2185 = arith.select %and3A_2182, %sub3A_2184, %div3A_2163 : i32
      %mul3A_2186 = arith.constant 128 : i32
      %mul3A_2187 = arith.muli %select_n3A_2185, %mul3A_2186 : i32
      %multiple_of3A_2188 = tpu.assume_multiple %mul3A_2187, 128 : i32
      %dma_start3A_2189 = arith.constant 1 : i32
      %dma_start3A_2190 = arith.constant 0 : i32
      %dma_start3A_2191 = arith.constant 0 : i32
      %dma_start3A_2192 = tpu.memref_slice %arg9[%dma_start3A_2189, %dma_start3A_2190, %dma_start3A_2191] : memref<4x64x128xf32, #tpu.memory_space<vmem>> -> memref<1x64x128xf32, #tpu.memory_space<vmem>>
      %dma_start3A_2193 = tpu.memref_squeeze %dma_start3A_2192 : memref<1x64x128xf32, #tpu.memory_space<vmem>> -> memref<64x128xf32, #tpu.memory_space<vmem>>
      %dma_start3A_2194 = arith.constant 0 : i32
      %dma_start3A_2195 = tpu.memref_slice %arg4[%dma_start3A_2194, %multiple_of3A_2188] : memref<64x1000000xf32, #tpu.memory_space<hbm>> -> memref<64x128xf32, #tpu.memory_space<hbm>>
      %dma_start3A_2196 = arith.constant 0 : i32
      %dma_start3A_2197 = arith.constant 0 : i32
      %dma_start3A_2198 = tpu.memref_slice %arg9[%dma_start3A_2189, %dma_start3A_2196, %dma_start3A_2197] : memref<4x64x128xf32, #tpu.memory_space<vmem>> -> memref<1x64x128xf32, #tpu.memory_space<vmem>>
      %dma_start3A_2199 = tpu.memref_squeeze %dma_start3A_2198 : memref<1x64x128xf32, #tpu.memory_space<vmem>> -> memref<64x128xf32, #tpu.memory_space<vmem>>
      %dma_start3A_2200 = arith.constant 0 : i32
      %dma_start3A_2201 = tpu.memref_slice %arg4[%dma_start3A_2200, %multiple_of3A_2188] : memref<64x1000000xf32, #tpu.memory_space<hbm>> -> memref<64x128xf32, #tpu.memory_space<hbm>>
      tpu.enqueue_dma source(%dma_start3A_2201 : memref<64x128xf32, #tpu.memory_space<hbm>>) target(%dma_start3A_2199 : memref<64x128xf32, #tpu.memory_space<vmem>>) target_semaphore(%arg12 : memref<!tpu.dma_semaphore, #tpu.memory_space<semaphore_mem>>)
      %jit3A_2202 = arith.constant 128 : i32
      %div3A_2203 = arith.divsi %squeeze3A_2161, %jit3A_2202 : i32
      %sign3A_2204 = arith.constant 0 : i32
      %sign3A_2205 = arith.cmpi sgt, %squeeze3A_2161, %sign3A_2204 : i32
      %sign3A_2206 = arith.extui %sign3A_2205 : i1 to i32
      %sign3A_2207 = arith.constant 0 : i32
      %sign3A_2208 = arith.cmpi slt, %squeeze3A_2161, %sign3A_2207 : i32
      %sign3A_2209 = arith.extui %sign3A_2208 : i1 to i32
      %sign3A_2210 = arith.subi %sign3A_2206, %sign3A_2209 : i32
      %sign3A_2211 = arith.constant 0 : i32
      %sign3A_2212 = arith.cmpi sgt, %jit3A_2202, %sign3A_2211 : i32
      %sign3A_2213 = arith.extui %sign3A_2212 : i1 to i32
      %sign3A_2214 = arith.constant 0 : i32
      %sign3A_2215 = arith.cmpi slt, %jit3A_2202, %sign3A_2214 : i32
      %sign3A_2216 = arith.extui %sign3A_2215 : i1 to i32
      %sign3A_2217 = arith.subi %sign3A_2213, %sign3A_2216 : i32
      %ne3A_2218 = arith.cmpi ne, %sign3A_2210, %sign3A_2217 : i32
      %rem3A_2219 = arith.remsi %squeeze3A_2161, %jit3A_2202 : i32
      %ne3A_2220 = arith.constant 0 : i32
      %ne3A_2221 = arith.cmpi ne, %rem3A_2219, %ne3A_2220 : i32
      %and3A_2222 = arith.andi %ne3A_2218, %ne3A_2221 : i1
      %sub3A_2223 = arith.constant 1 : i32
      %sub3A_2224 = arith.subi %div3A_2203, %sub3A_2223 : i32
      %select_n3A_2225 = arith.select %and3A_2222, %sub3A_2224, %div3A_2203 : i32
      %mul3A_2226 = arith.constant 128 : i32
      %mul3A_2227 = arith.muli %select_n3A_2225, %mul3A_2226 : i32
      %multiple_of3A_2228 = tpu.assume_multiple %mul3A_2227, 128 : i32
      %dma_start3A_2229 = arith.constant 1 : i32
      %dma_start3A_2230 = arith.constant 0 : i32
      %dma_start3A_2231 = arith.constant 0 : i32
      %dma_start3A_2232 = tpu.memref_slice %arg10[%dma_start3A_2229, %dma_start3A_2230, %dma_start3A_2231] : memref<4x64x128xf32, #tpu.memory_space<vmem>> -> memref<1x64x128xf32, #tpu.memory_space<vmem>>
      %dma_start3A_2233 = tpu.memref_squeeze %dma_start3A_2232 : memref<1x64x128xf32, #tpu.memory_space<vmem>> -> memref<64x128xf32, #tpu.memory_space<vmem>>
      %dma_start3A_2234 = arith.constant 0 : i32
      %dma_start3A_2235 = tpu.memref_slice %arg5[%dma_start3A_2234, %multiple_of3A_2228] : memref<64x1000000xf32, #tpu.memory_space<hbm>> -> memref<64x128xf32, #tpu.memory_space<hbm>>
      %dma_start3A_2236 = arith.constant 0 : i32
      %dma_start3A_2237 = arith.constant 0 : i32
      %dma_start3A_2238 = tpu.memref_slice %arg10[%dma_start3A_2229, %dma_start3A_2236, %dma_start3A_2237] : memref<4x64x128xf32, #tpu.memory_space<vmem>> -> memref<1x64x128xf32, #tpu.memory_space<vmem>>
      %dma_start3A_2239 = tpu.memref_squeeze %dma_start3A_2238 : memref<1x64x128xf32, #tpu.memory_space<vmem>> -> memref<64x128xf32, #tpu.memory_space<vmem>>
      %dma_start3A_2240 = arith.constant 0 : i32
      %dma_start3A_2241 = tpu.memref_slice %arg5[%dma_start3A_2240, %multiple_of3A_2228] : memref<64x1000000xf32, #tpu.memory_space<hbm>> -> memref<64x128xf32, #tpu.memory_space<hbm>>
      tpu.enqueue_dma source(%dma_start3A_2241 : memref<64x128xf32, #tpu.memory_space<hbm>>) target(%dma_start3A_2239 : memref<64x128xf32, #tpu.memory_space<vmem>>) target_semaphore(%arg12 : memref<!tpu.dma_semaphore, #tpu.memory_space<semaphore_mem>>)
      %slice3A_2242 = vector.extract_strided_slice %get3A_92 {offsets = [10], sizes = [1], strides = [1]} : vector<16xi32> to vector<1xi32>
      %squeeze3A_2243 = vector.extract %slice3A_2242[0] : i32 from vector<1xi32>
      %slice3A_2244 = vector.extract_strided_slice %get3A_137 {offsets = [10], sizes = [1], strides = [1]} : vector<16xi32> to vector<1xi32>
      %squeeze3A_2245 = vector.extract %slice3A_2244[0] : i32 from vector<1xi32>
      %jit3A_2246 = arith.constant 128 : i32
      %div3A_2247 = arith.divsi %squeeze3A_2243, %jit3A_2246 : i32
      %sign3A_2248 = arith.constant 0 : i32
      %sign3A_2249 = arith.cmpi sgt, %squeeze3A_2243, %sign3A_2248 : i32
      %sign3A_2250 = arith.extui %sign3A_2249 : i1 to i32
      %sign3A_2251 = arith.constant 0 : i32
      %sign3A_2252 = arith.cmpi slt, %squeeze3A_2243, %sign3A_2251 : i32
      %sign3A_2253 = arith.extui %sign3A_2252 : i1 to i32
      %sign3A_2254 = arith.subi %sign3A_2250, %sign3A_2253 : i32
      %sign3A_2255 = arith.constant 0 : i32
      %sign3A_2256 = arith.cmpi sgt, %jit3A_2246, %sign3A_2255 : i32
      %sign3A_2257 = arith.extui %sign3A_2256 : i1 to i32
      %sign3A_2258 = arith.constant 0 : i32
      %sign3A_2259 = arith.cmpi slt, %jit3A_2246, %sign3A_2258 : i32
      %sign3A_2260 = arith.extui %sign3A_2259 : i1 to i32
      %sign3A_2261 = arith.subi %sign3A_2257, %sign3A_2260 : i32
      %ne3A_2262 = arith.cmpi ne, %sign3A_2254, %sign3A_2261 : i32
      %rem3A_2263 = arith.remsi %squeeze3A_2243, %jit3A_2246 : i32
      %ne3A_2264 = arith.constant 0 : i32
      %ne3A_2265 = arith.cmpi ne, %rem3A_2263, %ne3A_2264 : i32
      %and3A_2266 = arith.andi %ne3A_2262, %ne3A_2265 : i1
      %sub3A_2267 = arith.constant 1 : i32
      %sub3A_2268 = arith.subi %div3A_2247, %sub3A_2267 : i32
      %select_n3A_2269 = arith.select %and3A_2266, %sub3A_2268, %div3A_2247 : i32
      %mul3A_2270 = arith.constant 128 : i32
      %mul3A_2271 = arith.muli %select_n3A_2269, %mul3A_2270 : i32
      %multiple_of3A_2272 = tpu.assume_multiple %mul3A_2271, 128 : i32
      %dma_start3A_2273 = arith.constant 2 : i32
      %dma_start3A_2274 = arith.constant 0 : i32
      %dma_start3A_2275 = arith.constant 0 : i32
      %dma_start3A_2276 = tpu.memref_slice %arg9[%dma_start3A_2273, %dma_start3A_2274, %dma_start3A_2275] : memref<4x64x128xf32, #tpu.memory_space<vmem>> -> memref<1x64x128xf32, #tpu.memory_space<vmem>>
      %dma_start3A_2277 = tpu.memref_squeeze %dma_start3A_2276 : memref<1x64x128xf32, #tpu.memory_space<vmem>> -> memref<64x128xf32, #tpu.memory_space<vmem>>
      %dma_start3A_2278 = arith.constant 0 : i32
      %dma_start3A_2279 = tpu.memref_slice %arg4[%dma_start3A_2278, %multiple_of3A_2272] : memref<64x1000000xf32, #tpu.memory_space<hbm>> -> memref<64x128xf32, #tpu.memory_space<hbm>>
      %dma_start3A_2280 = arith.constant 0 : i32
      %dma_start3A_2281 = arith.constant 0 : i32
      %dma_start3A_2282 = tpu.memref_slice %arg9[%dma_start3A_2273, %dma_start3A_2280, %dma_start3A_2281] : memref<4x64x128xf32, #tpu.memory_space<vmem>> -> memref<1x64x128xf32, #tpu.memory_space<vmem>>
      %dma_start3A_2283 = tpu.memref_squeeze %dma_start3A_2282 : memref<1x64x128xf32, #tpu.memory_space<vmem>> -> memref<64x128xf32, #tpu.memory_space<vmem>>
      %dma_start3A_2284 = arith.constant 0 : i32
      %dma_start3A_2285 = tpu.memref_slice %arg4[%dma_start3A_2284, %multiple_of3A_2272] : memref<64x1000000xf32, #tpu.memory_space<hbm>> -> memref<64x128xf32, #tpu.memory_space<hbm>>
      tpu.enqueue_dma source(%dma_start3A_2285 : memref<64x128xf32, #tpu.memory_space<hbm>>) target(%dma_start3A_2283 : memref<64x128xf32, #tpu.memory_space<vmem>>) target_semaphore(%arg12 : memref<!tpu.dma_semaphore, #tpu.memory_space<semaphore_mem>>)
      %jit3A_2286 = arith.constant 128 : i32
      %div3A_2287 = arith.divsi %squeeze3A_2245, %jit3A_2286 : i32
      %sign3A_2288 = arith.constant 0 : i32
      %sign3A_2289 = arith.cmpi sgt, %squeeze3A_2245, %sign3A_2288 : i32
      %sign3A_2290 = arith.extui %sign3A_2289 : i1 to i32
      %sign3A_2291 = arith.constant 0 : i32
      %sign3A_2292 = arith.cmpi slt, %squeeze3A_2245, %sign3A_2291 : i32
      %sign3A_2293 = arith.extui %sign3A_2292 : i1 to i32
      %sign3A_2294 = arith.subi %sign3A_2290, %sign3A_2293 : i32
      %sign3A_2295 = arith.constant 0 : i32
      %sign3A_2296 = arith.cmpi sgt, %jit3A_2286, %sign3A_2295 : i32
      %sign3A_2297 = arith.extui %sign3A_2296 : i1 to i32
      %sign3A_2298 = arith.constant 0 : i32
      %sign3A_2299 = arith.cmpi slt, %jit3A_2286, %sign3A_2298 : i32
      %sign3A_2300 = arith.extui %sign3A_2299 : i1 to i32
      %sign3A_2301 = arith.subi %sign3A_2297, %sign3A_2300 : i32
      %ne3A_2302 = arith.cmpi ne, %sign3A_2294, %sign3A_2301 : i32
      %rem3A_2303 = arith.remsi %squeeze3A_2245, %jit3A_2286 : i32
      %ne3A_2304 = arith.constant 0 : i32
      %ne3A_2305 = arith.cmpi ne, %rem3A_2303, %ne3A_2304 : i32
      %and3A_2306 = arith.andi %ne3A_2302, %ne3A_2305 : i1
      %sub3A_2307 = arith.constant 1 : i32
      %sub3A_2308 = arith.subi %div3A_2287, %sub3A_2307 : i32
      %select_n3A_2309 = arith.select %and3A_2306, %sub3A_2308, %div3A_2287 : i32
      %mul3A_2310 = arith.constant 128 : i32
      %mul3A_2311 = arith.muli %select_n3A_2309, %mul3A_2310 : i32
      %multiple_of3A_2312 = tpu.assume_multiple %mul3A_2311, 128 : i32
      %dma_start3A_2313 = arith.constant 2 : i32
      %dma_start3A_2314 = arith.constant 0 : i32
      %dma_start3A_2315 = arith.constant 0 : i32
      %dma_start3A_2316 = tpu.memref_slice %arg10[%dma_start3A_2313, %dma_start3A_2314, %dma_start3A_2315] : memref<4x64x128xf32, #tpu.memory_space<vmem>> -> memref<1x64x128xf32, #tpu.memory_space<vmem>>
      %dma_start3A_2317 = tpu.memref_squeeze %dma_start3A_2316 : memref<1x64x128xf32, #tpu.memory_space<vmem>> -> memref<64x128xf32, #tpu.memory_space<vmem>>
      %dma_start3A_2318 = arith.constant 0 : i32
      %dma_start3A_2319 = tpu.memref_slice %arg5[%dma_start3A_2318, %multiple_of3A_2312] : memref<64x1000000xf32, #tpu.memory_space<hbm>> -> memref<64x128xf32, #tpu.memory_space<hbm>>
      %dma_start3A_2320 = arith.constant 0 : i32
      %dma_start3A_2321 = arith.constant 0 : i32
      %dma_start3A_2322 = tpu.memref_slice %arg10[%dma_start3A_2313, %dma_start3A_2320, %dma_start3A_2321] : memref<4x64x128xf32, #tpu.memory_space<vmem>> -> memref<1x64x128xf32, #tpu.memory_space<vmem>>
      %dma_start3A_2323 = tpu.memref_squeeze %dma_start3A_2322 : memref<1x64x128xf32, #tpu.memory_space<vmem>> -> memref<64x128xf32, #tpu.memory_space<vmem>>
      %dma_start3A_2324 = arith.constant 0 : i32
      %dma_start3A_2325 = tpu.memref_slice %arg5[%dma_start3A_2324, %multiple_of3A_2312] : memref<64x1000000xf32, #tpu.memory_space<hbm>> -> memref<64x128xf32, #tpu.memory_space<hbm>>
      tpu.enqueue_dma source(%dma_start3A_2325 : memref<64x128xf32, #tpu.memory_space<hbm>>) target(%dma_start3A_2323 : memref<64x128xf32, #tpu.memory_space<vmem>>) target_semaphore(%arg12 : memref<!tpu.dma_semaphore, #tpu.memory_space<semaphore_mem>>)
      %slice3A_2326 = vector.extract_strided_slice %get3A_92 {offsets = [11], sizes = [1], strides = [1]} : vector<16xi32> to vector<1xi32>
      %squeeze3A_2327 = vector.extract %slice3A_2326[0] : i32 from vector<1xi32>
      %slice3A_2328 = vector.extract_strided_slice %get3A_137 {offsets = [11], sizes = [1], strides = [1]} : vector<16xi32> to vector<1xi32>
      %squeeze3A_2329 = vector.extract %slice3A_2328[0] : i32 from vector<1xi32>
      %jit3A_2330 = arith.constant 128 : i32
      %div3A_2331 = arith.divsi %squeeze3A_2327, %jit3A_2330 : i32
      %sign3A_2332 = arith.constant 0 : i32
      %sign3A_2333 = arith.cmpi sgt, %squeeze3A_2327, %sign3A_2332 : i32
      %sign3A_2334 = arith.extui %sign3A_2333 : i1 to i32
      %sign3A_2335 = arith.constant 0 : i32
      %sign3A_2336 = arith.cmpi slt, %squeeze3A_2327, %sign3A_2335 : i32
      %sign3A_2337 = arith.extui %sign3A_2336 : i1 to i32
      %sign3A_2338 = arith.subi %sign3A_2334, %sign3A_2337 : i32
      %sign3A_2339 = arith.constant 0 : i32
      %sign3A_2340 = arith.cmpi sgt, %jit3A_2330, %sign3A_2339 : i32
      %sign3A_2341 = arith.extui %sign3A_2340 : i1 to i32
      %sign3A_2342 = arith.constant 0 : i32
      %sign3A_2343 = arith.cmpi slt, %jit3A_2330, %sign3A_2342 : i32
      %sign3A_2344 = arith.extui %sign3A_2343 : i1 to i32
      %sign3A_2345 = arith.subi %sign3A_2341, %sign3A_2344 : i32
      %ne3A_2346 = arith.cmpi ne, %sign3A_2338, %sign3A_2345 : i32
      %rem3A_2347 = arith.remsi %squeeze3A_2327, %jit3A_2330 : i32
      %ne3A_2348 = arith.constant 0 : i32
      %ne3A_2349 = arith.cmpi ne, %rem3A_2347, %ne3A_2348 : i32
      %and3A_2350 = arith.andi %ne3A_2346, %ne3A_2349 : i1
      %sub3A_2351 = arith.constant 1 : i32
      %sub3A_2352 = arith.subi %div3A_2331, %sub3A_2351 : i32
      %select_n3A_2353 = arith.select %and3A_2350, %sub3A_2352, %div3A_2331 : i32
      %mul3A_2354 = arith.constant 128 : i32
      %mul3A_2355 = arith.muli %select_n3A_2353, %mul3A_2354 : i32
      %multiple_of3A_2356 = tpu.assume_multiple %mul3A_2355, 128 : i32
      %dma_start3A_2357 = arith.constant 3 : i32
      %dma_start3A_2358 = arith.constant 0 : i32
      %dma_start3A_2359 = arith.constant 0 : i32
      %dma_start3A_2360 = tpu.memref_slice %arg9[%dma_start3A_2357, %dma_start3A_2358, %dma_start3A_2359] : memref<4x64x128xf32, #tpu.memory_space<vmem>> -> memref<1x64x128xf32, #tpu.memory_space<vmem>>
      %dma_start3A_2361 = tpu.memref_squeeze %dma_start3A_2360 : memref<1x64x128xf32, #tpu.memory_space<vmem>> -> memref<64x128xf32, #tpu.memory_space<vmem>>
      %dma_start3A_2362 = arith.constant 0 : i32
      %dma_start3A_2363 = tpu.memref_slice %arg4[%dma_start3A_2362, %multiple_of3A_2356] : memref<64x1000000xf32, #tpu.memory_space<hbm>> -> memref<64x128xf32, #tpu.memory_space<hbm>>
      %dma_start3A_2364 = arith.constant 0 : i32
      %dma_start3A_2365 = arith.constant 0 : i32
      %dma_start3A_2366 = tpu.memref_slice %arg9[%dma_start3A_2357, %dma_start3A_2364, %dma_start3A_2365] : memref<4x64x128xf32, #tpu.memory_space<vmem>> -> memref<1x64x128xf32, #tpu.memory_space<vmem>>
      %dma_start3A_2367 = tpu.memref_squeeze %dma_start3A_2366 : memref<1x64x128xf32, #tpu.memory_space<vmem>> -> memref<64x128xf32, #tpu.memory_space<vmem>>
      %dma_start3A_2368 = arith.constant 0 : i32
      %dma_start3A_2369 = tpu.memref_slice %arg4[%dma_start3A_2368, %multiple_of3A_2356] : memref<64x1000000xf32, #tpu.memory_space<hbm>> -> memref<64x128xf32, #tpu.memory_space<hbm>>
      tpu.enqueue_dma source(%dma_start3A_2369 : memref<64x128xf32, #tpu.memory_space<hbm>>) target(%dma_start3A_2367 : memref<64x128xf32, #tpu.memory_space<vmem>>) target_semaphore(%arg12 : memref<!tpu.dma_semaphore, #tpu.memory_space<semaphore_mem>>)
      %jit3A_2370 = arith.constant 128 : i32
      %div3A_2371 = arith.divsi %squeeze3A_2329, %jit3A_2370 : i32
      %sign3A_2372 = arith.constant 0 : i32
      %sign3A_2373 = arith.cmpi sgt, %squeeze3A_2329, %sign3A_2372 : i32
      %sign3A_2374 = arith.extui %sign3A_2373 : i1 to i32
      %sign3A_2375 = arith.constant 0 : i32
      %sign3A_2376 = arith.cmpi slt, %squeeze3A_2329, %sign3A_2375 : i32
      %sign3A_2377 = arith.extui %sign3A_2376 : i1 to i32
      %sign3A_2378 = arith.subi %sign3A_2374, %sign3A_2377 : i32
      %sign3A_2379 = arith.constant 0 : i32
      %sign3A_2380 = arith.cmpi sgt, %jit3A_2370, %sign3A_2379 : i32
      %sign3A_2381 = arith.extui %sign3A_2380 : i1 to i32
      %sign3A_2382 = arith.constant 0 : i32
      %sign3A_2383 = arith.cmpi slt, %jit3A_2370, %sign3A_2382 : i32
      %sign3A_2384 = arith.extui %sign3A_2383 : i1 to i32
      %sign3A_2385 = arith.subi %sign3A_2381, %sign3A_2384 : i32
      %ne3A_2386 = arith.cmpi ne, %sign3A_2378, %sign3A_2385 : i32
      %rem3A_2387 = arith.remsi %squeeze3A_2329, %jit3A_2370 : i32
      %ne3A_2388 = arith.constant 0 : i32
      %ne3A_2389 = arith.cmpi ne, %rem3A_2387, %ne3A_2388 : i32
      %and3A_2390 = arith.andi %ne3A_2386, %ne3A_2389 : i1
      %sub3A_2391 = arith.constant 1 : i32
      %sub3A_2392 = arith.subi %div3A_2371, %sub3A_2391 : i32
      %select_n3A_2393 = arith.select %and3A_2390, %sub3A_2392, %div3A_2371 : i32
      %mul3A_2394 = arith.constant 128 : i32
      %mul3A_2395 = arith.muli %select_n3A_2393, %mul3A_2394 : i32
      %multiple_of3A_2396 = tpu.assume_multiple %mul3A_2395, 128 : i32
      %dma_start3A_2397 = arith.constant 3 : i32
      %dma_start3A_2398 = arith.constant 0 : i32
      %dma_start3A_2399 = arith.constant 0 : i32
      %dma_start3A_2400 = tpu.memref_slice %arg10[%dma_start3A_2397, %dma_start3A_2398, %dma_start3A_2399] : memref<4x64x128xf32, #tpu.memory_space<vmem>> -> memref<1x64x128xf32, #tpu.memory_space<vmem>>
      %dma_start3A_2401 = tpu.memref_squeeze %dma_start3A_2400 : memref<1x64x128xf32, #tpu.memory_space<vmem>> -> memref<64x128xf32, #tpu.memory_space<vmem>>
      %dma_start3A_2402 = arith.constant 0 : i32
      %dma_start3A_2403 = tpu.memref_slice %arg5[%dma_start3A_2402, %multiple_of3A_2396] : memref<64x1000000xf32, #tpu.memory_space<hbm>> -> memref<64x128xf32, #tpu.memory_space<hbm>>
      %dma_start3A_2404 = arith.constant 0 : i32
      %dma_start3A_2405 = arith.constant 0 : i32
      %dma_start3A_2406 = tpu.memref_slice %arg10[%dma_start3A_2397, %dma_start3A_2404, %dma_start3A_2405] : memref<4x64x128xf32, #tpu.memory_space<vmem>> -> memref<1x64x128xf32, #tpu.memory_space<vmem>>
      %dma_start3A_2407 = tpu.memref_squeeze %dma_start3A_2406 : memref<1x64x128xf32, #tpu.memory_space<vmem>> -> memref<64x128xf32, #tpu.memory_space<vmem>>
      %dma_start3A_2408 = arith.constant 0 : i32
      %dma_start3A_2409 = tpu.memref_slice %arg5[%dma_start3A_2408, %multiple_of3A_2396] : memref<64x1000000xf32, #tpu.memory_space<hbm>> -> memref<64x128xf32, #tpu.memory_space<hbm>>
      tpu.enqueue_dma source(%dma_start3A_2409 : memref<64x128xf32, #tpu.memory_space<hbm>>) target(%dma_start3A_2407 : memref<64x128xf32, #tpu.memory_space<vmem>>) target_semaphore(%arg12 : memref<!tpu.dma_semaphore, #tpu.memory_space<semaphore_mem>>)
      %dma_wait3A_2410 = arith.constant 0 : i32
      %dma_wait3A_2411 = arith.constant 0 : i32
      %dma_wait3A_2412 = arith.constant 0 : i32
      %dma_wait3A_2413 = tpu.memref_slice %arg9[%dma_wait3A_2410, %dma_wait3A_2411, %dma_wait3A_2412] : memref<4x64x128xf32, #tpu.memory_space<vmem>> -> memref<1x64x128xf32, #tpu.memory_space<vmem>>
      %dma_wait3A_2414 = tpu.memref_squeeze %dma_wait3A_2413 : memref<1x64x128xf32, #tpu.memory_space<vmem>> -> memref<64x128xf32, #tpu.memory_space<vmem>>
      %dma_wait3A_2415 = arith.constant 0 : i32
      %dma_wait3A_2416 = tpu.memref_slice %arg4[%dma_wait3A_2415, %multiple_of3A_2104] : memref<64x1000000xf32, #tpu.memory_space<hbm>> -> memref<64x128xf32, #tpu.memory_space<hbm>>
      %dma_wait3A_2417 = arith.constant 0 : i32
      %dma_wait3A_2418 = arith.constant 0 : i32
      %dma_wait3A_2419 = tpu.memref_slice %arg9[%dma_wait3A_2410, %dma_wait3A_2417, %dma_wait3A_2418] : memref<4x64x128xf32, #tpu.memory_space<vmem>> -> memref<1x64x128xf32, #tpu.memory_space<vmem>>
      %dma_wait3A_2420 = tpu.memref_squeeze %dma_wait3A_2419 : memref<1x64x128xf32, #tpu.memory_space<vmem>> -> memref<64x128xf32, #tpu.memory_space<vmem>>
      %dma_wait3A_2421 = arith.constant 0 : i32
      %dma_wait3A_2422 = tpu.memref_slice %arg4[%dma_wait3A_2421, %multiple_of3A_2104] : memref<64x1000000xf32, #tpu.memory_space<hbm>> -> memref<64x128xf32, #tpu.memory_space<hbm>>
      tpu.wait_dma2 semaphore(%arg12 : memref<!tpu.dma_semaphore, #tpu.memory_space<semaphore_mem>>) src(%dma_wait3A_2422 : memref<64x128xf32, #tpu.memory_space<hbm>>) dst(%dma_wait3A_2420 : memref<64x128xf32, #tpu.memory_space<vmem>>)
      %dma_wait3A_2423 = arith.constant 0 : i32
      %dma_wait3A_2424 = arith.constant 0 : i32
      %dma_wait3A_2425 = arith.constant 0 : i32
      %dma_wait3A_2426 = tpu.memref_slice %arg10[%dma_wait3A_2423, %dma_wait3A_2424, %dma_wait3A_2425] : memref<4x64x128xf32, #tpu.memory_space<vmem>> -> memref<1x64x128xf32, #tpu.memory_space<vmem>>
      %dma_wait3A_2427 = tpu.memref_squeeze %dma_wait3A_2426 : memref<1x64x128xf32, #tpu.memory_space<vmem>> -> memref<64x128xf32, #tpu.memory_space<vmem>>
      %dma_wait3A_2428 = arith.constant 0 : i32
      %dma_wait3A_2429 = tpu.memref_slice %arg5[%dma_wait3A_2428, %multiple_of3A_2144] : memref<64x1000000xf32, #tpu.memory_space<hbm>> -> memref<64x128xf32, #tpu.memory_space<hbm>>
      %dma_wait3A_2430 = arith.constant 0 : i32
      %dma_wait3A_2431 = arith.constant 0 : i32
      %dma_wait3A_2432 = tpu.memref_slice %arg10[%dma_wait3A_2423, %dma_wait3A_2430, %dma_wait3A_2431] : memref<4x64x128xf32, #tpu.memory_space<vmem>> -> memref<1x64x128xf32, #tpu.memory_space<vmem>>
      %dma_wait3A_2433 = tpu.memref_squeeze %dma_wait3A_2432 : memref<1x64x128xf32, #tpu.memory_space<vmem>> -> memref<64x128xf32, #tpu.memory_space<vmem>>
      %dma_wait3A_2434 = arith.constant 0 : i32
      %dma_wait3A_2435 = tpu.memref_slice %arg5[%dma_wait3A_2434, %multiple_of3A_2144] : memref<64x1000000xf32, #tpu.memory_space<hbm>> -> memref<64x128xf32, #tpu.memory_space<hbm>>
      tpu.wait_dma2 semaphore(%arg12 : memref<!tpu.dma_semaphore, #tpu.memory_space<semaphore_mem>>) src(%dma_wait3A_2435 : memref<64x128xf32, #tpu.memory_space<hbm>>) dst(%dma_wait3A_2433 : memref<64x128xf32, #tpu.memory_space<vmem>>)
      %dma_wait3A_2436 = arith.constant 1 : i32
      %dma_wait3A_2437 = arith.constant 0 : i32
      %dma_wait3A_2438 = arith.constant 0 : i32
      %dma_wait3A_2439 = tpu.memref_slice %arg9[%dma_wait3A_2436, %dma_wait3A_2437, %dma_wait3A_2438] : memref<4x64x128xf32, #tpu.memory_space<vmem>> -> memref<1x64x128xf32, #tpu.memory_space<vmem>>
      %dma_wait3A_2440 = tpu.memref_squeeze %dma_wait3A_2439 : memref<1x64x128xf32, #tpu.memory_space<vmem>> -> memref<64x128xf32, #tpu.memory_space<vmem>>
      %dma_wait3A_2441 = arith.constant 0 : i32
      %dma_wait3A_2442 = tpu.memref_slice %arg4[%dma_wait3A_2441, %multiple_of3A_2188] : memref<64x1000000xf32, #tpu.memory_space<hbm>> -> memref<64x128xf32, #tpu.memory_space<hbm>>
      %dma_wait3A_2443 = arith.constant 0 : i32
      %dma_wait3A_2444 = arith.constant 0 : i32
      %dma_wait3A_2445 = tpu.memref_slice %arg9[%dma_wait3A_2436, %dma_wait3A_2443, %dma_wait3A_2444] : memref<4x64x128xf32, #tpu.memory_space<vmem>> -> memref<1x64x128xf32, #tpu.memory_space<vmem>>
      %dma_wait3A_2446 = tpu.memref_squeeze %dma_wait3A_2445 : memref<1x64x128xf32, #tpu.memory_space<vmem>> -> memref<64x128xf32, #tpu.memory_space<vmem>>
      %dma_wait3A_2447 = arith.constant 0 : i32
      %dma_wait3A_2448 = tpu.memref_slice %arg4[%dma_wait3A_2447, %multiple_of3A_2188] : memref<64x1000000xf32, #tpu.memory_space<hbm>> -> memref<64x128xf32, #tpu.memory_space<hbm>>
      tpu.wait_dma2 semaphore(%arg12 : memref<!tpu.dma_semaphore, #tpu.memory_space<semaphore_mem>>) src(%dma_wait3A_2448 : memref<64x128xf32, #tpu.memory_space<hbm>>) dst(%dma_wait3A_2446 : memref<64x128xf32, #tpu.memory_space<vmem>>)
      %dma_wait3A_2449 = arith.constant 1 : i32
      %dma_wait3A_2450 = arith.constant 0 : i32
      %dma_wait3A_2451 = arith.constant 0 : i32
      %dma_wait3A_2452 = tpu.memref_slice %arg10[%dma_wait3A_2449, %dma_wait3A_2450, %dma_wait3A_2451] : memref<4x64x128xf32, #tpu.memory_space<vmem>> -> memref<1x64x128xf32, #tpu.memory_space<vmem>>
      %dma_wait3A_2453 = tpu.memref_squeeze %dma_wait3A_2452 : memref<1x64x128xf32, #tpu.memory_space<vmem>> -> memref<64x128xf32, #tpu.memory_space<vmem>>
      %dma_wait3A_2454 = arith.constant 0 : i32
      %dma_wait3A_2455 = tpu.memref_slice %arg5[%dma_wait3A_2454, %multiple_of3A_2228] : memref<64x1000000xf32, #tpu.memory_space<hbm>> -> memref<64x128xf32, #tpu.memory_space<hbm>>
      %dma_wait3A_2456 = arith.constant 0 : i32
      %dma_wait3A_2457 = arith.constant 0 : i32
      %dma_wait3A_2458 = tpu.memref_slice %arg10[%dma_wait3A_2449, %dma_wait3A_2456, %dma_wait3A_2457] : memref<4x64x128xf32, #tpu.memory_space<vmem>> -> memref<1x64x128xf32, #tpu.memory_space<vmem>>
      %dma_wait3A_2459 = tpu.memref_squeeze %dma_wait3A_2458 : memref<1x64x128xf32, #tpu.memory_space<vmem>> -> memref<64x128xf32, #tpu.memory_space<vmem>>
      %dma_wait3A_2460 = arith.constant 0 : i32
      %dma_wait3A_2461 = tpu.memref_slice %arg5[%dma_wait3A_2460, %multiple_of3A_2228] : memref<64x1000000xf32, #tpu.memory_space<hbm>> -> memref<64x128xf32, #tpu.memory_space<hbm>>
      tpu.wait_dma2 semaphore(%arg12 : memref<!tpu.dma_semaphore, #tpu.memory_space<semaphore_mem>>) src(%dma_wait3A_2461 : memref<64x128xf32, #tpu.memory_space<hbm>>) dst(%dma_wait3A_2459 : memref<64x128xf32, #tpu.memory_space<vmem>>)
      %dma_wait3A_2462 = arith.constant 2 : i32
      %dma_wait3A_2463 = arith.constant 0 : i32
      %dma_wait3A_2464 = arith.constant 0 : i32
      %dma_wait3A_2465 = tpu.memref_slice %arg9[%dma_wait3A_2462, %dma_wait3A_2463, %dma_wait3A_2464] : memref<4x64x128xf32, #tpu.memory_space<vmem>> -> memref<1x64x128xf32, #tpu.memory_space<vmem>>
      %dma_wait3A_2466 = tpu.memref_squeeze %dma_wait3A_2465 : memref<1x64x128xf32, #tpu.memory_space<vmem>> -> memref<64x128xf32, #tpu.memory_space<vmem>>
      %dma_wait3A_2467 = arith.constant 0 : i32
      %dma_wait3A_2468 = tpu.memref_slice %arg4[%dma_wait3A_2467, %multiple_of3A_2272] : memref<64x1000000xf32, #tpu.memory_space<hbm>> -> memref<64x128xf32, #tpu.memory_space<hbm>>
      %dma_wait3A_2469 = arith.constant 0 : i32
      %dma_wait3A_2470 = arith.constant 0 : i32
      %dma_wait3A_2471 = tpu.memref_slice %arg9[%dma_wait3A_2462, %dma_wait3A_2469, %dma_wait3A_2470] : memref<4x64x128xf32, #tpu.memory_space<vmem>> -> memref<1x64x128xf32, #tpu.memory_space<vmem>>
      %dma_wait3A_2472 = tpu.memref_squeeze %dma_wait3A_2471 : memref<1x64x128xf32, #tpu.memory_space<vmem>> -> memref<64x128xf32, #tpu.memory_space<vmem>>
      %dma_wait3A_2473 = arith.constant 0 : i32
      %dma_wait3A_2474 = tpu.memref_slice %arg4[%dma_wait3A_2473, %multiple_of3A_2272] : memref<64x1000000xf32, #tpu.memory_space<hbm>> -> memref<64x128xf32, #tpu.memory_space<hbm>>
      tpu.wait_dma2 semaphore(%arg12 : memref<!tpu.dma_semaphore, #tpu.memory_space<semaphore_mem>>) src(%dma_wait3A_2474 : memref<64x128xf32, #tpu.memory_space<hbm>>) dst(%dma_wait3A_2472 : memref<64x128xf32, #tpu.memory_space<vmem>>)
      %dma_wait3A_2475 = arith.constant 2 : i32
      %dma_wait3A_2476 = arith.constant 0 : i32
      %dma_wait3A_2477 = arith.constant 0 : i32
      %dma_wait3A_2478 = tpu.memref_slice %arg10[%dma_wait3A_2475, %dma_wait3A_2476, %dma_wait3A_2477] : memref<4x64x128xf32, #tpu.memory_space<vmem>> -> memref<1x64x128xf32, #tpu.memory_space<vmem>>
      %dma_wait3A_2479 = tpu.memref_squeeze %dma_wait3A_2478 : memref<1x64x128xf32, #tpu.memory_space<vmem>> -> memref<64x128xf32, #tpu.memory_space<vmem>>
      %dma_wait3A_2480 = arith.constant 0 : i32
      %dma_wait3A_2481 = tpu.memref_slice %arg5[%dma_wait3A_2480, %multiple_of3A_2312] : memref<64x1000000xf32, #tpu.memory_space<hbm>> -> memref<64x128xf32, #tpu.memory_space<hbm>>
      %dma_wait3A_2482 = arith.constant 0 : i32
      %dma_wait3A_2483 = arith.constant 0 : i32
      %dma_wait3A_2484 = tpu.memref_slice %arg10[%dma_wait3A_2475, %dma_wait3A_2482, %dma_wait3A_2483] : memref<4x64x128xf32, #tpu.memory_space<vmem>> -> memref<1x64x128xf32, #tpu.memory_space<vmem>>
      %dma_wait3A_2485 = tpu.memref_squeeze %dma_wait3A_2484 : memref<1x64x128xf32, #tpu.memory_space<vmem>> -> memref<64x128xf32, #tpu.memory_space<vmem>>
      %dma_wait3A_2486 = arith.constant 0 : i32
      %dma_wait3A_2487 = tpu.memref_slice %arg5[%dma_wait3A_2486, %multiple_of3A_2312] : memref<64x1000000xf32, #tpu.memory_space<hbm>> -> memref<64x128xf32, #tpu.memory_space<hbm>>
      tpu.wait_dma2 semaphore(%arg12 : memref<!tpu.dma_semaphore, #tpu.memory_space<semaphore_mem>>) src(%dma_wait3A_2487 : memref<64x128xf32, #tpu.memory_space<hbm>>) dst(%dma_wait3A_2485 : memref<64x128xf32, #tpu.memory_space<vmem>>)
      %dma_wait3A_2488 = arith.constant 3 : i32
      %dma_wait3A_2489 = arith.constant 0 : i32
      %dma_wait3A_2490 = arith.constant 0 : i32
      %dma_wait3A_2491 = tpu.memref_slice %arg9[%dma_wait3A_2488, %dma_wait3A_2489, %dma_wait3A_2490] : memref<4x64x128xf32, #tpu.memory_space<vmem>> -> memref<1x64x128xf32, #tpu.memory_space<vmem>>
      %dma_wait3A_2492 = tpu.memref_squeeze %dma_wait3A_2491 : memref<1x64x128xf32, #tpu.memory_space<vmem>> -> memref<64x128xf32, #tpu.memory_space<vmem>>
      %dma_wait3A_2493 = arith.constant 0 : i32
      %dma_wait3A_2494 = tpu.memref_slice %arg4[%dma_wait3A_2493, %multiple_of3A_2356] : memref<64x1000000xf32, #tpu.memory_space<hbm>> -> memref<64x128xf32, #tpu.memory_space<hbm>>
      %dma_wait3A_2495 = arith.constant 0 : i32
      %dma_wait3A_2496 = arith.constant 0 : i32
      %dma_wait3A_2497 = tpu.memref_slice %arg9[%dma_wait3A_2488, %dma_wait3A_2495, %dma_wait3A_2496] : memref<4x64x128xf32, #tpu.memory_space<vmem>> -> memref<1x64x128xf32, #tpu.memory_space<vmem>>
      %dma_wait3A_2498 = tpu.memref_squeeze %dma_wait3A_2497 : memref<1x64x128xf32, #tpu.memory_space<vmem>> -> memref<64x128xf32, #tpu.memory_space<vmem>>
      %dma_wait3A_2499 = arith.constant 0 : i32
      %dma_wait3A_2500 = tpu.memref_slice %arg4[%dma_wait3A_2499, %multiple_of3A_2356] : memref<64x1000000xf32, #tpu.memory_space<hbm>> -> memref<64x128xf32, #tpu.memory_space<hbm>>
      tpu.wait_dma2 semaphore(%arg12 : memref<!tpu.dma_semaphore, #tpu.memory_space<semaphore_mem>>) src(%dma_wait3A_2500 : memref<64x128xf32, #tpu.memory_space<hbm>>) dst(%dma_wait3A_2498 : memref<64x128xf32, #tpu.memory_space<vmem>>)
      %dma_wait3A_2501 = arith.constant 3 : i32
      %dma_wait3A_2502 = arith.constant 0 : i32
      %dma_wait3A_2503 = arith.constant 0 : i32
      %dma_wait3A_2504 = tpu.memref_slice %arg10[%dma_wait3A_2501, %dma_wait3A_2502, %dma_wait3A_2503] : memref<4x64x128xf32, #tpu.memory_space<vmem>> -> memref<1x64x128xf32, #tpu.memory_space<vmem>>
      %dma_wait3A_2505 = tpu.memref_squeeze %dma_wait3A_2504 : memref<1x64x128xf32, #tpu.memory_space<vmem>> -> memref<64x128xf32, #tpu.memory_space<vmem>>
      %dma_wait3A_2506 = arith.constant 0 : i32
      %dma_wait3A_2507 = tpu.memref_slice %arg5[%dma_wait3A_2506, %multiple_of3A_2396] : memref<64x1000000xf32, #tpu.memory_space<hbm>> -> memref<64x128xf32, #tpu.memory_space<hbm>>
      %dma_wait3A_2508 = arith.constant 0 : i32
      %dma_wait3A_2509 = arith.constant 0 : i32
      %dma_wait3A_2510 = tpu.memref_slice %arg10[%dma_wait3A_2501, %dma_wait3A_2508, %dma_wait3A_2509] : memref<4x64x128xf32, #tpu.memory_space<vmem>> -> memref<1x64x128xf32, #tpu.memory_space<vmem>>
      %dma_wait3A_2511 = tpu.memref_squeeze %dma_wait3A_2510 : memref<1x64x128xf32, #tpu.memory_space<vmem>> -> memref<64x128xf32, #tpu.memory_space<vmem>>
      %dma_wait3A_2512 = arith.constant 0 : i32
      %dma_wait3A_2513 = tpu.memref_slice %arg5[%dma_wait3A_2512, %multiple_of3A_2396] : memref<64x1000000xf32, #tpu.memory_space<hbm>> -> memref<64x128xf32, #tpu.memory_space<hbm>>
      tpu.wait_dma2 semaphore(%arg12 : memref<!tpu.dma_semaphore, #tpu.memory_space<semaphore_mem>>) src(%dma_wait3A_2513 : memref<64x128xf32, #tpu.memory_space<hbm>>) dst(%dma_wait3A_2511 : memref<64x128xf32, #tpu.memory_space<vmem>>)
      %broadcast_in_dim3A_2514 = arith.constant 0 : i32
      %broadcast_in_dim3A_2515 = vector.broadcast %broadcast_in_dim3A_2514 : i32 to vector<16xi32>
      %slice3A_2516 = vector.extract_strided_slice %get3A_92 {offsets = [8], sizes = [1], strides = [1]} : vector<16xi32> to vector<1xi32>
      %squeeze3A_2517 = vector.extract %slice3A_2516[0] : i32 from vector<1xi32>
      %jit3A_2518 = arith.constant 128 : i32
      %eq3A_2519 = arith.constant 0 : i32
      %eq3A_2520 = arith.cmpi eq, %jit3A_2518, %eq3A_2519 : i32
      %jit3A_2521 = arith.constant 1 : i32
      %select_n3A_2522 = arith.select %eq3A_2520, %jit3A_2521, %jit3A_2518 : i32
      %rem3A_2523 = arith.remsi %squeeze3A_2517, %select_n3A_2522 : i32
      %ne3A_2524 = arith.constant 0 : i32
      %ne3A_2525 = arith.cmpi ne, %rem3A_2523, %ne3A_2524 : i32
      %lt3A_2526 = arith.constant 0 : i32
      %lt3A_2527 = arith.cmpi slt, %rem3A_2523, %lt3A_2526 : i32
      %lt3A_2528 = arith.constant 0 : i32
      %lt3A_2529 = arith.cmpi slt, %select_n3A_2522, %lt3A_2528 : i32
      %ne3A_2530 = arith.xori %lt3A_2527, %lt3A_2529 : i1
      %and3A_2531 = arith.andi %ne3A_2530, %ne3A_2525 : i1
      %add3A_2532 = arith.addi %rem3A_2523, %select_n3A_2522 : i32
      %select_n3A_2533 = arith.select %and3A_2531, %add3A_2532, %rem3A_2523 : i32
      %add3A_2534 = vector.broadcast %select_n3A_2533 : i32 to vector<16xi32>
      %add3A_2535 = arith.addi %broadcast_in_dim3A_2515, %add3A_2534 : vector<16xi32>
      %broadcast_in_dim3A_2536 = arith.constant 0 : i32
      %broadcast_in_dim3A_2537 = vector.broadcast %broadcast_in_dim3A_2536 : i32 to vector<16xi32>
      %slice3A_2538 = vector.extract_strided_slice %get3A_137 {offsets = [8], sizes = [1], strides = [1]} : vector<16xi32> to vector<1xi32>
      %squeeze3A_2539 = vector.extract %slice3A_2538[0] : i32 from vector<1xi32>
      %jit3A_2540 = arith.constant 128 : i32
      %eq3A_2541 = arith.constant 0 : i32
      %eq3A_2542 = arith.cmpi eq, %jit3A_2540, %eq3A_2541 : i32
      %jit3A_2543 = arith.constant 1 : i32
      %select_n3A_2544 = arith.select %eq3A_2542, %jit3A_2543, %jit3A_2540 : i32
      %rem3A_2545 = arith.remsi %squeeze3A_2539, %select_n3A_2544 : i32
      %ne3A_2546 = arith.constant 0 : i32
      %ne3A_2547 = arith.cmpi ne, %rem3A_2545, %ne3A_2546 : i32
      %lt3A_2548 = arith.constant 0 : i32
      %lt3A_2549 = arith.cmpi slt, %rem3A_2545, %lt3A_2548 : i32
      %lt3A_2550 = arith.constant 0 : i32
      %lt3A_2551 = arith.cmpi slt, %select_n3A_2544, %lt3A_2550 : i32
      %ne3A_2552 = arith.xori %lt3A_2549, %lt3A_2551 : i1
      %and3A_2553 = arith.andi %ne3A_2552, %ne3A_2547 : i1
      %add3A_2554 = arith.addi %rem3A_2545, %select_n3A_2544 : i32
      %select_n3A_2555 = arith.select %and3A_2553, %add3A_2554, %rem3A_2545 : i32
      %add3A_2556 = vector.broadcast %select_n3A_2555 : i32 to vector<16xi32>
      %add3A_2557 = arith.addi %broadcast_in_dim3A_2537, %add3A_2556 : vector<16xi32>
      %gather3A_2558 = arith.constant 0 : i32
      %gather3A_2559 = arith.constant 0 : i32
      %gather3A_2560 = arith.constant 0 : i32
      %gather3A_2561 = tpu.memref_slice %arg9[%gather3A_2558, %gather3A_2559, %gather3A_2560] : memref<4x64x128xf32, #tpu.memory_space<vmem>> -> memref<1x64x128xf32, #tpu.memory_space<vmem>>
      %gather3A_2562 = tpu.memref_squeeze %gather3A_2561 : memref<1x64x128xf32, #tpu.memory_space<vmem>> -> memref<64x128xf32, #tpu.memory_space<vmem>>
      %gather3A_2563 = tpu.vector_load_idx %gather3A_2562[%add3A_30, %add3A_2535] : memref<64x128xf32, #tpu.memory_space<vmem>>[vector<16xi32>, vector<16xi32>], vector<16xf32>,
      %gather3A_2564 = arith.constant 0 : i32
      %gather3A_2565 = arith.constant 0 : i32
      %gather3A_2566 = arith.constant 0 : i32
      %gather3A_2567 = tpu.memref_slice %arg10[%gather3A_2564, %gather3A_2565, %gather3A_2566] : memref<4x64x128xf32, #tpu.memory_space<vmem>> -> memref<1x64x128xf32, #tpu.memory_space<vmem>>
      %gather3A_2568 = tpu.memref_squeeze %gather3A_2567 : memref<1x64x128xf32, #tpu.memory_space<vmem>> -> memref<64x128xf32, #tpu.memory_space<vmem>>
      %gather3A_2569 = tpu.vector_load_idx %gather3A_2568[%add3A_30, %add3A_2557] : memref<64x128xf32, #tpu.memory_space<vmem>>[vector<16xi32>, vector<16xi32>], vector<16xf32>,
      %max3A_2570 = arith.constant 0.000000e+00 : f32
      %max3A_2571 = vector.broadcast %max3A_2570 : f32 to vector<16xf32>
      %max3A_2572 = arith.maximumf %gather3A_2563, %max3A_2571 : vector<16xf32>
      %max3A_2573 = arith.constant 0.000000e+00 : f32
      %max3A_2574 = vector.broadcast %max3A_2573 : f32 to vector<16xf32>
      %max3A_2575 = arith.maximumf %gather3A_2569, %max3A_2574 : vector<16xf32>
      %mul3A_2576 = arith.mulf %max3A_2572, %max3A_2575 : vector<16xf32>
      %add3A_2577 = arith.addf %broadcast_in_dim3A_50, %mul3A_2576 : vector<16xf32>
      %gather3A_2578 = arith.constant 0 : i32
      %gather3A_2579 = arith.constant 0 : i32
      %gather3A_2580 = arith.constant 0 : i32
      %gather3A_2581 = tpu.memref_slice %arg9[%gather3A_2578, %gather3A_2579, %gather3A_2580] : memref<4x64x128xf32, #tpu.memory_space<vmem>> -> memref<1x64x128xf32, #tpu.memory_space<vmem>>
      %gather3A_2582 = tpu.memref_squeeze %gather3A_2581 : memref<1x64x128xf32, #tpu.memory_space<vmem>> -> memref<64x128xf32, #tpu.memory_space<vmem>>
      %gather3A_2583 = tpu.vector_load_idx %gather3A_2582[%add3A_36, %add3A_2535] : memref<64x128xf32, #tpu.memory_space<vmem>>[vector<16xi32>, vector<16xi32>], vector<16xf32>,
      %gather3A_2584 = arith.constant 0 : i32
      %gather3A_2585 = arith.constant 0 : i32
      %gather3A_2586 = arith.constant 0 : i32
      %gather3A_2587 = tpu.memref_slice %arg10[%gather3A_2584, %gather3A_2585, %gather3A_2586] : memref<4x64x128xf32, #tpu.memory_space<vmem>> -> memref<1x64x128xf32, #tpu.memory_space<vmem>>
      %gather3A_2588 = tpu.memref_squeeze %gather3A_2587 : memref<1x64x128xf32, #tpu.memory_space<vmem>> -> memref<64x128xf32, #tpu.memory_space<vmem>>
      %gather3A_2589 = tpu.vector_load_idx %gather3A_2588[%add3A_36, %add3A_2557] : memref<64x128xf32, #tpu.memory_space<vmem>>[vector<16xi32>, vector<16xi32>], vector<16xf32>,
      %max3A_2590 = arith.constant 0.000000e+00 : f32
      %max3A_2591 = vector.broadcast %max3A_2590 : f32 to vector<16xf32>
      %max3A_2592 = arith.maximumf %gather3A_2583, %max3A_2591 : vector<16xf32>
      %max3A_2593 = arith.constant 0.000000e+00 : f32
      %max3A_2594 = vector.broadcast %max3A_2593 : f32 to vector<16xf32>
      %max3A_2595 = arith.maximumf %gather3A_2589, %max3A_2594 : vector<16xf32>
      %mul3A_2596 = arith.mulf %max3A_2592, %max3A_2595 : vector<16xf32>
      %add3A_2597 = arith.addf %add3A_2577, %mul3A_2596 : vector<16xf32>
      %gather3A_2598 = arith.constant 0 : i32
      %gather3A_2599 = arith.constant 0 : i32
      %gather3A_2600 = arith.constant 0 : i32
      %gather3A_2601 = tpu.memref_slice %arg9[%gather3A_2598, %gather3A_2599, %gather3A_2600] : memref<4x64x128xf32, #tpu.memory_space<vmem>> -> memref<1x64x128xf32, #tpu.memory_space<vmem>>
      %gather3A_2602 = tpu.memref_squeeze %gather3A_2601 : memref<1x64x128xf32, #tpu.memory_space<vmem>> -> memref<64x128xf32, #tpu.memory_space<vmem>>
      %gather3A_2603 = tpu.vector_load_idx %gather3A_2602[%add3A_42, %add3A_2535] : memref<64x128xf32, #tpu.memory_space<vmem>>[vector<16xi32>, vector<16xi32>], vector<16xf32>,
      %gather3A_2604 = arith.constant 0 : i32
      %gather3A_2605 = arith.constant 0 : i32
      %gather3A_2606 = arith.constant 0 : i32
      %gather3A_2607 = tpu.memref_slice %arg10[%gather3A_2604, %gather3A_2605, %gather3A_2606] : memref<4x64x128xf32, #tpu.memory_space<vmem>> -> memref<1x64x128xf32, #tpu.memory_space<vmem>>
      %gather3A_2608 = tpu.memref_squeeze %gather3A_2607 : memref<1x64x128xf32, #tpu.memory_space<vmem>> -> memref<64x128xf32, #tpu.memory_space<vmem>>
      %gather3A_2609 = tpu.vector_load_idx %gather3A_2608[%add3A_42, %add3A_2557] : memref<64x128xf32, #tpu.memory_space<vmem>>[vector<16xi32>, vector<16xi32>], vector<16xf32>,
      %max3A_2610 = arith.constant 0.000000e+00 : f32
      %max3A_2611 = vector.broadcast %max3A_2610 : f32 to vector<16xf32>
      %max3A_2612 = arith.maximumf %gather3A_2603, %max3A_2611 : vector<16xf32>
      %max3A_2613 = arith.constant 0.000000e+00 : f32
      %max3A_2614 = vector.broadcast %max3A_2613 : f32 to vector<16xf32>
      %max3A_2615 = arith.maximumf %gather3A_2609, %max3A_2614 : vector<16xf32>
      %mul3A_2616 = arith.mulf %max3A_2612, %max3A_2615 : vector<16xf32>
      %add3A_2617 = arith.addf %add3A_2597, %mul3A_2616 : vector<16xf32>
      %gather3A_2618 = arith.constant 0 : i32
      %gather3A_2619 = arith.constant 0 : i32
      %gather3A_2620 = arith.constant 0 : i32
      %gather3A_2621 = tpu.memref_slice %arg9[%gather3A_2618, %gather3A_2619, %gather3A_2620] : memref<4x64x128xf32, #tpu.memory_space<vmem>> -> memref<1x64x128xf32, #tpu.memory_space<vmem>>
      %gather3A_2622 = tpu.memref_squeeze %gather3A_2621 : memref<1x64x128xf32, #tpu.memory_space<vmem>> -> memref<64x128xf32, #tpu.memory_space<vmem>>
      %gather3A_2623 = tpu.vector_load_idx %gather3A_2622[%add3A_48, %add3A_2535] : memref<64x128xf32, #tpu.memory_space<vmem>>[vector<16xi32>, vector<16xi32>], vector<16xf32>,
      %gather3A_2624 = arith.constant 0 : i32
      %gather3A_2625 = arith.constant 0 : i32
      %gather3A_2626 = arith.constant 0 : i32
      %gather3A_2627 = tpu.memref_slice %arg10[%gather3A_2624, %gather3A_2625, %gather3A_2626] : memref<4x64x128xf32, #tpu.memory_space<vmem>> -> memref<1x64x128xf32, #tpu.memory_space<vmem>>
      %gather3A_2628 = tpu.memref_squeeze %gather3A_2627 : memref<1x64x128xf32, #tpu.memory_space<vmem>> -> memref<64x128xf32, #tpu.memory_space<vmem>>
      %gather3A_2629 = tpu.vector_load_idx %gather3A_2628[%add3A_48, %add3A_2557] : memref<64x128xf32, #tpu.memory_space<vmem>>[vector<16xi32>, vector<16xi32>], vector<16xf32>,
      %max3A_2630 = arith.constant 0.000000e+00 : f32
      %max3A_2631 = vector.broadcast %max3A_2630 : f32 to vector<16xf32>
      %max3A_2632 = arith.maximumf %gather3A_2623, %max3A_2631 : vector<16xf32>
      %max3A_2633 = arith.constant 0.000000e+00 : f32
      %max3A_2634 = vector.broadcast %max3A_2633 : f32 to vector<16xf32>
      %max3A_2635 = arith.maximumf %gather3A_2629, %max3A_2634 : vector<16xf32>
      %mul3A_2636 = arith.mulf %max3A_2632, %max3A_2635 : vector<16xf32>
      %add3A_2637 = arith.addf %add3A_2617, %mul3A_2636 : vector<16xf32>
      %eq3A_2638 = arith.constant 8 : i32
      %eq3A_2639 = vector.broadcast %eq3A_2638 : i32 to vector<16xi32>
      %eq3A_2640 = arith.cmpi eq, %iota3A, %eq3A_2639 : vector<16xi32>
      %reduce_sum3A_2641 = arith.constant true
      %reduce_sum3A_2642 = vector.broadcast %reduce_sum3A_2641 : i1 to vector<16xi1>
      %reduce_sum3A_2643 = tpu.scan <sum>, %add3A_2637 masked %reduce_sum3A_2642 : vector<16xf32>, vector<16xi1> -> vector<16xf32>
      %reduce_sum3A_2644 = vector.extract %reduce_sum3A_2643[15] : f32 from vector<16xf32>
      %broadcast_in_dim3A_2645 = vector.broadcast %reduce_sum3A_2644 : f32 to vector<16xf32>
      %select_n3A_2646 = arith.select %eq3A_2640, %broadcast_in_dim3A_2645, %select_n3A_2073 : vector<16xi1>, vector<16xf32>
      %broadcast_in_dim3A_2647 = arith.constant 0 : i32
      %broadcast_in_dim3A_2648 = vector.broadcast %broadcast_in_dim3A_2647 : i32 to vector<16xi32>
      %slice3A_2649 = vector.extract_strided_slice %get3A_92 {offsets = [9], sizes = [1], strides = [1]} : vector<16xi32> to vector<1xi32>
      %squeeze3A_2650 = vector.extract %slice3A_2649[0] : i32 from vector<1xi32>
      %jit3A_2651 = arith.constant 128 : i32
      %eq3A_2652 = arith.constant 0 : i32
      %eq3A_2653 = arith.cmpi eq, %jit3A_2651, %eq3A_2652 : i32
      %jit3A_2654 = arith.constant 1 : i32
      %select_n3A_2655 = arith.select %eq3A_2653, %jit3A_2654, %jit3A_2651 : i32
      %rem3A_2656 = arith.remsi %squeeze3A_2650, %select_n3A_2655 : i32
      %ne3A_2657 = arith.constant 0 : i32
      %ne3A_2658 = arith.cmpi ne, %rem3A_2656, %ne3A_2657 : i32
      %lt3A_2659 = arith.constant 0 : i32
      %lt3A_2660 = arith.cmpi slt, %rem3A_2656, %lt3A_2659 : i32
      %lt3A_2661 = arith.constant 0 : i32
      %lt3A_2662 = arith.cmpi slt, %select_n3A_2655, %lt3A_2661 : i32
      %ne3A_2663 = arith.xori %lt3A_2660, %lt3A_2662 : i1
      %and3A_2664 = arith.andi %ne3A_2663, %ne3A_2658 : i1
      %add3A_2665 = arith.addi %rem3A_2656, %select_n3A_2655 : i32
      %select_n3A_2666 = arith.select %and3A_2664, %add3A_2665, %rem3A_2656 : i32
      %add3A_2667 = vector.broadcast %select_n3A_2666 : i32 to vector<16xi32>
      %add3A_2668 = arith.addi %broadcast_in_dim3A_2648, %add3A_2667 : vector<16xi32>
      %broadcast_in_dim3A_2669 = arith.constant 0 : i32
      %broadcast_in_dim3A_2670 = vector.broadcast %broadcast_in_dim3A_2669 : i32 to vector<16xi32>
      %slice3A_2671 = vector.extract_strided_slice %get3A_137 {offsets = [9], sizes = [1], strides = [1]} : vector<16xi32> to vector<1xi32>
      %squeeze3A_2672 = vector.extract %slice3A_2671[0] : i32 from vector<1xi32>
      %jit3A_2673 = arith.constant 128 : i32
      %eq3A_2674 = arith.constant 0 : i32
      %eq3A_2675 = arith.cmpi eq, %jit3A_2673, %eq3A_2674 : i32
      %jit3A_2676 = arith.constant 1 : i32
      %select_n3A_2677 = arith.select %eq3A_2675, %jit3A_2676, %jit3A_2673 : i32
      %rem3A_2678 = arith.remsi %squeeze3A_2672, %select_n3A_2677 : i32
      %ne3A_2679 = arith.constant 0 : i32
      %ne3A_2680 = arith.cmpi ne, %rem3A_2678, %ne3A_2679 : i32
      %lt3A_2681 = arith.constant 0 : i32
      %lt3A_2682 = arith.cmpi slt, %rem3A_2678, %lt3A_2681 : i32
      %lt3A_2683 = arith.constant 0 : i32
      %lt3A_2684 = arith.cmpi slt, %select_n3A_2677, %lt3A_2683 : i32
      %ne3A_2685 = arith.xori %lt3A_2682, %lt3A_2684 : i1
      %and3A_2686 = arith.andi %ne3A_2685, %ne3A_2680 : i1
      %add3A_2687 = arith.addi %rem3A_2678, %select_n3A_2677 : i32
      %select_n3A_2688 = arith.select %and3A_2686, %add3A_2687, %rem3A_2678 : i32
      %add3A_2689 = vector.broadcast %select_n3A_2688 : i32 to vector<16xi32>
      %add3A_2690 = arith.addi %broadcast_in_dim3A_2670, %add3A_2689 : vector<16xi32>
      %gather3A_2691 = arith.constant 1 : i32
      %gather3A_2692 = arith.constant 0 : i32
      %gather3A_2693 = arith.constant 0 : i32
      %gather3A_2694 = tpu.memref_slice %arg9[%gather3A_2691, %gather3A_2692, %gather3A_2693] : memref<4x64x128xf32, #tpu.memory_space<vmem>> -> memref<1x64x128xf32, #tpu.memory_space<vmem>>
      %gather3A_2695 = tpu.memref_squeeze %gather3A_2694 : memref<1x64x128xf32, #tpu.memory_space<vmem>> -> memref<64x128xf32, #tpu.memory_space<vmem>>
      %gather3A_2696 = tpu.vector_load_idx %gather3A_2695[%add3A_30, %add3A_2668] : memref<64x128xf32, #tpu.memory_space<vmem>>[vector<16xi32>, vector<16xi32>], vector<16xf32>,
      %gather3A_2697 = arith.constant 1 : i32
      %gather3A_2698 = arith.constant 0 : i32
      %gather3A_2699 = arith.constant 0 : i32
      %gather3A_2700 = tpu.memref_slice %arg10[%gather3A_2697, %gather3A_2698, %gather3A_2699] : memref<4x64x128xf32, #tpu.memory_space<vmem>> -> memref<1x64x128xf32, #tpu.memory_space<vmem>>
      %gather3A_2701 = tpu.memref_squeeze %gather3A_2700 : memref<1x64x128xf32, #tpu.memory_space<vmem>> -> memref<64x128xf32, #tpu.memory_space<vmem>>
      %gather3A_2702 = tpu.vector_load_idx %gather3A_2701[%add3A_30, %add3A_2690] : memref<64x128xf32, #tpu.memory_space<vmem>>[vector<16xi32>, vector<16xi32>], vector<16xf32>,
      %max3A_2703 = arith.constant 0.000000e+00 : f32
      %max3A_2704 = vector.broadcast %max3A_2703 : f32 to vector<16xf32>
      %max3A_2705 = arith.maximumf %gather3A_2696, %max3A_2704 : vector<16xf32>
      %max3A_2706 = arith.constant 0.000000e+00 : f32
      %max3A_2707 = vector.broadcast %max3A_2706 : f32 to vector<16xf32>
      %max3A_2708 = arith.maximumf %gather3A_2702, %max3A_2707 : vector<16xf32>
      %mul3A_2709 = arith.mulf %max3A_2705, %max3A_2708 : vector<16xf32>
      %add3A_2710 = arith.addf %broadcast_in_dim3A_50, %mul3A_2709 : vector<16xf32>
      %gather3A_2711 = arith.constant 1 : i32
      %gather3A_2712 = arith.constant 0 : i32
      %gather3A_2713 = arith.constant 0 : i32
      %gather3A_2714 = tpu.memref_slice %arg9[%gather3A_2711, %gather3A_2712, %gather3A_2713] : memref<4x64x128xf32, #tpu.memory_space<vmem>> -> memref<1x64x128xf32, #tpu.memory_space<vmem>>
      %gather3A_2715 = tpu.memref_squeeze %gather3A_2714 : memref<1x64x128xf32, #tpu.memory_space<vmem>> -> memref<64x128xf32, #tpu.memory_space<vmem>>
      %gather3A_2716 = tpu.vector_load_idx %gather3A_2715[%add3A_36, %add3A_2668] : memref<64x128xf32, #tpu.memory_space<vmem>>[vector<16xi32>, vector<16xi32>], vector<16xf32>,
      %gather3A_2717 = arith.constant 1 : i32
      %gather3A_2718 = arith.constant 0 : i32
      %gather3A_2719 = arith.constant 0 : i32
      %gather3A_2720 = tpu.memref_slice %arg10[%gather3A_2717, %gather3A_2718, %gather3A_2719] : memref<4x64x128xf32, #tpu.memory_space<vmem>> -> memref<1x64x128xf32, #tpu.memory_space<vmem>>
      %gather3A_2721 = tpu.memref_squeeze %gather3A_2720 : memref<1x64x128xf32, #tpu.memory_space<vmem>> -> memref<64x128xf32, #tpu.memory_space<vmem>>
      %gather3A_2722 = tpu.vector_load_idx %gather3A_2721[%add3A_36, %add3A_2690] : memref<64x128xf32, #tpu.memory_space<vmem>>[vector<16xi32>, vector<16xi32>], vector<16xf32>,
      %max3A_2723 = arith.constant 0.000000e+00 : f32
      %max3A_2724 = vector.broadcast %max3A_2723 : f32 to vector<16xf32>
      %max3A_2725 = arith.maximumf %gather3A_2716, %max3A_2724 : vector<16xf32>
      %max3A_2726 = arith.constant 0.000000e+00 : f32
      %max3A_2727 = vector.broadcast %max3A_2726 : f32 to vector<16xf32>
      %max3A_2728 = arith.maximumf %gather3A_2722, %max3A_2727 : vector<16xf32>
      %mul3A_2729 = arith.mulf %max3A_2725, %max3A_2728 : vector<16xf32>
      %add3A_2730 = arith.addf %add3A_2710, %mul3A_2729 : vector<16xf32>
      %gather3A_2731 = arith.constant 1 : i32
      %gather3A_2732 = arith.constant 0 : i32
      %gather3A_2733 = arith.constant 0 : i32
      %gather3A_2734 = tpu.memref_slice %arg9[%gather3A_2731, %gather3A_2732, %gather3A_2733] : memref<4x64x128xf32, #tpu.memory_space<vmem>> -> memref<1x64x128xf32, #tpu.memory_space<vmem>>
      %gather3A_2735 = tpu.memref_squeeze %gather3A_2734 : memref<1x64x128xf32, #tpu.memory_space<vmem>> -> memref<64x128xf32, #tpu.memory_space<vmem>>
      %gather3A_2736 = tpu.vector_load_idx %gather3A_2735[%add3A_42, %add3A_2668] : memref<64x128xf32, #tpu.memory_space<vmem>>[vector<16xi32>, vector<16xi32>], vector<16xf32>,
      %gather3A_2737 = arith.constant 1 : i32
      %gather3A_2738 = arith.constant 0 : i32
      %gather3A_2739 = arith.constant 0 : i32
      %gather3A_2740 = tpu.memref_slice %arg10[%gather3A_2737, %gather3A_2738, %gather3A_2739] : memref<4x64x128xf32, #tpu.memory_space<vmem>> -> memref<1x64x128xf32, #tpu.memory_space<vmem>>
      %gather3A_2741 = tpu.memref_squeeze %gather3A_2740 : memref<1x64x128xf32, #tpu.memory_space<vmem>> -> memref<64x128xf32, #tpu.memory_space<vmem>>
      %gather3A_2742 = tpu.vector_load_idx %gather3A_2741[%add3A_42, %add3A_2690] : memref<64x128xf32, #tpu.memory_space<vmem>>[vector<16xi32>, vector<16xi32>], vector<16xf32>,
      %max3A_2743 = arith.constant 0.000000e+00 : f32
      %max3A_2744 = vector.broadcast %max3A_2743 : f32 to vector<16xf32>
      %max3A_2745 = arith.maximumf %gather3A_2736, %max3A_2744 : vector<16xf32>
      %max3A_2746 = arith.constant 0.000000e+00 : f32
      %max3A_2747 = vector.broadcast %max3A_2746 : f32 to vector<16xf32>
      %max3A_2748 = arith.maximumf %gather3A_2742, %max3A_2747 : vector<16xf32>
      %mul3A_2749 = arith.mulf %max3A_2745, %max3A_2748 : vector<16xf32>
      %add3A_2750 = arith.addf %add3A_2730, %mul3A_2749 : vector<16xf32>
      %gather3A_2751 = arith.constant 1 : i32
      %gather3A_2752 = arith.constant 0 : i32
      %gather3A_2753 = arith.constant 0 : i32
      %gather3A_2754 = tpu.memref_slice %arg9[%gather3A_2751, %gather3A_2752, %gather3A_2753] : memref<4x64x128xf32, #tpu.memory_space<vmem>> -> memref<1x64x128xf32, #tpu.memory_space<vmem>>
      %gather3A_2755 = tpu.memref_squeeze %gather3A_2754 : memref<1x64x128xf32, #tpu.memory_space<vmem>> -> memref<64x128xf32, #tpu.memory_space<vmem>>
      %gather3A_2756 = tpu.vector_load_idx %gather3A_2755[%add3A_48, %add3A_2668] : memref<64x128xf32, #tpu.memory_space<vmem>>[vector<16xi32>, vector<16xi32>], vector<16xf32>,
      %gather3A_2757 = arith.constant 1 : i32
      %gather3A_2758 = arith.constant 0 : i32
      %gather3A_2759 = arith.constant 0 : i32
      %gather3A_2760 = tpu.memref_slice %arg10[%gather3A_2757, %gather3A_2758, %gather3A_2759] : memref<4x64x128xf32, #tpu.memory_space<vmem>> -> memref<1x64x128xf32, #tpu.memory_space<vmem>>
      %gather3A_2761 = tpu.memref_squeeze %gather3A_2760 : memref<1x64x128xf32, #tpu.memory_space<vmem>> -> memref<64x128xf32, #tpu.memory_space<vmem>>
      %gather3A_2762 = tpu.vector_load_idx %gather3A_2761[%add3A_48, %add3A_2690] : memref<64x128xf32, #tpu.memory_space<vmem>>[vector<16xi32>, vector<16xi32>], vector<16xf32>,
      %max3A_2763 = arith.constant 0.000000e+00 : f32
      %max3A_2764 = vector.broadcast %max3A_2763 : f32 to vector<16xf32>
      %max3A_2765 = arith.maximumf %gather3A_2756, %max3A_2764 : vector<16xf32>
      %max3A_2766 = arith.constant 0.000000e+00 : f32
      %max3A_2767 = vector.broadcast %max3A_2766 : f32 to vector<16xf32>
      %max3A_2768 = arith.maximumf %gather3A_2762, %max3A_2767 : vector<16xf32>
      %mul3A_2769 = arith.mulf %max3A_2765, %max3A_2768 : vector<16xf32>
      %add3A_2770 = arith.addf %add3A_2750, %mul3A_2769 : vector<16xf32>
      %eq3A_2771 = arith.constant 9 : i32
      %eq3A_2772 = vector.broadcast %eq3A_2771 : i32 to vector<16xi32>
      %eq3A_2773 = arith.cmpi eq, %iota3A, %eq3A_2772 : vector<16xi32>
      %reduce_sum3A_2774 = arith.constant true
      %reduce_sum3A_2775 = vector.broadcast %reduce_sum3A_2774 : i1 to vector<16xi1>
      %reduce_sum3A_2776 = tpu.scan <sum>, %add3A_2770 masked %reduce_sum3A_2775 : vector<16xf32>, vector<16xi1> -> vector<16xf32>
      %reduce_sum3A_2777 = vector.extract %reduce_sum3A_2776[15] : f32 from vector<16xf32>
      %broadcast_in_dim3A_2778 = vector.broadcast %reduce_sum3A_2777 : f32 to vector<16xf32>
      %select_n3A_2779 = arith.select %eq3A_2773, %broadcast_in_dim3A_2778, %select_n3A_2646 : vector<16xi1>, vector<16xf32>
      %broadcast_in_dim3A_2780 = arith.constant 0 : i32
      %broadcast_in_dim3A_2781 = vector.broadcast %broadcast_in_dim3A_2780 : i32 to vector<16xi32>
      %slice3A_2782 = vector.extract_strided_slice %get3A_92 {offsets = [10], sizes = [1], strides = [1]} : vector<16xi32> to vector<1xi32>
      %squeeze3A_2783 = vector.extract %slice3A_2782[0] : i32 from vector<1xi32>
      %jit3A_2784 = arith.constant 128 : i32
      %eq3A_2785 = arith.constant 0 : i32
      %eq3A_2786 = arith.cmpi eq, %jit3A_2784, %eq3A_2785 : i32
      %jit3A_2787 = arith.constant 1 : i32
      %select_n3A_2788 = arith.select %eq3A_2786, %jit3A_2787, %jit3A_2784 : i32
      %rem3A_2789 = arith.remsi %squeeze3A_2783, %select_n3A_2788 : i32
      %ne3A_2790 = arith.constant 0 : i32
      %ne3A_2791 = arith.cmpi ne, %rem3A_2789, %ne3A_2790 : i32
      %lt3A_2792 = arith.constant 0 : i32
      %lt3A_2793 = arith.cmpi slt, %rem3A_2789, %lt3A_2792 : i32
      %lt3A_2794 = arith.constant 0 : i32
      %lt3A_2795 = arith.cmpi slt, %select_n3A_2788, %lt3A_2794 : i32
      %ne3A_2796 = arith.xori %lt3A_2793, %lt3A_2795 : i1
      %and3A_2797 = arith.andi %ne3A_2796, %ne3A_2791 : i1
      %add3A_2798 = arith.addi %rem3A_2789, %select_n3A_2788 : i32
      %select_n3A_2799 = arith.select %and3A_2797, %add3A_2798, %rem3A_2789 : i32
      %add3A_2800 = vector.broadcast %select_n3A_2799 : i32 to vector<16xi32>
      %add3A_2801 = arith.addi %broadcast_in_dim3A_2781, %add3A_2800 : vector<16xi32>
      %broadcast_in_dim3A_2802 = arith.constant 0 : i32
      %broadcast_in_dim3A_2803 = vector.broadcast %broadcast_in_dim3A_2802 : i32 to vector<16xi32>
      %slice3A_2804 = vector.extract_strided_slice %get3A_137 {offsets = [10], sizes = [1], strides = [1]} : vector<16xi32> to vector<1xi32>
      %squeeze3A_2805 = vector.extract %slice3A_2804[0] : i32 from vector<1xi32>
      %jit3A_2806 = arith.constant 128 : i32
      %eq3A_2807 = arith.constant 0 : i32
      %eq3A_2808 = arith.cmpi eq, %jit3A_2806, %eq3A_2807 : i32
      %jit3A_2809 = arith.constant 1 : i32
      %select_n3A_2810 = arith.select %eq3A_2808, %jit3A_2809, %jit3A_2806 : i32
      %rem3A_2811 = arith.remsi %squeeze3A_2805, %select_n3A_2810 : i32
      %ne3A_2812 = arith.constant 0 : i32
      %ne3A_2813 = arith.cmpi ne, %rem3A_2811, %ne3A_2812 : i32
      %lt3A_2814 = arith.constant 0 : i32
      %lt3A_2815 = arith.cmpi slt, %rem3A_2811, %lt3A_2814 : i32
      %lt3A_2816 = arith.constant 0 : i32
      %lt3A_2817 = arith.cmpi slt, %select_n3A_2810, %lt3A_2816 : i32
      %ne3A_2818 = arith.xori %lt3A_2815, %lt3A_2817 : i1
      %and3A_2819 = arith.andi %ne3A_2818, %ne3A_2813 : i1
      %add3A_2820 = arith.addi %rem3A_2811, %select_n3A_2810 : i32
      %select_n3A_2821 = arith.select %and3A_2819, %add3A_2820, %rem3A_2811 : i32
      %add3A_2822 = vector.broadcast %select_n3A_2821 : i32 to vector<16xi32>
      %add3A_2823 = arith.addi %broadcast_in_dim3A_2803, %add3A_2822 : vector<16xi32>
      %gather3A_2824 = arith.constant 2 : i32
      %gather3A_2825 = arith.constant 0 : i32
      %gather3A_2826 = arith.constant 0 : i32
      %gather3A_2827 = tpu.memref_slice %arg9[%gather3A_2824, %gather3A_2825, %gather3A_2826] : memref<4x64x128xf32, #tpu.memory_space<vmem>> -> memref<1x64x128xf32, #tpu.memory_space<vmem>>
      %gather3A_2828 = tpu.memref_squeeze %gather3A_2827 : memref<1x64x128xf32, #tpu.memory_space<vmem>> -> memref<64x128xf32, #tpu.memory_space<vmem>>
      %gather3A_2829 = tpu.vector_load_idx %gather3A_2828[%add3A_30, %add3A_2801] : memref<64x128xf32, #tpu.memory_space<vmem>>[vector<16xi32>, vector<16xi32>], vector<16xf32>,
      %gather3A_2830 = arith.constant 2 : i32
      %gather3A_2831 = arith.constant 0 : i32
      %gather3A_2832 = arith.constant 0 : i32
      %gather3A_2833 = tpu.memref_slice %arg10[%gather3A_2830, %gather3A_2831, %gather3A_2832] : memref<4x64x128xf32, #tpu.memory_space<vmem>> -> memref<1x64x128xf32, #tpu.memory_space<vmem>>
      %gather3A_2834 = tpu.memref_squeeze %gather3A_2833 : memref<1x64x128xf32, #tpu.memory_space<vmem>> -> memref<64x128xf32, #tpu.memory_space<vmem>>
      %gather3A_2835 = tpu.vector_load_idx %gather3A_2834[%add3A_30, %add3A_2823] : memref<64x128xf32, #tpu.memory_space<vmem>>[vector<16xi32>, vector<16xi32>], vector<16xf32>,
      %max3A_2836 = arith.constant 0.000000e+00 : f32
      %max3A_2837 = vector.broadcast %max3A_2836 : f32 to vector<16xf32>
      %max3A_2838 = arith.maximumf %gather3A_2829, %max3A_2837 : vector<16xf32>
      %max3A_2839 = arith.constant 0.000000e+00 : f32
      %max3A_2840 = vector.broadcast %max3A_2839 : f32 to vector<16xf32>
      %max3A_2841 = arith.maximumf %gather3A_2835, %max3A_2840 : vector<16xf32>
      %mul3A_2842 = arith.mulf %max3A_2838, %max3A_2841 : vector<16xf32>
      %add3A_2843 = arith.addf %broadcast_in_dim3A_50, %mul3A_2842 : vector<16xf32>
      %gather3A_2844 = arith.constant 2 : i32
      %gather3A_2845 = arith.constant 0 : i32
      %gather3A_2846 = arith.constant 0 : i32
      %gather3A_2847 = tpu.memref_slice %arg9[%gather3A_2844, %gather3A_2845, %gather3A_2846] : memref<4x64x128xf32, #tpu.memory_space<vmem>> -> memref<1x64x128xf32, #tpu.memory_space<vmem>>
      %gather3A_2848 = tpu.memref_squeeze %gather3A_2847 : memref<1x64x128xf32, #tpu.memory_space<vmem>> -> memref<64x128xf32, #tpu.memory_space<vmem>>
      %gather3A_2849 = tpu.vector_load_idx %gather3A_2848[%add3A_36, %add3A_2801] : memref<64x128xf32, #tpu.memory_space<vmem>>[vector<16xi32>, vector<16xi32>], vector<16xf32>,
      %gather3A_2850 = arith.constant 2 : i32
      %gather3A_2851 = arith.constant 0 : i32
      %gather3A_2852 = arith.constant 0 : i32
      %gather3A_2853 = tpu.memref_slice %arg10[%gather3A_2850, %gather3A_2851, %gather3A_2852] : memref<4x64x128xf32, #tpu.memory_space<vmem>> -> memref<1x64x128xf32, #tpu.memory_space<vmem>>
      %gather3A_2854 = tpu.memref_squeeze %gather3A_2853 : memref<1x64x128xf32, #tpu.memory_space<vmem>> -> memref<64x128xf32, #tpu.memory_space<vmem>>
      %gather3A_2855 = tpu.vector_load_idx %gather3A_2854[%add3A_36, %add3A_2823] : memref<64x128xf32, #tpu.memory_space<vmem>>[vector<16xi32>, vector<16xi32>], vector<16xf32>,
      %max3A_2856 = arith.constant 0.000000e+00 : f32
      %max3A_2857 = vector.broadcast %max3A_2856 : f32 to vector<16xf32>
      %max3A_2858 = arith.maximumf %gather3A_2849, %max3A_2857 : vector<16xf32>
      %max3A_2859 = arith.constant 0.000000e+00 : f32
      %max3A_2860 = vector.broadcast %max3A_2859 : f32 to vector<16xf32>
      %max3A_2861 = arith.maximumf %gather3A_2855, %max3A_2860 : vector<16xf32>
      %mul3A_2862 = arith.mulf %max3A_2858, %max3A_2861 : vector<16xf32>
      %add3A_2863 = arith.addf %add3A_2843, %mul3A_2862 : vector<16xf32>
      %gather3A_2864 = arith.constant 2 : i32
      %gather3A_2865 = arith.constant 0 : i32
      %gather3A_2866 = arith.constant 0 : i32
      %gather3A_2867 = tpu.memref_slice %arg9[%gather3A_2864, %gather3A_2865, %gather3A_2866] : memref<4x64x128xf32, #tpu.memory_space<vmem>> -> memref<1x64x128xf32, #tpu.memory_space<vmem>>
      %gather3A_2868 = tpu.memref_squeeze %gather3A_2867 : memref<1x64x128xf32, #tpu.memory_space<vmem>> -> memref<64x128xf32, #tpu.memory_space<vmem>>
      %gather3A_2869 = tpu.vector_load_idx %gather3A_2868[%add3A_42, %add3A_2801] : memref<64x128xf32, #tpu.memory_space<vmem>>[vector<16xi32>, vector<16xi32>], vector<16xf32>,
      %gather3A_2870 = arith.constant 2 : i32
      %gather3A_2871 = arith.constant 0 : i32
      %gather3A_2872 = arith.constant 0 : i32
      %gather3A_2873 = tpu.memref_slice %arg10[%gather3A_2870, %gather3A_2871, %gather3A_2872] : memref<4x64x128xf32, #tpu.memory_space<vmem>> -> memref<1x64x128xf32, #tpu.memory_space<vmem>>
      %gather3A_2874 = tpu.memref_squeeze %gather3A_2873 : memref<1x64x128xf32, #tpu.memory_space<vmem>> -> memref<64x128xf32, #tpu.memory_space<vmem>>
      %gather3A_2875 = tpu.vector_load_idx %gather3A_2874[%add3A_42, %add3A_2823] : memref<64x128xf32, #tpu.memory_space<vmem>>[vector<16xi32>, vector<16xi32>], vector<16xf32>,
      %max3A_2876 = arith.constant 0.000000e+00 : f32
      %max3A_2877 = vector.broadcast %max3A_2876 : f32 to vector<16xf32>
      %max3A_2878 = arith.maximumf %gather3A_2869, %max3A_2877 : vector<16xf32>
      %max3A_2879 = arith.constant 0.000000e+00 : f32
      %max3A_2880 = vector.broadcast %max3A_2879 : f32 to vector<16xf32>
      %max3A_2881 = arith.maximumf %gather3A_2875, %max3A_2880 : vector<16xf32>
      %mul3A_2882 = arith.mulf %max3A_2878, %max3A_2881 : vector<16xf32>
      %add3A_2883 = arith.addf %add3A_2863, %mul3A_2882 : vector<16xf32>
      %gather3A_2884 = arith.constant 2 : i32
      %gather3A_2885 = arith.constant 0 : i32
      %gather3A_2886 = arith.constant 0 : i32
      %gather3A_2887 = tpu.memref_slice %arg9[%gather3A_2884, %gather3A_2885, %gather3A_2886] : memref<4x64x128xf32, #tpu.memory_space<vmem>> -> memref<1x64x128xf32, #tpu.memory_space<vmem>>
      %gather3A_2888 = tpu.memref_squeeze %gather3A_2887 : memref<1x64x128xf32, #tpu.memory_space<vmem>> -> memref<64x128xf32, #tpu.memory_space<vmem>>
      %gather3A_2889 = tpu.vector_load_idx %gather3A_2888[%add3A_48, %add3A_2801] : memref<64x128xf32, #tpu.memory_space<vmem>>[vector<16xi32>, vector<16xi32>], vector<16xf32>,
      %gather3A_2890 = arith.constant 2 : i32
      %gather3A_2891 = arith.constant 0 : i32
      %gather3A_2892 = arith.constant 0 : i32
      %gather3A_2893 = tpu.memref_slice %arg10[%gather3A_2890, %gather3A_2891, %gather3A_2892] : memref<4x64x128xf32, #tpu.memory_space<vmem>> -> memref<1x64x128xf32, #tpu.memory_space<vmem>>
      %gather3A_2894 = tpu.memref_squeeze %gather3A_2893 : memref<1x64x128xf32, #tpu.memory_space<vmem>> -> memref<64x128xf32, #tpu.memory_space<vmem>>
      %gather3A_2895 = tpu.vector_load_idx %gather3A_2894[%add3A_48, %add3A_2823] : memref<64x128xf32, #tpu.memory_space<vmem>>[vector<16xi32>, vector<16xi32>], vector<16xf32>,
      %max3A_2896 = arith.constant 0.000000e+00 : f32
      %max3A_2897 = vector.broadcast %max3A_2896 : f32 to vector<16xf32>
      %max3A_2898 = arith.maximumf %gather3A_2889, %max3A_2897 : vector<16xf32>
      %max3A_2899 = arith.constant 0.000000e+00 : f32
      %max3A_2900 = vector.broadcast %max3A_2899 : f32 to vector<16xf32>
      %max3A_2901 = arith.maximumf %gather3A_2895, %max3A_2900 : vector<16xf32>
      %mul3A_2902 = arith.mulf %max3A_2898, %max3A_2901 : vector<16xf32>
      %add3A_2903 = arith.addf %add3A_2883, %mul3A_2902 : vector<16xf32>
      %eq3A_2904 = arith.constant 10 : i32
      %eq3A_2905 = vector.broadcast %eq3A_2904 : i32 to vector<16xi32>
      %eq3A_2906 = arith.cmpi eq, %iota3A, %eq3A_2905 : vector<16xi32>
      %reduce_sum3A_2907 = arith.constant true
      %reduce_sum3A_2908 = vector.broadcast %reduce_sum3A_2907 : i1 to vector<16xi1>
      %reduce_sum3A_2909 = tpu.scan <sum>, %add3A_2903 masked %reduce_sum3A_2908 : vector<16xf32>, vector<16xi1> -> vector<16xf32>
      %reduce_sum3A_2910 = vector.extract %reduce_sum3A_2909[15] : f32 from vector<16xf32>
      %broadcast_in_dim3A_2911 = vector.broadcast %reduce_sum3A_2910 : f32 to vector<16xf32>
      %select_n3A_2912 = arith.select %eq3A_2906, %broadcast_in_dim3A_2911, %select_n3A_2779 : vector<16xi1>, vector<16xf32>
      %broadcast_in_dim3A_2913 = arith.constant 0 : i32
      %broadcast_in_dim3A_2914 = vector.broadcast %broadcast_in_dim3A_2913 : i32 to vector<16xi32>
      %slice3A_2915 = vector.extract_strided_slice %get3A_92 {offsets = [11], sizes = [1], strides = [1]} : vector<16xi32> to vector<1xi32>
      %squeeze3A_2916 = vector.extract %slice3A_2915[0] : i32 from vector<1xi32>
      %jit3A_2917 = arith.constant 128 : i32
      %eq3A_2918 = arith.constant 0 : i32
      %eq3A_2919 = arith.cmpi eq, %jit3A_2917, %eq3A_2918 : i32
      %jit3A_2920 = arith.constant 1 : i32
      %select_n3A_2921 = arith.select %eq3A_2919, %jit3A_2920, %jit3A_2917 : i32
      %rem3A_2922 = arith.remsi %squeeze3A_2916, %select_n3A_2921 : i32
      %ne3A_2923 = arith.constant 0 : i32
      %ne3A_2924 = arith.cmpi ne, %rem3A_2922, %ne3A_2923 : i32
      %lt3A_2925 = arith.constant 0 : i32
      %lt3A_2926 = arith.cmpi slt, %rem3A_2922, %lt3A_2925 : i32
      %lt3A_2927 = arith.constant 0 : i32
      %lt3A_2928 = arith.cmpi slt, %select_n3A_2921, %lt3A_2927 : i32
      %ne3A_2929 = arith.xori %lt3A_2926, %lt3A_2928 : i1
      %and3A_2930 = arith.andi %ne3A_2929, %ne3A_2924 : i1
      %add3A_2931 = arith.addi %rem3A_2922, %select_n3A_2921 : i32
      %select_n3A_2932 = arith.select %and3A_2930, %add3A_2931, %rem3A_2922 : i32
      %add3A_2933 = vector.broadcast %select_n3A_2932 : i32 to vector<16xi32>
      %add3A_2934 = arith.addi %broadcast_in_dim3A_2914, %add3A_2933 : vector<16xi32>
      %broadcast_in_dim3A_2935 = arith.constant 0 : i32
      %broadcast_in_dim3A_2936 = vector.broadcast %broadcast_in_dim3A_2935 : i32 to vector<16xi32>
      %slice3A_2937 = vector.extract_strided_slice %get3A_137 {offsets = [11], sizes = [1], strides = [1]} : vector<16xi32> to vector<1xi32>
      %squeeze3A_2938 = vector.extract %slice3A_2937[0] : i32 from vector<1xi32>
      %jit3A_2939 = arith.constant 128 : i32
      %eq3A_2940 = arith.constant 0 : i32
      %eq3A_2941 = arith.cmpi eq, %jit3A_2939, %eq3A_2940 : i32
      %jit3A_2942 = arith.constant 1 : i32
      %select_n3A_2943 = arith.select %eq3A_2941, %jit3A_2942, %jit3A_2939 : i32
      %rem3A_2944 = arith.remsi %squeeze3A_2938, %select_n3A_2943 : i32
      %ne3A_2945 = arith.constant 0 : i32
      %ne3A_2946 = arith.cmpi ne, %rem3A_2944, %ne3A_2945 : i32
      %lt3A_2947 = arith.constant 0 : i32
      %lt3A_2948 = arith.cmpi slt, %rem3A_2944, %lt3A_2947 : i32
      %lt3A_2949 = arith.constant 0 : i32
      %lt3A_2950 = arith.cmpi slt, %select_n3A_2943, %lt3A_2949 : i32
      %ne3A_2951 = arith.xori %lt3A_2948, %lt3A_2950 : i1
      %and3A_2952 = arith.andi %ne3A_2951, %ne3A_2946 : i1
      %add3A_2953 = arith.addi %rem3A_2944, %select_n3A_2943 : i32
      %select_n3A_2954 = arith.select %and3A_2952, %add3A_2953, %rem3A_2944 : i32
      %add3A_2955 = vector.broadcast %select_n3A_2954 : i32 to vector<16xi32>
      %add3A_2956 = arith.addi %broadcast_in_dim3A_2936, %add3A_2955 : vector<16xi32>
      %gather3A_2957 = arith.constant 3 : i32
      %gather3A_2958 = arith.constant 0 : i32
      %gather3A_2959 = arith.constant 0 : i32
      %gather3A_2960 = tpu.memref_slice %arg9[%gather3A_2957, %gather3A_2958, %gather3A_2959] : memref<4x64x128xf32, #tpu.memory_space<vmem>> -> memref<1x64x128xf32, #tpu.memory_space<vmem>>
      %gather3A_2961 = tpu.memref_squeeze %gather3A_2960 : memref<1x64x128xf32, #tpu.memory_space<vmem>> -> memref<64x128xf32, #tpu.memory_space<vmem>>
      %gather3A_2962 = tpu.vector_load_idx %gather3A_2961[%add3A_30, %add3A_2934] : memref<64x128xf32, #tpu.memory_space<vmem>>[vector<16xi32>, vector<16xi32>], vector<16xf32>,
      %gather3A_2963 = arith.constant 3 : i32
      %gather3A_2964 = arith.constant 0 : i32
      %gather3A_2965 = arith.constant 0 : i32
      %gather3A_2966 = tpu.memref_slice %arg10[%gather3A_2963, %gather3A_2964, %gather3A_2965] : memref<4x64x128xf32, #tpu.memory_space<vmem>> -> memref<1x64x128xf32, #tpu.memory_space<vmem>>
      %gather3A_2967 = tpu.memref_squeeze %gather3A_2966 : memref<1x64x128xf32, #tpu.memory_space<vmem>> -> memref<64x128xf32, #tpu.memory_space<vmem>>
      %gather3A_2968 = tpu.vector_load_idx %gather3A_2967[%add3A_30, %add3A_2956] : memref<64x128xf32, #tpu.memory_space<vmem>>[vector<16xi32>, vector<16xi32>], vector<16xf32>,
      %max3A_2969 = arith.constant 0.000000e+00 : f32
      %max3A_2970 = vector.broadcast %max3A_2969 : f32 to vector<16xf32>
      %max3A_2971 = arith.maximumf %gather3A_2962, %max3A_2970 : vector<16xf32>
      %max3A_2972 = arith.constant 0.000000e+00 : f32
      %max3A_2973 = vector.broadcast %max3A_2972 : f32 to vector<16xf32>
      %max3A_2974 = arith.maximumf %gather3A_2968, %max3A_2973 : vector<16xf32>
      %mul3A_2975 = arith.mulf %max3A_2971, %max3A_2974 : vector<16xf32>
      %add3A_2976 = arith.addf %broadcast_in_dim3A_50, %mul3A_2975 : vector<16xf32>
      %gather3A_2977 = arith.constant 3 : i32
      %gather3A_2978 = arith.constant 0 : i32
      %gather3A_2979 = arith.constant 0 : i32
      %gather3A_2980 = tpu.memref_slice %arg9[%gather3A_2977, %gather3A_2978, %gather3A_2979] : memref<4x64x128xf32, #tpu.memory_space<vmem>> -> memref<1x64x128xf32, #tpu.memory_space<vmem>>
      %gather3A_2981 = tpu.memref_squeeze %gather3A_2980 : memref<1x64x128xf32, #tpu.memory_space<vmem>> -> memref<64x128xf32, #tpu.memory_space<vmem>>
      %gather3A_2982 = tpu.vector_load_idx %gather3A_2981[%add3A_36, %add3A_2934] : memref<64x128xf32, #tpu.memory_space<vmem>>[vector<16xi32>, vector<16xi32>], vector<16xf32>,
      %gather3A_2983 = arith.constant 3 : i32
      %gather3A_2984 = arith.constant 0 : i32
      %gather3A_2985 = arith.constant 0 : i32
      %gather3A_2986 = tpu.memref_slice %arg10[%gather3A_2983, %gather3A_2984, %gather3A_2985] : memref<4x64x128xf32, #tpu.memory_space<vmem>> -> memref<1x64x128xf32, #tpu.memory_space<vmem>>
      %gather3A_2987 = tpu.memref_squeeze %gather3A_2986 : memref<1x64x128xf32, #tpu.memory_space<vmem>> -> memref<64x128xf32, #tpu.memory_space<vmem>>
      %gather3A_2988 = tpu.vector_load_idx %gather3A_2987[%add3A_36, %add3A_2956] : memref<64x128xf32, #tpu.memory_space<vmem>>[vector<16xi32>, vector<16xi32>], vector<16xf32>,
      %max3A_2989 = arith.constant 0.000000e+00 : f32
      %max3A_2990 = vector.broadcast %max3A_2989 : f32 to vector<16xf32>
      %max3A_2991 = arith.maximumf %gather3A_2982, %max3A_2990 : vector<16xf32>
      %max3A_2992 = arith.constant 0.000000e+00 : f32
      %max3A_2993 = vector.broadcast %max3A_2992 : f32 to vector<16xf32>
      %max3A_2994 = arith.maximumf %gather3A_2988, %max3A_2993 : vector<16xf32>
      %mul3A_2995 = arith.mulf %max3A_2991, %max3A_2994 : vector<16xf32>
      %add3A_2996 = arith.addf %add3A_2976, %mul3A_2995 : vector<16xf32>
      %gather3A_2997 = arith.constant 3 : i32
      %gather3A_2998 = arith.constant 0 : i32
      %gather3A_2999 = arith.constant 0 : i32
      %gather3A_3000 = tpu.memref_slice %arg9[%gather3A_2997, %gather3A_2998, %gather3A_2999] : memref<4x64x128xf32, #tpu.memory_space<vmem>> -> memref<1x64x128xf32, #tpu.memory_space<vmem>>
      %gather3A_3001 = tpu.memref_squeeze %gather3A_3000 : memref<1x64x128xf32, #tpu.memory_space<vmem>> -> memref<64x128xf32, #tpu.memory_space<vmem>>
      %gather3A_3002 = tpu.vector_load_idx %gather3A_3001[%add3A_42, %add3A_2934] : memref<64x128xf32, #tpu.memory_space<vmem>>[vector<16xi32>, vector<16xi32>], vector<16xf32>,
      %gather3A_3003 = arith.constant 3 : i32
      %gather3A_3004 = arith.constant 0 : i32
      %gather3A_3005 = arith.constant 0 : i32
      %gather3A_3006 = tpu.memref_slice %arg10[%gather3A_3003, %gather3A_3004, %gather3A_3005] : memref<4x64x128xf32, #tpu.memory_space<vmem>> -> memref<1x64x128xf32, #tpu.memory_space<vmem>>
      %gather3A_3007 = tpu.memref_squeeze %gather3A_3006 : memref<1x64x128xf32, #tpu.memory_space<vmem>> -> memref<64x128xf32, #tpu.memory_space<vmem>>
      %gather3A_3008 = tpu.vector_load_idx %gather3A_3007[%add3A_42, %add3A_2956] : memref<64x128xf32, #tpu.memory_space<vmem>>[vector<16xi32>, vector<16xi32>], vector<16xf32>,
      %max3A_3009 = arith.constant 0.000000e+00 : f32
      %max3A_3010 = vector.broadcast %max3A_3009 : f32 to vector<16xf32>
      %max3A_3011 = arith.maximumf %gather3A_3002, %max3A_3010 : vector<16xf32>
      %max3A_3012 = arith.constant 0.000000e+00 : f32
      %max3A_3013 = vector.broadcast %max3A_3012 : f32 to vector<16xf32>
      %max3A_3014 = arith.maximumf %gather3A_3008, %max3A_3013 : vector<16xf32>
      %mul3A_3015 = arith.mulf %max3A_3011, %max3A_3014 : vector<16xf32>
      %add3A_3016 = arith.addf %add3A_2996, %mul3A_3015 : vector<16xf32>
      %gather3A_3017 = arith.constant 3 : i32
      %gather3A_3018 = arith.constant 0 : i32
      %gather3A_3019 = arith.constant 0 : i32
      %gather3A_3020 = tpu.memref_slice %arg9[%gather3A_3017, %gather3A_3018, %gather3A_3019] : memref<4x64x128xf32, #tpu.memory_space<vmem>> -> memref<1x64x128xf32, #tpu.memory_space<vmem>>
      %gather3A_3021 = tpu.memref_squeeze %gather3A_3020 : memref<1x64x128xf32, #tpu.memory_space<vmem>> -> memref<64x128xf32, #tpu.memory_space<vmem>>
      %gather3A_3022 = tpu.vector_load_idx %gather3A_3021[%add3A_48, %add3A_2934] : memref<64x128xf32, #tpu.memory_space<vmem>>[vector<16xi32>, vector<16xi32>], vector<16xf32>,
      %gather3A_3023 = arith.constant 3 : i32
      %gather3A_3024 = arith.constant 0 : i32
      %gather3A_3025 = arith.constant 0 : i32
      %gather3A_3026 = tpu.memref_slice %arg10[%gather3A_3023, %gather3A_3024, %gather3A_3025] : memref<4x64x128xf32, #tpu.memory_space<vmem>> -> memref<1x64x128xf32, #tpu.memory_space<vmem>>
      %gather3A_3027 = tpu.memref_squeeze %gather3A_3026 : memref<1x64x128xf32, #tpu.memory_space<vmem>> -> memref<64x128xf32, #tpu.memory_space<vmem>>
      %gather3A_3028 = tpu.vector_load_idx %gather3A_3027[%add3A_48, %add3A_2956] : memref<64x128xf32, #tpu.memory_space<vmem>>[vector<16xi32>, vector<16xi32>], vector<16xf32>,
      %max3A_3029 = arith.constant 0.000000e+00 : f32
      %max3A_3030 = vector.broadcast %max3A_3029 : f32 to vector<16xf32>
      %max3A_3031 = arith.maximumf %gather3A_3022, %max3A_3030 : vector<16xf32>
      %max3A_3032 = arith.constant 0.000000e+00 : f32
      %max3A_3033 = vector.broadcast %max3A_3032 : f32 to vector<16xf32>
      %max3A_3034 = arith.maximumf %gather3A_3028, %max3A_3033 : vector<16xf32>
      %mul3A_3035 = arith.mulf %max3A_3031, %max3A_3034 : vector<16xf32>
      %add3A_3036 = arith.addf %add3A_3016, %mul3A_3035 : vector<16xf32>
      %eq3A_3037 = arith.constant 11 : i32
      %eq3A_3038 = vector.broadcast %eq3A_3037 : i32 to vector<16xi32>
      %eq3A_3039 = arith.cmpi eq, %iota3A, %eq3A_3038 : vector<16xi32>
      %reduce_sum3A_3040 = arith.constant true
      %reduce_sum3A_3041 = vector.broadcast %reduce_sum3A_3040 : i1 to vector<16xi1>
      %reduce_sum3A_3042 = tpu.scan <sum>, %add3A_3036 masked %reduce_sum3A_3041 : vector<16xf32>, vector<16xi1> -> vector<16xf32>
      %reduce_sum3A_3043 = vector.extract %reduce_sum3A_3042[15] : f32 from vector<16xf32>
      %broadcast_in_dim3A_3044 = vector.broadcast %reduce_sum3A_3043 : f32 to vector<16xf32>
      %select_n3A_3045 = arith.select %eq3A_3039, %broadcast_in_dim3A_3044, %select_n3A_2912 : vector<16xi1>, vector<16xf32>
      %slice3A_3046 = vector.extract_strided_slice %get3A_92 {offsets = [12], sizes = [1], strides = [1]} : vector<16xi32> to vector<1xi32>
      %squeeze3A_3047 = vector.extract %slice3A_3046[0] : i32 from vector<1xi32>
      %slice3A_3048 = vector.extract_strided_slice %get3A_137 {offsets = [12], sizes = [1], strides = [1]} : vector<16xi32> to vector<1xi32>
      %squeeze3A_3049 = vector.extract %slice3A_3048[0] : i32 from vector<1xi32>
      %jit3A_3050 = arith.constant 128 : i32
      %div3A_3051 = arith.divsi %squeeze3A_3047, %jit3A_3050 : i32
      %sign3A_3052 = arith.constant 0 : i32
      %sign3A_3053 = arith.cmpi sgt, %squeeze3A_3047, %sign3A_3052 : i32
      %sign3A_3054 = arith.extui %sign3A_3053 : i1 to i32
      %sign3A_3055 = arith.constant 0 : i32
      %sign3A_3056 = arith.cmpi slt, %squeeze3A_3047, %sign3A_3055 : i32
      %sign3A_3057 = arith.extui %sign3A_3056 : i1 to i32
      %sign3A_3058 = arith.subi %sign3A_3054, %sign3A_3057 : i32
      %sign3A_3059 = arith.constant 0 : i32
      %sign3A_3060 = arith.cmpi sgt, %jit3A_3050, %sign3A_3059 : i32
      %sign3A_3061 = arith.extui %sign3A_3060 : i1 to i32
      %sign3A_3062 = arith.constant 0 : i32
      %sign3A_3063 = arith.cmpi slt, %jit3A_3050, %sign3A_3062 : i32
      %sign3A_3064 = arith.extui %sign3A_3063 : i1 to i32
      %sign3A_3065 = arith.subi %sign3A_3061, %sign3A_3064 : i32
      %ne3A_3066 = arith.cmpi ne, %sign3A_3058, %sign3A_3065 : i32
      %rem3A_3067 = arith.remsi %squeeze3A_3047, %jit3A_3050 : i32
      %ne3A_3068 = arith.constant 0 : i32
      %ne3A_3069 = arith.cmpi ne, %rem3A_3067, %ne3A_3068 : i32
      %and3A_3070 = arith.andi %ne3A_3066, %ne3A_3069 : i1
      %sub3A_3071 = arith.constant 1 : i32
      %sub3A_3072 = arith.subi %div3A_3051, %sub3A_3071 : i32
      %select_n3A_3073 = arith.select %and3A_3070, %sub3A_3072, %div3A_3051 : i32
      %mul3A_3074 = arith.constant 128 : i32
      %mul3A_3075 = arith.muli %select_n3A_3073, %mul3A_3074 : i32
      %multiple_of3A_3076 = tpu.assume_multiple %mul3A_3075, 128 : i32
      %dma_start3A_3077 = arith.constant 0 : i32
      %dma_start3A_3078 = arith.constant 0 : i32
      %dma_start3A_3079 = arith.constant 0 : i32
      %dma_start3A_3080 = tpu.memref_slice %arg9[%dma_start3A_3077, %dma_start3A_3078, %dma_start3A_3079] : memref<4x64x128xf32, #tpu.memory_space<vmem>> -> memref<1x64x128xf32, #tpu.memory_space<vmem>>
      %dma_start3A_3081 = tpu.memref_squeeze %dma_start3A_3080 : memref<1x64x128xf32, #tpu.memory_space<vmem>> -> memref<64x128xf32, #tpu.memory_space<vmem>>
      %dma_start3A_3082 = arith.constant 0 : i32
      %dma_start3A_3083 = tpu.memref_slice %arg4[%dma_start3A_3082, %multiple_of3A_3076] : memref<64x1000000xf32, #tpu.memory_space<hbm>> -> memref<64x128xf32, #tpu.memory_space<hbm>>
      %dma_start3A_3084 = arith.constant 0 : i32
      %dma_start3A_3085 = arith.constant 0 : i32
      %dma_start3A_3086 = tpu.memref_slice %arg9[%dma_start3A_3077, %dma_start3A_3084, %dma_start3A_3085] : memref<4x64x128xf32, #tpu.memory_space<vmem>> -> memref<1x64x128xf32, #tpu.memory_space<vmem>>
      %dma_start3A_3087 = tpu.memref_squeeze %dma_start3A_3086 : memref<1x64x128xf32, #tpu.memory_space<vmem>> -> memref<64x128xf32, #tpu.memory_space<vmem>>
      %dma_start3A_3088 = arith.constant 0 : i32
      %dma_start3A_3089 = tpu.memref_slice %arg4[%dma_start3A_3088, %multiple_of3A_3076] : memref<64x1000000xf32, #tpu.memory_space<hbm>> -> memref<64x128xf32, #tpu.memory_space<hbm>>
      tpu.enqueue_dma source(%dma_start3A_3089 : memref<64x128xf32, #tpu.memory_space<hbm>>) target(%dma_start3A_3087 : memref<64x128xf32, #tpu.memory_space<vmem>>) target_semaphore(%arg12 : memref<!tpu.dma_semaphore, #tpu.memory_space<semaphore_mem>>)
      %jit3A_3090 = arith.constant 128 : i32
      %div3A_3091 = arith.divsi %squeeze3A_3049, %jit3A_3090 : i32
      %sign3A_3092 = arith.constant 0 : i32
      %sign3A_3093 = arith.cmpi sgt, %squeeze3A_3049, %sign3A_3092 : i32
      %sign3A_3094 = arith.extui %sign3A_3093 : i1 to i32
      %sign3A_3095 = arith.constant 0 : i32
      %sign3A_3096 = arith.cmpi slt, %squeeze3A_3049, %sign3A_3095 : i32
      %sign3A_3097 = arith.extui %sign3A_3096 : i1 to i32
      %sign3A_3098 = arith.subi %sign3A_3094, %sign3A_3097 : i32
      %sign3A_3099 = arith.constant 0 : i32
      %sign3A_3100 = arith.cmpi sgt, %jit3A_3090, %sign3A_3099 : i32
      %sign3A_3101 = arith.extui %sign3A_3100 : i1 to i32
      %sign3A_3102 = arith.constant 0 : i32
      %sign3A_3103 = arith.cmpi slt, %jit3A_3090, %sign3A_3102 : i32
      %sign3A_3104 = arith.extui %sign3A_3103 : i1 to i32
      %sign3A_3105 = arith.subi %sign3A_3101, %sign3A_3104 : i32
      %ne3A_3106 = arith.cmpi ne, %sign3A_3098, %sign3A_3105 : i32
      %rem3A_3107 = arith.remsi %squeeze3A_3049, %jit3A_3090 : i32
      %ne3A_3108 = arith.constant 0 : i32
      %ne3A_3109 = arith.cmpi ne, %rem3A_3107, %ne3A_3108 : i32
      %and3A_3110 = arith.andi %ne3A_3106, %ne3A_3109 : i1
      %sub3A_3111 = arith.constant 1 : i32
      %sub3A_3112 = arith.subi %div3A_3091, %sub3A_3111 : i32
      %select_n3A_3113 = arith.select %and3A_3110, %sub3A_3112, %div3A_3091 : i32
      %mul3A_3114 = arith.constant 128 : i32
      %mul3A_3115 = arith.muli %select_n3A_3113, %mul3A_3114 : i32
      %multiple_of3A_3116 = tpu.assume_multiple %mul3A_3115, 128 : i32
      %dma_start3A_3117 = arith.constant 0 : i32
      %dma_start3A_3118 = arith.constant 0 : i32
      %dma_start3A_3119 = arith.constant 0 : i32
      %dma_start3A_3120 = tpu.memref_slice %arg10[%dma_start3A_3117, %dma_start3A_3118, %dma_start3A_3119] : memref<4x64x128xf32, #tpu.memory_space<vmem>> -> memref<1x64x128xf32, #tpu.memory_space<vmem>>
      %dma_start3A_3121 = tpu.memref_squeeze %dma_start3A_3120 : memref<1x64x128xf32, #tpu.memory_space<vmem>> -> memref<64x128xf32, #tpu.memory_space<vmem>>
      %dma_start3A_3122 = arith.constant 0 : i32
      %dma_start3A_3123 = tpu.memref_slice %arg5[%dma_start3A_3122, %multiple_of3A_3116] : memref<64x1000000xf32, #tpu.memory_space<hbm>> -> memref<64x128xf32, #tpu.memory_space<hbm>>
      %dma_start3A_3124 = arith.constant 0 : i32
      %dma_start3A_3125 = arith.constant 0 : i32
      %dma_start3A_3126 = tpu.memref_slice %arg10[%dma_start3A_3117, %dma_start3A_3124, %dma_start3A_3125] : memref<4x64x128xf32, #tpu.memory_space<vmem>> -> memref<1x64x128xf32, #tpu.memory_space<vmem>>
      %dma_start3A_3127 = tpu.memref_squeeze %dma_start3A_3126 : memref<1x64x128xf32, #tpu.memory_space<vmem>> -> memref<64x128xf32, #tpu.memory_space<vmem>>
      %dma_start3A_3128 = arith.constant 0 : i32
      %dma_start3A_3129 = tpu.memref_slice %arg5[%dma_start3A_3128, %multiple_of3A_3116] : memref<64x1000000xf32, #tpu.memory_space<hbm>> -> memref<64x128xf32, #tpu.memory_space<hbm>>
      tpu.enqueue_dma source(%dma_start3A_3129 : memref<64x128xf32, #tpu.memory_space<hbm>>) target(%dma_start3A_3127 : memref<64x128xf32, #tpu.memory_space<vmem>>) target_semaphore(%arg12 : memref<!tpu.dma_semaphore, #tpu.memory_space<semaphore_mem>>)
      %slice3A_3130 = vector.extract_strided_slice %get3A_92 {offsets = [13], sizes = [1], strides = [1]} : vector<16xi32> to vector<1xi32>
      %squeeze3A_3131 = vector.extract %slice3A_3130[0] : i32 from vector<1xi32>
      %slice3A_3132 = vector.extract_strided_slice %get3A_137 {offsets = [13], sizes = [1], strides = [1]} : vector<16xi32> to vector<1xi32>
      %squeeze3A_3133 = vector.extract %slice3A_3132[0] : i32 from vector<1xi32>
      %jit3A_3134 = arith.constant 128 : i32
      %div3A_3135 = arith.divsi %squeeze3A_3131, %jit3A_3134 : i32
      %sign3A_3136 = arith.constant 0 : i32
      %sign3A_3137 = arith.cmpi sgt, %squeeze3A_3131, %sign3A_3136 : i32
      %sign3A_3138 = arith.extui %sign3A_3137 : i1 to i32
      %sign3A_3139 = arith.constant 0 : i32
      %sign3A_3140 = arith.cmpi slt, %squeeze3A_3131, %sign3A_3139 : i32
      %sign3A_3141 = arith.extui %sign3A_3140 : i1 to i32
      %sign3A_3142 = arith.subi %sign3A_3138, %sign3A_3141 : i32
      %sign3A_3143 = arith.constant 0 : i32
      %sign3A_3144 = arith.cmpi sgt, %jit3A_3134, %sign3A_3143 : i32
      %sign3A_3145 = arith.extui %sign3A_3144 : i1 to i32
      %sign3A_3146 = arith.constant 0 : i32
      %sign3A_3147 = arith.cmpi slt, %jit3A_3134, %sign3A_3146 : i32
      %sign3A_3148 = arith.extui %sign3A_3147 : i1 to i32
      %sign3A_3149 = arith.subi %sign3A_3145, %sign3A_3148 : i32
      %ne3A_3150 = arith.cmpi ne, %sign3A_3142, %sign3A_3149 : i32
      %rem3A_3151 = arith.remsi %squeeze3A_3131, %jit3A_3134 : i32
      %ne3A_3152 = arith.constant 0 : i32
      %ne3A_3153 = arith.cmpi ne, %rem3A_3151, %ne3A_3152 : i32
      %and3A_3154 = arith.andi %ne3A_3150, %ne3A_3153 : i1
      %sub3A_3155 = arith.constant 1 : i32
      %sub3A_3156 = arith.subi %div3A_3135, %sub3A_3155 : i32
      %select_n3A_3157 = arith.select %and3A_3154, %sub3A_3156, %div3A_3135 : i32
      %mul3A_3158 = arith.constant 128 : i32
      %mul3A_3159 = arith.muli %select_n3A_3157, %mul3A_3158 : i32
      %multiple_of3A_3160 = tpu.assume_multiple %mul3A_3159, 128 : i32
      %dma_start3A_3161 = arith.constant 1 : i32
      %dma_start3A_3162 = arith.constant 0 : i32
      %dma_start3A_3163 = arith.constant 0 : i32
      %dma_start3A_3164 = tpu.memref_slice %arg9[%dma_start3A_3161, %dma_start3A_3162, %dma_start3A_3163] : memref<4x64x128xf32, #tpu.memory_space<vmem>> -> memref<1x64x128xf32, #tpu.memory_space<vmem>>
      %dma_start3A_3165 = tpu.memref_squeeze %dma_start3A_3164 : memref<1x64x128xf32, #tpu.memory_space<vmem>> -> memref<64x128xf32, #tpu.memory_space<vmem>>
      %dma_start3A_3166 = arith.constant 0 : i32
      %dma_start3A_3167 = tpu.memref_slice %arg4[%dma_start3A_3166, %multiple_of3A_3160] : memref<64x1000000xf32, #tpu.memory_space<hbm>> -> memref<64x128xf32, #tpu.memory_space<hbm>>
      %dma_start3A_3168 = arith.constant 0 : i32
      %dma_start3A_3169 = arith.constant 0 : i32
      %dma_start3A_3170 = tpu.memref_slice %arg9[%dma_start3A_3161, %dma_start3A_3168, %dma_start3A_3169] : memref<4x64x128xf32, #tpu.memory_space<vmem>> -> memref<1x64x128xf32, #tpu.memory_space<vmem>>
      %dma_start3A_3171 = tpu.memref_squeeze %dma_start3A_3170 : memref<1x64x128xf32, #tpu.memory_space<vmem>> -> memref<64x128xf32, #tpu.memory_space<vmem>>
      %dma_start3A_3172 = arith.constant 0 : i32
      %dma_start3A_3173 = tpu.memref_slice %arg4[%dma_start3A_3172, %multiple_of3A_3160] : memref<64x1000000xf32, #tpu.memory_space<hbm>> -> memref<64x128xf32, #tpu.memory_space<hbm>>
      tpu.enqueue_dma source(%dma_start3A_3173 : memref<64x128xf32, #tpu.memory_space<hbm>>) target(%dma_start3A_3171 : memref<64x128xf32, #tpu.memory_space<vmem>>) target_semaphore(%arg12 : memref<!tpu.dma_semaphore, #tpu.memory_space<semaphore_mem>>)
      %jit3A_3174 = arith.constant 128 : i32
      %div3A_3175 = arith.divsi %squeeze3A_3133, %jit3A_3174 : i32
      %sign3A_3176 = arith.constant 0 : i32
      %sign3A_3177 = arith.cmpi sgt, %squeeze3A_3133, %sign3A_3176 : i32
      %sign3A_3178 = arith.extui %sign3A_3177 : i1 to i32
      %sign3A_3179 = arith.constant 0 : i32
      %sign3A_3180 = arith.cmpi slt, %squeeze3A_3133, %sign3A_3179 : i32
      %sign3A_3181 = arith.extui %sign3A_3180 : i1 to i32
      %sign3A_3182 = arith.subi %sign3A_3178, %sign3A_3181 : i32
      %sign3A_3183 = arith.constant 0 : i32
      %sign3A_3184 = arith.cmpi sgt, %jit3A_3174, %sign3A_3183 : i32
      %sign3A_3185 = arith.extui %sign3A_3184 : i1 to i32
      %sign3A_3186 = arith.constant 0 : i32
      %sign3A_3187 = arith.cmpi slt, %jit3A_3174, %sign3A_3186 : i32
      %sign3A_3188 = arith.extui %sign3A_3187 : i1 to i32
      %sign3A_3189 = arith.subi %sign3A_3185, %sign3A_3188 : i32
      %ne3A_3190 = arith.cmpi ne, %sign3A_3182, %sign3A_3189 : i32
      %rem3A_3191 = arith.remsi %squeeze3A_3133, %jit3A_3174 : i32
      %ne3A_3192 = arith.constant 0 : i32
      %ne3A_3193 = arith.cmpi ne, %rem3A_3191, %ne3A_3192 : i32
      %and3A_3194 = arith.andi %ne3A_3190, %ne3A_3193 : i1
      %sub3A_3195 = arith.constant 1 : i32
      %sub3A_3196 = arith.subi %div3A_3175, %sub3A_3195 : i32
      %select_n3A_3197 = arith.select %and3A_3194, %sub3A_3196, %div3A_3175 : i32
      %mul3A_3198 = arith.constant 128 : i32
      %mul3A_3199 = arith.muli %select_n3A_3197, %mul3A_3198 : i32
      %multiple_of3A_3200 = tpu.assume_multiple %mul3A_3199, 128 : i32
      %dma_start3A_3201 = arith.constant 1 : i32
      %dma_start3A_3202 = arith.constant 0 : i32
      %dma_start3A_3203 = arith.constant 0 : i32
      %dma_start3A_3204 = tpu.memref_slice %arg10[%dma_start3A_3201, %dma_start3A_3202, %dma_start3A_3203] : memref<4x64x128xf32, #tpu.memory_space<vmem>> -> memref<1x64x128xf32, #tpu.memory_space<vmem>>
      %dma_start3A_3205 = tpu.memref_squeeze %dma_start3A_3204 : memref<1x64x128xf32, #tpu.memory_space<vmem>> -> memref<64x128xf32, #tpu.memory_space<vmem>>
      %dma_start3A_3206 = arith.constant 0 : i32
      %dma_start3A_3207 = tpu.memref_slice %arg5[%dma_start3A_3206, %multiple_of3A_3200] : memref<64x1000000xf32, #tpu.memory_space<hbm>> -> memref<64x128xf32, #tpu.memory_space<hbm>>
      %dma_start3A_3208 = arith.constant 0 : i32
      %dma_start3A_3209 = arith.constant 0 : i32
      %dma_start3A_3210 = tpu.memref_slice %arg10[%dma_start3A_3201, %dma_start3A_3208, %dma_start3A_3209] : memref<4x64x128xf32, #tpu.memory_space<vmem>> -> memref<1x64x128xf32, #tpu.memory_space<vmem>>
      %dma_start3A_3211 = tpu.memref_squeeze %dma_start3A_3210 : memref<1x64x128xf32, #tpu.memory_space<vmem>> -> memref<64x128xf32, #tpu.memory_space<vmem>>
      %dma_start3A_3212 = arith.constant 0 : i32
      %dma_start3A_3213 = tpu.memref_slice %arg5[%dma_start3A_3212, %multiple_of3A_3200] : memref<64x1000000xf32, #tpu.memory_space<hbm>> -> memref<64x128xf32, #tpu.memory_space<hbm>>
      tpu.enqueue_dma source(%dma_start3A_3213 : memref<64x128xf32, #tpu.memory_space<hbm>>) target(%dma_start3A_3211 : memref<64x128xf32, #tpu.memory_space<vmem>>) target_semaphore(%arg12 : memref<!tpu.dma_semaphore, #tpu.memory_space<semaphore_mem>>)
      %slice3A_3214 = vector.extract_strided_slice %get3A_92 {offsets = [14], sizes = [1], strides = [1]} : vector<16xi32> to vector<1xi32>
      %squeeze3A_3215 = vector.extract %slice3A_3214[0] : i32 from vector<1xi32>
      %slice3A_3216 = vector.extract_strided_slice %get3A_137 {offsets = [14], sizes = [1], strides = [1]} : vector<16xi32> to vector<1xi32>
      %squeeze3A_3217 = vector.extract %slice3A_3216[0] : i32 from vector<1xi32>
      %jit3A_3218 = arith.constant 128 : i32
      %div3A_3219 = arith.divsi %squeeze3A_3215, %jit3A_3218 : i32
      %sign3A_3220 = arith.constant 0 : i32
      %sign3A_3221 = arith.cmpi sgt, %squeeze3A_3215, %sign3A_3220 : i32
      %sign3A_3222 = arith.extui %sign3A_3221 : i1 to i32
      %sign3A_3223 = arith.constant 0 : i32
      %sign3A_3224 = arith.cmpi slt, %squeeze3A_3215, %sign3A_3223 : i32
      %sign3A_3225 = arith.extui %sign3A_3224 : i1 to i32
      %sign3A_3226 = arith.subi %sign3A_3222, %sign3A_3225 : i32
      %sign3A_3227 = arith.constant 0 : i32
      %sign3A_3228 = arith.cmpi sgt, %jit3A_3218, %sign3A_3227 : i32
      %sign3A_3229 = arith.extui %sign3A_3228 : i1 to i32
      %sign3A_3230 = arith.constant 0 : i32
      %sign3A_3231 = arith.cmpi slt, %jit3A_3218, %sign3A_3230 : i32
      %sign3A_3232 = arith.extui %sign3A_3231 : i1 to i32
      %sign3A_3233 = arith.subi %sign3A_3229, %sign3A_3232 : i32
      %ne3A_3234 = arith.cmpi ne, %sign3A_3226, %sign3A_3233 : i32
      %rem3A_3235 = arith.remsi %squeeze3A_3215, %jit3A_3218 : i32
      %ne3A_3236 = arith.constant 0 : i32
      %ne3A_3237 = arith.cmpi ne, %rem3A_3235, %ne3A_3236 : i32
      %and3A_3238 = arith.andi %ne3A_3234, %ne3A_3237 : i1
      %sub3A_3239 = arith.constant 1 : i32
      %sub3A_3240 = arith.subi %div3A_3219, %sub3A_3239 : i32
      %select_n3A_3241 = arith.select %and3A_3238, %sub3A_3240, %div3A_3219 : i32
      %mul3A_3242 = arith.constant 128 : i32
      %mul3A_3243 = arith.muli %select_n3A_3241, %mul3A_3242 : i32
      %multiple_of3A_3244 = tpu.assume_multiple %mul3A_3243, 128 : i32
      %dma_start3A_3245 = arith.constant 2 : i32
      %dma_start3A_3246 = arith.constant 0 : i32
      %dma_start3A_3247 = arith.constant 0 : i32
      %dma_start3A_3248 = tpu.memref_slice %arg9[%dma_start3A_3245, %dma_start3A_3246, %dma_start3A_3247] : memref<4x64x128xf32, #tpu.memory_space<vmem>> -> memref<1x64x128xf32, #tpu.memory_space<vmem>>
      %dma_start3A_3249 = tpu.memref_squeeze %dma_start3A_3248 : memref<1x64x128xf32, #tpu.memory_space<vmem>> -> memref<64x128xf32, #tpu.memory_space<vmem>>
      %dma_start3A_3250 = arith.constant 0 : i32
      %dma_start3A_3251 = tpu.memref_slice %arg4[%dma_start3A_3250, %multiple_of3A_3244] : memref<64x1000000xf32, #tpu.memory_space<hbm>> -> memref<64x128xf32, #tpu.memory_space<hbm>>
      %dma_start3A_3252 = arith.constant 0 : i32
      %dma_start3A_3253 = arith.constant 0 : i32
      %dma_start3A_3254 = tpu.memref_slice %arg9[%dma_start3A_3245, %dma_start3A_3252, %dma_start3A_3253] : memref<4x64x128xf32, #tpu.memory_space<vmem>> -> memref<1x64x128xf32, #tpu.memory_space<vmem>>
      %dma_start3A_3255 = tpu.memref_squeeze %dma_start3A_3254 : memref<1x64x128xf32, #tpu.memory_space<vmem>> -> memref<64x128xf32, #tpu.memory_space<vmem>>
      %dma_start3A_3256 = arith.constant 0 : i32
      %dma_start3A_3257 = tpu.memref_slice %arg4[%dma_start3A_3256, %multiple_of3A_3244] : memref<64x1000000xf32, #tpu.memory_space<hbm>> -> memref<64x128xf32, #tpu.memory_space<hbm>>
      tpu.enqueue_dma source(%dma_start3A_3257 : memref<64x128xf32, #tpu.memory_space<hbm>>) target(%dma_start3A_3255 : memref<64x128xf32, #tpu.memory_space<vmem>>) target_semaphore(%arg12 : memref<!tpu.dma_semaphore, #tpu.memory_space<semaphore_mem>>)
      %jit3A_3258 = arith.constant 128 : i32
      %div3A_3259 = arith.divsi %squeeze3A_3217, %jit3A_3258 : i32
      %sign3A_3260 = arith.constant 0 : i32
      %sign3A_3261 = arith.cmpi sgt, %squeeze3A_3217, %sign3A_3260 : i32
      %sign3A_3262 = arith.extui %sign3A_3261 : i1 to i32
      %sign3A_3263 = arith.constant 0 : i32
      %sign3A_3264 = arith.cmpi slt, %squeeze3A_3217, %sign3A_3263 : i32
      %sign3A_3265 = arith.extui %sign3A_3264 : i1 to i32
      %sign3A_3266 = arith.subi %sign3A_3262, %sign3A_3265 : i32
      %sign3A_3267 = arith.constant 0 : i32
      %sign3A_3268 = arith.cmpi sgt, %jit3A_3258, %sign3A_3267 : i32
      %sign3A_3269 = arith.extui %sign3A_3268 : i1 to i32
      %sign3A_3270 = arith.constant 0 : i32
      %sign3A_3271 = arith.cmpi slt, %jit3A_3258, %sign3A_3270 : i32
      %sign3A_3272 = arith.extui %sign3A_3271 : i1 to i32
      %sign3A_3273 = arith.subi %sign3A_3269, %sign3A_3272 : i32
      %ne3A_3274 = arith.cmpi ne, %sign3A_3266, %sign3A_3273 : i32
      %rem3A_3275 = arith.remsi %squeeze3A_3217, %jit3A_3258 : i32
      %ne3A_3276 = arith.constant 0 : i32
      %ne3A_3277 = arith.cmpi ne, %rem3A_3275, %ne3A_3276 : i32
      %and3A_3278 = arith.andi %ne3A_3274, %ne3A_3277 : i1
      %sub3A_3279 = arith.constant 1 : i32
      %sub3A_3280 = arith.subi %div3A_3259, %sub3A_3279 : i32
      %select_n3A_3281 = arith.select %and3A_3278, %sub3A_3280, %div3A_3259 : i32
      %mul3A_3282 = arith.constant 128 : i32
      %mul3A_3283 = arith.muli %select_n3A_3281, %mul3A_3282 : i32
      %multiple_of3A_3284 = tpu.assume_multiple %mul3A_3283, 128 : i32
      %dma_start3A_3285 = arith.constant 2 : i32
      %dma_start3A_3286 = arith.constant 0 : i32
      %dma_start3A_3287 = arith.constant 0 : i32
      %dma_start3A_3288 = tpu.memref_slice %arg10[%dma_start3A_3285, %dma_start3A_3286, %dma_start3A_3287] : memref<4x64x128xf32, #tpu.memory_space<vmem>> -> memref<1x64x128xf32, #tpu.memory_space<vmem>>
      %dma_start3A_3289 = tpu.memref_squeeze %dma_start3A_3288 : memref<1x64x128xf32, #tpu.memory_space<vmem>> -> memref<64x128xf32, #tpu.memory_space<vmem>>
      %dma_start3A_3290 = arith.constant 0 : i32
      %dma_start3A_3291 = tpu.memref_slice %arg5[%dma_start3A_3290, %multiple_of3A_3284] : memref<64x1000000xf32, #tpu.memory_space<hbm>> -> memref<64x128xf32, #tpu.memory_space<hbm>>
      %dma_start3A_3292 = arith.constant 0 : i32
      %dma_start3A_3293 = arith.constant 0 : i32
      %dma_start3A_3294 = tpu.memref_slice %arg10[%dma_start3A_3285, %dma_start3A_3292, %dma_start3A_3293] : memref<4x64x128xf32, #tpu.memory_space<vmem>> -> memref<1x64x128xf32, #tpu.memory_space<vmem>>
      %dma_start3A_3295 = tpu.memref_squeeze %dma_start3A_3294 : memref<1x64x128xf32, #tpu.memory_space<vmem>> -> memref<64x128xf32, #tpu.memory_space<vmem>>
      %dma_start3A_3296 = arith.constant 0 : i32
      %dma_start3A_3297 = tpu.memref_slice %arg5[%dma_start3A_3296, %multiple_of3A_3284] : memref<64x1000000xf32, #tpu.memory_space<hbm>> -> memref<64x128xf32, #tpu.memory_space<hbm>>
      tpu.enqueue_dma source(%dma_start3A_3297 : memref<64x128xf32, #tpu.memory_space<hbm>>) target(%dma_start3A_3295 : memref<64x128xf32, #tpu.memory_space<vmem>>) target_semaphore(%arg12 : memref<!tpu.dma_semaphore, #tpu.memory_space<semaphore_mem>>)
      %slice3A_3298 = vector.extract_strided_slice %get3A_92 {offsets = [15], sizes = [1], strides = [1]} : vector<16xi32> to vector<1xi32>
      %squeeze3A_3299 = vector.extract %slice3A_3298[0] : i32 from vector<1xi32>
      %slice3A_3300 = vector.extract_strided_slice %get3A_137 {offsets = [15], sizes = [1], strides = [1]} : vector<16xi32> to vector<1xi32>
      %squeeze3A_3301 = vector.extract %slice3A_3300[0] : i32 from vector<1xi32>
      %jit3A_3302 = arith.constant 128 : i32
      %div3A_3303 = arith.divsi %squeeze3A_3299, %jit3A_3302 : i32
      %sign3A_3304 = arith.constant 0 : i32
      %sign3A_3305 = arith.cmpi sgt, %squeeze3A_3299, %sign3A_3304 : i32
      %sign3A_3306 = arith.extui %sign3A_3305 : i1 to i32
      %sign3A_3307 = arith.constant 0 : i32
      %sign3A_3308 = arith.cmpi slt, %squeeze3A_3299, %sign3A_3307 : i32
      %sign3A_3309 = arith.extui %sign3A_3308 : i1 to i32
      %sign3A_3310 = arith.subi %sign3A_3306, %sign3A_3309 : i32
      %sign3A_3311 = arith.constant 0 : i32
      %sign3A_3312 = arith.cmpi sgt, %jit3A_3302, %sign3A_3311 : i32
      %sign3A_3313 = arith.extui %sign3A_3312 : i1 to i32
      %sign3A_3314 = arith.constant 0 : i32
      %sign3A_3315 = arith.cmpi slt, %jit3A_3302, %sign3A_3314 : i32
      %sign3A_3316 = arith.extui %sign3A_3315 : i1 to i32
      %sign3A_3317 = arith.subi %sign3A_3313, %sign3A_3316 : i32
      %ne3A_3318 = arith.cmpi ne, %sign3A_3310, %sign3A_3317 : i32
      %rem3A_3319 = arith.remsi %squeeze3A_3299, %jit3A_3302 : i32
      %ne3A_3320 = arith.constant 0 : i32
      %ne3A_3321 = arith.cmpi ne, %rem3A_3319, %ne3A_3320 : i32
      %and3A_3322 = arith.andi %ne3A_3318, %ne3A_3321 : i1
      %sub3A_3323 = arith.constant 1 : i32
      %sub3A_3324 = arith.subi %div3A_3303, %sub3A_3323 : i32
      %select_n3A_3325 = arith.select %and3A_3322, %sub3A_3324, %div3A_3303 : i32
      %mul3A_3326 = arith.constant 128 : i32
      %mul3A_3327 = arith.muli %select_n3A_3325, %mul3A_3326 : i32
      %multiple_of3A_3328 = tpu.assume_multiple %mul3A_3327, 128 : i32
      %dma_start3A_3329 = arith.constant 3 : i32
      %dma_start3A_3330 = arith.constant 0 : i32
      %dma_start3A_3331 = arith.constant 0 : i32
      %dma_start3A_3332 = tpu.memref_slice %arg9[%dma_start3A_3329, %dma_start3A_3330, %dma_start3A_3331] : memref<4x64x128xf32, #tpu.memory_space<vmem>> -> memref<1x64x128xf32, #tpu.memory_space<vmem>>
      %dma_start3A_3333 = tpu.memref_squeeze %dma_start3A_3332 : memref<1x64x128xf32, #tpu.memory_space<vmem>> -> memref<64x128xf32, #tpu.memory_space<vmem>>
      %dma_start3A_3334 = arith.constant 0 : i32
      %dma_start3A_3335 = tpu.memref_slice %arg4[%dma_start3A_3334, %multiple_of3A_3328] : memref<64x1000000xf32, #tpu.memory_space<hbm>> -> memref<64x128xf32, #tpu.memory_space<hbm>>
      %dma_start3A_3336 = arith.constant 0 : i32
      %dma_start3A_3337 = arith.constant 0 : i32
      %dma_start3A_3338 = tpu.memref_slice %arg9[%dma_start3A_3329, %dma_start3A_3336, %dma_start3A_3337] : memref<4x64x128xf32, #tpu.memory_space<vmem>> -> memref<1x64x128xf32, #tpu.memory_space<vmem>>
      %dma_start3A_3339 = tpu.memref_squeeze %dma_start3A_3338 : memref<1x64x128xf32, #tpu.memory_space<vmem>> -> memref<64x128xf32, #tpu.memory_space<vmem>>
      %dma_start3A_3340 = arith.constant 0 : i32
      %dma_start3A_3341 = tpu.memref_slice %arg4[%dma_start3A_3340, %multiple_of3A_3328] : memref<64x1000000xf32, #tpu.memory_space<hbm>> -> memref<64x128xf32, #tpu.memory_space<hbm>>
      tpu.enqueue_dma source(%dma_start3A_3341 : memref<64x128xf32, #tpu.memory_space<hbm>>) target(%dma_start3A_3339 : memref<64x128xf32, #tpu.memory_space<vmem>>) target_semaphore(%arg12 : memref<!tpu.dma_semaphore, #tpu.memory_space<semaphore_mem>>)
      %jit3A_3342 = arith.constant 128 : i32
      %div3A_3343 = arith.divsi %squeeze3A_3301, %jit3A_3342 : i32
      %sign3A_3344 = arith.constant 0 : i32
      %sign3A_3345 = arith.cmpi sgt, %squeeze3A_3301, %sign3A_3344 : i32
      %sign3A_3346 = arith.extui %sign3A_3345 : i1 to i32
      %sign3A_3347 = arith.constant 0 : i32
      %sign3A_3348 = arith.cmpi slt, %squeeze3A_3301, %sign3A_3347 : i32
      %sign3A_3349 = arith.extui %sign3A_3348 : i1 to i32
      %sign3A_3350 = arith.subi %sign3A_3346, %sign3A_3349 : i32
      %sign3A_3351 = arith.constant 0 : i32
      %sign3A_3352 = arith.cmpi sgt, %jit3A_3342, %sign3A_3351 : i32
      %sign3A_3353 = arith.extui %sign3A_3352 : i1 to i32
      %sign3A_3354 = arith.constant 0 : i32
      %sign3A_3355 = arith.cmpi slt, %jit3A_3342, %sign3A_3354 : i32
      %sign3A_3356 = arith.extui %sign3A_3355 : i1 to i32
      %sign3A_3357 = arith.subi %sign3A_3353, %sign3A_3356 : i32
      %ne3A_3358 = arith.cmpi ne, %sign3A_3350, %sign3A_3357 : i32
      %rem3A_3359 = arith.remsi %squeeze3A_3301, %jit3A_3342 : i32
      %ne3A_3360 = arith.constant 0 : i32
      %ne3A_3361 = arith.cmpi ne, %rem3A_3359, %ne3A_3360 : i32
      %and3A_3362 = arith.andi %ne3A_3358, %ne3A_3361 : i1
      %sub3A_3363 = arith.constant 1 : i32
      %sub3A_3364 = arith.subi %div3A_3343, %sub3A_3363 : i32
      %select_n3A_3365 = arith.select %and3A_3362, %sub3A_3364, %div3A_3343 : i32
      %mul3A_3366 = arith.constant 128 : i32
      %mul3A_3367 = arith.muli %select_n3A_3365, %mul3A_3366 : i32
      %multiple_of3A_3368 = tpu.assume_multiple %mul3A_3367, 128 : i32
      %dma_start3A_3369 = arith.constant 3 : i32
      %dma_start3A_3370 = arith.constant 0 : i32
      %dma_start3A_3371 = arith.constant 0 : i32
      %dma_start3A_3372 = tpu.memref_slice %arg10[%dma_start3A_3369, %dma_start3A_3370, %dma_start3A_3371] : memref<4x64x128xf32, #tpu.memory_space<vmem>> -> memref<1x64x128xf32, #tpu.memory_space<vmem>>
      %dma_start3A_3373 = tpu.memref_squeeze %dma_start3A_3372 : memref<1x64x128xf32, #tpu.memory_space<vmem>> -> memref<64x128xf32, #tpu.memory_space<vmem>>
      %dma_start3A_3374 = arith.constant 0 : i32
      %dma_start3A_3375 = tpu.memref_slice %arg5[%dma_start3A_3374, %multiple_of3A_3368] : memref<64x1000000xf32, #tpu.memory_space<hbm>> -> memref<64x128xf32, #tpu.memory_space<hbm>>
      %dma_start3A_3376 = arith.constant 0 : i32
      %dma_start3A_3377 = arith.constant 0 : i32
      %dma_start3A_3378 = tpu.memref_slice %arg10[%dma_start3A_3369, %dma_start3A_3376, %dma_start3A_3377] : memref<4x64x128xf32, #tpu.memory_space<vmem>> -> memref<1x64x128xf32, #tpu.memory_space<vmem>>
      %dma_start3A_3379 = tpu.memref_squeeze %dma_start3A_3378 : memref<1x64x128xf32, #tpu.memory_space<vmem>> -> memref<64x128xf32, #tpu.memory_space<vmem>>
      %dma_start3A_3380 = arith.constant 0 : i32
      %dma_start3A_3381 = tpu.memref_slice %arg5[%dma_start3A_3380, %multiple_of3A_3368] : memref<64x1000000xf32, #tpu.memory_space<hbm>> -> memref<64x128xf32, #tpu.memory_space<hbm>>
      tpu.enqueue_dma source(%dma_start3A_3381 : memref<64x128xf32, #tpu.memory_space<hbm>>) target(%dma_start3A_3379 : memref<64x128xf32, #tpu.memory_space<vmem>>) target_semaphore(%arg12 : memref<!tpu.dma_semaphore, #tpu.memory_space<semaphore_mem>>)
      %dma_wait3A_3382 = arith.constant 0 : i32
      %dma_wait3A_3383 = arith.constant 0 : i32
      %dma_wait3A_3384 = arith.constant 0 : i32
      %dma_wait3A_3385 = tpu.memref_slice %arg9[%dma_wait3A_3382, %dma_wait3A_3383, %dma_wait3A_3384] : memref<4x64x128xf32, #tpu.memory_space<vmem>> -> memref<1x64x128xf32, #tpu.memory_space<vmem>>
      %dma_wait3A_3386 = tpu.memref_squeeze %dma_wait3A_3385 : memref<1x64x128xf32, #tpu.memory_space<vmem>> -> memref<64x128xf32, #tpu.memory_space<vmem>>
      %dma_wait3A_3387 = arith.constant 0 : i32
      %dma_wait3A_3388 = tpu.memref_slice %arg4[%dma_wait3A_3387, %multiple_of3A_3076] : memref<64x1000000xf32, #tpu.memory_space<hbm>> -> memref<64x128xf32, #tpu.memory_space<hbm>>
      %dma_wait3A_3389 = arith.constant 0 : i32
      %dma_wait3A_3390 = arith.constant 0 : i32
      %dma_wait3A_3391 = tpu.memref_slice %arg9[%dma_wait3A_3382, %dma_wait3A_3389, %dma_wait3A_3390] : memref<4x64x128xf32, #tpu.memory_space<vmem>> -> memref<1x64x128xf32, #tpu.memory_space<vmem>>
      %dma_wait3A_3392 = tpu.memref_squeeze %dma_wait3A_3391 : memref<1x64x128xf32, #tpu.memory_space<vmem>> -> memref<64x128xf32, #tpu.memory_space<vmem>>
      %dma_wait3A_3393 = arith.constant 0 : i32
      %dma_wait3A_3394 = tpu.memref_slice %arg4[%dma_wait3A_3393, %multiple_of3A_3076] : memref<64x1000000xf32, #tpu.memory_space<hbm>> -> memref<64x128xf32, #tpu.memory_space<hbm>>
      tpu.wait_dma2 semaphore(%arg12 : memref<!tpu.dma_semaphore, #tpu.memory_space<semaphore_mem>>) src(%dma_wait3A_3394 : memref<64x128xf32, #tpu.memory_space<hbm>>) dst(%dma_wait3A_3392 : memref<64x128xf32, #tpu.memory_space<vmem>>)
      %dma_wait3A_3395 = arith.constant 0 : i32
      %dma_wait3A_3396 = arith.constant 0 : i32
      %dma_wait3A_3397 = arith.constant 0 : i32
      %dma_wait3A_3398 = tpu.memref_slice %arg10[%dma_wait3A_3395, %dma_wait3A_3396, %dma_wait3A_3397] : memref<4x64x128xf32, #tpu.memory_space<vmem>> -> memref<1x64x128xf32, #tpu.memory_space<vmem>>
      %dma_wait3A_3399 = tpu.memref_squeeze %dma_wait3A_3398 : memref<1x64x128xf32, #tpu.memory_space<vmem>> -> memref<64x128xf32, #tpu.memory_space<vmem>>
      %dma_wait3A_3400 = arith.constant 0 : i32
      %dma_wait3A_3401 = tpu.memref_slice %arg5[%dma_wait3A_3400, %multiple_of3A_3116] : memref<64x1000000xf32, #tpu.memory_space<hbm>> -> memref<64x128xf32, #tpu.memory_space<hbm>>
      %dma_wait3A_3402 = arith.constant 0 : i32
      %dma_wait3A_3403 = arith.constant 0 : i32
      %dma_wait3A_3404 = tpu.memref_slice %arg10[%dma_wait3A_3395, %dma_wait3A_3402, %dma_wait3A_3403] : memref<4x64x128xf32, #tpu.memory_space<vmem>> -> memref<1x64x128xf32, #tpu.memory_space<vmem>>
      %dma_wait3A_3405 = tpu.memref_squeeze %dma_wait3A_3404 : memref<1x64x128xf32, #tpu.memory_space<vmem>> -> memref<64x128xf32, #tpu.memory_space<vmem>>
      %dma_wait3A_3406 = arith.constant 0 : i32
      %dma_wait3A_3407 = tpu.memref_slice %arg5[%dma_wait3A_3406, %multiple_of3A_3116] : memref<64x1000000xf32, #tpu.memory_space<hbm>> -> memref<64x128xf32, #tpu.memory_space<hbm>>
      tpu.wait_dma2 semaphore(%arg12 : memref<!tpu.dma_semaphore, #tpu.memory_space<semaphore_mem>>) src(%dma_wait3A_3407 : memref<64x128xf32, #tpu.memory_space<hbm>>) dst(%dma_wait3A_3405 : memref<64x128xf32, #tpu.memory_space<vmem>>)
      %dma_wait3A_3408 = arith.constant 1 : i32
      %dma_wait3A_3409 = arith.constant 0 : i32
      %dma_wait3A_3410 = arith.constant 0 : i32
      %dma_wait3A_3411 = tpu.memref_slice %arg9[%dma_wait3A_3408, %dma_wait3A_3409, %dma_wait3A_3410] : memref<4x64x128xf32, #tpu.memory_space<vmem>> -> memref<1x64x128xf32, #tpu.memory_space<vmem>>
      %dma_wait3A_3412 = tpu.memref_squeeze %dma_wait3A_3411 : memref<1x64x128xf32, #tpu.memory_space<vmem>> -> memref<64x128xf32, #tpu.memory_space<vmem>>
      %dma_wait3A_3413 = arith.constant 0 : i32
      %dma_wait3A_3414 = tpu.memref_slice %arg4[%dma_wait3A_3413, %multiple_of3A_3160] : memref<64x1000000xf32, #tpu.memory_space<hbm>> -> memref<64x128xf32, #tpu.memory_space<hbm>>
      %dma_wait3A_3415 = arith.constant 0 : i32
      %dma_wait3A_3416 = arith.constant 0 : i32
      %dma_wait3A_3417 = tpu.memref_slice %arg9[%dma_wait3A_3408, %dma_wait3A_3415, %dma_wait3A_3416] : memref<4x64x128xf32, #tpu.memory_space<vmem>> -> memref<1x64x128xf32, #tpu.memory_space<vmem>>
      %dma_wait3A_3418 = tpu.memref_squeeze %dma_wait3A_3417 : memref<1x64x128xf32, #tpu.memory_space<vmem>> -> memref<64x128xf32, #tpu.memory_space<vmem>>
      %dma_wait3A_3419 = arith.constant 0 : i32
      %dma_wait3A_3420 = tpu.memref_slice %arg4[%dma_wait3A_3419, %multiple_of3A_3160] : memref<64x1000000xf32, #tpu.memory_space<hbm>> -> memref<64x128xf32, #tpu.memory_space<hbm>>
      tpu.wait_dma2 semaphore(%arg12 : memref<!tpu.dma_semaphore, #tpu.memory_space<semaphore_mem>>) src(%dma_wait3A_3420 : memref<64x128xf32, #tpu.memory_space<hbm>>) dst(%dma_wait3A_3418 : memref<64x128xf32, #tpu.memory_space<vmem>>)
      %dma_wait3A_3421 = arith.constant 1 : i32
      %dma_wait3A_3422 = arith.constant 0 : i32
      %dma_wait3A_3423 = arith.constant 0 : i32
      %dma_wait3A_3424 = tpu.memref_slice %arg10[%dma_wait3A_3421, %dma_wait3A_3422, %dma_wait3A_3423] : memref<4x64x128xf32, #tpu.memory_space<vmem>> -> memref<1x64x128xf32, #tpu.memory_space<vmem>>
      %dma_wait3A_3425 = tpu.memref_squeeze %dma_wait3A_3424 : memref<1x64x128xf32, #tpu.memory_space<vmem>> -> memref<64x128xf32, #tpu.memory_space<vmem>>
      %dma_wait3A_3426 = arith.constant 0 : i32
      %dma_wait3A_3427 = tpu.memref_slice %arg5[%dma_wait3A_3426, %multiple_of3A_3200] : memref<64x1000000xf32, #tpu.memory_space<hbm>> -> memref<64x128xf32, #tpu.memory_space<hbm>>
      %dma_wait3A_3428 = arith.constant 0 : i32
      %dma_wait3A_3429 = arith.constant 0 : i32
      %dma_wait3A_3430 = tpu.memref_slice %arg10[%dma_wait3A_3421, %dma_wait3A_3428, %dma_wait3A_3429] : memref<4x64x128xf32, #tpu.memory_space<vmem>> -> memref<1x64x128xf32, #tpu.memory_space<vmem>>
      %dma_wait3A_3431 = tpu.memref_squeeze %dma_wait3A_3430 : memref<1x64x128xf32, #tpu.memory_space<vmem>> -> memref<64x128xf32, #tpu.memory_space<vmem>>
      %dma_wait3A_3432 = arith.constant 0 : i32
      %dma_wait3A_3433 = tpu.memref_slice %arg5[%dma_wait3A_3432, %multiple_of3A_3200] : memref<64x1000000xf32, #tpu.memory_space<hbm>> -> memref<64x128xf32, #tpu.memory_space<hbm>>
      tpu.wait_dma2 semaphore(%arg12 : memref<!tpu.dma_semaphore, #tpu.memory_space<semaphore_mem>>) src(%dma_wait3A_3433 : memref<64x128xf32, #tpu.memory_space<hbm>>) dst(%dma_wait3A_3431 : memref<64x128xf32, #tpu.memory_space<vmem>>)
      %dma_wait3A_3434 = arith.constant 2 : i32
      %dma_wait3A_3435 = arith.constant 0 : i32
      %dma_wait3A_3436 = arith.constant 0 : i32
      %dma_wait3A_3437 = tpu.memref_slice %arg9[%dma_wait3A_3434, %dma_wait3A_3435, %dma_wait3A_3436] : memref<4x64x128xf32, #tpu.memory_space<vmem>> -> memref<1x64x128xf32, #tpu.memory_space<vmem>>
      %dma_wait3A_3438 = tpu.memref_squeeze %dma_wait3A_3437 : memref<1x64x128xf32, #tpu.memory_space<vmem>> -> memref<64x128xf32, #tpu.memory_space<vmem>>
      %dma_wait3A_3439 = arith.constant 0 : i32
      %dma_wait3A_3440 = tpu.memref_slice %arg4[%dma_wait3A_3439, %multiple_of3A_3244] : memref<64x1000000xf32, #tpu.memory_space<hbm>> -> memref<64x128xf32, #tpu.memory_space<hbm>>
      %dma_wait3A_3441 = arith.constant 0 : i32
      %dma_wait3A_3442 = arith.constant 0 : i32
      %dma_wait3A_3443 = tpu.memref_slice %arg9[%dma_wait3A_3434, %dma_wait3A_3441, %dma_wait3A_3442] : memref<4x64x128xf32, #tpu.memory_space<vmem>> -> memref<1x64x128xf32, #tpu.memory_space<vmem>>
      %dma_wait3A_3444 = tpu.memref_squeeze %dma_wait3A_3443 : memref<1x64x128xf32, #tpu.memory_space<vmem>> -> memref<64x128xf32, #tpu.memory_space<vmem>>
      %dma_wait3A_3445 = arith.constant 0 : i32
      %dma_wait3A_3446 = tpu.memref_slice %arg4[%dma_wait3A_3445, %multiple_of3A_3244] : memref<64x1000000xf32, #tpu.memory_space<hbm>> -> memref<64x128xf32, #tpu.memory_space<hbm>>
      tpu.wait_dma2 semaphore(%arg12 : memref<!tpu.dma_semaphore, #tpu.memory_space<semaphore_mem>>) src(%dma_wait3A_3446 : memref<64x128xf32, #tpu.memory_space<hbm>>) dst(%dma_wait3A_3444 : memref<64x128xf32, #tpu.memory_space<vmem>>)
      %dma_wait3A_3447 = arith.constant 2 : i32
      %dma_wait3A_3448 = arith.constant 0 : i32
      %dma_wait3A_3449 = arith.constant 0 : i32
      %dma_wait3A_3450 = tpu.memref_slice %arg10[%dma_wait3A_3447, %dma_wait3A_3448, %dma_wait3A_3449] : memref<4x64x128xf32, #tpu.memory_space<vmem>> -> memref<1x64x128xf32, #tpu.memory_space<vmem>>
      %dma_wait3A_3451 = tpu.memref_squeeze %dma_wait3A_3450 : memref<1x64x128xf32, #tpu.memory_space<vmem>> -> memref<64x128xf32, #tpu.memory_space<vmem>>
      %dma_wait3A_3452 = arith.constant 0 : i32
      %dma_wait3A_3453 = tpu.memref_slice %arg5[%dma_wait3A_3452, %multiple_of3A_3284] : memref<64x1000000xf32, #tpu.memory_space<hbm>> -> memref<64x128xf32, #tpu.memory_space<hbm>>
      %dma_wait3A_3454 = arith.constant 0 : i32
      %dma_wait3A_3455 = arith.constant 0 : i32
      %dma_wait3A_3456 = tpu.memref_slice %arg10[%dma_wait3A_3447, %dma_wait3A_3454, %dma_wait3A_3455] : memref<4x64x128xf32, #tpu.memory_space<vmem>> -> memref<1x64x128xf32, #tpu.memory_space<vmem>>
      %dma_wait3A_3457 = tpu.memref_squeeze %dma_wait3A_3456 : memref<1x64x128xf32, #tpu.memory_space<vmem>> -> memref<64x128xf32, #tpu.memory_space<vmem>>
      %dma_wait3A_3458 = arith.constant 0 : i32
      %dma_wait3A_3459 = tpu.memref_slice %arg5[%dma_wait3A_3458, %multiple_of3A_3284] : memref<64x1000000xf32, #tpu.memory_space<hbm>> -> memref<64x128xf32, #tpu.memory_space<hbm>>
      tpu.wait_dma2 semaphore(%arg12 : memref<!tpu.dma_semaphore, #tpu.memory_space<semaphore_mem>>) src(%dma_wait3A_3459 : memref<64x128xf32, #tpu.memory_space<hbm>>) dst(%dma_wait3A_3457 : memref<64x128xf32, #tpu.memory_space<vmem>>)
      %dma_wait3A_3460 = arith.constant 3 : i32
      %dma_wait3A_3461 = arith.constant 0 : i32
      %dma_wait3A_3462 = arith.constant 0 : i32
      %dma_wait3A_3463 = tpu.memref_slice %arg9[%dma_wait3A_3460, %dma_wait3A_3461, %dma_wait3A_3462] : memref<4x64x128xf32, #tpu.memory_space<vmem>> -> memref<1x64x128xf32, #tpu.memory_space<vmem>>
      %dma_wait3A_3464 = tpu.memref_squeeze %dma_wait3A_3463 : memref<1x64x128xf32, #tpu.memory_space<vmem>> -> memref<64x128xf32, #tpu.memory_space<vmem>>
      %dma_wait3A_3465 = arith.constant 0 : i32
      %dma_wait3A_3466 = tpu.memref_slice %arg4[%dma_wait3A_3465, %multiple_of3A_3328] : memref<64x1000000xf32, #tpu.memory_space<hbm>> -> memref<64x128xf32, #tpu.memory_space<hbm>>
      %dma_wait3A_3467 = arith.constant 0 : i32
      %dma_wait3A_3468 = arith.constant 0 : i32
      %dma_wait3A_3469 = tpu.memref_slice %arg9[%dma_wait3A_3460, %dma_wait3A_3467, %dma_wait3A_3468] : memref<4x64x128xf32, #tpu.memory_space<vmem>> -> memref<1x64x128xf32, #tpu.memory_space<vmem>>
      %dma_wait3A_3470 = tpu.memref_squeeze %dma_wait3A_3469 : memref<1x64x128xf32, #tpu.memory_space<vmem>> -> memref<64x128xf32, #tpu.memory_space<vmem>>
      %dma_wait3A_3471 = arith.constant 0 : i32
      %dma_wait3A_3472 = tpu.memref_slice %arg4[%dma_wait3A_3471, %multiple_of3A_3328] : memref<64x1000000xf32, #tpu.memory_space<hbm>> -> memref<64x128xf32, #tpu.memory_space<hbm>>
      tpu.wait_dma2 semaphore(%arg12 : memref<!tpu.dma_semaphore, #tpu.memory_space<semaphore_mem>>) src(%dma_wait3A_3472 : memref<64x128xf32, #tpu.memory_space<hbm>>) dst(%dma_wait3A_3470 : memref<64x128xf32, #tpu.memory_space<vmem>>)
      %dma_wait3A_3473 = arith.constant 3 : i32
      %dma_wait3A_3474 = arith.constant 0 : i32
      %dma_wait3A_3475 = arith.constant 0 : i32
      %dma_wait3A_3476 = tpu.memref_slice %arg10[%dma_wait3A_3473, %dma_wait3A_3474, %dma_wait3A_3475] : memref<4x64x128xf32, #tpu.memory_space<vmem>> -> memref<1x64x128xf32, #tpu.memory_space<vmem>>
      %dma_wait3A_3477 = tpu.memref_squeeze %dma_wait3A_3476 : memref<1x64x128xf32, #tpu.memory_space<vmem>> -> memref<64x128xf32, #tpu.memory_space<vmem>>
      %dma_wait3A_3478 = arith.constant 0 : i32
      %dma_wait3A_3479 = tpu.memref_slice %arg5[%dma_wait3A_3478, %multiple_of3A_3368] : memref<64x1000000xf32, #tpu.memory_space<hbm>> -> memref<64x128xf32, #tpu.memory_space<hbm>>
      %dma_wait3A_3480 = arith.constant 0 : i32
      %dma_wait3A_3481 = arith.constant 0 : i32
      %dma_wait3A_3482 = tpu.memref_slice %arg10[%dma_wait3A_3473, %dma_wait3A_3480, %dma_wait3A_3481] : memref<4x64x128xf32, #tpu.memory_space<vmem>> -> memref<1x64x128xf32, #tpu.memory_space<vmem>>
      %dma_wait3A_3483 = tpu.memref_squeeze %dma_wait3A_3482 : memref<1x64x128xf32, #tpu.memory_space<vmem>> -> memref<64x128xf32, #tpu.memory_space<vmem>>
      %dma_wait3A_3484 = arith.constant 0 : i32
      %dma_wait3A_3485 = tpu.memref_slice %arg5[%dma_wait3A_3484, %multiple_of3A_3368] : memref<64x1000000xf32, #tpu.memory_space<hbm>> -> memref<64x128xf32, #tpu.memory_space<hbm>>
      tpu.wait_dma2 semaphore(%arg12 : memref<!tpu.dma_semaphore, #tpu.memory_space<semaphore_mem>>) src(%dma_wait3A_3485 : memref<64x128xf32, #tpu.memory_space<hbm>>) dst(%dma_wait3A_3483 : memref<64x128xf32, #tpu.memory_space<vmem>>)
      %broadcast_in_dim3A_3486 = arith.constant 0 : i32
      %broadcast_in_dim3A_3487 = vector.broadcast %broadcast_in_dim3A_3486 : i32 to vector<16xi32>
      %slice3A_3488 = vector.extract_strided_slice %get3A_92 {offsets = [12], sizes = [1], strides = [1]} : vector<16xi32> to vector<1xi32>
      %squeeze3A_3489 = vector.extract %slice3A_3488[0] : i32 from vector<1xi32>
      %jit3A_3490 = arith.constant 128 : i32
      %eq3A_3491 = arith.constant 0 : i32
      %eq3A_3492 = arith.cmpi eq, %jit3A_3490, %eq3A_3491 : i32
      %jit3A_3493 = arith.constant 1 : i32
      %select_n3A_3494 = arith.select %eq3A_3492, %jit3A_3493, %jit3A_3490 : i32
      %rem3A_3495 = arith.remsi %squeeze3A_3489, %select_n3A_3494 : i32
      %ne3A_3496 = arith.constant 0 : i32
      %ne3A_3497 = arith.cmpi ne, %rem3A_3495, %ne3A_3496 : i32
      %lt3A_3498 = arith.constant 0 : i32
      %lt3A_3499 = arith.cmpi slt, %rem3A_3495, %lt3A_3498 : i32
      %lt3A_3500 = arith.constant 0 : i32
      %lt3A_3501 = arith.cmpi slt, %select_n3A_3494, %lt3A_3500 : i32
      %ne3A_3502 = arith.xori %lt3A_3499, %lt3A_3501 : i1
      %and3A_3503 = arith.andi %ne3A_3502, %ne3A_3497 : i1
      %add3A_3504 = arith.addi %rem3A_3495, %select_n3A_3494 : i32
      %select_n3A_3505 = arith.select %and3A_3503, %add3A_3504, %rem3A_3495 : i32
      %add3A_3506 = vector.broadcast %select_n3A_3505 : i32 to vector<16xi32>
      %add3A_3507 = arith.addi %broadcast_in_dim3A_3487, %add3A_3506 : vector<16xi32>
      %broadcast_in_dim3A_3508 = arith.constant 0 : i32
      %broadcast_in_dim3A_3509 = vector.broadcast %broadcast_in_dim3A_3508 : i32 to vector<16xi32>
      %slice3A_3510 = vector.extract_strided_slice %get3A_137 {offsets = [12], sizes = [1], strides = [1]} : vector<16xi32> to vector<1xi32>
      %squeeze3A_3511 = vector.extract %slice3A_3510[0] : i32 from vector<1xi32>
      %jit3A_3512 = arith.constant 128 : i32
      %eq3A_3513 = arith.constant 0 : i32
      %eq3A_3514 = arith.cmpi eq, %jit3A_3512, %eq3A_3513 : i32
      %jit3A_3515 = arith.constant 1 : i32
      %select_n3A_3516 = arith.select %eq3A_3514, %jit3A_3515, %jit3A_3512 : i32
      %rem3A_3517 = arith.remsi %squeeze3A_3511, %select_n3A_3516 : i32
      %ne3A_3518 = arith.constant 0 : i32
      %ne3A_3519 = arith.cmpi ne, %rem3A_3517, %ne3A_3518 : i32
      %lt3A_3520 = arith.constant 0 : i32
      %lt3A_3521 = arith.cmpi slt, %rem3A_3517, %lt3A_3520 : i32
      %lt3A_3522 = arith.constant 0 : i32
      %lt3A_3523 = arith.cmpi slt, %select_n3A_3516, %lt3A_3522 : i32
      %ne3A_3524 = arith.xori %lt3A_3521, %lt3A_3523 : i1
      %and3A_3525 = arith.andi %ne3A_3524, %ne3A_3519 : i1
      %add3A_3526 = arith.addi %rem3A_3517, %select_n3A_3516 : i32
      %select_n3A_3527 = arith.select %and3A_3525, %add3A_3526, %rem3A_3517 : i32
      %add3A_3528 = vector.broadcast %select_n3A_3527 : i32 to vector<16xi32>
      %add3A_3529 = arith.addi %broadcast_in_dim3A_3509, %add3A_3528 : vector<16xi32>
      %gather3A_3530 = arith.constant 0 : i32
      %gather3A_3531 = arith.constant 0 : i32
      %gather3A_3532 = arith.constant 0 : i32
      %gather3A_3533 = tpu.memref_slice %arg9[%gather3A_3530, %gather3A_3531, %gather3A_3532] : memref<4x64x128xf32, #tpu.memory_space<vmem>> -> memref<1x64x128xf32, #tpu.memory_space<vmem>>
      %gather3A_3534 = tpu.memref_squeeze %gather3A_3533 : memref<1x64x128xf32, #tpu.memory_space<vmem>> -> memref<64x128xf32, #tpu.memory_space<vmem>>
      %gather3A_3535 = tpu.vector_load_idx %gather3A_3534[%add3A_30, %add3A_3507] : memref<64x128xf32, #tpu.memory_space<vmem>>[vector<16xi32>, vector<16xi32>], vector<16xf32>,
      %gather3A_3536 = arith.constant 0 : i32
      %gather3A_3537 = arith.constant 0 : i32
      %gather3A_3538 = arith.constant 0 : i32
      %gather3A_3539 = tpu.memref_slice %arg10[%gather3A_3536, %gather3A_3537, %gather3A_3538] : memref<4x64x128xf32, #tpu.memory_space<vmem>> -> memref<1x64x128xf32, #tpu.memory_space<vmem>>
      %gather3A_3540 = tpu.memref_squeeze %gather3A_3539 : memref<1x64x128xf32, #tpu.memory_space<vmem>> -> memref<64x128xf32, #tpu.memory_space<vmem>>
      %gather3A_3541 = tpu.vector_load_idx %gather3A_3540[%add3A_30, %add3A_3529] : memref<64x128xf32, #tpu.memory_space<vmem>>[vector<16xi32>, vector<16xi32>], vector<16xf32>,
      %max3A_3542 = arith.constant 0.000000e+00 : f32
      %max3A_3543 = vector.broadcast %max3A_3542 : f32 to vector<16xf32>
      %max3A_3544 = arith.maximumf %gather3A_3535, %max3A_3543 : vector<16xf32>
      %max3A_3545 = arith.constant 0.000000e+00 : f32
      %max3A_3546 = vector.broadcast %max3A_3545 : f32 to vector<16xf32>
      %max3A_3547 = arith.maximumf %gather3A_3541, %max3A_3546 : vector<16xf32>
      %mul3A_3548 = arith.mulf %max3A_3544, %max3A_3547 : vector<16xf32>
      %add3A_3549 = arith.addf %broadcast_in_dim3A_50, %mul3A_3548 : vector<16xf32>
      %gather3A_3550 = arith.constant 0 : i32
      %gather3A_3551 = arith.constant 0 : i32
      %gather3A_3552 = arith.constant 0 : i32
      %gather3A_3553 = tpu.memref_slice %arg9[%gather3A_3550, %gather3A_3551, %gather3A_3552] : memref<4x64x128xf32, #tpu.memory_space<vmem>> -> memref<1x64x128xf32, #tpu.memory_space<vmem>>
      %gather3A_3554 = tpu.memref_squeeze %gather3A_3553 : memref<1x64x128xf32, #tpu.memory_space<vmem>> -> memref<64x128xf32, #tpu.memory_space<vmem>>
      %gather3A_3555 = tpu.vector_load_idx %gather3A_3554[%add3A_36, %add3A_3507] : memref<64x128xf32, #tpu.memory_space<vmem>>[vector<16xi32>, vector<16xi32>], vector<16xf32>,
      %gather3A_3556 = arith.constant 0 : i32
      %gather3A_3557 = arith.constant 0 : i32
      %gather3A_3558 = arith.constant 0 : i32
      %gather3A_3559 = tpu.memref_slice %arg10[%gather3A_3556, %gather3A_3557, %gather3A_3558] : memref<4x64x128xf32, #tpu.memory_space<vmem>> -> memref<1x64x128xf32, #tpu.memory_space<vmem>>
      %gather3A_3560 = tpu.memref_squeeze %gather3A_3559 : memref<1x64x128xf32, #tpu.memory_space<vmem>> -> memref<64x128xf32, #tpu.memory_space<vmem>>
      %gather3A_3561 = tpu.vector_load_idx %gather3A_3560[%add3A_36, %add3A_3529] : memref<64x128xf32, #tpu.memory_space<vmem>>[vector<16xi32>, vector<16xi32>], vector<16xf32>,
      %max3A_3562 = arith.constant 0.000000e+00 : f32
      %max3A_3563 = vector.broadcast %max3A_3562 : f32 to vector<16xf32>
      %max3A_3564 = arith.maximumf %gather3A_3555, %max3A_3563 : vector<16xf32>
      %max3A_3565 = arith.constant 0.000000e+00 : f32
      %max3A_3566 = vector.broadcast %max3A_3565 : f32 to vector<16xf32>
      %max3A_3567 = arith.maximumf %gather3A_3561, %max3A_3566 : vector<16xf32>
      %mul3A_3568 = arith.mulf %max3A_3564, %max3A_3567 : vector<16xf32>
      %add3A_3569 = arith.addf %add3A_3549, %mul3A_3568 : vector<16xf32>
      %gather3A_3570 = arith.constant 0 : i32
      %gather3A_3571 = arith.constant 0 : i32
      %gather3A_3572 = arith.constant 0 : i32
      %gather3A_3573 = tpu.memref_slice %arg9[%gather3A_3570, %gather3A_3571, %gather3A_3572] : memref<4x64x128xf32, #tpu.memory_space<vmem>> -> memref<1x64x128xf32, #tpu.memory_space<vmem>>
      %gather3A_3574 = tpu.memref_squeeze %gather3A_3573 : memref<1x64x128xf32, #tpu.memory_space<vmem>> -> memref<64x128xf32, #tpu.memory_space<vmem>>
      %gather3A_3575 = tpu.vector_load_idx %gather3A_3574[%add3A_42, %add3A_3507] : memref<64x128xf32, #tpu.memory_space<vmem>>[vector<16xi32>, vector<16xi32>], vector<16xf32>,
      %gather3A_3576 = arith.constant 0 : i32
      %gather3A_3577 = arith.constant 0 : i32
      %gather3A_3578 = arith.constant 0 : i32
      %gather3A_3579 = tpu.memref_slice %arg10[%gather3A_3576, %gather3A_3577, %gather3A_3578] : memref<4x64x128xf32, #tpu.memory_space<vmem>> -> memref<1x64x128xf32, #tpu.memory_space<vmem>>
      %gather3A_3580 = tpu.memref_squeeze %gather3A_3579 : memref<1x64x128xf32, #tpu.memory_space<vmem>> -> memref<64x128xf32, #tpu.memory_space<vmem>>
      %gather3A_3581 = tpu.vector_load_idx %gather3A_3580[%add3A_42, %add3A_3529] : memref<64x128xf32, #tpu.memory_space<vmem>>[vector<16xi32>, vector<16xi32>], vector<16xf32>,
      %max3A_3582 = arith.constant 0.000000e+00 : f32
      %max3A_3583 = vector.broadcast %max3A_3582 : f32 to vector<16xf32>
      %max3A_3584 = arith.maximumf %gather3A_3575, %max3A_3583 : vector<16xf32>
      %max3A_3585 = arith.constant 0.000000e+00 : f32
      %max3A_3586 = vector.broadcast %max3A_3585 : f32 to vector<16xf32>
      %max3A_3587 = arith.maximumf %gather3A_3581, %max3A_3586 : vector<16xf32>
      %mul3A_3588 = arith.mulf %max3A_3584, %max3A_3587 : vector<16xf32>
      %add3A_3589 = arith.addf %add3A_3569, %mul3A_3588 : vector<16xf32>
      %gather3A_3590 = arith.constant 0 : i32
      %gather3A_3591 = arith.constant 0 : i32
      %gather3A_3592 = arith.constant 0 : i32
      %gather3A_3593 = tpu.memref_slice %arg9[%gather3A_3590, %gather3A_3591, %gather3A_3592] : memref<4x64x128xf32, #tpu.memory_space<vmem>> -> memref<1x64x128xf32, #tpu.memory_space<vmem>>
      %gather3A_3594 = tpu.memref_squeeze %gather3A_3593 : memref<1x64x128xf32, #tpu.memory_space<vmem>> -> memref<64x128xf32, #tpu.memory_space<vmem>>
      %gather3A_3595 = tpu.vector_load_idx %gather3A_3594[%add3A_48, %add3A_3507] : memref<64x128xf32, #tpu.memory_space<vmem>>[vector<16xi32>, vector<16xi32>], vector<16xf32>,
      %gather3A_3596 = arith.constant 0 : i32
      %gather3A_3597 = arith.constant 0 : i32
      %gather3A_3598 = arith.constant 0 : i32
      %gather3A_3599 = tpu.memref_slice %arg10[%gather3A_3596, %gather3A_3597, %gather3A_3598] : memref<4x64x128xf32, #tpu.memory_space<vmem>> -> memref<1x64x128xf32, #tpu.memory_space<vmem>>
      %gather3A_3600 = tpu.memref_squeeze %gather3A_3599 : memref<1x64x128xf32, #tpu.memory_space<vmem>> -> memref<64x128xf32, #tpu.memory_space<vmem>>
      %gather3A_3601 = tpu.vector_load_idx %gather3A_3600[%add3A_48, %add3A_3529] : memref<64x128xf32, #tpu.memory_space<vmem>>[vector<16xi32>, vector<16xi32>], vector<16xf32>,
      %max3A_3602 = arith.constant 0.000000e+00 : f32
      %max3A_3603 = vector.broadcast %max3A_3602 : f32 to vector<16xf32>
      %max3A_3604 = arith.maximumf %gather3A_3595, %max3A_3603 : vector<16xf32>
      %max3A_3605 = arith.constant 0.000000e+00 : f32
      %max3A_3606 = vector.broadcast %max3A_3605 : f32 to vector<16xf32>
      %max3A_3607 = arith.maximumf %gather3A_3601, %max3A_3606 : vector<16xf32>
      %mul3A_3608 = arith.mulf %max3A_3604, %max3A_3607 : vector<16xf32>
      %add3A_3609 = arith.addf %add3A_3589, %mul3A_3608 : vector<16xf32>
      %eq3A_3610 = arith.constant 12 : i32
      %eq3A_3611 = vector.broadcast %eq3A_3610 : i32 to vector<16xi32>
      %eq3A_3612 = arith.cmpi eq, %iota3A, %eq3A_3611 : vector<16xi32>
      %reduce_sum3A_3613 = arith.constant true
      %reduce_sum3A_3614 = vector.broadcast %reduce_sum3A_3613 : i1 to vector<16xi1>
      %reduce_sum3A_3615 = tpu.scan <sum>, %add3A_3609 masked %reduce_sum3A_3614 : vector<16xf32>, vector<16xi1> -> vector<16xf32>
      %reduce_sum3A_3616 = vector.extract %reduce_sum3A_3615[15] : f32 from vector<16xf32>
      %broadcast_in_dim3A_3617 = vector.broadcast %reduce_sum3A_3616 : f32 to vector<16xf32>
      %select_n3A_3618 = arith.select %eq3A_3612, %broadcast_in_dim3A_3617, %select_n3A_3045 : vector<16xi1>, vector<16xf32>
      %broadcast_in_dim3A_3619 = arith.constant 0 : i32
      %broadcast_in_dim3A_3620 = vector.broadcast %broadcast_in_dim3A_3619 : i32 to vector<16xi32>
      %slice3A_3621 = vector.extract_strided_slice %get3A_92 {offsets = [13], sizes = [1], strides = [1]} : vector<16xi32> to vector<1xi32>
      %squeeze3A_3622 = vector.extract %slice3A_3621[0] : i32 from vector<1xi32>
      %jit3A_3623 = arith.constant 128 : i32
      %eq3A_3624 = arith.constant 0 : i32
      %eq3A_3625 = arith.cmpi eq, %jit3A_3623, %eq3A_3624 : i32
      %jit3A_3626 = arith.constant 1 : i32
      %select_n3A_3627 = arith.select %eq3A_3625, %jit3A_3626, %jit3A_3623 : i32
      %rem3A_3628 = arith.remsi %squeeze3A_3622, %select_n3A_3627 : i32
      %ne3A_3629 = arith.constant 0 : i32
      %ne3A_3630 = arith.cmpi ne, %rem3A_3628, %ne3A_3629 : i32
      %lt3A_3631 = arith.constant 0 : i32
      %lt3A_3632 = arith.cmpi slt, %rem3A_3628, %lt3A_3631 : i32
      %lt3A_3633 = arith.constant 0 : i32
      %lt3A_3634 = arith.cmpi slt, %select_n3A_3627, %lt3A_3633 : i32
      %ne3A_3635 = arith.xori %lt3A_3632, %lt3A_3634 : i1
      %and3A_3636 = arith.andi %ne3A_3635, %ne3A_3630 : i1
      %add3A_3637 = arith.addi %rem3A_3628, %select_n3A_3627 : i32
      %select_n3A_3638 = arith.select %and3A_3636, %add3A_3637, %rem3A_3628 : i32
      %add3A_3639 = vector.broadcast %select_n3A_3638 : i32 to vector<16xi32>
      %add3A_3640 = arith.addi %broadcast_in_dim3A_3620, %add3A_3639 : vector<16xi32>
      %broadcast_in_dim3A_3641 = arith.constant 0 : i32
      %broadcast_in_dim3A_3642 = vector.broadcast %broadcast_in_dim3A_3641 : i32 to vector<16xi32>
      %slice3A_3643 = vector.extract_strided_slice %get3A_137 {offsets = [13], sizes = [1], strides = [1]} : vector<16xi32> to vector<1xi32>
      %squeeze3A_3644 = vector.extract %slice3A_3643[0] : i32 from vector<1xi32>
      %jit3A_3645 = arith.constant 128 : i32
      %eq3A_3646 = arith.constant 0 : i32
      %eq3A_3647 = arith.cmpi eq, %jit3A_3645, %eq3A_3646 : i32
      %jit3A_3648 = arith.constant 1 : i32
      %select_n3A_3649 = arith.select %eq3A_3647, %jit3A_3648, %jit3A_3645 : i32
      %rem3A_3650 = arith.remsi %squeeze3A_3644, %select_n3A_3649 : i32
      %ne3A_3651 = arith.constant 0 : i32
      %ne3A_3652 = arith.cmpi ne, %rem3A_3650, %ne3A_3651 : i32
      %lt3A_3653 = arith.constant 0 : i32
      %lt3A_3654 = arith.cmpi slt, %rem3A_3650, %lt3A_3653 : i32
      %lt3A_3655 = arith.constant 0 : i32
      %lt3A_3656 = arith.cmpi slt, %select_n3A_3649, %lt3A_3655 : i32
      %ne3A_3657 = arith.xori %lt3A_3654, %lt3A_3656 : i1
      %and3A_3658 = arith.andi %ne3A_3657, %ne3A_3652 : i1
      %add3A_3659 = arith.addi %rem3A_3650, %select_n3A_3649 : i32
      %select_n3A_3660 = arith.select %and3A_3658, %add3A_3659, %rem3A_3650 : i32
      %add3A_3661 = vector.broadcast %select_n3A_3660 : i32 to vector<16xi32>
      %add3A_3662 = arith.addi %broadcast_in_dim3A_3642, %add3A_3661 : vector<16xi32>
      %gather3A_3663 = arith.constant 1 : i32
      %gather3A_3664 = arith.constant 0 : i32
      %gather3A_3665 = arith.constant 0 : i32
      %gather3A_3666 = tpu.memref_slice %arg9[%gather3A_3663, %gather3A_3664, %gather3A_3665] : memref<4x64x128xf32, #tpu.memory_space<vmem>> -> memref<1x64x128xf32, #tpu.memory_space<vmem>>
      %gather3A_3667 = tpu.memref_squeeze %gather3A_3666 : memref<1x64x128xf32, #tpu.memory_space<vmem>> -> memref<64x128xf32, #tpu.memory_space<vmem>>
      %gather3A_3668 = tpu.vector_load_idx %gather3A_3667[%add3A_30, %add3A_3640] : memref<64x128xf32, #tpu.memory_space<vmem>>[vector<16xi32>, vector<16xi32>], vector<16xf32>,
      %gather3A_3669 = arith.constant 1 : i32
      %gather3A_3670 = arith.constant 0 : i32
      %gather3A_3671 = arith.constant 0 : i32
      %gather3A_3672 = tpu.memref_slice %arg10[%gather3A_3669, %gather3A_3670, %gather3A_3671] : memref<4x64x128xf32, #tpu.memory_space<vmem>> -> memref<1x64x128xf32, #tpu.memory_space<vmem>>
      %gather3A_3673 = tpu.memref_squeeze %gather3A_3672 : memref<1x64x128xf32, #tpu.memory_space<vmem>> -> memref<64x128xf32, #tpu.memory_space<vmem>>
      %gather3A_3674 = tpu.vector_load_idx %gather3A_3673[%add3A_30, %add3A_3662] : memref<64x128xf32, #tpu.memory_space<vmem>>[vector<16xi32>, vector<16xi32>], vector<16xf32>,
      %max3A_3675 = arith.constant 0.000000e+00 : f32
      %max3A_3676 = vector.broadcast %max3A_3675 : f32 to vector<16xf32>
      %max3A_3677 = arith.maximumf %gather3A_3668, %max3A_3676 : vector<16xf32>
      %max3A_3678 = arith.constant 0.000000e+00 : f32
      %max3A_3679 = vector.broadcast %max3A_3678 : f32 to vector<16xf32>
      %max3A_3680 = arith.maximumf %gather3A_3674, %max3A_3679 : vector<16xf32>
      %mul3A_3681 = arith.mulf %max3A_3677, %max3A_3680 : vector<16xf32>
      %add3A_3682 = arith.addf %broadcast_in_dim3A_50, %mul3A_3681 : vector<16xf32>
      %gather3A_3683 = arith.constant 1 : i32
      %gather3A_3684 = arith.constant 0 : i32
      %gather3A_3685 = arith.constant 0 : i32
      %gather3A_3686 = tpu.memref_slice %arg9[%gather3A_3683, %gather3A_3684, %gather3A_3685] : memref<4x64x128xf32, #tpu.memory_space<vmem>> -> memref<1x64x128xf32, #tpu.memory_space<vmem>>
      %gather3A_3687 = tpu.memref_squeeze %gather3A_3686 : memref<1x64x128xf32, #tpu.memory_space<vmem>> -> memref<64x128xf32, #tpu.memory_space<vmem>>
      %gather3A_3688 = tpu.vector_load_idx %gather3A_3687[%add3A_36, %add3A_3640] : memref<64x128xf32, #tpu.memory_space<vmem>>[vector<16xi32>, vector<16xi32>], vector<16xf32>,
      %gather3A_3689 = arith.constant 1 : i32
      %gather3A_3690 = arith.constant 0 : i32
      %gather3A_3691 = arith.constant 0 : i32
      %gather3A_3692 = tpu.memref_slice %arg10[%gather3A_3689, %gather3A_3690, %gather3A_3691] : memref<4x64x128xf32, #tpu.memory_space<vmem>> -> memref<1x64x128xf32, #tpu.memory_space<vmem>>
      %gather3A_3693 = tpu.memref_squeeze %gather3A_3692 : memref<1x64x128xf32, #tpu.memory_space<vmem>> -> memref<64x128xf32, #tpu.memory_space<vmem>>
      %gather3A_3694 = tpu.vector_load_idx %gather3A_3693[%add3A_36, %add3A_3662] : memref<64x128xf32, #tpu.memory_space<vmem>>[vector<16xi32>, vector<16xi32>], vector<16xf32>,
      %max3A_3695 = arith.constant 0.000000e+00 : f32
      %max3A_3696 = vector.broadcast %max3A_3695 : f32 to vector<16xf32>
      %max3A_3697 = arith.maximumf %gather3A_3688, %max3A_3696 : vector<16xf32>
      %max3A_3698 = arith.constant 0.000000e+00 : f32
      %max3A_3699 = vector.broadcast %max3A_3698 : f32 to vector<16xf32>
      %max3A_3700 = arith.maximumf %gather3A_3694, %max3A_3699 : vector<16xf32>
      %mul3A_3701 = arith.mulf %max3A_3697, %max3A_3700 : vector<16xf32>
      %add3A_3702 = arith.addf %add3A_3682, %mul3A_3701 : vector<16xf32>
      %gather3A_3703 = arith.constant 1 : i32
      %gather3A_3704 = arith.constant 0 : i32
      %gather3A_3705 = arith.constant 0 : i32
      %gather3A_3706 = tpu.memref_slice %arg9[%gather3A_3703, %gather3A_3704, %gather3A_3705] : memref<4x64x128xf32, #tpu.memory_space<vmem>> -> memref<1x64x128xf32, #tpu.memory_space<vmem>>
      %gather3A_3707 = tpu.memref_squeeze %gather3A_3706 : memref<1x64x128xf32, #tpu.memory_space<vmem>> -> memref<64x128xf32, #tpu.memory_space<vmem>>
      %gather3A_3708 = tpu.vector_load_idx %gather3A_3707[%add3A_42, %add3A_3640] : memref<64x128xf32, #tpu.memory_space<vmem>>[vector<16xi32>, vector<16xi32>], vector<16xf32>,
      %gather3A_3709 = arith.constant 1 : i32
      %gather3A_3710 = arith.constant 0 : i32
      %gather3A_3711 = arith.constant 0 : i32
      %gather3A_3712 = tpu.memref_slice %arg10[%gather3A_3709, %gather3A_3710, %gather3A_3711] : memref<4x64x128xf32, #tpu.memory_space<vmem>> -> memref<1x64x128xf32, #tpu.memory_space<vmem>>
      %gather3A_3713 = tpu.memref_squeeze %gather3A_3712 : memref<1x64x128xf32, #tpu.memory_space<vmem>> -> memref<64x128xf32, #tpu.memory_space<vmem>>
      %gather3A_3714 = tpu.vector_load_idx %gather3A_3713[%add3A_42, %add3A_3662] : memref<64x128xf32, #tpu.memory_space<vmem>>[vector<16xi32>, vector<16xi32>], vector<16xf32>,
      %max3A_3715 = arith.constant 0.000000e+00 : f32
      %max3A_3716 = vector.broadcast %max3A_3715 : f32 to vector<16xf32>
      %max3A_3717 = arith.maximumf %gather3A_3708, %max3A_3716 : vector<16xf32>
      %max3A_3718 = arith.constant 0.000000e+00 : f32
      %max3A_3719 = vector.broadcast %max3A_3718 : f32 to vector<16xf32>
      %max3A_3720 = arith.maximumf %gather3A_3714, %max3A_3719 : vector<16xf32>
      %mul3A_3721 = arith.mulf %max3A_3717, %max3A_3720 : vector<16xf32>
      %add3A_3722 = arith.addf %add3A_3702, %mul3A_3721 : vector<16xf32>
      %gather3A_3723 = arith.constant 1 : i32
      %gather3A_3724 = arith.constant 0 : i32
      %gather3A_3725 = arith.constant 0 : i32
      %gather3A_3726 = tpu.memref_slice %arg9[%gather3A_3723, %gather3A_3724, %gather3A_3725] : memref<4x64x128xf32, #tpu.memory_space<vmem>> -> memref<1x64x128xf32, #tpu.memory_space<vmem>>
      %gather3A_3727 = tpu.memref_squeeze %gather3A_3726 : memref<1x64x128xf32, #tpu.memory_space<vmem>> -> memref<64x128xf32, #tpu.memory_space<vmem>>
      %gather3A_3728 = tpu.vector_load_idx %gather3A_3727[%add3A_48, %add3A_3640] : memref<64x128xf32, #tpu.memory_space<vmem>>[vector<16xi32>, vector<16xi32>], vector<16xf32>,
      %gather3A_3729 = arith.constant 1 : i32
      %gather3A_3730 = arith.constant 0 : i32
      %gather3A_3731 = arith.constant 0 : i32
      %gather3A_3732 = tpu.memref_slice %arg10[%gather3A_3729, %gather3A_3730, %gather3A_3731] : memref<4x64x128xf32, #tpu.memory_space<vmem>> -> memref<1x64x128xf32, #tpu.memory_space<vmem>>
      %gather3A_3733 = tpu.memref_squeeze %gather3A_3732 : memref<1x64x128xf32, #tpu.memory_space<vmem>> -> memref<64x128xf32, #tpu.memory_space<vmem>>
      %gather3A_3734 = tpu.vector_load_idx %gather3A_3733[%add3A_48, %add3A_3662] : memref<64x128xf32, #tpu.memory_space<vmem>>[vector<16xi32>, vector<16xi32>], vector<16xf32>,
      %max3A_3735 = arith.constant 0.000000e+00 : f32
      %max3A_3736 = vector.broadcast %max3A_3735 : f32 to vector<16xf32>
      %max3A_3737 = arith.maximumf %gather3A_3728, %max3A_3736 : vector<16xf32>
      %max3A_3738 = arith.constant 0.000000e+00 : f32
      %max3A_3739 = vector.broadcast %max3A_3738 : f32 to vector<16xf32>
      %max3A_3740 = arith.maximumf %gather3A_3734, %max3A_3739 : vector<16xf32>
      %mul3A_3741 = arith.mulf %max3A_3737, %max3A_3740 : vector<16xf32>
      %add3A_3742 = arith.addf %add3A_3722, %mul3A_3741 : vector<16xf32>
      %eq3A_3743 = arith.constant 13 : i32
      %eq3A_3744 = vector.broadcast %eq3A_3743 : i32 to vector<16xi32>
      %eq3A_3745 = arith.cmpi eq, %iota3A, %eq3A_3744 : vector<16xi32>
      %reduce_sum3A_3746 = arith.constant true
      %reduce_sum3A_3747 = vector.broadcast %reduce_sum3A_3746 : i1 to vector<16xi1>
      %reduce_sum3A_3748 = tpu.scan <sum>, %add3A_3742 masked %reduce_sum3A_3747 : vector<16xf32>, vector<16xi1> -> vector<16xf32>
      %reduce_sum3A_3749 = vector.extract %reduce_sum3A_3748[15] : f32 from vector<16xf32>
      %broadcast_in_dim3A_3750 = vector.broadcast %reduce_sum3A_3749 : f32 to vector<16xf32>
      %select_n3A_3751 = arith.select %eq3A_3745, %broadcast_in_dim3A_3750, %select_n3A_3618 : vector<16xi1>, vector<16xf32>
      %broadcast_in_dim3A_3752 = arith.constant 0 : i32
      %broadcast_in_dim3A_3753 = vector.broadcast %broadcast_in_dim3A_3752 : i32 to vector<16xi32>
      %slice3A_3754 = vector.extract_strided_slice %get3A_92 {offsets = [14], sizes = [1], strides = [1]} : vector<16xi32> to vector<1xi32>
      %squeeze3A_3755 = vector.extract %slice3A_3754[0] : i32 from vector<1xi32>
      %jit3A_3756 = arith.constant 128 : i32
      %eq3A_3757 = arith.constant 0 : i32
      %eq3A_3758 = arith.cmpi eq, %jit3A_3756, %eq3A_3757 : i32
      %jit3A_3759 = arith.constant 1 : i32
      %select_n3A_3760 = arith.select %eq3A_3758, %jit3A_3759, %jit3A_3756 : i32
      %rem3A_3761 = arith.remsi %squeeze3A_3755, %select_n3A_3760 : i32
      %ne3A_3762 = arith.constant 0 : i32
      %ne3A_3763 = arith.cmpi ne, %rem3A_3761, %ne3A_3762 : i32
      %lt3A_3764 = arith.constant 0 : i32
      %lt3A_3765 = arith.cmpi slt, %rem3A_3761, %lt3A_3764 : i32
      %lt3A_3766 = arith.constant 0 : i32
      %lt3A_3767 = arith.cmpi slt, %select_n3A_3760, %lt3A_3766 : i32
      %ne3A_3768 = arith.xori %lt3A_3765, %lt3A_3767 : i1
      %and3A_3769 = arith.andi %ne3A_3768, %ne3A_3763 : i1
      %add3A_3770 = arith.addi %rem3A_3761, %select_n3A_3760 : i32
      %select_n3A_3771 = arith.select %and3A_3769, %add3A_3770, %rem3A_3761 : i32
      %add3A_3772 = vector.broadcast %select_n3A_3771 : i32 to vector<16xi32>
      %add3A_3773 = arith.addi %broadcast_in_dim3A_3753, %add3A_3772 : vector<16xi32>
      %broadcast_in_dim3A_3774 = arith.constant 0 : i32
      %broadcast_in_dim3A_3775 = vector.broadcast %broadcast_in_dim3A_3774 : i32 to vector<16xi32>
      %slice3A_3776 = vector.extract_strided_slice %get3A_137 {offsets = [14], sizes = [1], strides = [1]} : vector<16xi32> to vector<1xi32>
      %squeeze3A_3777 = vector.extract %slice3A_3776[0] : i32 from vector<1xi32>
      %jit3A_3778 = arith.constant 128 : i32
      %eq3A_3779 = arith.constant 0 : i32
      %eq3A_3780 = arith.cmpi eq, %jit3A_3778, %eq3A_3779 : i32
      %jit3A_3781 = arith.constant 1 : i32
      %select_n3A_3782 = arith.select %eq3A_3780, %jit3A_3781, %jit3A_3778 : i32
      %rem3A_3783 = arith.remsi %squeeze3A_3777, %select_n3A_3782 : i32
      %ne3A_3784 = arith.constant 0 : i32
      %ne3A_3785 = arith.cmpi ne, %rem3A_3783, %ne3A_3784 : i32
      %lt3A_3786 = arith.constant 0 : i32
      %lt3A_3787 = arith.cmpi slt, %rem3A_3783, %lt3A_3786 : i32
      %lt3A_3788 = arith.constant 0 : i32
      %lt3A_3789 = arith.cmpi slt, %select_n3A_3782, %lt3A_3788 : i32
      %ne3A_3790 = arith.xori %lt3A_3787, %lt3A_3789 : i1
      %and3A_3791 = arith.andi %ne3A_3790, %ne3A_3785 : i1
      %add3A_3792 = arith.addi %rem3A_3783, %select_n3A_3782 : i32
      %select_n3A_3793 = arith.select %and3A_3791, %add3A_3792, %rem3A_3783 : i32
      %add3A_3794 = vector.broadcast %select_n3A_3793 : i32 to vector<16xi32>
      %add3A_3795 = arith.addi %broadcast_in_dim3A_3775, %add3A_3794 : vector<16xi32>
      %gather3A_3796 = arith.constant 2 : i32
      %gather3A_3797 = arith.constant 0 : i32
      %gather3A_3798 = arith.constant 0 : i32
      %gather3A_3799 = tpu.memref_slice %arg9[%gather3A_3796, %gather3A_3797, %gather3A_3798] : memref<4x64x128xf32, #tpu.memory_space<vmem>> -> memref<1x64x128xf32, #tpu.memory_space<vmem>>
      %gather3A_3800 = tpu.memref_squeeze %gather3A_3799 : memref<1x64x128xf32, #tpu.memory_space<vmem>> -> memref<64x128xf32, #tpu.memory_space<vmem>>
      %gather3A_3801 = tpu.vector_load_idx %gather3A_3800[%add3A_30, %add3A_3773] : memref<64x128xf32, #tpu.memory_space<vmem>>[vector<16xi32>, vector<16xi32>], vector<16xf32>,
      %gather3A_3802 = arith.constant 2 : i32
      %gather3A_3803 = arith.constant 0 : i32
      %gather3A_3804 = arith.constant 0 : i32
      %gather3A_3805 = tpu.memref_slice %arg10[%gather3A_3802, %gather3A_3803, %gather3A_3804] : memref<4x64x128xf32, #tpu.memory_space<vmem>> -> memref<1x64x128xf32, #tpu.memory_space<vmem>>
      %gather3A_3806 = tpu.memref_squeeze %gather3A_3805 : memref<1x64x128xf32, #tpu.memory_space<vmem>> -> memref<64x128xf32, #tpu.memory_space<vmem>>
      %gather3A_3807 = tpu.vector_load_idx %gather3A_3806[%add3A_30, %add3A_3795] : memref<64x128xf32, #tpu.memory_space<vmem>>[vector<16xi32>, vector<16xi32>], vector<16xf32>,
      %max3A_3808 = arith.constant 0.000000e+00 : f32
      %max3A_3809 = vector.broadcast %max3A_3808 : f32 to vector<16xf32>
      %max3A_3810 = arith.maximumf %gather3A_3801, %max3A_3809 : vector<16xf32>
      %max3A_3811 = arith.constant 0.000000e+00 : f32
      %max3A_3812 = vector.broadcast %max3A_3811 : f32 to vector<16xf32>
      %max3A_3813 = arith.maximumf %gather3A_3807, %max3A_3812 : vector<16xf32>
      %mul3A_3814 = arith.mulf %max3A_3810, %max3A_3813 : vector<16xf32>
      %add3A_3815 = arith.addf %broadcast_in_dim3A_50, %mul3A_3814 : vector<16xf32>
      %gather3A_3816 = arith.constant 2 : i32
      %gather3A_3817 = arith.constant 0 : i32
      %gather3A_3818 = arith.constant 0 : i32
      %gather3A_3819 = tpu.memref_slice %arg9[%gather3A_3816, %gather3A_3817, %gather3A_3818] : memref<4x64x128xf32, #tpu.memory_space<vmem>> -> memref<1x64x128xf32, #tpu.memory_space<vmem>>
      %gather3A_3820 = tpu.memref_squeeze %gather3A_3819 : memref<1x64x128xf32, #tpu.memory_space<vmem>> -> memref<64x128xf32, #tpu.memory_space<vmem>>
      %gather3A_3821 = tpu.vector_load_idx %gather3A_3820[%add3A_36, %add3A_3773] : memref<64x128xf32, #tpu.memory_space<vmem>>[vector<16xi32>, vector<16xi32>], vector<16xf32>,
      %gather3A_3822 = arith.constant 2 : i32
      %gather3A_3823 = arith.constant 0 : i32
      %gather3A_3824 = arith.constant 0 : i32
      %gather3A_3825 = tpu.memref_slice %arg10[%gather3A_3822, %gather3A_3823, %gather3A_3824] : memref<4x64x128xf32, #tpu.memory_space<vmem>> -> memref<1x64x128xf32, #tpu.memory_space<vmem>>
      %gather3A_3826 = tpu.memref_squeeze %gather3A_3825 : memref<1x64x128xf32, #tpu.memory_space<vmem>> -> memref<64x128xf32, #tpu.memory_space<vmem>>
      %gather3A_3827 = tpu.vector_load_idx %gather3A_3826[%add3A_36, %add3A_3795] : memref<64x128xf32, #tpu.memory_space<vmem>>[vector<16xi32>, vector<16xi32>], vector<16xf32>,
      %max3A_3828 = arith.constant 0.000000e+00 : f32
      %max3A_3829 = vector.broadcast %max3A_3828 : f32 to vector<16xf32>
      %max3A_3830 = arith.maximumf %gather3A_3821, %max3A_3829 : vector<16xf32>
      %max3A_3831 = arith.constant 0.000000e+00 : f32
      %max3A_3832 = vector.broadcast %max3A_3831 : f32 to vector<16xf32>
      %max3A_3833 = arith.maximumf %gather3A_3827, %max3A_3832 : vector<16xf32>
      %mul3A_3834 = arith.mulf %max3A_3830, %max3A_3833 : vector<16xf32>
      %add3A_3835 = arith.addf %add3A_3815, %mul3A_3834 : vector<16xf32>
      %gather3A_3836 = arith.constant 2 : i32
      %gather3A_3837 = arith.constant 0 : i32
      %gather3A_3838 = arith.constant 0 : i32
      %gather3A_3839 = tpu.memref_slice %arg9[%gather3A_3836, %gather3A_3837, %gather3A_3838] : memref<4x64x128xf32, #tpu.memory_space<vmem>> -> memref<1x64x128xf32, #tpu.memory_space<vmem>>
      %gather3A_3840 = tpu.memref_squeeze %gather3A_3839 : memref<1x64x128xf32, #tpu.memory_space<vmem>> -> memref<64x128xf32, #tpu.memory_space<vmem>>
      %gather3A_3841 = tpu.vector_load_idx %gather3A_3840[%add3A_42, %add3A_3773] : memref<64x128xf32, #tpu.memory_space<vmem>>[vector<16xi32>, vector<16xi32>], vector<16xf32>,
      %gather3A_3842 = arith.constant 2 : i32
      %gather3A_3843 = arith.constant 0 : i32
      %gather3A_3844 = arith.constant 0 : i32
      %gather3A_3845 = tpu.memref_slice %arg10[%gather3A_3842, %gather3A_3843, %gather3A_3844] : memref<4x64x128xf32, #tpu.memory_space<vmem>> -> memref<1x64x128xf32, #tpu.memory_space<vmem>>
      %gather3A_3846 = tpu.memref_squeeze %gather3A_3845 : memref<1x64x128xf32, #tpu.memory_space<vmem>> -> memref<64x128xf32, #tpu.memory_space<vmem>>
      %gather3A_3847 = tpu.vector_load_idx %gather3A_3846[%add3A_42, %add3A_3795] : memref<64x128xf32, #tpu.memory_space<vmem>>[vector<16xi32>, vector<16xi32>], vector<16xf32>,
      %max3A_3848 = arith.constant 0.000000e+00 : f32
      %max3A_3849 = vector.broadcast %max3A_3848 : f32 to vector<16xf32>
      %max3A_3850 = arith.maximumf %gather3A_3841, %max3A_3849 : vector<16xf32>
      %max3A_3851 = arith.constant 0.000000e+00 : f32
      %max3A_3852 = vector.broadcast %max3A_3851 : f32 to vector<16xf32>
      %max3A_3853 = arith.maximumf %gather3A_3847, %max3A_3852 : vector<16xf32>
      %mul3A_3854 = arith.mulf %max3A_3850, %max3A_3853 : vector<16xf32>
      %add3A_3855 = arith.addf %add3A_3835, %mul3A_3854 : vector<16xf32>
      %gather3A_3856 = arith.constant 2 : i32
      %gather3A_3857 = arith.constant 0 : i32
      %gather3A_3858 = arith.constant 0 : i32
      %gather3A_3859 = tpu.memref_slice %arg9[%gather3A_3856, %gather3A_3857, %gather3A_3858] : memref<4x64x128xf32, #tpu.memory_space<vmem>> -> memref<1x64x128xf32, #tpu.memory_space<vmem>>
      %gather3A_3860 = tpu.memref_squeeze %gather3A_3859 : memref<1x64x128xf32, #tpu.memory_space<vmem>> -> memref<64x128xf32, #tpu.memory_space<vmem>>
      %gather3A_3861 = tpu.vector_load_idx %gather3A_3860[%add3A_48, %add3A_3773] : memref<64x128xf32, #tpu.memory_space<vmem>>[vector<16xi32>, vector<16xi32>], vector<16xf32>,
      %gather3A_3862 = arith.constant 2 : i32
      %gather3A_3863 = arith.constant 0 : i32
      %gather3A_3864 = arith.constant 0 : i32
      %gather3A_3865 = tpu.memref_slice %arg10[%gather3A_3862, %gather3A_3863, %gather3A_3864] : memref<4x64x128xf32, #tpu.memory_space<vmem>> -> memref<1x64x128xf32, #tpu.memory_space<vmem>>
      %gather3A_3866 = tpu.memref_squeeze %gather3A_3865 : memref<1x64x128xf32, #tpu.memory_space<vmem>> -> memref<64x128xf32, #tpu.memory_space<vmem>>
      %gather3A_3867 = tpu.vector_load_idx %gather3A_3866[%add3A_48, %add3A_3795] : memref<64x128xf32, #tpu.memory_space<vmem>>[vector<16xi32>, vector<16xi32>], vector<16xf32>,
      %max3A_3868 = arith.constant 0.000000e+00 : f32
      %max3A_3869 = vector.broadcast %max3A_3868 : f32 to vector<16xf32>
      %max3A_3870 = arith.maximumf %gather3A_3861, %max3A_3869 : vector<16xf32>
      %max3A_3871 = arith.constant 0.000000e+00 : f32
      %max3A_3872 = vector.broadcast %max3A_3871 : f32 to vector<16xf32>
      %max3A_3873 = arith.maximumf %gather3A_3867, %max3A_3872 : vector<16xf32>
      %mul3A_3874 = arith.mulf %max3A_3870, %max3A_3873 : vector<16xf32>
      %add3A_3875 = arith.addf %add3A_3855, %mul3A_3874 : vector<16xf32>
      %eq3A_3876 = arith.constant 14 : i32
      %eq3A_3877 = vector.broadcast %eq3A_3876 : i32 to vector<16xi32>
      %eq3A_3878 = arith.cmpi eq, %iota3A, %eq3A_3877 : vector<16xi32>
      %reduce_sum3A_3879 = arith.constant true
      %reduce_sum3A_3880 = vector.broadcast %reduce_sum3A_3879 : i1 to vector<16xi1>
      %reduce_sum3A_3881 = tpu.scan <sum>, %add3A_3875 masked %reduce_sum3A_3880 : vector<16xf32>, vector<16xi1> -> vector<16xf32>
      %reduce_sum3A_3882 = vector.extract %reduce_sum3A_3881[15] : f32 from vector<16xf32>
      %broadcast_in_dim3A_3883 = vector.broadcast %reduce_sum3A_3882 : f32 to vector<16xf32>
      %select_n3A_3884 = arith.select %eq3A_3878, %broadcast_in_dim3A_3883, %select_n3A_3751 : vector<16xi1>, vector<16xf32>
      %broadcast_in_dim3A_3885 = arith.constant 0 : i32
      %broadcast_in_dim3A_3886 = vector.broadcast %broadcast_in_dim3A_3885 : i32 to vector<16xi32>
      %slice3A_3887 = vector.extract_strided_slice %get3A_92 {offsets = [15], sizes = [1], strides = [1]} : vector<16xi32> to vector<1xi32>
      %squeeze3A_3888 = vector.extract %slice3A_3887[0] : i32 from vector<1xi32>
      %jit3A_3889 = arith.constant 128 : i32
      %eq3A_3890 = arith.constant 0 : i32
      %eq3A_3891 = arith.cmpi eq, %jit3A_3889, %eq3A_3890 : i32
      %jit3A_3892 = arith.constant 1 : i32
      %select_n3A_3893 = arith.select %eq3A_3891, %jit3A_3892, %jit3A_3889 : i32
      %rem3A_3894 = arith.remsi %squeeze3A_3888, %select_n3A_3893 : i32
      %ne3A_3895 = arith.constant 0 : i32
      %ne3A_3896 = arith.cmpi ne, %rem3A_3894, %ne3A_3895 : i32
      %lt3A_3897 = arith.constant 0 : i32
      %lt3A_3898 = arith.cmpi slt, %rem3A_3894, %lt3A_3897 : i32
      %lt3A_3899 = arith.constant 0 : i32
      %lt3A_3900 = arith.cmpi slt, %select_n3A_3893, %lt3A_3899 : i32
      %ne3A_3901 = arith.xori %lt3A_3898, %lt3A_3900 : i1
      %and3A_3902 = arith.andi %ne3A_3901, %ne3A_3896 : i1
      %add3A_3903 = arith.addi %rem3A_3894, %select_n3A_3893 : i32
      %select_n3A_3904 = arith.select %and3A_3902, %add3A_3903, %rem3A_3894 : i32
      %add3A_3905 = vector.broadcast %select_n3A_3904 : i32 to vector<16xi32>
      %add3A_3906 = arith.addi %broadcast_in_dim3A_3886, %add3A_3905 : vector<16xi32>
      %broadcast_in_dim3A_3907 = arith.constant 0 : i32
      %broadcast_in_dim3A_3908 = vector.broadcast %broadcast_in_dim3A_3907 : i32 to vector<16xi32>
      %slice3A_3909 = vector.extract_strided_slice %get3A_137 {offsets = [15], sizes = [1], strides = [1]} : vector<16xi32> to vector<1xi32>
      %squeeze3A_3910 = vector.extract %slice3A_3909[0] : i32 from vector<1xi32>
      %jit3A_3911 = arith.constant 128 : i32
      %eq3A_3912 = arith.constant 0 : i32
      %eq3A_3913 = arith.cmpi eq, %jit3A_3911, %eq3A_3912 : i32
      %jit3A_3914 = arith.constant 1 : i32
      %select_n3A_3915 = arith.select %eq3A_3913, %jit3A_3914, %jit3A_3911 : i32
      %rem3A_3916 = arith.remsi %squeeze3A_3910, %select_n3A_3915 : i32
      %ne3A_3917 = arith.constant 0 : i32
      %ne3A_3918 = arith.cmpi ne, %rem3A_3916, %ne3A_3917 : i32
      %lt3A_3919 = arith.constant 0 : i32
      %lt3A_3920 = arith.cmpi slt, %rem3A_3916, %lt3A_3919 : i32
      %lt3A_3921 = arith.constant 0 : i32
      %lt3A_3922 = arith.cmpi slt, %select_n3A_3915, %lt3A_3921 : i32
      %ne3A_3923 = arith.xori %lt3A_3920, %lt3A_3922 : i1
      %and3A_3924 = arith.andi %ne3A_3923, %ne3A_3918 : i1
      %add3A_3925 = arith.addi %rem3A_3916, %select_n3A_3915 : i32
      %select_n3A_3926 = arith.select %and3A_3924, %add3A_3925, %rem3A_3916 : i32
      %add3A_3927 = vector.broadcast %select_n3A_3926 : i32 to vector<16xi32>
      %add3A_3928 = arith.addi %broadcast_in_dim3A_3908, %add3A_3927 : vector<16xi32>
      %gather3A_3929 = arith.constant 3 : i32
      %gather3A_3930 = arith.constant 0 : i32
      %gather3A_3931 = arith.constant 0 : i32
      %gather3A_3932 = tpu.memref_slice %arg9[%gather3A_3929, %gather3A_3930, %gather3A_3931] : memref<4x64x128xf32, #tpu.memory_space<vmem>> -> memref<1x64x128xf32, #tpu.memory_space<vmem>>
      %gather3A_3933 = tpu.memref_squeeze %gather3A_3932 : memref<1x64x128xf32, #tpu.memory_space<vmem>> -> memref<64x128xf32, #tpu.memory_space<vmem>>
      %gather3A_3934 = tpu.vector_load_idx %gather3A_3933[%add3A_30, %add3A_3906] : memref<64x128xf32, #tpu.memory_space<vmem>>[vector<16xi32>, vector<16xi32>], vector<16xf32>,
      %gather3A_3935 = arith.constant 3 : i32
      %gather3A_3936 = arith.constant 0 : i32
      %gather3A_3937 = arith.constant 0 : i32
      %gather3A_3938 = tpu.memref_slice %arg10[%gather3A_3935, %gather3A_3936, %gather3A_3937] : memref<4x64x128xf32, #tpu.memory_space<vmem>> -> memref<1x64x128xf32, #tpu.memory_space<vmem>>
      %gather3A_3939 = tpu.memref_squeeze %gather3A_3938 : memref<1x64x128xf32, #tpu.memory_space<vmem>> -> memref<64x128xf32, #tpu.memory_space<vmem>>
      %gather3A_3940 = tpu.vector_load_idx %gather3A_3939[%add3A_30, %add3A_3928] : memref<64x128xf32, #tpu.memory_space<vmem>>[vector<16xi32>, vector<16xi32>], vector<16xf32>,
      %max3A_3941 = arith.constant 0.000000e+00 : f32
      %max3A_3942 = vector.broadcast %max3A_3941 : f32 to vector<16xf32>
      %max3A_3943 = arith.maximumf %gather3A_3934, %max3A_3942 : vector<16xf32>
      %max3A_3944 = arith.constant 0.000000e+00 : f32
      %max3A_3945 = vector.broadcast %max3A_3944 : f32 to vector<16xf32>
      %max3A_3946 = arith.maximumf %gather3A_3940, %max3A_3945 : vector<16xf32>
      %mul3A_3947 = arith.mulf %max3A_3943, %max3A_3946 : vector<16xf32>
      %add3A_3948 = arith.addf %broadcast_in_dim3A_50, %mul3A_3947 : vector<16xf32>
      %gather3A_3949 = arith.constant 3 : i32
      %gather3A_3950 = arith.constant 0 : i32
      %gather3A_3951 = arith.constant 0 : i32
      %gather3A_3952 = tpu.memref_slice %arg9[%gather3A_3949, %gather3A_3950, %gather3A_3951] : memref<4x64x128xf32, #tpu.memory_space<vmem>> -> memref<1x64x128xf32, #tpu.memory_space<vmem>>
      %gather3A_3953 = tpu.memref_squeeze %gather3A_3952 : memref<1x64x128xf32, #tpu.memory_space<vmem>> -> memref<64x128xf32, #tpu.memory_space<vmem>>
      %gather3A_3954 = tpu.vector_load_idx %gather3A_3953[%add3A_36, %add3A_3906] : memref<64x128xf32, #tpu.memory_space<vmem>>[vector<16xi32>, vector<16xi32>], vector<16xf32>,
      %gather3A_3955 = arith.constant 3 : i32
      %gather3A_3956 = arith.constant 0 : i32
      %gather3A_3957 = arith.constant 0 : i32
      %gather3A_3958 = tpu.memref_slice %arg10[%gather3A_3955, %gather3A_3956, %gather3A_3957] : memref<4x64x128xf32, #tpu.memory_space<vmem>> -> memref<1x64x128xf32, #tpu.memory_space<vmem>>
      %gather3A_3959 = tpu.memref_squeeze %gather3A_3958 : memref<1x64x128xf32, #tpu.memory_space<vmem>> -> memref<64x128xf32, #tpu.memory_space<vmem>>
      %gather3A_3960 = tpu.vector_load_idx %gather3A_3959[%add3A_36, %add3A_3928] : memref<64x128xf32, #tpu.memory_space<vmem>>[vector<16xi32>, vector<16xi32>], vector<16xf32>,
      %max3A_3961 = arith.constant 0.000000e+00 : f32
      %max3A_3962 = vector.broadcast %max3A_3961 : f32 to vector<16xf32>
      %max3A_3963 = arith.maximumf %gather3A_3954, %max3A_3962 : vector<16xf32>
      %max3A_3964 = arith.constant 0.000000e+00 : f32
      %max3A_3965 = vector.broadcast %max3A_3964 : f32 to vector<16xf32>
      %max3A_3966 = arith.maximumf %gather3A_3960, %max3A_3965 : vector<16xf32>
      %mul3A_3967 = arith.mulf %max3A_3963, %max3A_3966 : vector<16xf32>
      %add3A_3968 = arith.addf %add3A_3948, %mul3A_3967 : vector<16xf32>
      %gather3A_3969 = arith.constant 3 : i32
      %gather3A_3970 = arith.constant 0 : i32
      %gather3A_3971 = arith.constant 0 : i32
      %gather3A_3972 = tpu.memref_slice %arg9[%gather3A_3969, %gather3A_3970, %gather3A_3971] : memref<4x64x128xf32, #tpu.memory_space<vmem>> -> memref<1x64x128xf32, #tpu.memory_space<vmem>>
      %gather3A_3973 = tpu.memref_squeeze %gather3A_3972 : memref<1x64x128xf32, #tpu.memory_space<vmem>> -> memref<64x128xf32, #tpu.memory_space<vmem>>
      %gather3A_3974 = tpu.vector_load_idx %gather3A_3973[%add3A_42, %add3A_3906] : memref<64x128xf32, #tpu.memory_space<vmem>>[vector<16xi32>, vector<16xi32>], vector<16xf32>,
      %gather3A_3975 = arith.constant 3 : i32
      %gather3A_3976 = arith.constant 0 : i32
      %gather3A_3977 = arith.constant 0 : i32
      %gather3A_3978 = tpu.memref_slice %arg10[%gather3A_3975, %gather3A_3976, %gather3A_3977] : memref<4x64x128xf32, #tpu.memory_space<vmem>> -> memref<1x64x128xf32, #tpu.memory_space<vmem>>
      %gather3A_3979 = tpu.memref_squeeze %gather3A_3978 : memref<1x64x128xf32, #tpu.memory_space<vmem>> -> memref<64x128xf32, #tpu.memory_space<vmem>>
      %gather3A_3980 = tpu.vector_load_idx %gather3A_3979[%add3A_42, %add3A_3928] : memref<64x128xf32, #tpu.memory_space<vmem>>[vector<16xi32>, vector<16xi32>], vector<16xf32>,
      %max3A_3981 = arith.constant 0.000000e+00 : f32
      %max3A_3982 = vector.broadcast %max3A_3981 : f32 to vector<16xf32>
      %max3A_3983 = arith.maximumf %gather3A_3974, %max3A_3982 : vector<16xf32>
      %max3A_3984 = arith.constant 0.000000e+00 : f32
      %max3A_3985 = vector.broadcast %max3A_3984 : f32 to vector<16xf32>
      %max3A_3986 = arith.maximumf %gather3A_3980, %max3A_3985 : vector<16xf32>
      %mul3A_3987 = arith.mulf %max3A_3983, %max3A_3986 : vector<16xf32>
      %add3A_3988 = arith.addf %add3A_3968, %mul3A_3987 : vector<16xf32>
      %gather3A_3989 = arith.constant 3 : i32
      %gather3A_3990 = arith.constant 0 : i32
      %gather3A_3991 = arith.constant 0 : i32
      %gather3A_3992 = tpu.memref_slice %arg9[%gather3A_3989, %gather3A_3990, %gather3A_3991] : memref<4x64x128xf32, #tpu.memory_space<vmem>> -> memref<1x64x128xf32, #tpu.memory_space<vmem>>
      %gather3A_3993 = tpu.memref_squeeze %gather3A_3992 : memref<1x64x128xf32, #tpu.memory_space<vmem>> -> memref<64x128xf32, #tpu.memory_space<vmem>>
      %gather3A_3994 = tpu.vector_load_idx %gather3A_3993[%add3A_48, %add3A_3906] : memref<64x128xf32, #tpu.memory_space<vmem>>[vector<16xi32>, vector<16xi32>], vector<16xf32>,
      %gather3A_3995 = arith.constant 3 : i32
      %gather3A_3996 = arith.constant 0 : i32
      %gather3A_3997 = arith.constant 0 : i32
      %gather3A_3998 = tpu.memref_slice %arg10[%gather3A_3995, %gather3A_3996, %gather3A_3997] : memref<4x64x128xf32, #tpu.memory_space<vmem>> -> memref<1x64x128xf32, #tpu.memory_space<vmem>>
      %gather3A_3999 = tpu.memref_squeeze %gather3A_3998 : memref<1x64x128xf32, #tpu.memory_space<vmem>> -> memref<64x128xf32, #tpu.memory_space<vmem>>
      %gather3A_4000 = tpu.vector_load_idx %gather3A_3999[%add3A_48, %add3A_3928] : memref<64x128xf32, #tpu.memory_space<vmem>>[vector<16xi32>, vector<16xi32>], vector<16xf32>,
      %max3A_4001 = arith.constant 0.000000e+00 : f32
      %max3A_4002 = vector.broadcast %max3A_4001 : f32 to vector<16xf32>
      %max3A_4003 = arith.maximumf %gather3A_3994, %max3A_4002 : vector<16xf32>
      %max3A_4004 = arith.constant 0.000000e+00 : f32
      %max3A_4005 = vector.broadcast %max3A_4004 : f32 to vector<16xf32>
      %max3A_4006 = arith.maximumf %gather3A_4000, %max3A_4005 : vector<16xf32>
      %mul3A_4007 = arith.mulf %max3A_4003, %max3A_4006 : vector<16xf32>
      %add3A_4008 = arith.addf %add3A_3988, %mul3A_4007 : vector<16xf32>
      %eq3A_4009 = arith.constant 15 : i32
      %eq3A_4010 = vector.broadcast %eq3A_4009 : i32 to vector<16xi32>
      %eq3A_4011 = arith.cmpi eq, %iota3A, %eq3A_4010 : vector<16xi32>
      %reduce_sum3A_4012 = arith.constant true
      %reduce_sum3A_4013 = vector.broadcast %reduce_sum3A_4012 : i1 to vector<16xi1>
      %reduce_sum3A_4014 = tpu.scan <sum>, %add3A_4008 masked %reduce_sum3A_4013 : vector<16xf32>, vector<16xi1> -> vector<16xf32>
      %reduce_sum3A_4015 = vector.extract %reduce_sum3A_4014[15] : f32 from vector<16xf32>
      %broadcast_in_dim3A_4016 = vector.broadcast %reduce_sum3A_4015 : f32 to vector<16xf32>
      %select_n3A_4017 = arith.select %eq3A_4011, %broadcast_in_dim3A_4016, %select_n3A_3884 : vector<16xi1>, vector<16xf32>
      %neg3A = arith.constant 0.000000e+00 : f32
      %neg3A_4018 = vector.broadcast %neg3A : f32 to vector<16xf32>
      %neg3A_4019 = arith.subf %neg3A_4018, %select_n3A_4017 : vector<16xf32>
      %exp3A = math.exp %neg3A_4019 : vector<16xf32>
      %add3A_4020 = arith.constant 1.000000e+00 : f32
      %add3A_4021 = vector.broadcast %add3A_4020 : f32 to vector<16xf32>
      %add3A_4022 = arith.addf %add3A_4021, %exp3A : vector<16xf32>
      %div3A_4023 = arith.constant 4.000000e+00 : f32
      %div3A_4024 = vector.broadcast %div3A_4023 : f32 to vector<16xf32>
      %div3A_4025 = arith.divf %div3A_4024, %add3A_4022 : vector<16xf32>
      %add3A_4026 = arith.constant 1.000000e+00 : f32
      %add3A_4027 = vector.broadcast %add3A_4026 : f32 to vector<16xf32>
      %add3A_4028 = arith.addf %div3A_4025, %add3A_4027 : vector<16xf32>
      %mul3A_4029 = arith.constant 16 : i32
      %mul3A_4030 = arith.muli %scan3A_57, %mul3A_4029 : i32
      %swap3A = arith.index_cast %mul3A_4030 : i32 to index
      %swap3A_4031 = tpu.vector_load %arg11[%swap3A] {strides = array<i32>} : memref<512xf32, #tpu.memory_space<vmem>>, vector<16xf32>,
      tpu.vector_store %arg11[%swap3A], %add3A_4028 {strides = array<i32>} : memref<512xf32, #tpu.memory_space<vmem>>, vector<16xf32>,
      %scan3A_4032 = arith.constant 0 : i32
      scf.yield %scan3A_4032 : i32
    }
    %scan3A_56 = arith.constant 32 : i32
    "tpu.region"() ({
      %run_scoped3A_57 = tpu.sem_alloc : memref<!tpu.dma_semaphore, #tpu.memory_space<semaphore_mem>>
      %dma_start3A = tpu.memref_slice %arg6[%mul3A_2] : memref<16384xf32, #tpu.memory_space<hbm>> -> memref<512xf32, #tpu.memory_space<hbm>>
      %dma_start3A_58 = tpu.memref_slice %arg6[%mul3A_2] : memref<16384xf32, #tpu.memory_space<hbm>> -> memref<512xf32, #tpu.memory_space<hbm>>
      tpu.enqueue_dma source(%arg11 : memref<512xf32, #tpu.memory_space<vmem>>) target(%dma_start3A_58 : memref<512xf32, #tpu.memory_space<hbm>>) target_semaphore(%run_scoped3A_57 : memref<!tpu.dma_semaphore, #tpu.memory_space<semaphore_mem>>)
      %dma_wait3A = tpu.memref_slice %arg6[%mul3A_2] : memref<16384xf32, #tpu.memory_space<hbm>> -> memref<512xf32, #tpu.memory_space<hbm>>
      %dma_wait3A_59 = tpu.memref_slice %arg6[%mul3A_2] : memref<16384xf32, #tpu.memory_space<hbm>> -> memref<512xf32, #tpu.memory_space<hbm>>
      tpu.wait_dma2 semaphore(%run_scoped3A_57 : memref<!tpu.dma_semaphore, #tpu.memory_space<semaphore_mem>>) src(%arg11 : memref<512xf32, #tpu.memory_space<vmem>>) dst(%dma_wait3A_59 : memref<512xf32, #tpu.memory_space<hbm>>)
      tpu.yield
    }) : () -> ()
    return
  }
}

</mosaic_0001>

<sc_bundles>
// kernel: kernel.3.cloned.1.call-start
scs
__scs_entry_jumppad:
0x0: {  	(pc) =	sbr.rel $0x88, $3  }
0x1: {  	(tag) =	ssettag $0x0;
	lr =	simm.s32 $0x1  }
0x2: {  	[smem:$0x3F9D] =	sst lr;
	_ =	strace $0xD0000000  }
0x3: {  	_ = 	snop  }
0x4: {  	_ = 	snop  }
0x5: {  	_ = 	snop  }
0x6: {  	_ = 	snop  }
0x7: {  	_ = 	snop  }
__scs_overlays_trampoline_lowered:
0x8: {  	[smem:$0x3FAC] =	sst s0  }
0x9: {  	[smem:$0x3FAD] =	sst s1  }
0xa: {  	[smem:$0x3FAE] =	sst s2  }
0xb: {  	[smem:$0x3FAF] =	sst s3  }
0xc: {  	[smem:$0x3FB0] =	sst s4  }
0xd: {  	[smem:$0x3FB1] =	sst s5  }
0xe: {  	[smem:$0x3FB2] =	sst s6  }
0xf: {  	[smem:$0x3FB3] =	sst s7  }
0x10: {  	[smem:$0x3FB4] =	sst s8  }
0x11: {  	[smem:$0x3FB5] =	sst s9;
	s0 =	simm.s32 @!p0 $0x0  }
0x12: {  	s1 =	sld [smem:$0x3F9B];
	s0 =	simm.s32 @p0 $0x1  }
0x13: {  	[smem:$0x3FB6] =	sst s0;
	s0 =	simm.s32 @!p1 $0x0  }
0x14: {  	s2 =	sld [smem:$0x3F9A];
	s0 =	simm.s32 @p1 $0x1  }
0x15: {  	[smem:$0x3FB7] =	sst s0;
	s0 =	simm.s32 @!p2 $0x0  }
0x16: {  	s3 =	sld [smem:$0x3FDB];
	s0 =	simm.s32 @p2 $0x1  }
0x17: {  	s4 =	simm.s32 $0x1BF5;
	[smem:$0x3FB9] =	sst s0  }
0x18: {  	s0 =	sld [smem:$0x3F9C];
	_ =	swait.ge [sflag:s4], $0x0  }
0x19: {  	s7 =	sld [smem:$0x3F9D]  }
0x1a: {  	s8 =	sadd.s32 $0xFFFFE003, lr  }
0x1b: {  	s9 =	sadd.s32 $0xFFFFFEF7, lr;
	s5 =	simm.s32 $0xFFFFFFFF;
	p2 =	slt.u32 s8, $0xFFFFF086  }
0x1c: {  	p1 =	slt.u32 s9, $0xF7A;
	s5 =	simm.s32 @!p2 $0x0  }
0x1d: {  	s5 =	simm.s32 @p1 $0x1;
	p0 =	seq.s32 s7, s2  }
0x1e: {  	s7 =	smul.u32 @!p0 $0xF7A, s2;
	p2 =	seq.s32 @!p0 s5, $0x0  }
0x1f: {  	s9 =	smul.u32 $0xF7A, s1;
	s8 =	simm.s32 @!p0 $0x1BF5;
	p2 =	por !p2, p0  }
0x20: {  	[sflag:s8] =	ssyncset.s32 @!p0 $0xFFFFF086;
	s6 =	sadd.s32 @!p0 s3, s7;
	s7 =	simm.s32 @!p0 $0x108  }
0x21: {  	s3 =	sadd.s32 s3, s9;
	s6 =	sadd.s32 @!p0 $0x88, s6;
	s7 =	simm.s32 @p2 $0x1082  }
0x22: {  	[simem:s7], [sflag:s8] =	dma.local @!p0 [hbm:s6], $0xF7A  }
0x23: {  	s9 =	sor.u32 $0xD0000000, s2;
	s6 =	simm.s32 $0x108;
	_ =	swait.ge @!p0 [sflag:s8], $0x0  }
0x24: {  	s3 =	sadd.s32 $0x88, s3;
	s6 =	simm.s32 @!p1 $0x1082;
	[sflag:s4] =	ssyncset.s32 $0xFFFFF086  }
0x25: {  	[simem:s6], [sflag:s4] =	dma.local [hbm:s3], $0xF7A  }
0x26: {  	[smem:$0x3F9D] =	sst s1;
	(tag) =	ssettag s2;
	_ =	strace s9  }
0x27: {  	s1 =	sld [smem:$0x3FAD]  }
0x28: {  	s2 =	sld [smem:$0x3FAE]  }
0x29: {  	s4 =	sld [smem:$0x3FB0]  }
0x2a: {  	p0 =	seq.s32 s5, $0x0;
	s5 =	sld [smem:$0x3FB1]  }
0x2b: {  	s6 =	sld [smem:$0x3FB2]  }
0x2c: {  	s7 =	sld [smem:$0x3FB3]  }
0x2d: {  	s3 =	simm.s32 $0x108;
	s8 =	sld [smem:$0x3FB4]  }
0x2e: {  	s3 =	simm.s32 @!p0 $0x1082;
	s9 =	sld [smem:$0x3FB5]  }
0x2f: {  	lr =	sadd.s32 s0, s3;
	s0 =	sld [smem:$0x3FAC]  }
0x30: {  	s3 =	sld [smem:$0x3FAF]  }
0x31: {  	[smem:$0x3FB8] =	sst s10  }
0x32: {  	s10 =	sld [smem:$0x3FB6];
	_ =	sdelay $0x3  }
0x33: {  	p0 =	seq.s32 s10, $0x1;
	s10 =	sld [smem:$0x3FB8];
	_ =	sdelay $0x3  }
0x34: {  	[smem:$0x3FB8] =	sst s10  }
0x35: {  	s10 =	sld [smem:$0x3FB7];
	_ =	sdelay $0x3  }
0x36: {  	p1 =	seq.s32 s10, $0x1;
	s10 =	sld [smem:$0x3FB8];
	_ =	sdelay $0x3  }
0x37: {  	[smem:$0x3FB8] =	sst s10  }
0x38: {  	s10 =	sld [smem:$0x3FB9]  }
0x39: {  	_ = 	snop;
	(pc) =	sbr.ind lr, $3  }
0x3a: {  	_ = 	snop  }
0x3b: {  	_ = 	snop  }
0x3c: {  	p2 =	seq.s32 s10, $0x1;
	s10 =	sld [smem:$0x3FB8]  }
0x3d: {  	_ =	shalt  }
0x3e: {  	_ =	shalt  }
0x3f: {  	_ =	shalt  }
0x40: {  	_ =	shalt  }
0x41: {  	_ =	shalt  }
0x42: {  	_ =	shalt  }
0x43: {  	_ =	shalt  }
0x44: {  	_ =	shalt  }
0x45: {  	_ =	shalt  }
0x46: {  	_ =	shalt  }
0x47: {  	_ =	shalt  }
0x48: {  	_ =	shalt  }
0x49: {  	_ =	shalt  }
0x4a: {  	_ =	shalt  }
0x4b: {  	_ =	shalt  }
0x4c: {  	_ =	shalt  }
0x4d: {  	_ =	shalt  }
0x4e: {  	_ =	shalt  }
0x4f: {  	_ =	shalt  }
0x50: {  	_ =	shalt  }
0x51: {  	_ =	shalt  }
0x52: {  	_ =	shalt  }
0x53: {  	_ =	shalt  }
0x54: {  	_ =	shalt  }
0x55: {  	_ =	shalt  }
0x56: {  	_ =	shalt  }
0x57: {  	_ =	shalt  }
0x58: {  	_ =	shalt  }
0x59: {  	_ =	shalt  }
0x5a: {  	_ =	shalt  }
0x5b: {  	_ =	shalt  }
0x5c: {  	_ =	shalt  }
0x5d: {  	_ =	shalt  }
0x5e: {  	_ =	shalt  }
0x5f: {  	_ =	shalt  }
0x60: {  	_ =	shalt  }
0x61: {  	_ =	shalt  }
0x62: {  	_ =	shalt  }
0x63: {  	_ =	shalt  }
0x64: {  	_ =	shalt  }
0x65: {  	_ =	shalt  }
0x66: {  	_ =	shalt  }
0x67: {  	_ =	shalt  }
0x68: {  	_ =	shalt  }
0x69: {  	_ =	shalt  }
0x6a: {  	_ =	shalt  }
0x6b: {  	_ =	shalt  }
0x6c: {  	_ =	shalt  }
0x6d: {  	_ =	shalt  }
0x6e: {  	_ =	shalt  }
0x6f: {  	_ =	shalt  }
0x70: {  	_ =	shalt  }
0x71: {  	_ =	shalt  }
0x72: {  	_ =	shalt  }
0x73: {  	_ =	shalt  }
0x74: {  	_ =	shalt  }
0x75: {  	_ =	shalt  }
0x76: {  	_ =	shalt  }
0x77: {  	_ =	shalt  }
0x78: {  	_ =	shalt  }
0x79: {  	_ =	shalt  }
0x7a: {  	_ =	shalt  }
0x7b: {  	_ =	shalt  }
0x7c: {  	_ =	shalt  }
0x7d: {  	_ =	shalt  }
0x7e: {  	_ =	shalt  }
0x7f: {  	_ =	shalt  }
0x80: {  	_ =	shalt  }
0x81: {  	_ =	shalt  }
0x82: {  	_ =	shalt  }
0x83: {  	_ =	shalt  }
0x84: {  	_ =	shalt  }
0x85: {  	_ =	shalt  }
0x86: {  	_ =	shalt  }
0x87: {  	_ =	shalt  }
.Lfunc_end0:
.L_simem_size_0:
called_computation_lowered:
.L_overlay_start_0:
0x88: {  	s2 =	sld [smem:$0x3FD9]  }
0x89: {  	s3 =	sld [smem:$0x3FFE];
	_ =	sdelay $0x1  }
0x8a: {  	s1 =	srdreg.scid  }
0x8b: {  	s0 =	sand.u32 $0x1, s1  }
0x8c: {  	s18 =	sshll.u32 s0, $0xA;
	s2 =	sadd.s32 s3, s2  }
0x8d: {  	s2 =	sadd.s32 s2, s18  }
0x8e: {  	[smem:$0x3FC4] =	sst s2  }
0x8f: {  	_ = 	snop  }
0x90: {  	s2 =	sld [smem:$0x3FC9]  }
0x91: {  	s19 =	sld [smem:$0x3FC8]  }
0x92: {  	s4 =	sld [smem:$0x3FC7]  }
0x93: {  	s5 =	sld [smem:$0x3FC6]  }
0x94: {  	s6 =	sld [smem:$0x3FD0];
	(tm) =	ssettm $0x1  }
0x95: {  	s7 =	sld [smem:$0x3FFB];
	_ =	sdelay $0x3  }
0x96: {  	_ =	strace s7  }
0x97: {  	s7 =	sld [smem:$0x3FFC];
	_ =	sdelay $0x3  }
0x98: {  	_ =	strace s7  }
0x99: {  	s7 =	sld [smem:$0x3FFD];
	_ =	sdelay $0x3  }
0x9a: {  	_ =	strace s7  }
0x9b: {  	_ =	strace $0x8FFFFFFF  }
0x9c: {  	s20 =	sld [smem:$0x3FDB];
	_ =	sdelay $0x1  }
0x9d: {  	s8 =	simm.s32 $_scs_section_size  }
0x9e: {  	s9 =	simm.s32 $_size__tile_overlayer_lowered;
	s10 =	simm.s32 $_tile_overlayer_lowered  }
0x9f: {  	s23 =	simm.s32 $0x1BFF;
	s22 =	sshll.u32 s10, $0x1;
	s7 =	sadd.s32 s8, s20  }
0xa0: {  	s11 =	simm.s32 $0x0;
	s21 =	sshll.u32 s9, $0x1;
	s9 =	sadd.s32 s22, s7  }
0xa1: {  	[timem:s11], [sflag:s23] =	dma.local [hbm:s9], s21  }
0xa2: {  	_ =	swait.ge [sflag:s23], s21  }
0xa3: {  	s8 =	ssub.s32 $0x0, s21;
	[sflag:s23] =	ssyncset.done $0x0  }
0xa4: {  	[sflag:s23] =	ssyncadd.s32 s8;
	_ =	sdelay $0x1  }
0xa5: {  	s24 =	simm.s32 $0x1B8B  }
0xa6: {  	_ =	swait.ge [sflag:s24], $0x1  }
0xa7: {  	[sflag:s24] =	ssyncset.done $0x0  }
0xa8: {  	s25 =	simm.s32 $0x1B8E;
	[sflag:s24] =	ssyncadd.s32 $0xFFFFFFFF  }
0xa9: {  	s26 =	simm.s32 $execute0_lowered;
	[smem:$0x3FD2] =	sst s25  }
0xaa: {  	s8 =	sshll.u32 s26, $0x1;
	_ =	strace $0x80000046;
	[dreg:$0x1] =	wrdreg $0xFFFFFFFF  }
0xab: {  	s28 =	simm.s32 $_size_execute0_lowered;
	s7 =	sadd.s32 s7, s8;
	[dreg:$0x0] =	wrdreg $0x0  }
0xac: {  	s8 =	sshll.u32 s28, $0x1;
	[dreg:$0x2] =	wrdreg s7  }
0xad: {  	[dreg:$0x3] =	wrdreg s8  }
0xae: {  	[dreg:$0x4] =	wrdreg $0xC0  }
0xaf: {  	_ =	task [dreg:s11], $0x5FFFF  }
0xb0: {  	[dreg:$0x1] =	wrdreg $0xFFFFFFFF  }
0xb1: {  	[dreg:$0x0] =	wrdreg $0x60  }
0xb2: {  	[dreg:$0x2] =	wrdreg s2  }
0xb3: {  	[dreg:$0x3] =	wrdreg s19  }
0xb4: {  	[dreg:$0x4] =	wrdreg s4  }
0xb5: {  	[dreg:$0x5] =	wrdreg s5  }
0xb6: {  	[dreg:$0x6] =	wrdreg s6  }
0xb7: {  	[dreg:$0x7] =	wrdreg $0x9  }
0xb8: {  	_ =	task.clear_ibuf [dreg:s11], $0x8FFFF;
	_ =	strace $0x90000046  }
0xb9: {  	s29 =	simm.s32 $0x9;
	_ =	strace $0x80000048  }
0xba: {  	_ =	swait.ge [sflag:s29], $0x1  }
0xbb: {  	[sflag:s29] =	ssyncadd.s32 $0xFFFFFFFF  }
0xbc: {  	_ =	strace $0x90000048  }
0xbd: {  	_ =	sfence  }
0xbe: {  	s30 =	sld [smem:$0x0];
	_ =	sdelay $0x2  }
0xbf: {  	s31 =	sshll.u32 s1, $0xD;
	s1 =	sshrl.u32 s1, $0x2  }
0xc0: {  	s3 =	sand.u32 $0x4000, s31;
	s1 =	sadd.s32 s1, s30  }
0xc1: {  	s0 =	sor.u32 s3, s0;
	s1 =	sshll.u32 s1, $0x11  }
0xc2: {  	s0 =	sor.u32 s1, s0  }
0xc3: {  	s0 =	sadd.s32 $0x8F2B, s0  }
0xc4: {  	[sflag:s0] =	ssyncadd.remote.s32 $0x1  }
0xc5: {  	_ =	sfence.sel $0xFFFF  }
0xc6: {  	[dreg:$0x0] =	wrdreg $0xFFFFFFFF;
	(pc) =	sbr.abs _section_cstart, $3  }
0xc7: {  	[dreg:$0x1] =	wrdreg $0xFFFFFFFF  }
0xc8: {  	_ =	task.clear_ibuf [dreg:s11], $0x2FFFF;
	_ =	strace $0x9FFFFFFF  }
0xc9: {  	(tm) =	ssettm $0x7FFFFFFF  }
tec
execute0_lowered:
.L_overlay_start_1:
0x0: {  	(tag) =	ssettag $0x1  }
0x1: {  	s0 =	rddreg [dreg:$0x0]  }
0x2: {  	s3 =	rddreg [dreg:$0x1]  }
0x3: {  	s1 =	rddreg [dreg:$0x2]  }
0x4: {  	s2 =	rddreg [dreg:$0x3]  }
0x5: {  	s5 =	rddreg [dreg:$0x4];
	s6 =	srdreg.scid  }
0x6: {  	s4 =	simm.s32 $0x0;
	s9 =	stileid.u32;
	s15 =	simm.s32 $0x2  }
0x7: {  	s28 =	simm.s32 $0x2400;
	s29 =	simm.s32 $0xA400;
	s30 =	simm.s32 $0x4400  }
0x8: {  	s31 =	simm.s32 $0xC400;
	s17 =	simm.s32 $0x0;
	s6 =	sand.u32 $0x1, s6  }
0x9: {  	s9 =	sshll.u32 s9, $0x7;
	s7 =	ssub.s32 $0x2, s6;
	s6 =	sshll.u32 s6, $0x6  }
0xa: {  	[smem:$0x7FF] =	sst s4;
	s8 =	sshrl.u32 s7, $0x1;
	s6 =	sor.u32 s6, s9  }
0xb: {  	_ =	strace $0x80000047;
	s7 =	ssub.s32 s7, s8;
	s20 =	sadd.s32 s0, s6  }
0xc: {  	s21 =	sadd.s32 s3, s6;
	s22 =	sor.u32 $0x10, s6;
	s24 =	sor.u32 $0x20, s6  }
0xd: {  	v0 =	vlaneseq.u32;
	vm0 =	vmmov $0x1;
	s26 =	sor.u32 $0x30, s6;
	s13 =	sadd.s32 s5, s6;
	[dreg:$0x6] =	wrdreg s20  }
0xe: {  	vm1 =	vmmov $0x3;
	vm2 =	vmmov $0x7;
	vm3 =	vmmov $0xf;
	[dreg:$0x7] =	wrdreg s21;
	s23 =	sadd.s32 s0, s22;
	s8 =	sadd.s32 s3, s22  }
0xf: {  	vm4 =	vmmov $0x1f;
	vm5 =	vmmov $0x3f;
	vm6 =	vmmov $0x7f;
	s25 =	sadd.s32 s0, s24;
	s11 =	sadd.s32 s0, s26;
	[dreg:$0x8] =	wrdreg s23  }
0x10: {  	vm7 =	vmmov $0xff;
	vm8 =	vmmov $0x1ff;
	vm9 =	vmmov $0x3ff;
	s12 =	sadd.s32 s3, s26;
	s14 =	smax.u32 s7, $0x1;
	[dreg:$0x9] =	wrdreg s8  }
0x11: {  	vm10 =	vmmov $0x7ff;
	vm11 =	vmmov $0xfff;
	v0 =	vmul.u32 $0x80, v0;
	s26 =	simm.s32 $0x8400;
	s0 =	simm.s32 $0x6400;
	[dreg:$0xa] =	wrdreg s25  }
0x12: {  	vm12 =	vmmov $0x1fff;
	vm13 =	vmmov $0x3fff;
	vm14 =	vmmov $0x7fff;
	s8 =	sadd.s32 s3, s24;
	s23 =	simm.s32 $0x1;
	s24 =	simm.s32 $0x7A1400  }
0x13: {  	v1 =	vor.u32 $0x800, v0;
	v2 =	vor.u32 $0x1000, v0;
	v3 =	vor.u32 $0x1800, v0;
	s25 =	simm.s32 $0x400;
	s3 =	simm.s32 $0xE400;
	[dreg:$0xb] =	wrdreg s8  }
.LBB2_1:
0x14: {  	s5 =	rddreg [dreg:$0x6]  }
0x15: {  	[tilespmem:s4], [sflag:$0x2] =	stream.linear.gather [hbm4b:s5+s4], $0x80, $0x38;
	[tilespmem:$0x10600] =	vst v63  }
0x16: {  	_ =	swait.ge [sflag:s15], $0x80  }
0x17: {  	[sflag:s15] =	ssyncset.done $0x0  }
0x18: {  	s6 =	simm.s32 $0x200;
	s22 =	rddreg [dreg:$0x7];
	[sflag:s15] =	ssyncadd.s32 $0xFFFFFF80  }
0x19: {  	[tilespmem:s6], [sflag:$0x2] =	stream.linear.gather [hbm4b:s22+s4], $0x80, $0x38;
	[tilespmem:$0x10600] =	vst v63  }
0x1a: {  	_ =	swait.ge [sflag:s15], $0x80  }
0x1b: {  	[sflag:s15] =	ssyncset.done $0x0  }
0x1c: {  	s8 =	simm.s32 $0x80;
	s7 =	rddreg [dreg:$0x8];
	[sflag:s15] =	ssyncadd.s32 $0xFFFFFF80  }
0x1d: {  	[tilespmem:s8], [sflag:$0x2] =	stream.linear.gather [hbm4b:s7+s4], $0x80, $0x38;
	[tilespmem:$0x10600] =	vst v63  }
0x1e: {  	_ =	swait.ge [sflag:s15], $0x80  }
0x1f: {  	[sflag:s15] =	ssyncset.done $0x0  }
0x20: {  	s10 =	simm.s32 $0x280;
	s9 =	rddreg [dreg:$0x9];
	[sflag:s15] =	ssyncadd.s32 $0xFFFFFF80  }
0x21: {  	[tilespmem:s10], [sflag:$0x2] =	stream.linear.gather [hbm4b:s9+s4], $0x80, $0x38;
	[tilespmem:$0x10600] =	vst v63  }
0x22: {  	_ =	swait.ge [sflag:s15], $0x80  }
0x23: {  	[sflag:s15] =	ssyncset.done $0x0  }
0x24: {  	s18 =	simm.s32 $0x100;
	s16 =	rddreg [dreg:$0xa];
	[sflag:s15] =	ssyncadd.s32 $0xFFFFFF80  }
0x25: {  	[tilespmem:s18], [sflag:$0x2] =	stream.linear.gather [hbm4b:s16+s4], $0x80, $0x38;
	[tilespmem:$0x10600] =	vst v63  }
0x26: {  	_ =	swait.ge [sflag:s15], $0x80  }
0x27: {  	[sflag:s15] =	ssyncset.done $0x0  }
0x28: {  	s20 =	simm.s32 $0x300;
	s19 =	rddreg [dreg:$0xb];
	[sflag:s15] =	ssyncadd.s32 $0xFFFFFF80  }
0x29: {  	[tilespmem:s20], [sflag:$0x2] =	stream.linear.gather [hbm4b:s19+s4], $0x80, $0x38;
	[tilespmem:$0x10600] =	vst v63  }
0x2a: {  	_ =	swait.ge [sflag:s15], $0x80  }
0x2b: {  	[sflag:s15] =	ssyncset.done $0x0  }
0x2c: {  	s21 =	simm.s32 $0x180;
	[sflag:s15] =	ssyncadd.s32 $0xFFFFFF80  }
0x2d: {  	[tilespmem:s21], [sflag:$0x2] =	stream.linear.gather [hbm4b:s11+s4], $0x80, $0x38;
	[tilespmem:$0x10600] =	vst v63  }
0x2e: {  	_ =	swait.ge [sflag:s15], $0x80  }
0x2f: {  	[sflag:s15] =	ssyncset.done $0x0  }
0x30: {  	s22 =	simm.s32 $0x380;
	[sflag:s15] =	ssyncadd.s32 $0xFFFFFF80  }
0x31: {  	[tilespmem:s22], [sflag:$0x2] =	stream.linear.gather [hbm4b:s12+s4], $0x80, $0x38;
	[tilespmem:$0x10600] =	vst v63  }
0x32: {  	_ =	swait.ge [sflag:s15], $0x80  }
0x33: {  	[sflag:s15] =	ssyncset.done $0x0  }
0x34: {  	s18 =	simm.s32 $0x0;
	[sflag:s15] =	ssyncadd.s32 $0xFFFFFF80  }
.LBB2_2:
0x35: {  	s19 =	sshra.s32 s18, $0x2  }
0x36: {  	v5 =	vld [tilespmem:s19+$0x0];
	_ =	sdelay $0x4  }
0x37: {  	(v2sf) =	vpush v5, $0x0;
	_ =	sdelay $0x5  }
0x38: {  	v4 =	vld [tilespmem:s19+$0x200];
	_ =	sdelay $0x4  }
0x39: {  	(v2sf) =	vpush v4, $0x0;
	_ =	sdelay $0x3  }
0x3a: {  	s5 =	spop (v2sf)  }
0x3b: {  	s6 =	sshra.s32 s5, $0x1F  }
0x3c: {  	s6 =	sshrl.u32 s6, $0x19  }
0x3d: {  	s6 =	sadd.s32 s6, s5  }
0x3e: {  	s7 =	sand.u32 $0xFFFFFF80, s6  }
0x3f: {  	p0 =	slt.s32 s5, $0x1;
	p1 =	sne.s32 s5, s7  }
0x40: {  	p0 =	por !p0, !p1  }
0x41: {  	s7 =	simm.s32 $0x1;
	p0 =	por !p0, !p0  }
0x42: {  	s6 =	sshrl.u32 s6, $0x7;
	s7 =	simm.s32 @!p0 $0x0  }
0x43: {  	s6 =	ssub.s32 s6, s7  }
0x44: {  	s6 =	sshll.u32 s6, $0x7  }
0x45: {  	(v2sf) =	vpush v5, $0x1;
	s16 =	sand.u32 $0x1FFFFF80, s6;
	s6 =	spop (v2sf)  }
0x46: {  	s7 =	sadd.s32 s1, s16;
	s20 =	sshra.s32 s6, $0x1F  }
0x47: {  	[tilespmem:s25], [sflag:$0x1] =	stream.strided.gather [hbm4b:s7+s25], $0x2000, s24, s25, $0x38;
	[tilespmem:$0x10600] =	vst v63  }
0x48: {  	s7 =	sshrl.u32 s20, $0x19  }
0x49: {  	s7 =	sadd.s32 s7, s6  }
0x4a: {  	s8 =	sand.u32 $0xFFFFFF80, s7  }
0x4b: {  	p5 =	slt.s32 s6, $0x1;
	p6 =	sne.s32 s6, s8  }
0x4c: {  	p0 =	por !p5, !p6  }
0x4d: {  	s8 =	simm.s32 $0x1;
	p0 =	por !p0, !p0  }
0x4e: {  	s7 =	sshrl.u32 s7, $0x7;
	s8 =	simm.s32 @!p0 $0x0  }
0x4f: {  	s7 =	ssub.s32 s7, s8  }
0x50: {  	(v2sf) =	vpush v4, $0x1;
	s7 =	sshll.u32 s7, $0x7  }
0x51: {  	s7 =	sand.u32 $0x1FFFFF80, s7  }
0x52: {  	s7 =	sadd.s32 s2, s7  }
0x53: {  	[tilespmem:s26], [sflag:$0x1] =	stream.strided.gather [hbm4b:s7+s25], $0x2000, s24, s25, $0x38;
	[tilespmem:$0x10600] =	vst v63  }
0x54: {  	s7 =	spop (v2sf)  }
0x55: {  	s21 =	sshra.s32 s7, $0x1F  }
0x56: {  	s8 =	sshrl.u32 s21, $0x19  }
0x57: {  	s8 =	sadd.s32 s8, s7  }
0x58: {  	s16 =	sand.u32 $0xFFFFFF80, s8  }
0x59: {  	p1 =	slt.s32 s7, $0x1;
	p2 =	sne.s32 s7, s16  }
0x5a: {  	p0 =	por !p1, !p2  }
0x5b: {  	s16 =	simm.s32 $0x1;
	p0 =	por !p0, !p0  }
0x5c: {  	(v2sf) =	vpush v5, $0x2;
	s8 =	sshrl.u32 s8, $0x7;
	s16 =	simm.s32 @!p0 $0x0  }
0x5d: {  	s8 =	ssub.s32 s8, s16  }
0x5e: {  	s8 =	sshll.u32 s8, $0x7  }
0x5f: {  	s16 =	spop (v2sf);
	s8 =	sand.u32 $0x1FFFFF80, s8  }
0x60: {  	s22 =	sshra.s32 s16, $0x1F;
	s8 =	sadd.s32 s1, s8  }
0x61: {  	[tilespmem:s28], [sflag:$0x1] =	stream.strided.gather [hbm4b:s8+s25], $0x2000, s24, s25, $0x38;
	[tilespmem:$0x10600] =	vst v63  }
0x62: {  	s8 =	sshrl.u32 s22, $0x19  }
0x63: {  	s8 =	sadd.s32 s8, s16  }
0x64: {  	s20 =	sand.u32 $0xFFFFFF80, s8  }
0x65: {  	p3 =	slt.s32 s16, $0x1;
	p4 =	sne.s32 s16, s20  }
0x66: {  	p0 =	por !p3, !p4  }
0x67: {  	s20 =	simm.s32 $0x1;
	p0 =	por !p0, !p0  }
0x68: {  	(v2sf) =	vpush v4, $0x2;
	s8 =	sshrl.u32 s8, $0x7;
	s20 =	simm.s32 @!p0 $0x0  }
0x69: {  	s8 =	ssub.s32 s8, s20  }
0x6a: {  	s8 =	sshll.u32 s8, $0x7  }
0x6b: {  	s20 =	spop (v2sf);
	s8 =	sand.u32 $0x1FFFFF80, s8  }
0x6c: {  	s9 =	sshra.s32 s20, $0x1F;
	s8 =	sadd.s32 s2, s8  }
0x6d: {  	[tilespmem:s29], [sflag:$0x1] =	stream.strided.gather [hbm4b:s8+s25], $0x2000, s24, s25, $0x38;
	[tilespmem:$0x10600] =	vst v63  }
0x6e: {  	s8 =	sshrl.u32 s9, $0x19  }
0x6f: {  	s8 =	sadd.s32 s8, s20  }
0x70: {  	s21 =	sand.u32 $0xFFFFFF80, s8  }
0x71: {  	p5 =	slt.s32 s20, $0x1;
	p6 =	sne.s32 s20, s21  }
0x72: {  	p0 =	por !p5, !p6  }
0x73: {  	s21 =	simm.s32 $0x1;
	p0 =	por !p0, !p0  }
0x74: {  	s8 =	sshrl.u32 s8, $0x7;
	s21 =	simm.s32 @!p0 $0x0  }
0x75: {  	s8 =	ssub.s32 s8, s21  }
0x76: {  	s8 =	sshll.u32 s8, $0x7  }
0x77: {  	(v2sf) =	vpush v5, $0x3;
	s10 =	sand.u32 $0x1FFFFF80, s8;
	s8 =	spop (v2sf)  }
0x78: {  	s21 =	sadd.s32 s1, s10;
	s22 =	sshra.s32 s8, $0x1F  }
0x79: {  	[tilespmem:s30], [sflag:$0x1] =	stream.strided.gather [hbm4b:s21+s25], $0x2000, s24, s25, $0x38;
	[tilespmem:$0x10600] =	vst v63  }
0x7a: {  	s21 =	sshrl.u32 s22, $0x19  }
0x7b: {  	s21 =	sadd.s32 s21, s8  }
0x7c: {  	s22 =	sand.u32 $0xFFFFFF80, s21  }
0x7d: {  	p1 =	slt.s32 s8, $0x1;
	p2 =	sne.s32 s8, s22  }
0x7e: {  	p0 =	por !p1, !p2  }
0x7f: {  	s22 =	simm.s32 $0x1;
	p0 =	por !p0, !p0  }
0x80: {  	s21 =	sshrl.u32 s21, $0x7;
	s22 =	simm.s32 @!p0 $0x0  }
0x81: {  	s21 =	ssub.s32 s21, s22  }
0x82: {  	(v2sf) =	vpush v4, $0x3;
	s21 =	sshll.u32 s21, $0x7  }
0x83: {  	s21 =	sand.u32 $0x1FFFFF80, s21  }
0x84: {  	s21 =	sadd.s32 s2, s21  }
0x85: {  	[tilespmem:s31], [sflag:$0x1] =	stream.strided.gather [hbm4b:s21+s25], $0x2000, s24, s25, $0x38;
	[tilespmem:$0x10600] =	vst v63  }
0x86: {  	s21 =	spop (v2sf)  }
0x87: {  	s9 =	sshra.s32 s21, $0x1F  }
0x88: {  	s22 =	sshrl.u32 s9, $0x19  }
0x89: {  	s22 =	sadd.s32 s22, s21  }
0x8a: {  	s9 =	sand.u32 $0xFFFFFF80, s22  }
0x8b: {  	p3 =	slt.s32 s21, $0x1;
	p4 =	sne.s32 s21, s9  }
0x8c: {  	p0 =	por !p3, !p4  }
0x8d: {  	s9 =	simm.s32 $0x1;
	p0 =	por !p0, !p0  }
0x8e: {  	s22 =	sshrl.u32 s22, $0x7;
	s9 =	simm.s32 @!p0 $0x0  }
0x8f: {  	s9 =	ssub.s32 s22, s9  }
0x90: {  	s9 =	sshll.u32 s9, $0x7  }
0x91: {  	s22 =	spop (v2sf);
	s9 =	sand.u32 $0x1FFFFF80, s9  }
0x92: {  	s10 =	sshra.s32 s22, $0x1F;
	s9 =	sadd.s32 s1, s9  }
0x93: {  	[tilespmem:s0], [sflag:$0x1] =	stream.strided.gather [hbm4b:s9+s25], $0x2000, s24, s25, $0x38;
	[tilespmem:$0x10600] =	vst v63  }
0x94: {  	s9 =	sshrl.u32 s10, $0x19  }
0x95: {  	s9 =	sadd.s32 s9, s22  }
0x96: {  	s10 =	sand.u32 $0xFFFFFF80, s9  }
0x97: {  	p5 =	slt.s32 s22, $0x1;
	p6 =	sne.s32 s22, s10  }
0x98: {  	p0 =	por !p5, !p6  }
0x99: {  	s10 =	simm.s32 $0x1;
	p0 =	por !p0, !p0  }
0x9a: {  	s9 =	sshrl.u32 s9, $0x7;
	s10 =	simm.s32 @!p0 $0x0  }
0x9b: {  	s9 =	ssub.s32 s9, s10  }
0x9c: {  	s9 =	sshll.u32 s9, $0x7  }
0x9d: {  	s9 =	sand.u32 $0x1FFFFF80, s9  }
0x9e: {  	s9 =	sadd.s32 s2, s9  }
0x9f: {  	[tilespmem:s3], [sflag:$0x1] =	stream.strided.gather [hbm4b:s9+s25], $0x2000, s24, s25, $0x38;
	[tilespmem:$0x10600] =	vst v63  }
0xa0: {  	_ =	swait.ge [sflag:s23], $0x2000  }
0xa1: {  	[sflag:s23] =	ssyncset.done $0x0  }
0xa2: {  	[sflag:s23] =	ssyncadd.s32 $0xFFFFE000  }
0xa3: {  	_ =	swait.ge [sflag:s23], $0x2000  }
0xa4: {  	[sflag:s23] =	ssyncset.done $0x0  }
0xa5: {  	[sflag:s23] =	ssyncadd.s32 $0xFFFFE000  }
0xa6: {  	_ =	swait.ge [sflag:s23], $0x2000  }
0xa7: {  	[sflag:s23] =	ssyncset.done $0x0  }
0xa8: {  	[sflag:s23] =	ssyncadd.s32 $0xFFFFE000  }
0xa9: {  	_ =	swait.ge [sflag:s23], $0x2000  }
0xaa: {  	[sflag:s23] =	ssyncset.done $0x0  }
0xab: {  	[sflag:s23] =	ssyncadd.s32 $0xFFFFE000  }
0xac: {  	_ =	swait.ge [sflag:s23], $0x2000  }
0xad: {  	[sflag:s23] =	ssyncset.done $0x0  }
0xae: {  	[sflag:s23] =	ssyncadd.s32 $0xFFFFE000  }
0xaf: {  	_ =	swait.ge [sflag:s23], $0x2000  }
0xb0: {  	[sflag:s23] =	ssyncset.done $0x0  }
0xb1: {  	[sflag:s23] =	ssyncadd.s32 $0xFFFFE000  }
0xb2: {  	s5 =	sand.u32 $0x7F, s5;
	_ =	swait.ge [sflag:s23], $0x2000  }
0xb3: {  	v6 =	vor.u32 s5, v0;
	s6 =	sand.u32 $0x7F, s6;
	[sflag:s23] =	ssyncset.done $0x0  }
0xb4: {  	v7 =	vor.u32 s6, v0;
	[sflag:s23] =	ssyncadd.s32 $0xFFFFE000  }
0xb5: {  	v8 =	vor.u32 s5, v1;
	_ =	swait.ge [sflag:s23], $0x2000  }
0xb6: {  	v9 =	vor.u32 s6, v1;
	[sflag:s23] =	ssyncset.done $0x0  }
0xb7: {  	v10 =	vor.u32 s5, v2;
	[sflag:s23] =	ssyncadd.s32 $0xFFFFE000  }
0xb8: {  	v39 =	vor.u32 s6, v2;
	v31 =	vld.idx.msk [tilespmem:v6+s25+$0x0], $0xffff  }
0xb9: {  	v40 =	vor.u32 s5, v3;
	v34 =	vld.idx.msk [tilespmem:v7+s26+$0x0], $0xffff  }
0xba: {  	v41 =	vor.u32 s6, v3;
	s10 =	sand.u32 $0x7F, s7;
	v26 =	vld.idx.msk [tilespmem:v8+s25+$0x0], $0xffff  }
0xbb: {  	s16 =	sand.u32 $0x7F, s16;
	v42 =	vor.u32 s10, v0;
	(v2sf) =	vpush v5, $0x4;
	v32 =	vld.idx.msk [tilespmem:v9+s26+$0x0], $0xffff  }
0xbc: {  	v12 =	vor.u32 s16, v0;
	v23 =	vld.idx.msk [tilespmem:v10+s25+$0x0], $0xffff  }
0xbd: {  	v43 =	vor.u32 s10, v1;
	v28 =	vld.idx.msk [tilespmem:v39+s26+$0x0], $0xffff  }
0xbe: {  	v44 =	vor.u32 s16, v1;
	v11 =	vld.idx.msk [tilespmem:v40+s25+$0x0], $0xffff  }
0xbf: {  	v46 =	vor.u32 s10, v2;
	v45 =	vld.idx.msk [tilespmem:v41+s26+$0x0], $0xffff  }
0xc0: {  	v47 =	vor.u32 s16, v2;
	v29 =	vld.idx.msk [tilespmem:v42+s28+$0x0], $0xffff  }
0xc1: {  	v48 =	vor.u32 s10, v3;
	v33 =	vld.idx.msk [tilespmem:v12+s29+$0x0], $0xffff  }
0xc2: {  	v49 =	vor.u32 s16, v3;
	s7 =	sand.u32 $0x7F, s20;
	v21 =	vld.idx.msk [tilespmem:v43+s28+$0x0], $0xffff  }
0xc3: {  	v50 =	vor.u32 s7, v0;
	s9 =	sand.u32 $0x7F, s8;
	v24 =	vld.idx.msk [tilespmem:v44+s29+$0x0], $0xffff  }
0xc4: {  	v14 =	vor.u32 s9, v0;
	v13 =	vld.idx.msk [tilespmem:v46+s28+$0x0], $0xffff  }
0xc5: {  	v15 =	vor.u32 s7, v1;
	v18 =	vld.idx.msk [tilespmem:v47+s29+$0x0], $0xffff  }
0xc6: {  	v16 =	vor.u32 s9, v1;
	(v2sf) =	vpush v4, $0x4;
	v51 =	vld.idx.msk [tilespmem:v48+s28+$0x0], $0xffff  }
0xc7: {  	v53 =	vor.u32 s7, v2;
	v52 =	vld.idx.msk [tilespmem:v49+s29+$0x0], $0xffff  }
0xc8: {  	v54 =	vor.u32 s9, v2;
	v19 =	vld.idx.msk [tilespmem:v50+s30+$0x0], $0xffff  }
0xc9: {  	v17 =	vor.u32 s7, v3;
	v22 =	vld.idx.msk [tilespmem:v14+s31+$0x0], $0xffff  }
0xca: {  	s10 =	sand.u32 $0x7F, s21;
	v20 =	vor.u32 s9, v3;
	v55 =	vld.idx.msk [tilespmem:v15+s30+$0x0], $0xffff;
	s20 =	spop (v2sf)  }
0xcb: {  	s16 =	sand.u32 $0x7F, s22;
	v25 =	vor.u32 s10, v0;
	v56 =	vld.idx.msk [tilespmem:v16+s31+$0x0], $0xffff;
	s21 =	sshra.s32 s20, $0x1F  }
0xcc: {  	v27 =	vor.u32 s16, v0;
	v57 =	vld.idx.msk [tilespmem:v53+s30+$0x0], $0xffff;
	s7 =	sshrl.u32 s21, $0x19  }
0xcd: {  	v30 =	vor.u32 s10, v1;
	v58 =	vld.idx.msk [tilespmem:v54+s31+$0x0], $0xffff;
	s7 =	sadd.s32 s7, s20  }
0xce: {  	v60 =	vor.u32 s16, v1;
	v59 =	vld.idx.msk [tilespmem:v17+s30+$0x0], $0xffff;
	s22 =	sand.u32 $0xFFFFFF80, s7  }
0xcf: {  	v62 =	vor.u32 s10, v2;
	v61 =	vld.idx.msk [tilespmem:v20+s31+$0x0], $0xffff;
	p1 =	slt.s32 s20, $0x1;
	p2 =	sne.s32 s20, s22  }
0xd0: {  	v38 =	vor.u32 s16, v2;
	v35 =	vld.idx.msk [tilespmem:v25+s0+$0x0], $0xffff;
	p0 =	por !p1, !p2  }
0xd1: {  	s5 =	simm.s32 $0x1;
	v37 =	vld.idx.msk [tilespmem:v27+s3+$0x0], $0xffff;
	v39 =	vor.u32 s10, v3;
	p0 =	por !p0, !p0  }
0xd2: {  	v30 =	vld.idx.msk [tilespmem:v30+s0+$0x0], $0xffff;
	v40 =	vor.u32 s16, v3;
	(v2sf) =	vpush v5, $0x5;
	s7 =	sshrl.u32 s7, $0x7;
	s5 =	simm.s32 @!p0 $0x0  }
0xd3: {  	v36 =	vld.idx.msk [tilespmem:v60+s3+$0x0], $0xffff;
	s5 =	ssub.s32 s7, s5  }
0xd4: {  	v63 =	vld.idx.msk [tilespmem:v62+s0+$0x0], $0xffff;
	s5 =	sshll.u32 s5, $0x7  }
0xd5: {  	v38 =	vld.idx.msk [tilespmem:v38+s3+$0x0], $0xffff;
	s21 =	spop (v2sf);
	s5 =	sand.u32 $0x1FFFFF80, s5  }
0xd6: {  	v39 =	vld.idx.msk [tilespmem:v39+s0+$0x0], $0xffff;
	s8 =	sshra.s32 s21, $0x1F;
	s5 =	sadd.s32 s1, s5  }
0xd7: {  	v41 =	vld.idx.msk [tilespmem:v40+s3+$0x0], $0xffff;
	[tilespmem:s25], [sflag:$0x1] =	stream.strided.gather [hbm4b:s5+s25], $0x2000, s24, s25, $0x38  }
0xd8: {  	s5 =	sshrl.u32 s8, $0x19  }
0xd9: {  	s5 =	sadd.s32 s5, s21  }
0xda: {  	s9 =	sand.u32 $0xFFFFFF80, s5  }
0xdb: {  	p3 =	slt.s32 s21, $0x1;
	p4 =	sne.s32 s21, s9  }
0xdc: {  	p0 =	por !p3, !p4  }
0xdd: {  	s6 =	simm.s32 $0x1;
	p0 =	por !p0, !p0  }
0xde: {  	(v2sf) =	vpush v4, $0x5;
	s5 =	sshrl.u32 s5, $0x7;
	s6 =	simm.s32 @!p0 $0x0  }
0xdf: {  	s5 =	ssub.s32 s5, s6  }
0xe0: {  	s5 =	sshll.u32 s5, $0x7  }
0xe1: {  	s22 =	spop (v2sf);
	s5 =	sand.u32 $0x1FFFFF80, s5  }
0xe2: {  	s10 =	sshra.s32 s22, $0x1F;
	s5 =	sadd.s32 s2, s5  }
0xe3: {  	[tilespmem:s26], [sflag:$0x1] =	stream.strided.gather [hbm4b:s5+s25], $0x2000, s24, s25, $0x38;
	[tilespmem:$0x10600] =	vst v63  }
0xe4: {  	s5 =	sshrl.u32 s10, $0x19  }
0xe5: {  	s5 =	sadd.s32 s5, s22  }
0xe6: {  	s16 =	sand.u32 $0xFFFFFF80, s5  }
0xe7: {  	p5 =	slt.s32 s22, $0x1;
	p6 =	sne.s32 s22, s16  }
0xe8: {  	p0 =	por !p5, !p6  }
0xe9: {  	s6 =	simm.s32 $0x1;
	p0 =	por !p0, !p0  }
0xea: {  	s5 =	sshrl.u32 s5, $0x7;
	s6 =	simm.s32 @!p0 $0x0  }
0xeb: {  	s5 =	ssub.s32 s5, s6  }
0xec: {  	s5 =	sshll.u32 s5, $0x7  }
0xed: {  	(v2sf) =	vpush v5, $0x6;
	s16 =	spop (v2sf);
	s5 =	sand.u32 $0x1FFFFF80, s5  }
0xee: {  	s7 =	sshra.s32 s16, $0x1F;
	s5 =	sadd.s32 s1, s5  }
0xef: {  	[tilespmem:s28], [sflag:$0x1] =	stream.strided.gather [hbm4b:s5+s25], $0x2000, s24, s25, $0x38;
	[tilespmem:$0x10600] =	vst v63  }
0xf0: {  	s5 =	sshrl.u32 s7, $0x19  }
0xf1: {  	s5 =	sadd.s32 s5, s16  }
0xf2: {  	s8 =	sand.u32 $0xFFFFFF80, s5  }
0xf3: {  	p1 =	slt.s32 s16, $0x1;
	p2 =	sne.s32 s16, s8  }
0xf4: {  	p0 =	por !p1, !p2  }
0xf5: {  	s6 =	simm.s32 $0x1;
	p0 =	por !p0, !p0  }
0xf6: {  	s5 =	sshrl.u32 s5, $0x7;
	s6 =	simm.s32 @!p0 $0x0  }
0xf7: {  	s5 =	ssub.s32 s5, s6  }
0xf8: {  	(v2sf) =	vpush v4, $0x6;
	s5 =	sshll.u32 s5, $0x7  }
0xf9: {  	s5 =	sand.u32 $0x1FFFFF80, s5  }
0xfa: {  	s5 =	sadd.s32 s2, s5  }
0xfb: {  	[tilespmem:s29], [sflag:$0x1] =	stream.strided.gather [hbm4b:s5+s25], $0x2000, s24, s25, $0x38;
	[tilespmem:$0x10600] =	vst v63  }
0xfc: {  	s5 =	spop (v2sf)  }
0xfd: {  	s9 =	sshra.s32 s5, $0x1F  }
0xfe: {  	s6 =	sshrl.u32 s9, $0x19  }
0xff: {  	s6 =	sadd.s32 s6, s5  }
0x100: {  	s10 =	sand.u32 $0xFFFFFF80, s6  }
0x101: {  	p3 =	slt.s32 s5, $0x1;
	p4 =	sne.s32 s5, s10  }
0x102: {  	p0 =	por !p3, !p4  }
0x103: {  	s7 =	simm.s32 $0x1;
	p0 =	por !p0, !p0  }
0x104: {  	s6 =	sshrl.u32 s6, $0x7;
	s7 =	simm.s32 @!p0 $0x0  }
0x105: {  	s6 =	ssub.s32 s6, s7  }
0x106: {  	s6 =	sshll.u32 s6, $0x7  }
0x107: {  	(v2sf) =	vpush v5, $0x7;
	s8 =	sand.u32 $0x1FFFFF80, s6;
	s6 =	spop (v2sf)  }
0x108: {  	s7 =	sadd.s32 s1, s8;
	s9 =	sshra.s32 s6, $0x1F  }
0x109: {  	[tilespmem:s30], [sflag:$0x1] =	stream.strided.gather [hbm4b:s7+s25], $0x2000, s24, s25, $0x38;
	[tilespmem:$0x10600] =	vst v63  }
0x10a: {  	s7 =	sshrl.u32 s9, $0x19  }
0x10b: {  	s7 =	sadd.s32 s7, s6  }
0x10c: {  	s10 =	sand.u32 $0xFFFFFF80, s7  }
0x10d: {  	p5 =	slt.s32 s6, $0x1;
	p6 =	sne.s32 s6, s10  }
0x10e: {  	p0 =	por !p5, !p6  }
0x10f: {  	v31 =	vmax.f32 v31, $0.0e+00;
	v34 =	vmax.f32 v34, $0.0e+00;
	v26 =	vmax.f32 v26, $0.0e+00;
	s8 =	simm.s32 $0x1;
	p0 =	por !p0, !p0  }
0x110: {  	v32 =	vmax.f32 v32, $0.0e+00;
	v23 =	vmax.f32 v23, $0.0e+00;
	v28 =	vmax.f32 v28, $0.0e+00;
	s7 =	sshrl.u32 s7, $0x7;
	s8 =	simm.s32 @!p0 $0x0  }
0x111: {  	v42 =	vmax.f32 v29, $0.0e+00;
	v43 =	vmax.f32 v33, $0.0e+00;
	v11 =	vmax.f32 v11, $0.0e+00;
	s7 =	ssub.s32 s7, s8  }
0x112: {  	v10 =	vmax.f32 v45, $0.0e+00;
	v21 =	vmax.f32 v21, $0.0e+00;
	v24 =	vmax.f32 v24, $0.0e+00;
	s7 =	sshll.u32 s7, $0x7  }
0x113: {  	v45 =	vmax.f32 v13, $0.0e+00;
	v46 =	vmax.f32 v18, $0.0e+00;
	v48 =	vmax.f32 v19, $0.0e+00;
	s7 =	sand.u32 $0x1FFFFF80, s7  }
0x114: {  	v49 =	vmax.f32 v22, $0.0e+00;
	v9 =	vmax.f32 v51, $0.0e+00;
	v8 =	vmax.f32 v52, $0.0e+00;
	s7 =	sadd.s32 s2, s7  }
0x115: {  	v12 =	vmax.f32 v55, $0.0e+00;
	v14 =	vmax.f32 v56, $0.0e+00;
	(v2sf) =	vpush v4, $0x7;
	[tilespmem:s31], [sflag:$0x1] =	stream.strided.gather [hbm4b:s7+s25], $0x2000, s24, s25, $0x38;
	[tilespmem:$0x10600] =	vst v63  }
0x116: {  	v50 =	vmax.f32 v57, $0.0e+00;
	v51 =	vmax.f32 v58, $0.0e+00;
	v52 =	vmax.f32 v35, $0.0e+00;
	s7 =	spop (v2sf)  }
0x117: {  	v53 =	vmax.f32 v37, $0.0e+00;
	v56 =	vmax.f32 v30, $0.0e+00;
	v31 =	vmul.f32 v34, v31;
	s9 =	sshra.s32 s7, $0x1F  }
0x118: {  	v57 =	vmax.f32 v36, $0.0e+00;
	v7 =	vmax.f32 v59, $0.0e+00;
	v59 =	vmax.f32 v63, $0.0e+00;
	s8 =	sshrl.u32 s9, $0x19  }
0x119: {  	v26 =	vmul.f32 v32, v26;
	v23 =	vmul.f32 v28, v23;
	v31 =	vadd.f32 $0.0e+00, v31;
	s8 =	sadd.s32 s8, s7  }
0x11a: {  	v60 =	vmax.f32 v38, $0.0e+00;
	v44 =	vmul.f32 v43, v42;
	v21 =	vmul.f32 v24, v21;
	s10 =	sand.u32 $0xFFFFFF80, s8  }
0x11b: {  	v10 =	vmul.f32 v10, v11;
	v11 =	vmul.f32 v46, v45;
	v26 =	vadd.f32 v26, v31;
	p1 =	slt.s32 s7, $0x1;
	p2 =	sne.s32 s7, s10  }
0x11c: {  	v6 =	vmax.f32 v61, $0.0e+00;
	v13 =	vmul.f32 v49, v48;
	v12 =	vmul.f32 v14, v12;
	p0 =	por !p1, !p2  }
0x11d: {  	v55 =	vmul.f32 v53, v52;
	v23 =	vadd.f32 v23, v26;
	v26 =	vadd.f32 $0.0e+00, v44;
	s9 =	simm.s32 $0x1;
	p0 =	por !p0, !p0  }
0x11e: {  	v54 =	vmul.f32 v51, v50;
	v8 =	vmul.f32 v8, v9;
	v13 =	vadd.f32 $0.0e+00, v13;
	s8 =	sshrl.u32 s8, $0x7;
	s9 =	simm.s32 @!p0 $0x0  }
0x11f: {  	v9 =	vmul.f32 v57, v56;
	v58 =	vadd.f32 $0.0e+00, v55;
	v47 =	vadd.f32 v21, v26;
	s8 =	ssub.s32 s8, s9  }
0x120: {  	v61 =	vmul.f32 v60, v59;
	v6 =	vmul.f32 v6, v7;
	v12 =	vadd.f32 v12, v13;
	s8 =	sshll.u32 s8, $0x7  }
0x121: {  	v9 =	vadd.f32 v9, v58;
	v62 =	vmax.f32 v39, $0.0e+00;
	v11 =	vadd.f32 v11, v47;
	s8 =	sand.u32 $0x1FFFFF80, s8  }
0x122: {  	v63 =	vmax.f32 v41, $0.0e+00;
	v12 =	vadd.f32 v54, v12;
	v10 =	vadd.f32 v10, v23;
	s8 =	sadd.s32 s1, s8  }
0x123: {  	v7 =	vmul.f32 v63, v62;
	v9 =	vadd.f32 v61, v9;
	v8 =	vadd.f32 v8, v11;
	[tilespmem:s0], [sflag:$0x1] =	stream.strided.gather [hbm4b:s8+s25], $0x2000, s24, s25, $0x38;
	[tilespmem:$0x10600] =	vst v63  }
0x124: {  	v6 =	vadd.f32 v6, v12;
	(xrf2) =	vadd.scan.msk.f32 $0xffff, v10;
	s8 =	spop (v2sf)  }
0x125: {  	v7 =	vadd.f32 v7, v9;
	(xrf2) =	vadd.scan.msk.f32 $0xffff, v8;
	s10 =	sshra.s32 s8, $0x1F  }
0x126: {  	(xrf2) =	vadd.scan.msk.f32 $0xffff, v6;
	s9 =	sshrl.u32 s10, $0x19  }
0x127: {  	(xrf2) =	vadd.scan.msk.f32 $0xffff, v7;
	s9 =	sadd.s32 s9, s8  }
0x128: {  	s10 =	sand.u32 $0xFFFFFF80, s9  }
0x129: {  	p3 =	slt.s32 s8, $0x1;
	p4 =	sne.s32 s8, s10  }
0x12a: {  	p0 =	por !p3, !p4  }
0x12b: {  	s10 =	simm.s32 $0x1;
	p0 =	por !p0, !p0  }
0x12c: {  	s9 =	sshrl.u32 s9, $0x7;
	s10 =	simm.s32 @!p0 $0x0  }
0x12d: {  	s9 =	ssub.s32 s9, s10  }
0x12e: {  	v8, _, _ =	vpop (xrf2);
	s9 =	sshll.u32 s9, $0x7  }
0x12f: {  	v9, _, _ =	vpop (xrf2);
	s9 =	sand.u32 $0x1FFFFF80, s9  }
0x130: {  	v7, _, _ =	vpop (xrf2);
	s9 =	sadd.s32 s2, s9  }
0x131: {  	v6, _, _ =	vpop (xrf2);
	[tilespmem:s3], [sflag:$0x1] =	stream.strided.gather [hbm4b:s9+s25], $0x2000, s24, s25, $0x38;
	[tilespmem:$0x10600] =	vst v63  }
0x132: {  	_ =	swait.ge [sflag:s23], $0x2000  }
0x133: {  	[sflag:s23] =	ssyncset.done $0x0  }
0x134: {  	[sflag:s23] =	ssyncadd.s32 $0xFFFFE000  }
0x135: {  	_ =	swait.ge [sflag:s23], $0x2000  }
0x136: {  	[sflag:s23] =	ssyncset.done $0x0  }
0x137: {  	[sflag:s23] =	ssyncadd.s32 $0xFFFFE000  }
0x138: {  	_ =	swait.ge [sflag:s23], $0x2000  }
0x139: {  	[sflag:s23] =	ssyncset.done $0x0  }
0x13a: {  	[sflag:s23] =	ssyncadd.s32 $0xFFFFE000  }
0x13b: {  	_ =	swait.ge [sflag:s23], $0x2000  }
0x13c: {  	[sflag:s23] =	ssyncset.done $0x0  }
0x13d: {  	[sflag:s23] =	ssyncadd.s32 $0xFFFFE000  }
0x13e: {  	_ =	swait.ge [sflag:s23], $0x2000  }
0x13f: {  	[sflag:s23] =	ssyncset.done $0x0  }
0x140: {  	[sflag:s23] =	ssyncadd.s32 $0xFFFFE000  }
0x141: {  	_ =	swait.ge [sflag:s23], $0x2000  }
0x142: {  	[sflag:s23] =	ssyncset.done $0x0  }
0x143: {  	[sflag:s23] =	ssyncadd.s32 $0xFFFFE000  }
0x144: {  	s10 =	sand.u32 $0x7F, s20;
	_ =	swait.ge [sflag:s23], $0x2000  }
0x145: {  	s20 =	sand.u32 $0x7F, s21;
	v16 =	vor.u32 s10, v0;
	[sflag:s23] =	ssyncset.done $0x0  }
0x146: {  	v17 =	vor.u32 s20, v0;
	[sflag:s23] =	ssyncadd.s32 $0xFFFFE000  }
0x147: {  	v18 =	vor.u32 s10, v1;
	_ =	swait.ge [sflag:s23], $0x2000  }
0x148: {  	v19 =	vor.u32 s20, v1;
	[sflag:s23] =	ssyncset.done $0x0  }
0x149: {  	v20 =	vor.u32 s10, v2;
	[sflag:s23] =	ssyncadd.s32 $0xFFFFE000  }
0x14a: {  	v21 =	vor.u32 s20, v2;
	v35 =	vld.idx.msk [tilespmem:v16+s25+$0x0], $0xffff  }
0x14b: {  	v22 =	vor.u32 s10, v3;
	v38 =	vld.idx.msk [tilespmem:v17+s26+$0x0], $0xffff  }
0x14c: {  	s21 =	sand.u32 $0x7F, s22;
	v23 =	vor.u32 s20, v3;
	v30 =	vld.idx.msk [tilespmem:v18+s25+$0x0], $0xffff  }
0x14d: {  	s22 =	sand.u32 $0x7F, s16;
	v37 =	vor.u32 s21, v0;
	(v2sf) =	vpush v5, $0x8;
	v36 =	vld.idx.msk [tilespmem:v19+s26+$0x0], $0xffff  }
0x14e: {  	v39 =	vor.u32 s22, v0;
	v27 =	vld.idx.msk [tilespmem:v20+s25+$0x0], $0xffff  }
0x14f: {  	v40 =	vor.u32 s21, v1;
	v32 =	vld.idx.msk [tilespmem:v21+s26+$0x0], $0xffff  }
0x150: {  	v41 =	vor.u32 s22, v1;
	v15 =	vld.idx.msk [tilespmem:v22+s25+$0x0], $0xffff  }
0x151: {  	v42 =	vor.u32 s21, v2;
	v14 =	vld.idx.msk [tilespmem:v23+s26+$0x0], $0xffff  }
0x152: {  	v43 =	vor.u32 s22, v2;
	v33 =	vld.idx.msk [tilespmem:v37+s28+$0x0], $0xffff  }
0x153: {  	v44 =	vor.u32 s21, v3;
	v37 =	vld.idx.msk [tilespmem:v39+s29+$0x0], $0xffff  }
0x154: {  	s5 =	sand.u32 $0x7F, s5;
	v45 =	vor.u32 s22, v3;
	v25 =	vld.idx.msk [tilespmem:v40+s28+$0x0], $0xffff  }
0x155: {  	v46 =	vor.u32 s5, v0;
	s6 =	sand.u32 $0x7F, s6;
	v28 =	vld.idx.msk [tilespmem:v41+s29+$0x0], $0xffff  }
0x156: {  	v47 =	vor.u32 s6, v0;
	v17 =	vld.idx.msk [tilespmem:v42+s28+$0x0], $0xffff  }
0x157: {  	v48 =	vor.u32 s5, v1;
	v22 =	vld.idx.msk [tilespmem:v43+s29+$0x0], $0xffff  }
0x158: {  	v49 =	vor.u32 s6, v1;
	(v2sf) =	vpush v4, $0x8;
	v13 =	vld.idx.msk [tilespmem:v44+s28+$0x0], $0xffff  }
0x159: {  	v50 =	vor.u32 s5, v2;
	v12 =	vld.idx.msk [tilespmem:v45+s29+$0x0], $0xffff  }
0x15a: {  	v51 =	vor.u32 s6, v2;
	v23 =	vld.idx.msk [tilespmem:v46+s30+$0x0], $0xffff  }
0x15b: {  	v52 =	vor.u32 s5, v3;
	v26 =	vld.idx.msk [tilespmem:v47+s31+$0x0], $0xffff  }
0x15c: {  	v53 =	vor.u32 s6, v3;
	s10 =	sand.u32 $0x7F, s7;
	v16 =	vld.idx.msk [tilespmem:v48+s30+$0x0], $0xffff;
	s20 =	spop (v2sf)  }
0x15d: {  	s16 =	sand.u32 $0x7F, s8;
	v54 =	vor.u32 s10, v0;
	v18 =	vld.idx.msk [tilespmem:v49+s31+$0x0], $0xffff;
	s21 =	sshra.s32 s20, $0x1F  }
0x15e: {  	v56 =	vor.u32 s16, v0;
	v55 =	vld.idx.msk [tilespmem:v50+s30+$0x0], $0xffff;
	s7 =	sshrl.u32 s21, $0x19  }
0x15f: {  	v58 =	vor.u32 s10, v1;
	v57 =	vld.idx.msk [tilespmem:v51+s31+$0x0], $0xffff;
	s7 =	sadd.s32 s7, s20  }
0x160: {  	v59 =	vor.u32 s16, v1;
	v11 =	vld.idx.msk [tilespmem:v52+s30+$0x0], $0xffff;
	s22 =	sand.u32 $0xFFFFFF80, s7  }
0x161: {  	v60 =	vor.u32 s10, v2;
	v10 =	vld.idx.msk [tilespmem:v53+s31+$0x0], $0xffff;
	p5 =	slt.s32 s20, $0x1;
	p6 =	sne.s32 s20, s22  }
0x162: {  	v61 =	vld.idx.msk [tilespmem:v54+s0+$0x0], $0xffff;
	v42 =	vor.u32 s16, v2;
	p0 =	por !p5, !p6  }
0x163: {  	s5 =	simm.s32 $0x1;
	v41 =	vld.idx.msk [tilespmem:v56+s3+$0x0], $0xffff;
	v43 =	vor.u32 s10, v3;
	p0 =	por !p0, !p0  }
0x164: {  	v34 =	vld.idx.msk [tilespmem:v58+s0+$0x0], $0xffff;
	v44 =	vor.u32 s16, v3;
	(v2sf) =	vpush v5, $0x9;
	s7 =	sshrl.u32 s7, $0x7;
	s5 =	simm.s32 @!p0 $0x0  }
0x165: {  	v62 =	vld.idx.msk [tilespmem:v59+s3+$0x0], $0xffff;
	s5 =	ssub.s32 s7, s5  }
0x166: {  	v63 =	vld.idx.msk [tilespmem:v60+s0+$0x0], $0xffff;
	s5 =	sshll.u32 s5, $0x7  }
0x167: {  	v42 =	vld.idx.msk [tilespmem:v42+s3+$0x0], $0xffff;
	s21 =	spop (v2sf);
	s5 =	sand.u32 $0x1FFFFF80, s5  }
0x168: {  	v43 =	vld.idx.msk [tilespmem:v43+s0+$0x0], $0xffff;
	s8 =	sshra.s32 s21, $0x1F;
	s5 =	sadd.s32 s1, s5  }
0x169: {  	v45 =	vld.idx.msk [tilespmem:v44+s3+$0x0], $0xffff;
	[tilespmem:s25], [sflag:$0x1] =	stream.strided.gather [hbm4b:s5+s25], $0x2000, s24, s25, $0x38  }
0x16a: {  	s5 =	sshrl.u32 s8, $0x19  }
0x16b: {  	s5 =	sadd.s32 s5, s21  }
0x16c: {  	s9 =	sand.u32 $0xFFFFFF80, s5  }
0x16d: {  	p1 =	slt.s32 s21, $0x1;
	p2 =	sne.s32 s21, s9  }
0x16e: {  	p0 =	por !p1, !p2  }
0x16f: {  	s6 =	simm.s32 $0x1;
	p0 =	por !p0, !p0  }
0x170: {  	(v2sf) =	vpush v4, $0x9;
	s5 =	sshrl.u32 s5, $0x7;
	s6 =	simm.s32 @!p0 $0x0  }
0x171: {  	s5 =	ssub.s32 s5, s6  }
0x172: {  	s5 =	sshll.u32 s5, $0x7  }
0x173: {  	s22 =	spop (v2sf);
	s5 =	sand.u32 $0x1FFFFF80, s5  }
0x174: {  	s10 =	sshra.s32 s22, $0x1F;
	s5 =	sadd.s32 s2, s5  }
0x175: {  	[tilespmem:s26], [sflag:$0x1] =	stream.strided.gather [hbm4b:s5+s25], $0x2000, s24, s25, $0x38;
	[tilespmem:$0x10600] =	vst v63  }
0x176: {  	s5 =	sshrl.u32 s10, $0x19  }
0x177: {  	s5 =	sadd.s32 s5, s22  }
0x178: {  	s16 =	sand.u32 $0xFFFFFF80, s5  }
0x179: {  	p3 =	slt.s32 s22, $0x1;
	p4 =	sne.s32 s22, s16  }
0x17a: {  	p0 =	por !p3, !p4  }
0x17b: {  	s6 =	simm.s32 $0x1;
	p0 =	por !p0, !p0  }
0x17c: {  	s5 =	sshrl.u32 s5, $0x7;
	s6 =	simm.s32 @!p0 $0x0  }
0x17d: {  	s5 =	ssub.s32 s5, s6  }
0x17e: {  	s5 =	sshll.u32 s5, $0x7  }
0x17f: {  	(v2sf) =	vpush v5, $0xA;
	s16 =	spop (v2sf);
	s5 =	sand.u32 $0x1FFFFF80, s5  }
0x180: {  	s7 =	sshra.s32 s16, $0x1F;
	s5 =	sadd.s32 s1, s5  }
0x181: {  	[tilespmem:s28], [sflag:$0x1] =	stream.strided.gather [hbm4b:s5+s25], $0x2000, s24, s25, $0x38;
	[tilespmem:$0x10600] =	vst v63  }
0x182: {  	s5 =	sshrl.u32 s7, $0x19  }
0x183: {  	s5 =	sadd.s32 s5, s16  }
0x184: {  	s8 =	sand.u32 $0xFFFFFF80, s5  }
0x185: {  	p5 =	slt.s32 s16, $0x1;
	p6 =	sne.s32 s16, s8  }
0x186: {  	p0 =	por !p5, !p6  }
0x187: {  	s6 =	simm.s32 $0x1;
	p0 =	por !p0, !p0  }
0x188: {  	s5 =	sshrl.u32 s5, $0x7;
	s6 =	simm.s32 @!p0 $0x0  }
0x189: {  	s5 =	ssub.s32 s5, s6  }
0x18a: {  	(v2sf) =	vpush v4, $0xA;
	s5 =	sshll.u32 s5, $0x7  }
0x18b: {  	s5 =	sand.u32 $0x1FFFFF80, s5  }
0x18c: {  	s5 =	sadd.s32 s2, s5  }
0x18d: {  	[tilespmem:s29], [sflag:$0x1] =	stream.strided.gather [hbm4b:s5+s25], $0x2000, s24, s25, $0x38;
	[tilespmem:$0x10600] =	vst v63  }
0x18e: {  	s5 =	spop (v2sf)  }
0x18f: {  	s9 =	sshra.s32 s5, $0x1F  }
0x190: {  	s6 =	sshrl.u32 s9, $0x19  }
0x191: {  	s6 =	sadd.s32 s6, s5  }
0x192: {  	s10 =	sand.u32 $0xFFFFFF80, s6  }
0x193: {  	p1 =	slt.s32 s5, $0x1;
	p2 =	sne.s32 s5, s10  }
0x194: {  	p0 =	por !p1, !p2  }
0x195: {  	s7 =	simm.s32 $0x1;
	p0 =	por !p0, !p0  }
0x196: {  	s6 =	sshrl.u32 s6, $0x7;
	s7 =	simm.s32 @!p0 $0x0  }
0x197: {  	s6 =	ssub.s32 s6, s7  }
0x198: {  	s6 =	sshll.u32 s6, $0x7  }
0x199: {  	(v2sf) =	vpush v5, $0xB;
	s8 =	sand.u32 $0x1FFFFF80, s6;
	s6 =	spop (v2sf)  }
0x19a: {  	s7 =	sadd.s32 s1, s8;
	s9 =	sshra.s32 s6, $0x1F  }
0x19b: {  	[tilespmem:s30], [sflag:$0x1] =	stream.strided.gather [hbm4b:s7+s25], $0x2000, s24, s25, $0x38;
	[tilespmem:$0x10600] =	vst v63  }
0x19c: {  	s7 =	sshrl.u32 s9, $0x19  }
0x19d: {  	s7 =	sadd.s32 s7, s6  }
0x19e: {  	s10 =	sand.u32 $0xFFFFFF80, s7  }
0x19f: {  	p3 =	slt.s32 s6, $0x1;
	p4 =	sne.s32 s6, s10  }
0x1a0: {  	p0 =	por !p3, !p4  }
0x1a1: {  	v35 =	vmax.f32 v35, $0.0e+00;
	v38 =	vmax.f32 v38, $0.0e+00;
	v30 =	vmax.f32 v30, $0.0e+00;
	s8 =	simm.s32 $0x1;
	p0 =	por !p0, !p0  }
0x1a2: {  	v36 =	vmax.f32 v36, $0.0e+00;
	v27 =	vmax.f32 v27, $0.0e+00;
	v32 =	vmax.f32 v32, $0.0e+00;
	s7 =	sshrl.u32 s7, $0x7;
	s8 =	simm.s32 @!p0 $0x0  }
0x1a3: {  	v46 =	vmax.f32 v33, $0.0e+00;
	v47 =	vmax.f32 v37, $0.0e+00;
	v15 =	vmax.f32 v15, $0.0e+00;
	s7 =	ssub.s32 s7, s8  }
0x1a4: {  	v14 =	vmax.f32 v14, $0.0e+00;
	v25 =	vmax.f32 v25, $0.0e+00;
	v28 =	vmax.f32 v28, $0.0e+00;
	s7 =	sshll.u32 s7, $0x7  }
0x1a5: {  	v49 =	vmax.f32 v17, $0.0e+00;
	v50 =	vmax.f32 v22, $0.0e+00;
	v52 =	vmax.f32 v23, $0.0e+00;
	s7 =	sand.u32 $0x1FFFFF80, s7  }
0x1a6: {  	v53 =	vmax.f32 v26, $0.0e+00;
	v13 =	vmax.f32 v13, $0.0e+00;
	v12 =	vmax.f32 v12, $0.0e+00;
	s7 =	sadd.s32 s2, s7  }
0x1a7: {  	v16 =	vmax.f32 v16, $0.0e+00;
	v18 =	vmax.f32 v18, $0.0e+00;
	(v2sf) =	vpush v4, $0xB;
	[tilespmem:s31], [sflag:$0x1] =	stream.strided.gather [hbm4b:s7+s25], $0x2000, s24, s25, $0x38;
	[tilespmem:$0x10600] =	vst v63  }
0x1a8: {  	v54 =	vmax.f32 v55, $0.0e+00;
	v55 =	vmax.f32 v57, $0.0e+00;
	v56 =	vmax.f32 v61, $0.0e+00;
	s7 =	spop (v2sf)  }
0x1a9: {  	v57 =	vmax.f32 v41, $0.0e+00;
	v60 =	vmax.f32 v34, $0.0e+00;
	v35 =	vmul.f32 v38, v35;
	s9 =	sshra.s32 s7, $0x1F  }
0x1aa: {  	v61 =	vmax.f32 v62, $0.0e+00;
	v11 =	vmax.f32 v11, $0.0e+00;
	v30 =	vmul.f32 v36, v30;
	s8 =	sshrl.u32 s9, $0x19  }
0x1ab: {  	v27 =	vmul.f32 v32, v27;
	v48 =	vmul.f32 v47, v46;
	v35 =	vadd.f32 $0.0e+00, v35;
	s8 =	sadd.s32 s8, s7  }
0x1ac: {  	v63 =	vmax.f32 v63, $0.0e+00;
	v25 =	vmul.f32 v28, v25;
	v14 =	vmul.f32 v14, v15;
	s10 =	sand.u32 $0xFFFFFF80, s8  }
0x1ad: {  	v15 =	vmul.f32 v50, v49;
	v17 =	vmul.f32 v53, v52;
	v30 =	vadd.f32 v30, v35;
	p5 =	slt.s32 s7, $0x1;
	p6 =	sne.s32 s7, s10  }
0x1ae: {  	v10 =	vmax.f32 v10, $0.0e+00;
	v16 =	vmul.f32 v18, v16;
	v59 =	vmul.f32 v57, v56;
	p0 =	por !p5, !p6  }
0x1af: {  	v12 =	vmul.f32 v12, v13;
	v27 =	vadd.f32 v27, v30;
	v30 =	vadd.f32 $0.0e+00, v48;
	s9 =	simm.s32 $0x1;
	p0 =	por !p0, !p0  }
0x1b0: {  	v13 =	vmul.f32 v61, v60;
	v17 =	vadd.f32 $0.0e+00, v17;
	v62 =	vadd.f32 $0.0e+00, v59;
	s8 =	sshrl.u32 s8, $0x7;
	s9 =	simm.s32 @!p0 $0x0  }
0x1b1: {  	v58 =	vmul.f32 v55, v54;
	v10 =	vmul.f32 v10, v11;
	v51 =	vadd.f32 v25, v30;
	s8 =	ssub.s32 s8, s9  }
0x1b2: {  	v16 =	vadd.f32 v16, v17;
	v22 =	vmax.f32 v42, $0.0e+00;
	v13 =	vadd.f32 v13, v62;
	s8 =	sshll.u32 s8, $0x7  }
0x1b3: {  	v26 =	vmax.f32 v45, $0.0e+00;
	v23 =	vmul.f32 v22, v63;
	v15 =	vadd.f32 v15, v51;
	s8 =	sand.u32 $0x1FFFFF80, s8  }
0x1b4: {  	v16 =	vadd.f32 v58, v16;
	v14 =	vadd.f32 v14, v27;
	v25 =	vmax.f32 v43, $0.0e+00;
	s8 =	sadd.s32 s1, s8  }
0x1b5: {  	v13 =	vadd.f32 v23, v13;
	v11 =	vmul.f32 v26, v25;
	v12 =	vadd.f32 v12, v15;
	[tilespmem:s0], [sflag:$0x1] =	stream.strided.gather [hbm4b:s8+s25], $0x2000, s24, s25, $0x38;
	[tilespmem:$0x10600] =	vst v63  }
0x1b6: {  	v10 =	vadd.f32 v10, v16;
	(xrf2) =	vadd.scan.msk.f32 $0xffff, v14;
	s8 =	spop (v2sf)  }
0x1b7: {  	v11 =	vadd.f32 v11, v13;
	(xrf2) =	vadd.scan.msk.f32 $0xffff, v12;
	s10 =	sshra.s32 s8, $0x1F  }
0x1b8: {  	(xrf2) =	vadd.scan.msk.f32 $0xffff, v10;
	s9 =	sshrl.u32 s10, $0x19  }
0x1b9: {  	(xrf2) =	vadd.scan.msk.f32 $0xffff, v11;
	s9 =	sadd.s32 s9, s8  }
0x1ba: {  	s10 =	sand.u32 $0xFFFFFF80, s9  }
0x1bb: {  	p1 =	slt.s32 s8, $0x1;
	p2 =	sne.s32 s8, s10  }
0x1bc: {  	p0 =	por !p1, !p2  }
0x1bd: {  	s10 =	simm.s32 $0x1;
	p0 =	por !p0, !p0  }
0x1be: {  	s9 =	sshrl.u32 s9, $0x7;
	s10 =	simm.s32 @!p0 $0x0  }
0x1bf: {  	s9 =	ssub.s32 s9, s10  }
0x1c0: {  	v12, _, _ =	vpop (xrf2);
	s9 =	sshll.u32 s9, $0x7  }
0x1c1: {  	v13, _, _ =	vpop (xrf2);
	s9 =	sand.u32 $0x1FFFFF80, s9  }
0x1c2: {  	v10, _, _ =	vpop (xrf2);
	s9 =	sadd.s32 s2, s9  }
0x1c3: {  	v11, _, _ =	vpop (xrf2);
	[tilespmem:s3], [sflag:$0x1] =	stream.strided.gather [hbm4b:s9+s25], $0x2000, s24, s25, $0x38;
	[tilespmem:$0x10600] =	vst v63  }
0x1c4: {  	_ =	swait.ge [sflag:s23], $0x2000  }
0x1c5: {  	[sflag:s23] =	ssyncset.done $0x0  }
0x1c6: {  	[sflag:s23] =	ssyncadd.s32 $0xFFFFE000  }
0x1c7: {  	_ =	swait.ge [sflag:s23], $0x2000  }
0x1c8: {  	[sflag:s23] =	ssyncset.done $0x0  }
0x1c9: {  	[sflag:s23] =	ssyncadd.s32 $0xFFFFE000  }
0x1ca: {  	_ =	swait.ge [sflag:s23], $0x2000  }
0x1cb: {  	[sflag:s23] =	ssyncset.done $0x0  }
0x1cc: {  	[sflag:s23] =	ssyncadd.s32 $0xFFFFE000  }
0x1cd: {  	_ =	swait.ge [sflag:s23], $0x2000  }
0x1ce: {  	[sflag:s23] =	ssyncset.done $0x0  }
0x1cf: {  	[sflag:s23] =	ssyncadd.s32 $0xFFFFE000  }
0x1d0: {  	_ =	swait.ge [sflag:s23], $0x2000  }
0x1d1: {  	[sflag:s23] =	ssyncset.done $0x0  }
0x1d2: {  	[sflag:s23] =	ssyncadd.s32 $0xFFFFE000  }
0x1d3: {  	_ =	swait.ge [sflag:s23], $0x2000  }
0x1d4: {  	[sflag:s23] =	ssyncset.done $0x0  }
0x1d5: {  	[sflag:s23] =	ssyncadd.s32 $0xFFFFE000  }
0x1d6: {  	s10 =	sand.u32 $0x7F, s20;
	_ =	swait.ge [sflag:s23], $0x2000  }
0x1d7: {  	s20 =	sand.u32 $0x7F, s21;
	v27 =	vor.u32 s10, v0;
	[sflag:s23] =	ssyncset.done $0x0  }
0x1d8: {  	v28 =	vor.u32 s20, v0;
	[sflag:s23] =	ssyncadd.s32 $0xFFFFE000  }
0x1d9: {  	v29 =	vor.u32 s10, v1;
	_ =	swait.ge [sflag:s23], $0x2000  }
0x1da: {  	v30 =	vor.u32 s20, v1;
	[sflag:s23] =	ssyncset.done $0x0  }
0x1db: {  	v31 =	vor.u32 s10, v2;
	[sflag:s23] =	ssyncadd.s32 $0xFFFFE000  }
0x1dc: {  	v36 =	vor.u32 s20, v2;
	v38 =	vld.idx.msk [tilespmem:v27+s25+$0x0], $0xffff  }
0x1dd: {  	v37 =	vor.u32 s10, v3;
	v41 =	vld.idx.msk [tilespmem:v28+s26+$0x0], $0xffff  }
0x1de: {  	s21 =	sand.u32 $0x7F, s22;
	v39 =	vor.u32 s20, v3;
	v35 =	vld.idx.msk [tilespmem:v29+s25+$0x0], $0xffff  }
0x1df: {  	s22 =	sand.u32 $0x7F, s16;
	v43 =	vor.u32 s21, v0;
	(v2sf) =	vpush v5, $0xC;
	v42 =	vld.idx.msk [tilespmem:v30+s26+$0x0], $0xffff  }
0x1e0: {  	v44 =	vor.u32 s22, v0;
	v29 =	vld.idx.msk [tilespmem:v31+s25+$0x0], $0xffff  }
0x1e1: {  	v45 =	vor.u32 s21, v1;
	v32 =	vld.idx.msk [tilespmem:v36+s26+$0x0], $0xffff  }
0x1e2: {  	v46 =	vor.u32 s22, v1;
	v16 =	vld.idx.msk [tilespmem:v37+s25+$0x0], $0xffff  }
0x1e3: {  	v47 =	vor.u32 s21, v2;
	v17 =	vld.idx.msk [tilespmem:v39+s26+$0x0], $0xffff  }
0x1e4: {  	v48 =	vor.u32 s22, v2;
	v36 =	vld.idx.msk [tilespmem:v43+s28+$0x0], $0xffff  }
0x1e5: {  	v49 =	vor.u32 s21, v3;
	v39 =	vld.idx.msk [tilespmem:v44+s29+$0x0], $0xffff  }
0x1e6: {  	s5 =	sand.u32 $0x7F, s5;
	v50 =	vor.u32 s22, v3;
	v37 =	vld.idx.msk [tilespmem:v45+s28+$0x0], $0xffff  }
0x1e7: {  	v51 =	vor.u32 s5, v0;
	s6 =	sand.u32 $0x7F, s6;
	v43 =	vld.idx.msk [tilespmem:v46+s29+$0x0], $0xffff  }
0x1e8: {  	v52 =	vor.u32 s6, v0;
	v21 =	vld.idx.msk [tilespmem:v47+s28+$0x0], $0xffff  }
0x1e9: {  	v53 =	vor.u32 s5, v1;
	v26 =	vld.idx.msk [tilespmem:v48+s29+$0x0], $0xffff  }
0x1ea: {  	v54 =	vor.u32 s6, v1;
	(v2sf) =	vpush v4, $0xC;
	v19 =	vld.idx.msk [tilespmem:v49+s28+$0x0], $0xffff  }
0x1eb: {  	v55 =	vor.u32 s5, v2;
	v18 =	vld.idx.msk [tilespmem:v50+s29+$0x0], $0xffff  }
0x1ec: {  	v56 =	vor.u32 s6, v2;
	v27 =	vld.idx.msk [tilespmem:v51+s30+$0x0], $0xffff  }
0x1ed: {  	v57 =	vor.u32 s5, v3;
	v30 =	vld.idx.msk [tilespmem:v52+s31+$0x0], $0xffff  }
0x1ee: {  	v58 =	vor.u32 s6, v3;
	s10 =	sand.u32 $0x7F, s7;
	v20 =	vld.idx.msk [tilespmem:v53+s30+$0x0], $0xffff;
	s20 =	spop (v2sf)  }
0x1ef: {  	s16 =	sand.u32 $0x7F, s8;
	v59 =	vor.u32 s10, v0;
	v22 =	vld.idx.msk [tilespmem:v54+s31+$0x0], $0xffff;
	s21 =	sshra.s32 s20, $0x1F  }
0x1f0: {  	v60 =	vor.u32 s16, v0;
	v23 =	vld.idx.msk [tilespmem:v55+s30+$0x0], $0xffff;
	s7 =	sshrl.u32 s21, $0x19  }
0x1f1: {  	v61 =	vor.u32 s10, v1;
	v24 =	vld.idx.msk [tilespmem:v56+s31+$0x0], $0xffff;
	s7 =	sadd.s32 s7, s20  }
0x1f2: {  	v62 =	vor.u32 s16, v1;
	v15 =	vld.idx.msk [tilespmem:v57+s30+$0x0], $0xffff;
	s22 =	sand.u32 $0xFFFFFF80, s7  }
0x1f3: {  	v63 =	vor.u32 s10, v2;
	v14 =	vld.idx.msk [tilespmem:v58+s31+$0x0], $0xffff;
	p3 =	slt.s32 s20, $0x1;
	p4 =	sne.s32 s20, s22  }
0x1f4: {  	v40 =	vld.idx.msk [tilespmem:v59+s0+$0x0], $0xffff;
	v46 =	vor.u32 s16, v2;
	p0 =	por !p3, !p4  }
0x1f5: {  	s5 =	simm.s32 $0x1;
	v45 =	vld.idx.msk [tilespmem:v60+s3+$0x0], $0xffff;
	v47 =	vor.u32 s10, v3;
	p0 =	por !p0, !p0  }
0x1f6: {  	v34 =	vld.idx.msk [tilespmem:v61+s0+$0x0], $0xffff;
	v48 =	vor.u32 s16, v3;
	(v2sf) =	vpush v5, $0xD;
	s7 =	sshrl.u32 s7, $0x7;
	s5 =	simm.s32 @!p0 $0x0  }
0x1f7: {  	v44 =	vld.idx.msk [tilespmem:v62+s3+$0x0], $0xffff;
	s5 =	ssub.s32 s7, s5  }
0x1f8: {  	v31 =	vld.idx.msk [tilespmem:v63+s0+$0x0], $0xffff;
	s5 =	sshll.u32 s5, $0x7  }
0x1f9: {  	v46 =	vld.idx.msk [tilespmem:v46+s3+$0x0], $0xffff;
	s21 =	spop (v2sf);
	s5 =	sand.u32 $0x1FFFFF80, s5  }
0x1fa: {  	v47 =	vld.idx.msk [tilespmem:v47+s0+$0x0], $0xffff;
	s8 =	sshra.s32 s21, $0x1F;
	s5 =	sadd.s32 s1, s5  }
0x1fb: {  	v48 =	vld.idx.msk [tilespmem:v48+s3+$0x0], $0xffff;
	[tilespmem:s25], [sflag:$0x1] =	stream.strided.gather [hbm4b:s5+s25], $0x2000, s24, s25, $0x38  }
0x1fc: {  	s5 =	sshrl.u32 s8, $0x19  }
0x1fd: {  	s5 =	sadd.s32 s5, s21  }
0x1fe: {  	s9 =	sand.u32 $0xFFFFFF80, s5  }
0x1ff: {  	p5 =	slt.s32 s21, $0x1;
	p6 =	sne.s32 s21, s9  }
0x200: {  	p0 =	por !p5, !p6  }
0x201: {  	s6 =	simm.s32 $0x1;
	p0 =	por !p0, !p0  }
0x202: {  	(v2sf) =	vpush v4, $0xD;
	s5 =	sshrl.u32 s5, $0x7;
	s6 =	simm.s32 @!p0 $0x0  }
0x203: {  	s5 =	ssub.s32 s5, s6  }
0x204: {  	s5 =	sshll.u32 s5, $0x7  }
0x205: {  	s22 =	spop (v2sf);
	s5 =	sand.u32 $0x1FFFFF80, s5  }
0x206: {  	s10 =	sshra.s32 s22, $0x1F;
	s5 =	sadd.s32 s2, s5  }
0x207: {  	[tilespmem:s26], [sflag:$0x1] =	stream.strided.gather [hbm4b:s5+s25], $0x2000, s24, s25, $0x38;
	[tilespmem:$0x10600] =	vst v63  }
0x208: {  	s5 =	sshrl.u32 s10, $0x19  }
0x209: {  	s5 =	sadd.s32 s5, s22  }
0x20a: {  	s16 =	sand.u32 $0xFFFFFF80, s5  }
0x20b: {  	p1 =	slt.s32 s22, $0x1;
	p2 =	sne.s32 s22, s16  }
0x20c: {  	p0 =	por !p1, !p2  }
0x20d: {  	s6 =	simm.s32 $0x1;
	p0 =	por !p0, !p0  }
0x20e: {  	s5 =	sshrl.u32 s5, $0x7;
	s6 =	simm.s32 @!p0 $0x0  }
0x20f: {  	s5 =	ssub.s32 s5, s6  }
0x210: {  	s5 =	sshll.u32 s5, $0x7  }
0x211: {  	(v2sf) =	vpush v5, $0xE;
	s16 =	spop (v2sf);
	s5 =	sand.u32 $0x1FFFFF80, s5  }
0x212: {  	s6 =	sshra.s32 s16, $0x1F;
	s5 =	sadd.s32 s1, s5  }
0x213: {  	[tilespmem:s28], [sflag:$0x1] =	stream.strided.gather [hbm4b:s5+s25], $0x2000, s24, s25, $0x38;
	[tilespmem:$0x10600] =	vst v63  }
0x214: {  	s5 =	sshrl.u32 s6, $0x19  }
0x215: {  	s5 =	sadd.s32 s5, s16  }
0x216: {  	s7 =	sand.u32 $0xFFFFFF80, s5  }
0x217: {  	p3 =	slt.s32 s16, $0x1;
	p4 =	sne.s32 s16, s7  }
0x218: {  	p0 =	por !p3, !p4  }
0x219: {  	s6 =	simm.s32 $0x1;
	p0 =	por !p0, !p0  }
0x21a: {  	s5 =	sshrl.u32 s5, $0x7;
	s6 =	simm.s32 @!p0 $0x0  }
0x21b: {  	s5 =	ssub.s32 s5, s6  }
0x21c: {  	(v2sf) =	vpush v4, $0xE;
	s5 =	sshll.u32 s5, $0x7  }
0x21d: {  	s5 =	sand.u32 $0x1FFFFF80, s5  }
0x21e: {  	s5 =	sadd.s32 s2, s5  }
0x21f: {  	[tilespmem:s29], [sflag:$0x1] =	stream.strided.gather [hbm4b:s5+s25], $0x2000, s24, s25, $0x38;
	[tilespmem:$0x10600] =	vst v63  }
0x220: {  	s5 =	spop (v2sf)  }
0x221: {  	s8 =	sshra.s32 s5, $0x1F  }
0x222: {  	s6 =	sshrl.u32 s8, $0x19  }
0x223: {  	s6 =	sadd.s32 s6, s5  }
0x224: {  	s9 =	sand.u32 $0xFFFFFF80, s6  }
0x225: {  	p5 =	slt.s32 s5, $0x1;
	p6 =	sne.s32 s5, s9  }
0x226: {  	p0 =	por !p5, !p6  }
0x227: {  	s7 =	simm.s32 $0x1;
	p0 =	por !p0, !p0  }
0x228: {  	(v2sf) =	vpush v5, $0xF;
	s6 =	sshrl.u32 s6, $0x7;
	s7 =	simm.s32 @!p0 $0x0  }
0x229: {  	s6 =	ssub.s32 s6, s7  }
0x22a: {  	s6 =	sshll.u32 s6, $0x7  }
0x22b: {  	s10 =	sand.u32 $0x1FFFFF80, s6;
	s6 =	spop (v2sf)  }
0x22c: {  	s7 =	sadd.s32 s1, s10;
	s8 =	sshra.s32 s6, $0x1F  }
0x22d: {  	[tilespmem:s30], [sflag:$0x1] =	stream.strided.gather [hbm4b:s7+s25], $0x2000, s24, s25, $0x38;
	[tilespmem:$0x10600] =	vst v63  }
0x22e: {  	s7 =	sshrl.u32 s8, $0x19  }
0x22f: {  	s7 =	sadd.s32 s7, s6  }
0x230: {  	s9 =	sand.u32 $0xFFFFFF80, s7  }
0x231: {  	v49 =	vmax.f32 v41, $0.0e+00;
	v35 =	vmax.f32 v35, $0.0e+00;
	v50 =	vmax.f32 v42, $0.0e+00;
	p1 =	slt.s32 s6, $0x1;
	p2 =	sne.s32 s6, s9  }
0x232: {  	v29 =	vmax.f32 v29, $0.0e+00;
	v32 =	vmax.f32 v32, $0.0e+00;
	v51 =	vmax.f32 v36, $0.0e+00;
	p0 =	por !p1, !p2  }
0x233: {  	v52 =	vmax.f32 v39, $0.0e+00;
	v53 =	vmax.f32 v37, $0.0e+00;
	v54 =	vmax.f32 v43, $0.0e+00;
	s8 =	simm.s32 $0x1;
	p0 =	por !p0, !p0  }
0x234: {  	v56 =	vmax.f32 v17, $0.0e+00;
	v58 =	vmax.f32 v21, $0.0e+00;
	v5 =	vmax.f32 v38, $0.0e+00;
	s7 =	sshrl.u32 s7, $0x7;
	s8 =	simm.s32 @!p0 $0x0  }
0x235: {  	v59 =	vmax.f32 v26, $0.0e+00;
	v60 =	vmax.f32 v30, $0.0e+00;
	v5 =	vmul.f32 v49, v5;
	s7 =	ssub.s32 s7, s8  }
0x236: {  	v61 =	vmax.f32 v19, $0.0e+00;
	v18 =	vmax.f32 v18, $0.0e+00;
	v62 =	vmax.f32 v20, $0.0e+00;
	s7 =	sshll.u32 s7, $0x7  }
0x237: {  	v35 =	vmul.f32 v50, v35;
	v5 =	vadd.f32 $0.0e+00, v5;
	(v2sf) =	vpush v4, $0xF;
	s10 =	sand.u32 $0x1FFFFF80, s7;
	s7 =	spop (v2sf)  }
0x238: {  	v63 =	vmax.f32 v22, $0.0e+00;
	v26 =	vmax.f32 v23, $0.0e+00;
	v30 =	vmax.f32 v45, $0.0e+00;
	s8 =	sadd.s32 s2, s10;
	s9 =	sshra.s32 s7, $0x1F  }
0x239: {  	v36 =	vmax.f32 v34, $0.0e+00;
	v29 =	vmul.f32 v32, v29;
	v5 =	vadd.f32 v35, v5;
	[tilespmem:s31], [sflag:$0x1] =	stream.strided.gather [hbm4b:s8+s25], $0x2000, s24, s25, $0x38;
	[tilespmem:$0x10600] =	vst v63  }
0x23a: {  	v37 =	vmax.f32 v44, $0.0e+00;
	v32 =	vmul.f32 v52, v51;
	v4 =	vmax.f32 v16, $0.0e+00;
	s8 =	sshrl.u32 s9, $0x19  }
0x23b: {  	v15 =	vmax.f32 v15, $0.0e+00;
	v5 =	vadd.f32 v29, v5;
	v4 =	vmul.f32 v56, v4;
	s8 =	sadd.s32 s8, s7  }
0x23c: {  	v55 =	vmul.f32 v54, v53;
	v57 =	vadd.f32 $0.0e+00, v32;
	v29 =	vmax.f32 v40, $0.0e+00;
	s10 =	sand.u32 $0xFFFFFF80, s8  }
0x23d: {  	v35 =	vmul.f32 v30, v29;
	v4 =	vadd.f32 v4, v5;
	v5 =	vmax.f32 v27, $0.0e+00;
	p3 =	slt.s32 s7, $0x1;
	p4 =	sne.s32 s7, s10  }
0x23e: {  	v17 =	vadd.f32 v55, v57;
	v16 =	vmul.f32 v59, v58;
	v5 =	vmul.f32 v60, v5;
	p0 =	por !p3, !p4  }
0x23f: {  	v39 =	vmax.f32 v31, $0.0e+00;
	v14 =	vmax.f32 v14, $0.0e+00;
	v38 =	vadd.f32 $0.0e+00, v35;
	s9 =	simm.s32 $0x1;
	p0 =	por !p0, !p0  }
0x240: {  	v19 =	vmul.f32 v63, v62;
	v16 =	vadd.f32 v16, v17;
	v5 =	vadd.f32 $0.0e+00, v5;
	s8 =	sshrl.u32 s8, $0x7;
	s9 =	simm.s32 @!p0 $0x0  }
0x241: {  	v17 =	vmul.f32 v18, v61;
	v18 =	vmul.f32 v37, v36;
	v27 =	vmax.f32 v24, $0.0e+00;
	s8 =	ssub.s32 s8, s9  }
0x242: {  	v40 =	vmax.f32 v46, $0.0e+00;
	v32 =	vmul.f32 v27, v26;
	v5 =	vadd.f32 v19, v5;
	s8 =	sshll.u32 s8, $0x7  }
0x243: {  	v14 =	vmul.f32 v14, v15;
	v41 =	vmul.f32 v40, v39;
	v18 =	vadd.f32 v18, v38;
	s8 =	sand.u32 $0x1FFFFF80, s8  }
0x244: {  	v42 =	vmax.f32 v47, $0.0e+00;
	v43 =	vmax.f32 v48, $0.0e+00;
	v5 =	vadd.f32 v32, v5;
	s8 =	sadd.s32 s1, s8  }
0x245: {  	v15 =	vmul.f32 v43, v42;
	v16 =	vadd.f32 v17, v16;
	v44 =	vadd.f32 v41, v18;
	[tilespmem:s0], [sflag:$0x1] =	stream.strided.gather [hbm4b:s8+s25], $0x2000, s24, s25, $0x38;
	[tilespmem:$0x10600] =	vst v63  }
0x246: {  	(xrf2) =	vadd.scan.msk.f32 $0xffff, v4;
	v4 =	vadd.f32 v14, v5;
	s8 =	spop (v2sf)  }
0x247: {  	(xrf2) =	vadd.scan.msk.f32 $0xffff, v16;
	v5 =	vadd.f32 v15, v44;
	s10 =	sshra.s32 s8, $0x1F  }
0x248: {  	(xrf2) =	vadd.scan.msk.f32 $0xffff, v4;
	s9 =	sshrl.u32 s10, $0x19  }
0x249: {  	(xrf2) =	vadd.scan.msk.f32 $0xffff, v5;
	s9 =	sadd.s32 s9, s8  }
0x24a: {  	s10 =	sand.u32 $0xFFFFFF80, s9  }
0x24b: {  	p5 =	slt.s32 s8, $0x1;
	p6 =	sne.s32 s8, s10  }
0x24c: {  	p0 =	por !p5, !p6  }
0x24d: {  	s10 =	simm.s32 $0x1;
	p0 =	por !p0, !p0  }
0x24e: {  	s9 =	sshrl.u32 s9, $0x7;
	s10 =	simm.s32 @!p0 $0x0  }
0x24f: {  	s9 =	ssub.s32 s9, s10  }
0x250: {  	v5, _, _ =	vpop (xrf2);
	s9 =	sshll.u32 s9, $0x7  }
0x251: {  	v14, _, _ =	vpop (xrf2);
	s9 =	sand.u32 $0x1FFFFF80, s9  }
0x252: {  	v15, _, _ =	vpop (xrf2);
	s9 =	sadd.s32 s2, s9  }
0x253: {  	v4, _, _ =	vpop (xrf2);
	[tilespmem:s3], [sflag:$0x1] =	stream.strided.gather [hbm4b:s9+s25], $0x2000, s24, s25, $0x38;
	[tilespmem:$0x10600] =	vst v63  }
0x254: {  	_ =	swait.ge [sflag:s23], $0x2000  }
0x255: {  	[sflag:s23] =	ssyncset.done $0x0  }
0x256: {  	[sflag:s23] =	ssyncadd.s32 $0xFFFFE000  }
0x257: {  	_ =	swait.ge [sflag:s23], $0x2000  }
0x258: {  	[sflag:s23] =	ssyncset.done $0x0  }
0x259: {  	[sflag:s23] =	ssyncadd.s32 $0xFFFFE000  }
0x25a: {  	_ =	swait.ge [sflag:s23], $0x2000  }
0x25b: {  	[sflag:s23] =	ssyncset.done $0x0  }
0x25c: {  	[sflag:s23] =	ssyncadd.s32 $0xFFFFE000  }
0x25d: {  	_ =	swait.ge [sflag:s23], $0x2000  }
0x25e: {  	[sflag:s23] =	ssyncset.done $0x0  }
0x25f: {  	[sflag:s23] =	ssyncadd.s32 $0xFFFFE000  }
0x260: {  	_ =	swait.ge [sflag:s23], $0x2000  }
0x261: {  	[sflag:s23] =	ssyncset.done $0x0  }
0x262: {  	[sflag:s23] =	ssyncadd.s32 $0xFFFFE000  }
0x263: {  	_ =	swait.ge [sflag:s23], $0x2000  }
0x264: {  	[sflag:s23] =	ssyncset.done $0x0  }
0x265: {  	[sflag:s23] =	ssyncadd.s32 $0xFFFFE000  }
0x266: {  	s20 =	sand.u32 $0x7F, s20;
	_ =	swait.ge [sflag:s23], $0x2000  }
0x267: {  	v45 =	vor.u32 s20, v0;
	s21 =	sand.u32 $0x7F, s21;
	[sflag:s23] =	ssyncset.done $0x0  }
0x268: {  	v46 =	vor.u32 s21, v0;
	[sflag:s23] =	ssyncadd.s32 $0xFFFFE000  }
0x269: {  	v47 =	vor.u32 s20, v1;
	_ =	swait.ge [sflag:s23], $0x2000  }
0x26a: {  	v48 =	vor.u32 s21, v1;
	[sflag:s23] =	ssyncset.done $0x0  }
0x26b: {  	v49 =	vor.u32 s20, v2;
	[sflag:s23] =	ssyncadd.s32 $0xFFFFE000  }
0x26c: {  	v50 =	vor.u32 s21, v2;
	v16 =	vld.idx.msk [tilespmem:v45+s25+$0x0], $0xffff  }
0x26d: {  	v51 =	vor.u32 s20, v3;
	v17 =	vld.idx.msk [tilespmem:v46+s26+$0x0], $0xffff  }
0x26e: {  	v52 =	vor.u32 s21, v3;
	s10 =	sand.u32 $0x7F, s22;
	v18 =	vld.idx.msk [tilespmem:v47+s25+$0x0], $0xffff  }
0x26f: {  	s20 =	sand.u32 $0x7F, s16;
	v53 =	vor.u32 s10, v0;
	v19 =	vld.idx.msk [tilespmem:v48+s26+$0x0], $0xffff  }
0x270: {  	v54 =	vor.u32 s20, v0;
	v20 =	vld.idx.msk [tilespmem:v49+s25+$0x0], $0xffff  }
0x271: {  	v55 =	vor.u32 s10, v1;
	v21 =	vld.idx.msk [tilespmem:v50+s26+$0x0], $0xffff  }
0x272: {  	v56 =	vor.u32 s20, v1;
	v22 =	vld.idx.msk [tilespmem:v51+s25+$0x0], $0xffff  }
0x273: {  	v57 =	vor.u32 s10, v2;
	v23 =	vld.idx.msk [tilespmem:v52+s26+$0x0], $0xffff  }
0x274: {  	v58 =	vor.u32 s20, v2;
	v24 =	vld.idx.msk [tilespmem:v53+s28+$0x0], $0xffff  }
0x275: {  	s5 =	sand.u32 $0x7F, s5;
	v59 =	vor.u32 s10, v3;
	v25 =	vld.idx.msk [tilespmem:v54+s29+$0x0], $0xffff  }
0x276: {  	v62 =	vor.u32 s5, v0;
	s6 =	sand.u32 $0x7F, s6;
	v26 =	vld.idx.msk [tilespmem:v55+s28+$0x0], $0xffff  }
0x277: {  	v63 =	vor.u32 s6, v0;
	v61 =	vld.idx.msk [tilespmem:v56+s29+$0x0], $0xffff  }
0x278: {  	v8 =	vbroadcast v8, $0xF;
	v37 =	vor.u32 s5, v1;
	v28 =	vld.idx.msk [tilespmem:v57+s28+$0x0], $0xffff  }
0x279: {  	v9 =	vbroadcast v9, $0xF;
	v7 =	vbroadcast v7, $0xF;
	v38 =	vor.u32 s6, v1;
	v36 =	vld.idx.msk [tilespmem:v58+s29+$0x0], $0xffff  }
0x27a: {  	v40 =	vor.u32 s5, v2;
	v60 =	vor.u32 s20, v3;
	v41 =	vor.u32 s6, v2;
	s21 =	sand.u32 $0x7F, s7;
	v30 =	vld.idx.msk [tilespmem:v59+s28+$0x0], $0xffff  }
0x27b: {  	v44 =	vor.u32 s5, v3;
	s22 =	sand.u32 $0x7F, s8;
	v27 =	vld.idx.msk [tilespmem:v62+s30+$0x0], $0xffff;
	v45 =	vor.u32 s6, v3;
	v47 =	vor.u32 s21, v0  }
0x27c: {  	v43 =	vld.idx.msk [tilespmem:v63+s31+$0x0], $0xffff;
	v48 =	vor.u32 s22, v0;
	v51 =	vor.u32 s21, v1;
	v52 =	vor.u32 s22, v1  }
0x27d: {  	v29 =	vld.idx.msk [tilespmem:v37+s30+$0x0], $0xffff;
	v54 =	vor.u32 s21, v2;
	v55 =	vor.u32 s22, v2;
	v57 =	vor.u32 s21, v3  }
0x27e: {  	v46 =	vld.idx.msk [tilespmem:v38+s31+$0x0], $0xffff;
	v16 =	vmax.f32 v16, $0.0e+00;
	v17 =	vmax.f32 v17, $0.0e+00;
	v18 =	vmax.f32 v18, $0.0e+00  }
0x27f: {  	v50 =	vld.idx.msk [tilespmem:v41+s31+$0x0], $0xffff;
	v19 =	vmax.f32 v19, $0.0e+00;
	v20 =	vmax.f32 v20, $0.0e+00;
	v21 =	vmax.f32 v21, $0.0e+00  }
0x280: {  	v24 =	vmax.f32 v24, $0.0e+00;
	v25 =	vmax.f32 v25, $0.0e+00;
	v22 =	vmax.f32 v22, $0.0e+00;
	v53 =	vld.idx.msk [tilespmem:v45+s31+$0x0], $0xffff  }
0x281: {  	v23 =	vmax.f32 v23, $0.0e+00;
	v26 =	vmax.f32 v26, $0.0e+00;
	v49 =	vmax.f32 v28, $0.0e+00;
	v56 =	vld.idx.msk [tilespmem:v48+s3+$0x0], $0xffff  }
0x282: {  	v27 =	vmax.f32 v27, $0.0e+00;
	v29 =	vmax.f32 v29, $0.0e+00;
	v59 =	vld.idx.msk [tilespmem:v51+s0+$0x0], $0xffff;
	v16 =	vmul.f32 v17, v16  }
0x283: {  	v62 =	vld.idx.msk [tilespmem:v52+s3+$0x0], $0xffff;
	v63 =	vmax.f32 v30, $0.0e+00;
	v18 =	vmul.f32 v19, v18;
	v39 =	vmul.f32 v21, v20  }
0x284: {  	v35 =	vld.idx.msk [tilespmem:v54+s0+$0x0], $0xffff;
	v42 =	vmul.f32 v25, v24;
	v22 =	vmul.f32 v23, v22;
	v17 =	vmax.f32 v61, $0.0e+00  }
0x285: {  	v20 =	vld.idx.msk [tilespmem:v60+s29+$0x0], $0xffff;
	v24 =	vmax.f32 v43, $0.0e+00;
	v19 =	vmax.f32 v36, $0.0e+00;
	v23 =	vmax.f32 v46, $0.0e+00  }
0x286: {  	v21 =	vld.idx.msk [tilespmem:v40+s30+$0x0], $0xffff;
	v60 =	vor.u32 s22, v3;
	v24 =	vmul.f32 v24, v27;
	v16 =	vadd.f32 $0.0e+00, v16  }
0x287: {  	v33 =	vld.idx.msk [tilespmem:v47+s0+$0x0], $0xffff;
	v61 =	vmax.f32 v50, $0.0e+00;
	v17 =	vmul.f32 v17, v26;
	v23 =	vmul.f32 v23, v29  }
0x288: {  	v25 =	vld.idx.msk [tilespmem:v44+s30+$0x0], $0xffff;
	v58 =	vmul.f32 v19, v49;
	v24 =	vadd.f32 $0.0e+00, v24;
	v16 =	vadd.f32 v18, v16  }
0x289: {  	v18 =	vadd.f32 $0.0e+00, v42;
	v40 =	vmax.f32 v56, $0.0e+00;
	v43 =	vmax.f32 v53, $0.0e+00  }
0x28a: {  	v38 =	vld.idx.msk [tilespmem:v55+s3+$0x0], $0xffff;
	v19 =	vmax.f32 v59, $0.0e+00;
	v44 =	vmax.f32 v62, $0.0e+00;
	v47 =	vmax.f32 v35, $0.0e+00  }
0x28b: {  	v23 =	vadd.f32 v23, v24;
	v21 =	vmax.f32 v21, $0.0e+00;
	v16 =	vadd.f32 v39, v16  }
0x28c: {  	v41 =	vld.idx.msk [tilespmem:v57+s0+$0x0], $0xffff;
	v20 =	vmax.f32 v20, $0.0e+00;
	v17 =	vadd.f32 v17, v18;
	v39 =	vmax.f32 v33, $0.0e+00  }
0x28d: {  	v42 =	vmax.f32 v25, $0.0e+00;
	v26 =	vld.idx.msk [tilespmem:v60+s3+$0x0], $0xffff;
	v16 =	vadd.f32 v22, v16;
	v22 =	vmul.f32 v40, v39  }
0x28e: {  	v21 =	vmul.f32 v61, v21;
	v37 =	vmul.f32 v20, v63;
	v17 =	vadd.f32 v58, v17  }
0x28f: {  	v45 =	vmul.f32 v44, v19;
	v20 =	vmax.f32 v38, $0.0e+00;
	v46 =	vadd.f32 $0.0e+00, v22  }
0x290: {  	v21 =	vadd.f32 v21, v23;
	v23 =	vmul.f32 v43, v42;
	v17 =	vadd.f32 v37, v17  }
0x291: {  	v8 =	vsel vm0, v8, v9;
	v48 =	vmul.f32 v20, v47;
	(xrf2) =	vadd.scan.msk.f32 $0xffff, v16;
	v18 =	vadd.f32 v45, v46  }
0x292: {  	v49 =	vmax.f32 v41, $0.0e+00;
	v21 =	vadd.f32 v23, v21;
	v50 =	vmax.f32 v26, $0.0e+00;
	(xrf2) =	vadd.scan.msk.f32 $0xffff, v17  }
0x293: {  	v6 =	vbroadcast v6, $0xF;
	v16 =	vmul.f32 v50, v49;
	v51 =	vadd.f32 v48, v18  }
0x294: {  	v7 =	vsel vm1, v8, v7;
	v53 =	vbroadcast v12, $0xF;
	(xrf2) =	vadd.scan.msk.f32 $0xffff, v21  }
0x295: {  	v6 =	vsel vm2, v7, v6;
	v54 =	vbroadcast v13, $0xF;
	v52 =	vadd.f32 v16, v51  }
0x296: {  	v55 =	vbroadcast v10, $0xF;
	v6 =	vsel vm3, v6, v53  }
0x297: {  	v56 =	vbroadcast v11, $0xF;
	v6 =	vsel vm4, v6, v54;
	(xrf2) =	vadd.scan.msk.f32 $0xffff, v52  }
0x298: {  	v5 =	vbroadcast v5, $0xF;
	v6 =	vsel vm5, v6, v55  }
0x299: {  	v57 =	vbroadcast v14, $0xF;
	v6 =	vsel vm6, v6, v56  }
0x29a: {  	v58 =	vbroadcast v15, $0xF;
	v5 =	vsel vm7, v6, v5  }
0x29b: {  	v4 =	vbroadcast v4, $0xF;
	v5 =	vsel vm8, v5, v57;
	v59, _, _ =	vpop (xrf2)  }
0x29c: {  	v5 =	vsel vm9, v5, v58;
	v60, _, _ =	vpop (xrf2)  }
0x29d: {  	v4 =	vsel vm10, v5, v4;
	v61 =	vbroadcast v59, $0xF;
	v5 =	vbroadcast v60, $0xF  }
0x29e: {  	v62, _, _ =	vpop (xrf2)  }
0x29f: {  	v4 =	vsel vm11, v4, v61;
	v63 =	vbroadcast v62, $0xF  }
0x2a0: {  	v4 =	vsel vm12, v4, v5  }
0x2a1: {  	v4 =	vsel vm13, v4, v63;
	v5, _, _ =	vpop (xrf2)  }
0x2a2: {  	v4 =	vsel vm14, v4, v5  }
0x2a3: {  	v4 =	vsub.f32 $0.0e+00, v4;
	_ =	sdelay $0x1  }
0x2a4: {  	v4 =	vmul.f32 $1.442695020e+00, v4;
	_ =	sdelay $0x1  }
0x2a5: {  	(erf) = vpow2.f32 v4;
	_ =	sdelay $0x8  }
0x2a6: {  	v4 =	vpop (erf)  }
0x2a7: {  	v4 =	vadd.f32 $1.000000000e+00, v4;
	_ =	sdelay $0x1  }
0x2a8: {  	(erf) = vrcp.f32 v4;
	_ =	sdelay $0x8  }
0x2a9: {  	p0 =	sne.s32 s18, $0x7C0;
	v4 =	vpop (erf)  }
.Ltmp0:
0x2aa: {  	v4 =	vmul.f32 $4.000000000e+00, v4;
	(pc) =	sbr.rel @p0 .LBB2_2-.Ltmp0, $3  }
0x2ab: {  	_ = 	snop  }
0x2ac: {  	v4 =	vadd.f32 $1.000000000e+00, v4;
	_ =	sdelay $0x1  }
0x2ad: {  	s18 =	sadd.s32 $0x40, s18;
	[tilespmem:s19+$0x10400] =	vst v4  }
0x2ae: {  	s17 =	sadd.s32 $0x1, s17  }
0x2af: {  	p0 =	sne.s32 s17, s14  }
.Ltmp1:
0x2b0: {  	s5 =	simm.s32 $0x10400;
	(pc) =	sbr.rel @p0 .LBB2_1-.Ltmp1, $4  }
0x2b1: {  	[hbm4b:s13+s4] =	stream.linear.scatter [tilespmem:s5], [sflag:$0x2], $0x200, $0x38;
	[tilespmem:$0x10600] =	vst v63  }
0x2b2: {  	_ =	swait.ge [sflag:s15], $0x200  }
0x2b3: {  	[sflag:s15] =	ssyncset.done $0x0  }
0x2b4: {  	[sflag:s15] =	ssyncadd.s32 $0xFFFFFE00  }
0x2b5: {  	_ =	sfence.sel $0x180000  }
0x2b6: {  	[bflag:$0x0] =	sbarrier.arrive $0xFFFF  }
0x2b7: {  	_ =	strace $0x90000047  }
0x2b8: {  	s0 =	stileid.u32;
	[bflag:$0x2] =	sbarrier.arrive $0xFFFF  }
0x2b9: {  	p0 =	sne.s32 s0, $0x0;
	s0 =	rddreg [dreg:$0x5]  }
0x2ba: {  	s0 =	sadd.s32 @!p0 $0x100000, s0  }
0x2bb: {  	[sflag:s0] =	ssyncadd.tile.s32 @!p0 $0x1;
	_ =	shalt  }
.Lfunc_end2:
_tile_overlayer_lowered:
.L_overlay_start_2:
0x2bc: {  	(tag) =	ssettag $0x2  }
0x2bd: {  	s0 =	rddreg [dreg:$0x0];
	s2 =	stileid.u32  }
0x2be: {  	s1 =	rddreg [dreg:$0x1];
	p0 =	sne.s32 s2, $0x0  }
0x2bf: {  	s3 =	rddreg [dreg:$0x2];
	[bflag:$0x3] =	sbarrier.arrive $0xFFFF;
	s2 =	simm.s32 @!p0 $0x1C02  }
0x2c0: {  	[timem:s3], [sflag:s2] =	dma.local @!p0 [hbm:s0], s1  }
0x2c1: {  	s0 =	simm.s32 @!p0 $0x2  }
0x2c2: {  	_ =	swait.ge @!p0 [sflag:s0], s1  }
0x2c3: {  	s1 =	ssub.s32 @!p0 $0x0, s1;
	[sflag:s0] =	ssyncset.done @!p0 $0x0  }
0x2c4: {  	[sflag:s0] =	ssyncadd.s32 @!p0 s1  }
0x2c5: {  	[bflag:$0x3] =	sbarrier.arrive $0xFFFF  }
0x2c6: {  	_ =	shalt  }

</sc_bundles>
